<compile_context>
chip_gen: v7x
topology: tpu7x:2x2x1
jax: 0.10.2.dev20260603
libtpu: 0.0.44.dev20260713+nightly
codegen_flags: <defaults>
</compile_context>

<pallas_src>
import functools

import jax
import jax.numpy as jnp
from jax import lax
from jax.experimental import pallas as pl
from jax.experimental.pallas import tpu as pltpu
from jax.experimental.pallas import tpu_sc as plsc

E = 8
K = 2
H = 2048
I = 4096
BM = 256
NBLK = 39
PAD = NBLK * BM
BI = 1024
NI = I // BI


def _gmm_body(bexp_ref, xs_ref, wg_ref, wu_ref, wd_ref, acc_in_ref,
              out_ref):
    ni = pl.program_id(0)
    xb = xs_ref[...]
    wg = wg_ref[0]
    wu = wu_ref[0]
    wd = wd_ref[0]
    g = jax.lax.dot_general(xb, wg, (((1,), (1,)), ((), ())),
                            preferred_element_type=jnp.float32)
    u = jax.lax.dot_general(xb, wu, (((1,), (1,)), ((), ())),
                            preferred_element_type=jnp.float32)
    hmid = g * jax.nn.sigmoid(g) * u
    y = jax.lax.dot_general(hmid, wd, (((1,), (1,)), ((), ())),
                            preferred_element_type=jnp.float32)

    @pl.when(ni == 0)
    def _():
        out_ref[...] = y

    @pl.when(ni != 0)
    def _():
        out_ref[...] = acc_in_ref[...] + y


def _gmm(bexp, xs, W_gate, W_up, W_down):
    grid_spec = pltpu.PrefetchScalarGridSpec(
        num_scalar_prefetch=1,
        grid=(NI, NBLK),
        in_specs=[
            pl.BlockSpec((BM, H), lambda ni, i, bexp: (i, 0)),
            pl.BlockSpec((1, BI, H), lambda ni, i, bexp: (bexp[i], ni, 0)),
            pl.BlockSpec((1, BI, H), lambda ni, i, bexp: (bexp[i], ni, 0)),
            pl.BlockSpec((1, H, BI), lambda ni, i, bexp: (bexp[i], 0, ni)),
            pl.BlockSpec((BM, H), lambda ni, i, bexp: (i, 0)),
        ],
        out_specs=pl.BlockSpec((BM, H), lambda ni, i, bexp: (i, 0)),
    )
    acc_init = jnp.zeros((PAD, H), jnp.float32)
    return pl.pallas_call(
        _gmm_body,
        grid_spec=grid_spec,
        out_shape=jax.ShapeDtypeStruct((PAD, H), jnp.float32),
        input_output_aliases={5: 0},
        compiler_params=pltpu.CompilerParams(
            dimension_semantics=("arbitrary", "arbitrary"),
            vmem_limit_bytes=100 * 1024 * 1024,
        ),
    )(bexp, xs, W_gate, W_up, W_down, acc_init)


BT = 512


def _router_body(x_ref, rw_ref, e1_ref, e2_ref, w1_ref, w2_ref):
    xb = x_ref[...]
    rw = rw_ref[...]
    logits = jax.lax.dot_general(xb, rw, (((1,), (1,)), ((), ())),
                                 preferred_element_type=jnp.float32)
    iota = jax.lax.broadcasted_iota(jnp.int32, (BT, E), 1)
    m1 = jnp.max(logits, axis=1, keepdims=True)
    a1 = jnp.min(jnp.where(logits == m1, iota, E), axis=1, keepdims=True)
    rest = jnp.where(iota == a1, -jnp.inf, logits)
    m2 = jnp.max(rest, axis=1, keepdims=True)
    a2 = jnp.min(jnp.where(rest == m2, iota, E), axis=1, keepdims=True)
    w1 = jax.nn.sigmoid(m1 - m2)
    e1_ref[...] = a1
    e2_ref[...] = a2
    w1_ref[...] = w1
    w2_ref[...] = 1.0 - w1


def _router(xf, router_w):
    T = xf.shape[0]
    n = T // BT
    return pl.pallas_call(
        _router_body,
        grid=(n,),
        in_specs=[
            pl.BlockSpec((BT, H), lambda i: (i, 0)),
            pl.BlockSpec((E, H), lambda i: (0, 0)),
        ],
        out_specs=[pl.BlockSpec((BT, 1), lambda i: (i, 0))] * 4,
        out_shape=[
            jax.ShapeDtypeStruct((T, 1), jnp.int32),
            jax.ShapeDtypeStruct((T, 1), jnp.int32),
            jax.ShapeDtypeStruct((T, 1), jnp.float32),
            jax.ShapeDtypeStruct((T, 1), jnp.float32),
        ],
    )(xf, router_w)


NP2 = 2 * 4096
NCH_META = NP2 // 128


def _meta_body(ep_ref, pos_ref, bexp_ref):
    ep = ep_ref[...]
    oh3 = (ep[None, :, :] ==
           jax.lax.broadcasted_iota(jnp.int32, (E, NCH_META, 128), 0))
    oh3 = oh3.astype(jnp.float32)
    oh2 = oh3.reshape(E * NCH_META, 128)
    i2 = jax.lax.broadcasted_iota(jnp.int32, (128, 128), 0)
    j2 = jax.lax.broadcasted_iota(jnp.int32, (128, 128), 1)
    upper = (i2 < j2).astype(jnp.float32)
    within = jax.lax.dot_general(oh2, upper, (((1,), (0,)), ((), ())),
                                 preferred_element_type=jnp.float32)
    s = jnp.sum(oh2, axis=1, keepdims=True)
    q = E * NCH_META
    ig = jax.lax.broadcasted_iota(jnp.int32, (q, q), 0)
    jg = jax.lax.broadcasted_iota(jnp.int32, (q, q), 1)
    blocklow = ((ig // NCH_META == jg // NCH_META)
                & (jg % NCH_META < ig % NCH_META)).astype(jnp.float32)
    chunkpref = jax.lax.dot_general(blocklow, s, (((1,), (0,)), ((), ())),
                                    preferred_element_type=jnp.float32)
    rank2 = within + chunkpref
    ia = jax.lax.broadcasted_iota(jnp.int32, (E, q), 0)
    ja = jax.lax.broadcasted_iota(jnp.int32, (E, q), 1)
    expsel = (ja // NCH_META == ia).astype(jnp.float32)
    counts = jax.lax.dot_general(expsel, s, (((1,), (0,)), ((), ())),
                                 preferred_element_type=jnp.float32)
    nb = jnp.floor((counts + (BM - 1)) * (1.0 / BM))
    il = jax.lax.broadcasted_iota(jnp.int32, (E, E), 0)
    jl = jax.lax.broadcasted_iota(jnp.int32, (E, E), 1)
    lowincl = (jl <= il).astype(jnp.float32)
    cum_nb = jax.lax.dot_general(lowincl, nb, (((1,), (0,)), ((), ())),
                                 preferred_element_type=jnp.float32)
    row_start = (cum_nb - nb) * BM
    rank3 = rank2.reshape(E, NCH_META, 128)
    posf = jnp.sum(oh3 * (rank3 + row_start[:, :, None]), axis=0)
    pos_ref[...] = posf.astype(jnp.int32)
    ib = jax.lax.broadcasted_iota(jnp.int32, (E, NBLK), 1).astype(jnp.float32)
    be = jnp.sum((ib >= cum_nb).astype(jnp.float32), axis=0, keepdims=True)
    bexp_ref[...] = jnp.clip(be, 0.0, E - 1.0).astype(jnp.int32)


def _meta(e_pairs2):
    return pl.pallas_call(
        _meta_body,
        grid=(1,),
        in_specs=[pl.BlockSpec((NCH_META, 128), lambda i: (0, 0))],
        out_specs=[
            pl.BlockSpec((NCH_META, 128), lambda i: (0, 0)),
            pl.BlockSpec((1, NBLK), lambda i: (0, 0)),
        ],
        out_shape=[
            jax.ShapeDtypeStruct((NCH_META, 128), jnp.int32),
            jax.ShapeDtypeStruct((1, NBLK), jnp.int32),
        ],
    )(e_pairs2)


T_TOK = 4096
NC = 2
NS = 16
NW = NC * NS
PPW = NP2 // NW
DCH = 16
NDCH = PPW // DCH
TPW = T_TOK // NW
CCH = 16
NCCH = TPW // CCH

_SC_MESH = dict(core_axis_name="c", subcore_axis_name="s")


def _dispatch(pos3, xf):
    @functools.partial(
        pl.kernel,
        mesh=plsc.VectorSubcoreMesh(**_SC_MESH),
        out_type=jax.ShapeDtypeStruct((PAD, H), jnp.float32),
        scratch_types=[
            pltpu.VMEM((NDCH, DCH), jnp.int32),
            pltpu.VMEM((DCH, H), jnp.float32),
            pltpu.VMEM((DCH, H), jnp.float32),
            pltpu.SemaphoreType.DMA,
            pltpu.SemaphoreType.DMA,
            pltpu.SemaphoreType.DMA,
        ],
    )
    def k(pos_hbm, xf_hbm, xs_hbm, idx_v, buf_a, buf_b, sem_a, sem_b,
          sem_s):
        wid = lax.axis_index("s") * NC + lax.axis_index("c")
        tok0 = (wid * PPW) % T_TOK
        pltpu.sync_copy(pos_hbm.at[wid], idx_v)
        bufs = (buf_a, buf_b)
        sems = (sem_a, sem_b)
        reads = [None] * NDCH
        reads[0] = pltpu.async_copy(
            xf_hbm.at[pl.ds(tok0, DCH)], bufs[0], sems[0])
        for c in range(NDCH):
            if c + 1 < NDCH:
                reads[c + 1] = pltpu.async_copy(
                    xf_hbm.at[pl.ds(tok0 + (c + 1) * DCH, DCH)],
                    bufs[(c + 1) % 2], sems[(c + 1) % 2])
            reads[c].wait()
            pltpu.async_copy(bufs[c % 2], xs_hbm.at[idx_v.at[c]],
                             sem_s).wait()

    return k(pos3, xf)


def _combine(posA3, posB3, ys):
    @functools.partial(
        pl.kernel,
        mesh=plsc.VectorSubcoreMesh(**_SC_MESH),
        out_type=jax.ShapeDtypeStruct((2 * T_TOK, H), jnp.float32),
        scratch_types=[
            pltpu.VMEM((NCCH, CCH), jnp.int32),
            pltpu.VMEM((NCCH, CCH), jnp.int32),
            pltpu.VMEM((CCH, H), jnp.float32),
            pltpu.VMEM((CCH, H), jnp.float32),
            pltpu.SemaphoreType.DMA,
            pltpu.SemaphoreType.DMA,
        ],
    )
    def k(posA_hbm, posB_hbm, ys_hbm, y01_hbm, ia_v, ib_v, buf_a, buf_b,
          sem_a, sem_b):
        wid = lax.axis_index("s") * NC + lax.axis_index("c")
        base = wid * TPW
        pltpu.sync_copy(posA_hbm.at[wid], ia_v)
        pltpu.sync_copy(posB_hbm.at[wid], ib_v)
        for c in range(NCCH):
            cpa = pltpu.async_copy(ys_hbm.at[ia_v.at[c]], buf_a, sem_a)
            cpb = pltpu.async_copy(ys_hbm.at[ib_v.at[c]], buf_b, sem_b)
            cpa.wait()
            pltpu.sync_copy(buf_a, y01_hbm.at[pl.ds(base + c * CCH, CCH)])
            cpb.wait()
            pltpu.sync_copy(
                buf_b, y01_hbm.at[pl.ds(T_TOK + base + c * CCH, CCH)])

    return k(posA3, posB3, ys)


def _wadd_body(y0_ref, y1_ref, w1_ref, w2_ref, o_ref):
    o_ref[...] = w1_ref[...] * y0_ref[...] + w2_ref[...] * y1_ref[...]


def _wadd(y01, w1c, w2c):
    n = T_TOK // BT
    return pl.pallas_call(
        _wadd_body,
        grid=(n,),
        in_specs=[
            pl.BlockSpec((BT, H), lambda i: (i, 0)),
            pl.BlockSpec((BT, H), lambda i: (n + i, 0)),
            pl.BlockSpec((BT, 1), lambda i: (i, 0)),
            pl.BlockSpec((BT, 1), lambda i: (i, 0)),
        ],
        out_specs=pl.BlockSpec((BT, H), lambda i: (i, 0)),
        out_shape=jax.ShapeDtypeStruct((T_TOK, H), jnp.float32),
    )(y01, y01, w1c, w2c)


def kernel(x, router_w, W_gate, W_up, W_down):
    b, s, h = x.shape
    T = b * s
    xf = x.reshape(T, h)

    e1, e2, w1c, w2c = _router(xf, router_w)

    e_pairs2 = jnp.concatenate([e1, e2]).reshape(NCH_META, 128)
    pos2, bexp2 = _meta(e_pairs2)
    pos = pos2.reshape(NP2)
    bexp = bexp2.reshape(NBLK)

    xs = _dispatch(pos.reshape(NW, NDCH, DCH), xf)

    ys = _gmm(bexp, xs, W_gate, W_up, W_down)

    y01 = _combine(pos[:T].reshape(NW, NCCH, CCH),
                   pos[T:].reshape(NW, NCCH, CCH), ys)
    out = _wadd(y01, w1c, w2c)
    return out.reshape(b, s, h)

# --- scband reference (transcript-rebuilt; emitter-appended) ---
"""Pipeline reference for scband-mo-elayer-61564061221293 (READ-ONLY COPY).

The authoritative reference and input builder live on the scoring server;
editing this copy changes nothing except your own understanding.
"""

import jax, jax.numpy as jnp
import numpy as np

NUM_EXPERTS = 8
TOP_K = 2
HIDDEN = 2048
INTER = 4096
BATCH = 2
SEQ = 2048


def setup_inputs(seed: int = 0) -> dict:
    key = jax.random.key(seed)
    ks = jax.random.split(key, 5)
    x = jax.random.normal(ks[0], (BATCH, SEQ, HIDDEN), dtype=jnp.float32)
    router_w = jax.random.normal(ks[1], (NUM_EXPERTS, HIDDEN), dtype=jnp.float32) * 0.02
    W_gate = jax.random.normal(ks[2], (NUM_EXPERTS, INTER, HIDDEN), dtype=jnp.float32) * 0.02
    W_up = jax.random.normal(ks[3], (NUM_EXPERTS, INTER, HIDDEN), dtype=jnp.float32) * 0.02
    W_down = jax.random.normal(ks[4], (NUM_EXPERTS, HIDDEN, INTER), dtype=jnp.float32) * 0.02
    return {"x": x, "router_w": router_w, "W_gate": W_gate, "W_up": W_up, "W_down": W_down}


def reference(x, router_w, W_gate, W_up, W_down):
    b, s, h = x.shape
    x_flat = x.reshape(-1, h)
    router_logits = x_flat @ router_w.T
    router_weights, selected_experts = jax.lax.top_k(router_logits, TOP_K)
    router_weights = jax.nn.softmax(router_weights, axis=-1)
    output = jnp.zeros_like(x_flat)
    for i in range(NUM_EXPERTS):
        g = x_flat @ W_gate[i].T
        u = x_flat @ W_up[i].T
        expert_out = (jax.nn.silu(g) * u) @ W_down[i].T
        weight_idx = (selected_experts == i).astype(jnp.float32)
        weights = (router_weights * weight_idx).sum(axis=-1)
        output = output + weights[:, None] * expert_out
    return output.reshape(b, s, h)

if __name__ == "__main__":
    import jax
    _d = setup_inputs()
    print(jax.jit(kernel)(*tuple(_d.values())))

</pallas_src>

<mosaic_0001>
#map = affine_map<(d0, d1) -> (0, 0, 0)>
#map1 = affine_map<(d0, d1) -> (0, 0)>
module attributes {stable_mosaic.version = 14 : i64} {
  func.func @k(%arg0: i32, %arg1: i32, %arg2: memref<32x16x16xi32, #tpu.memory_space<hbm>>, %arg3: memref<4096x2048xf32, #tpu.memory_space<hbm>>, %arg4: memref<9984x2048xf32, #tpu.memory_space<hbm>>, %arg5: memref<16x16xi32, #tpu.memory_space<vmem>>, %arg6: memref<16x2048xf32, #tpu.memory_space<vmem>>, %arg7: memref<16x2048xf32, #tpu.memory_space<vmem>>, %arg8: memref<!tpu.dma_semaphore, #tpu.memory_space<semaphore_mem>>, %arg9: memref<!tpu.dma_semaphore, #tpu.memory_space<semaphore_mem>>, %arg10: memref<!tpu.dma_semaphore, #tpu.memory_space<semaphore_mem>>) attributes {dimension_semantics = [#tpu.dimension_semantics<core_parallel>, #tpu.dimension_semantics<subcore_parallel>], iteration_bounds = array<i64: 2, 16>, scalar_prefetch = 0 : i64, scratch_operands = 6 : i64, tpu.core_type = #tpu.core_type<sc_vector_subcore>, window_params = [{transform_indices = #map}, {transform_indices = #map1}, {transform_indices = #map1}]} {
    %mul3A = arith.constant 2 : i32
    %mul3A_0 = arith.muli %arg1, %mul3A : i32
    %add3A = arith.addi %mul3A_0, %arg0 : i32
    %mul3A_1 = arith.constant 256 : i32
    %mul3A_2 = arith.muli %add3A, %mul3A_1 : i32
    %jit3A = arith.constant 4096 : i32
    %eq3A = arith.constant 0 : i32
    %eq3A_3 = arith.cmpi eq, %jit3A, %eq3A : i32
    %jit3A_4 = arith.constant 1 : i32
    %select_n3A = arith.select %eq3A_3, %jit3A_4, %jit3A : i32
    %rem3A = arith.remsi %mul3A_2, %select_n3A : i32
    %ne3A = arith.constant 0 : i32
    %ne3A_5 = arith.cmpi ne, %rem3A, %ne3A : i32
    %lt3A = arith.constant 0 : i32
    %lt3A_6 = arith.cmpi slt, %rem3A, %lt3A : i32
    %lt3A_7 = arith.constant 0 : i32
    %lt3A_8 = arith.cmpi slt, %select_n3A, %lt3A_7 : i32
    %ne3A_9 = arith.xori %lt3A_6, %lt3A_8 : i1
    %and3A = arith.andi %ne3A_9, %ne3A_5 : i1
    %add3A_10 = arith.addi %rem3A, %select_n3A : i32
    %select_n3A_11 = arith.select %and3A, %add3A_10, %rem3A : i32
    "tpu.region"() ({
      %run_scoped3A = tpu.sem_alloc : memref<!tpu.dma_semaphore, #tpu.memory_space<semaphore_mem>>
      %dma_start3A_392 = arith.constant 0 : i32
      %dma_start3A_393 = arith.constant 0 : i32
      %dma_start3A_394 = tpu.memref_slice %arg2[%add3A, %dma_start3A_392, %dma_start3A_393] : memref<32x16x16xi32, #tpu.memory_space<hbm>> -> memref<1x16x16xi32, #tpu.memory_space<hbm>>
      %dma_start3A_395 = tpu.memref_squeeze %dma_start3A_394 : memref<1x16x16xi32, #tpu.memory_space<hbm>> -> memref<16x16xi32, #tpu.memory_space<hbm>>
      %dma_start3A_396 = arith.constant 0 : i32
      %dma_start3A_397 = arith.constant 0 : i32
      %dma_start3A_398 = tpu.memref_slice %arg2[%add3A, %dma_start3A_396, %dma_start3A_397] : memref<32x16x16xi32, #tpu.memory_space<hbm>> -> memref<1x16x16xi32, #tpu.memory_space<hbm>>
      %dma_start3A_399 = tpu.memref_squeeze %dma_start3A_398 : memref<1x16x16xi32, #tpu.memory_space<hbm>> -> memref<16x16xi32, #tpu.memory_space<hbm>>
      tpu.enqueue_dma source(%dma_start3A_399 : memref<16x16xi32, #tpu.memory_space<hbm>>) target(%arg5 : memref<16x16xi32, #tpu.memory_space<vmem>>) target_semaphore(%run_scoped3A : memref<!tpu.dma_semaphore, #tpu.memory_space<semaphore_mem>>)
      %dma_wait3A_400 = arith.constant 0 : i32
      %dma_wait3A_401 = arith.constant 0 : i32
      %dma_wait3A_402 = tpu.memref_slice %arg2[%add3A, %dma_wait3A_400, %dma_wait3A_401] : memref<32x16x16xi32, #tpu.memory_space<hbm>> -> memref<1x16x16xi32, #tpu.memory_space<hbm>>
      %dma_wait3A_403 = tpu.memref_squeeze %dma_wait3A_402 : memref<1x16x16xi32, #tpu.memory_space<hbm>> -> memref<16x16xi32, #tpu.memory_space<hbm>>
      %dma_wait3A_404 = arith.constant 0 : i32
      %dma_wait3A_405 = arith.constant 0 : i32
      %dma_wait3A_406 = tpu.memref_slice %arg2[%add3A, %dma_wait3A_404, %dma_wait3A_405] : memref<32x16x16xi32, #tpu.memory_space<hbm>> -> memref<1x16x16xi32, #tpu.memory_space<hbm>>
      %dma_wait3A_407 = tpu.memref_squeeze %dma_wait3A_406 : memref<1x16x16xi32, #tpu.memory_space<hbm>> -> memref<16x16xi32, #tpu.memory_space<hbm>>
      tpu.wait_dma2 semaphore(%run_scoped3A : memref<!tpu.dma_semaphore, #tpu.memory_space<semaphore_mem>>) src(%dma_wait3A_407 : memref<16x16xi32, #tpu.memory_space<hbm>>) dst(%arg5 : memref<16x16xi32, #tpu.memory_space<vmem>>)
      tpu.yield
    }) : () -> ()
    %dma_start3A = arith.constant 0 : i32
    %dma_start3A_12 = tpu.memref_slice %arg3[%select_n3A_11, %dma_start3A] : memref<4096x2048xf32, #tpu.memory_space<hbm>> -> memref<16x2048xf32, #tpu.memory_space<hbm>>
    %dma_start3A_13 = arith.constant 0 : i32
    %dma_start3A_14 = tpu.memref_slice %arg3[%select_n3A_11, %dma_start3A_13] : memref<4096x2048xf32, #tpu.memory_space<hbm>> -> memref<16x2048xf32, #tpu.memory_space<hbm>>
    tpu.enqueue_dma source(%dma_start3A_14 : memref<16x2048xf32, #tpu.memory_space<hbm>>) target(%arg6 : memref<16x2048xf32, #tpu.memory_space<vmem>>) target_semaphore(%arg8 : memref<!tpu.dma_semaphore, #tpu.memory_space<semaphore_mem>>)
    %add3A_15 = arith.constant 16 : i32
    %add3A_16 = arith.addi %select_n3A_11, %add3A_15 : i32
    %dma_start3A_17 = arith.constant 0 : i32
    %dma_start3A_18 = tpu.memref_slice %arg3[%add3A_16, %dma_start3A_17] : memref<4096x2048xf32, #tpu.memory_space<hbm>> -> memref<16x2048xf32, #tpu.memory_space<hbm>>
    %dma_start3A_19 = arith.constant 0 : i32
    %dma_start3A_20 = tpu.memref_slice %arg3[%add3A_16, %dma_start3A_19] : memref<4096x2048xf32, #tpu.memory_space<hbm>> -> memref<16x2048xf32, #tpu.memory_space<hbm>>
    tpu.enqueue_dma source(%dma_start3A_20 : memref<16x2048xf32, #tpu.memory_space<hbm>>) target(%arg7 : memref<16x2048xf32, #tpu.memory_space<vmem>>) target_semaphore(%arg9 : memref<!tpu.dma_semaphore, #tpu.memory_space<semaphore_mem>>)
    %dma_wait3A = arith.constant 0 : i32
    %dma_wait3A_21 = tpu.memref_slice %arg3[%select_n3A_11, %dma_wait3A] : memref<4096x2048xf32, #tpu.memory_space<hbm>> -> memref<16x2048xf32, #tpu.memory_space<hbm>>
    %dma_wait3A_22 = arith.constant 0 : i32
    %dma_wait3A_23 = tpu.memref_slice %arg3[%select_n3A_11, %dma_wait3A_22] : memref<4096x2048xf32, #tpu.memory_space<hbm>> -> memref<16x2048xf32, #tpu.memory_space<hbm>>
    tpu.wait_dma2 semaphore(%arg8 : memref<!tpu.dma_semaphore, #tpu.memory_space<semaphore_mem>>) src(%dma_wait3A_23 : memref<16x2048xf32, #tpu.memory_space<hbm>>) dst(%arg6 : memref<16x2048xf32, #tpu.memory_space<vmem>>)
    %dma_start3A_24 = arith.constant 0 : i32
    %dma_start3A_25 = arith.constant 0 : i32
    %dma_start3A_26 = tpu.memref_slice %arg5[%dma_start3A_24, %dma_start3A_25] : memref<16x16xi32, #tpu.memory_space<vmem>> -> memref<1x16xi32, #tpu.memory_space<vmem>>
    %dma_start3A_27 = tpu.memref_squeeze %dma_start3A_26 : memref<1x16xi32, #tpu.memory_space<vmem>> -> memref<16xi32, #tpu.memory_space<vmem>>
    %dma_start3A_28 = arith.constant 0 : i32
    %dma_start3A_29 = arith.constant 0 : i32
    %dma_start3A_30 = tpu.memref_slice %arg4[%dma_start3A_28, %dma_start3A_29] : memref<9984x2048xf32, #tpu.memory_space<hbm>> -> memref<9984x2048xf32, #tpu.memory_space<hbm>>
    tpu.enqueue_indirect_dma source(%arg6 : memref<16x2048xf32, #tpu.memory_space<vmem>>) target(%dma_start3A_30 : memref<9984x2048xf32, #tpu.memory_space<hbm>>) offsets(%dma_start3A_27 : memref<16xi32, #tpu.memory_space<vmem>>) semaphore(%arg10 : memref<!tpu.dma_semaphore, #tpu.memory_space<semaphore_mem>>)
    %dma_wait3A_31 = arith.constant 0 : i32
    %dma_wait3A_32 = arith.constant 0 : i32
    %dma_wait3A_33 = tpu.memref_slice %arg5[%dma_wait3A_31, %dma_wait3A_32] : memref<16x16xi32, #tpu.memory_space<vmem>> -> memref<1x16xi32, #tpu.memory_space<vmem>>
    %dma_wait3A_34 = tpu.memref_squeeze %dma_wait3A_33 : memref<1x16xi32, #tpu.memory_space<vmem>> -> memref<16xi32, #tpu.memory_space<vmem>>
    %dma_wait3A_35 = arith.constant 0 : i32
    %dma_wait3A_36 = arith.constant 0 : i32
    %dma_wait3A_37 = tpu.memref_slice %arg4[%dma_wait3A_35, %dma_wait3A_36] : memref<9984x2048xf32, #tpu.memory_space<hbm>> -> memref<9984x2048xf32, #tpu.memory_space<hbm>>
    tpu.wait_indirect_dma semaphore(%arg10 : memref<!tpu.dma_semaphore, #tpu.memory_space<semaphore_mem>>) src(%arg6 : memref<16x2048xf32, #tpu.memory_space<vmem>>) dst(%dma_wait3A_37 : memref<9984x2048xf32, #tpu.memory_space<hbm>>)
    %add3A_38 = arith.constant 32 : i32
    %add3A_39 = arith.addi %select_n3A_11, %add3A_38 : i32
    %dma_start3A_40 = arith.constant 0 : i32
    %dma_start3A_41 = tpu.memref_slice %arg3[%add3A_39, %dma_start3A_40] : memref<4096x2048xf32, #tpu.memory_space<hbm>> -> memref<16x2048xf32, #tpu.memory_space<hbm>>
    %dma_start3A_42 = arith.constant 0 : i32
    %dma_start3A_43 = tpu.memref_slice %arg3[%add3A_39, %dma_start3A_42] : memref<4096x2048xf32, #tpu.memory_space<hbm>> -> memref<16x2048xf32, #tpu.memory_space<hbm>>
    tpu.enqueue_dma source(%dma_start3A_43 : memref<16x2048xf32, #tpu.memory_space<hbm>>) target(%arg6 : memref<16x2048xf32, #tpu.memory_space<vmem>>) target_semaphore(%arg8 : memref<!tpu.dma_semaphore, #tpu.memory_space<semaphore_mem>>)
    %dma_wait3A_44 = arith.constant 0 : i32
    %dma_wait3A_45 = tpu.memref_slice %arg3[%add3A_16, %dma_wait3A_44] : memref<4096x2048xf32, #tpu.memory_space<hbm>> -> memref<16x2048xf32, #tpu.memory_space<hbm>>
    %dma_wait3A_46 = arith.constant 0 : i32
    %dma_wait3A_47 = tpu.memref_slice %arg3[%add3A_16, %dma_wait3A_46] : memref<4096x2048xf32, #tpu.memory_space<hbm>> -> memref<16x2048xf32, #tpu.memory_space<hbm>>
    tpu.wait_dma2 semaphore(%arg9 : memref<!tpu.dma_semaphore, #tpu.memory_space<semaphore_mem>>) src(%dma_wait3A_47 : memref<16x2048xf32, #tpu.memory_space<hbm>>) dst(%arg7 : memref<16x2048xf32, #tpu.memory_space<vmem>>)
    %dma_start3A_48 = arith.constant 1 : i32
    %dma_start3A_49 = arith.constant 0 : i32
    %dma_start3A_50 = tpu.memref_slice %arg5[%dma_start3A_48, %dma_start3A_49] : memref<16x16xi32, #tpu.memory_space<vmem>> -> memref<1x16xi32, #tpu.memory_space<vmem>>
    %dma_start3A_51 = tpu.memref_squeeze %dma_start3A_50 : memref<1x16xi32, #tpu.memory_space<vmem>> -> memref<16xi32, #tpu.memory_space<vmem>>
    %dma_start3A_52 = arith.constant 0 : i32
    %dma_start3A_53 = arith.constant 0 : i32
    %dma_start3A_54 = tpu.memref_slice %arg4[%dma_start3A_52, %dma_start3A_53] : memref<9984x2048xf32, #tpu.memory_space<hbm>> -> memref<9984x2048xf32, #tpu.memory_space<hbm>>
    tpu.enqueue_indirect_dma source(%arg7 : memref<16x2048xf32, #tpu.memory_space<vmem>>) target(%dma_start3A_54 : memref<9984x2048xf32, #tpu.memory_space<hbm>>) offsets(%dma_start3A_51 : memref<16xi32, #tpu.memory_space<vmem>>) semaphore(%arg10 : memref<!tpu.dma_semaphore, #tpu.memory_space<semaphore_mem>>)
    %dma_wait3A_55 = arith.constant 1 : i32
    %dma_wait3A_56 = arith.constant 0 : i32
    %dma_wait3A_57 = tpu.memref_slice %arg5[%dma_wait3A_55, %dma_wait3A_56] : memref<16x16xi32, #tpu.memory_space<vmem>> -> memref<1x16xi32, #tpu.memory_space<vmem>>
    %dma_wait3A_58 = tpu.memref_squeeze %dma_wait3A_57 : memref<1x16xi32, #tpu.memory_space<vmem>> -> memref<16xi32, #tpu.memory_space<vmem>>
    %dma_wait3A_59 = arith.constant 0 : i32
    %dma_wait3A_60 = arith.constant 0 : i32
    %dma_wait3A_61 = tpu.memref_slice %arg4[%dma_wait3A_59, %dma_wait3A_60] : memref<9984x2048xf32, #tpu.memory_space<hbm>> -> memref<9984x2048xf32, #tpu.memory_space<hbm>>
    tpu.wait_indirect_dma semaphore(%arg10 : memref<!tpu.dma_semaphore, #tpu.memory_space<semaphore_mem>>) src(%arg7 : memref<16x2048xf32, #tpu.memory_space<vmem>>) dst(%dma_wait3A_61 : memref<9984x2048xf32, #tpu.memory_space<hbm>>)
    %add3A_62 = arith.constant 48 : i32
    %add3A_63 = arith.addi %select_n3A_11, %add3A_62 : i32
    %dma_start3A_64 = arith.constant 0 : i32
    %dma_start3A_65 = tpu.memref_slice %arg3[%add3A_63, %dma_start3A_64] : memref<4096x2048xf32, #tpu.memory_space<hbm>> -> memref<16x2048xf32, #tpu.memory_space<hbm>>
    %dma_start3A_66 = arith.constant 0 : i32
    %dma_start3A_67 = tpu.memref_slice %arg3[%add3A_63, %dma_start3A_66] : memref<4096x2048xf32, #tpu.memory_space<hbm>> -> memref<16x2048xf32, #tpu.memory_space<hbm>>
    tpu.enqueue_dma source(%dma_start3A_67 : memref<16x2048xf32, #tpu.memory_space<hbm>>) target(%arg7 : memref<16x2048xf32, #tpu.memory_space<vmem>>) target_semaphore(%arg9 : memref<!tpu.dma_semaphore, #tpu.memory_space<semaphore_mem>>)
    %dma_wait3A_68 = arith.constant 0 : i32
    %dma_wait3A_69 = tpu.memref_slice %arg3[%add3A_39, %dma_wait3A_68] : memref<4096x2048xf32, #tpu.memory_space<hbm>> -> memref<16x2048xf32, #tpu.memory_space<hbm>>
    %dma_wait3A_70 = arith.constant 0 : i32
    %dma_wait3A_71 = tpu.memref_slice %arg3[%add3A_39, %dma_wait3A_70] : memref<4096x2048xf32, #tpu.memory_space<hbm>> -> memref<16x2048xf32, #tpu.memory_space<hbm>>
    tpu.wait_dma2 semaphore(%arg8 : memref<!tpu.dma_semaphore, #tpu.memory_space<semaphore_mem>>) src(%dma_wait3A_71 : memref<16x2048xf32, #tpu.memory_space<hbm>>) dst(%arg6 : memref<16x2048xf32, #tpu.memory_space<vmem>>)
    %dma_start3A_72 = arith.constant 2 : i32
    %dma_start3A_73 = arith.constant 0 : i32
    %dma_start3A_74 = tpu.memref_slice %arg5[%dma_start3A_72, %dma_start3A_73] : memref<16x16xi32, #tpu.memory_space<vmem>> -> memref<1x16xi32, #tpu.memory_space<vmem>>
    %dma_start3A_75 = tpu.memref_squeeze %dma_start3A_74 : memref<1x16xi32, #tpu.memory_space<vmem>> -> memref<16xi32, #tpu.memory_space<vmem>>
    %dma_start3A_76 = arith.constant 0 : i32
    %dma_start3A_77 = arith.constant 0 : i32
    %dma_start3A_78 = tpu.memref_slice %arg4[%dma_start3A_76, %dma_start3A_77] : memref<9984x2048xf32, #tpu.memory_space<hbm>> -> memref<9984x2048xf32, #tpu.memory_space<hbm>>
    tpu.enqueue_indirect_dma source(%arg6 : memref<16x2048xf32, #tpu.memory_space<vmem>>) target(%dma_start3A_78 : memref<9984x2048xf32, #tpu.memory_space<hbm>>) offsets(%dma_start3A_75 : memref<16xi32, #tpu.memory_space<vmem>>) semaphore(%arg10 : memref<!tpu.dma_semaphore, #tpu.memory_space<semaphore_mem>>)
    %dma_wait3A_79 = arith.constant 2 : i32
    %dma_wait3A_80 = arith.constant 0 : i32
    %dma_wait3A_81 = tpu.memref_slice %arg5[%dma_wait3A_79, %dma_wait3A_80] : memref<16x16xi32, #tpu.memory_space<vmem>> -> memref<1x16xi32, #tpu.memory_space<vmem>>
    %dma_wait3A_82 = tpu.memref_squeeze %dma_wait3A_81 : memref<1x16xi32, #tpu.memory_space<vmem>> -> memref<16xi32, #tpu.memory_space<vmem>>
    %dma_wait3A_83 = arith.constant 0 : i32
    %dma_wait3A_84 = arith.constant 0 : i32
    %dma_wait3A_85 = tpu.memref_slice %arg4[%dma_wait3A_83, %dma_wait3A_84] : memref<9984x2048xf32, #tpu.memory_space<hbm>> -> memref<9984x2048xf32, #tpu.memory_space<hbm>>
    tpu.wait_indirect_dma semaphore(%arg10 : memref<!tpu.dma_semaphore, #tpu.memory_space<semaphore_mem>>) src(%arg6 : memref<16x2048xf32, #tpu.memory_space<vmem>>) dst(%dma_wait3A_85 : memref<9984x2048xf32, #tpu.memory_space<hbm>>)
    %add3A_86 = arith.constant 64 : i32
    %add3A_87 = arith.addi %select_n3A_11, %add3A_86 : i32
    %dma_start3A_88 = arith.constant 0 : i32
    %dma_start3A_89 = tpu.memref_slice %arg3[%add3A_87, %dma_start3A_88] : memref<4096x2048xf32, #tpu.memory_space<hbm>> -> memref<16x2048xf32, #tpu.memory_space<hbm>>
    %dma_start3A_90 = arith.constant 0 : i32
    %dma_start3A_91 = tpu.memref_slice %arg3[%add3A_87, %dma_start3A_90] : memref<4096x2048xf32, #tpu.memory_space<hbm>> -> memref<16x2048xf32, #tpu.memory_space<hbm>>
    tpu.enqueue_dma source(%dma_start3A_91 : memref<16x2048xf32, #tpu.memory_space<hbm>>) target(%arg6 : memref<16x2048xf32, #tpu.memory_space<vmem>>) target_semaphore(%arg8 : memref<!tpu.dma_semaphore, #tpu.memory_space<semaphore_mem>>)
    %dma_wait3A_92 = arith.constant 0 : i32
    %dma_wait3A_93 = tpu.memref_slice %arg3[%add3A_63, %dma_wait3A_92] : memref<4096x2048xf32, #tpu.memory_space<hbm>> -> memref<16x2048xf32, #tpu.memory_space<hbm>>
    %dma_wait3A_94 = arith.constant 0 : i32
    %dma_wait3A_95 = tpu.memref_slice %arg3[%add3A_63, %dma_wait3A_94] : memref<4096x2048xf32, #tpu.memory_space<hbm>> -> memref<16x2048xf32, #tpu.memory_space<hbm>>
    tpu.wait_dma2 semaphore(%arg9 : memref<!tpu.dma_semaphore, #tpu.memory_space<semaphore_mem>>) src(%dma_wait3A_95 : memref<16x2048xf32, #tpu.memory_space<hbm>>) dst(%arg7 : memref<16x2048xf32, #tpu.memory_space<vmem>>)
    %dma_start3A_96 = arith.constant 3 : i32
    %dma_start3A_97 = arith.constant 0 : i32
    %dma_start3A_98 = tpu.memref_slice %arg5[%dma_start3A_96, %dma_start3A_97] : memref<16x16xi32, #tpu.memory_space<vmem>> -> memref<1x16xi32, #tpu.memory_space<vmem>>
    %dma_start3A_99 = tpu.memref_squeeze %dma_start3A_98 : memref<1x16xi32, #tpu.memory_space<vmem>> -> memref<16xi32, #tpu.memory_space<vmem>>
    %dma_start3A_100 = arith.constant 0 : i32
    %dma_start3A_101 = arith.constant 0 : i32
    %dma_start3A_102 = tpu.memref_slice %arg4[%dma_start3A_100, %dma_start3A_101] : memref<9984x2048xf32, #tpu.memory_space<hbm>> -> memref<9984x2048xf32, #tpu.memory_space<hbm>>
    tpu.enqueue_indirect_dma source(%arg7 : memref<16x2048xf32, #tpu.memory_space<vmem>>) target(%dma_start3A_102 : memref<9984x2048xf32, #tpu.memory_space<hbm>>) offsets(%dma_start3A_99 : memref<16xi32, #tpu.memory_space<vmem>>) semaphore(%arg10 : memref<!tpu.dma_semaphore, #tpu.memory_space<semaphore_mem>>)
    %dma_wait3A_103 = arith.constant 3 : i32
    %dma_wait3A_104 = arith.constant 0 : i32
    %dma_wait3A_105 = tpu.memref_slice %arg5[%dma_wait3A_103, %dma_wait3A_104] : memref<16x16xi32, #tpu.memory_space<vmem>> -> memref<1x16xi32, #tpu.memory_space<vmem>>
    %dma_wait3A_106 = tpu.memref_squeeze %dma_wait3A_105 : memref<1x16xi32, #tpu.memory_space<vmem>> -> memref<16xi32, #tpu.memory_space<vmem>>
    %dma_wait3A_107 = arith.constant 0 : i32
    %dma_wait3A_108 = arith.constant 0 : i32
    %dma_wait3A_109 = tpu.memref_slice %arg4[%dma_wait3A_107, %dma_wait3A_108] : memref<9984x2048xf32, #tpu.memory_space<hbm>> -> memref<9984x2048xf32, #tpu.memory_space<hbm>>
    tpu.wait_indirect_dma semaphore(%arg10 : memref<!tpu.dma_semaphore, #tpu.memory_space<semaphore_mem>>) src(%arg7 : memref<16x2048xf32, #tpu.memory_space<vmem>>) dst(%dma_wait3A_109 : memref<9984x2048xf32, #tpu.memory_space<hbm>>)
    %add3A_110 = arith.constant 80 : i32
    %add3A_111 = arith.addi %select_n3A_11, %add3A_110 : i32
    %dma_start3A_112 = arith.constant 0 : i32
    %dma_start3A_113 = tpu.memref_slice %arg3[%add3A_111, %dma_start3A_112] : memref<4096x2048xf32, #tpu.memory_space<hbm>> -> memref<16x2048xf32, #tpu.memory_space<hbm>>
    %dma_start3A_114 = arith.constant 0 : i32
    %dma_start3A_115 = tpu.memref_slice %arg3[%add3A_111, %dma_start3A_114] : memref<4096x2048xf32, #tpu.memory_space<hbm>> -> memref<16x2048xf32, #tpu.memory_space<hbm>>
    tpu.enqueue_dma source(%dma_start3A_115 : memref<16x2048xf32, #tpu.memory_space<hbm>>) target(%arg7 : memref<16x2048xf32, #tpu.memory_space<vmem>>) target_semaphore(%arg9 : memref<!tpu.dma_semaphore, #tpu.memory_space<semaphore_mem>>)
    %dma_wait3A_116 = arith.constant 0 : i32
    %dma_wait3A_117 = tpu.memref_slice %arg3[%add3A_87, %dma_wait3A_116] : memref<4096x2048xf32, #tpu.memory_space<hbm>> -> memref<16x2048xf32, #tpu.memory_space<hbm>>
    %dma_wait3A_118 = arith.constant 0 : i32
    %dma_wait3A_119 = tpu.memref_slice %arg3[%add3A_87, %dma_wait3A_118] : memref<4096x2048xf32, #tpu.memory_space<hbm>> -> memref<16x2048xf32, #tpu.memory_space<hbm>>
    tpu.wait_dma2 semaphore(%arg8 : memref<!tpu.dma_semaphore, #tpu.memory_space<semaphore_mem>>) src(%dma_wait3A_119 : memref<16x2048xf32, #tpu.memory_space<hbm>>) dst(%arg6 : memref<16x2048xf32, #tpu.memory_space<vmem>>)
    %dma_start3A_120 = arith.constant 4 : i32
    %dma_start3A_121 = arith.constant 0 : i32
    %dma_start3A_122 = tpu.memref_slice %arg5[%dma_start3A_120, %dma_start3A_121] : memref<16x16xi32, #tpu.memory_space<vmem>> -> memref<1x16xi32, #tpu.memory_space<vmem>>
    %dma_start3A_123 = tpu.memref_squeeze %dma_start3A_122 : memref<1x16xi32, #tpu.memory_space<vmem>> -> memref<16xi32, #tpu.memory_space<vmem>>
    %dma_start3A_124 = arith.constant 0 : i32
    %dma_start3A_125 = arith.constant 0 : i32
    %dma_start3A_126 = tpu.memref_slice %arg4[%dma_start3A_124, %dma_start3A_125] : memref<9984x2048xf32, #tpu.memory_space<hbm>> -> memref<9984x2048xf32, #tpu.memory_space<hbm>>
    tpu.enqueue_indirect_dma source(%arg6 : memref<16x2048xf32, #tpu.memory_space<vmem>>) target(%dma_start3A_126 : memref<9984x2048xf32, #tpu.memory_space<hbm>>) offsets(%dma_start3A_123 : memref<16xi32, #tpu.memory_space<vmem>>) semaphore(%arg10 : memref<!tpu.dma_semaphore, #tpu.memory_space<semaphore_mem>>)
    %dma_wait3A_127 = arith.constant 4 : i32
    %dma_wait3A_128 = arith.constant 0 : i32
    %dma_wait3A_129 = tpu.memref_slice %arg5[%dma_wait3A_127, %dma_wait3A_128] : memref<16x16xi32, #tpu.memory_space<vmem>> -> memref<1x16xi32, #tpu.memory_space<vmem>>
    %dma_wait3A_130 = tpu.memref_squeeze %dma_wait3A_129 : memref<1x16xi32, #tpu.memory_space<vmem>> -> memref<16xi32, #tpu.memory_space<vmem>>
    %dma_wait3A_131 = arith.constant 0 : i32
    %dma_wait3A_132 = arith.constant 0 : i32
    %dma_wait3A_133 = tpu.memref_slice %arg4[%dma_wait3A_131, %dma_wait3A_132] : memref<9984x2048xf32, #tpu.memory_space<hbm>> -> memref<9984x2048xf32, #tpu.memory_space<hbm>>
    tpu.wait_indirect_dma semaphore(%arg10 : memref<!tpu.dma_semaphore, #tpu.memory_space<semaphore_mem>>) src(%arg6 : memref<16x2048xf32, #tpu.memory_space<vmem>>) dst(%dma_wait3A_133 : memref<9984x2048xf32, #tpu.memory_space<hbm>>)
    %add3A_134 = arith.constant 96 : i32
    %add3A_135 = arith.addi %select_n3A_11, %add3A_134 : i32
    %dma_start3A_136 = arith.constant 0 : i32
    %dma_start3A_137 = tpu.memref_slice %arg3[%add3A_135, %dma_start3A_136] : memref<4096x2048xf32, #tpu.memory_space<hbm>> -> memref<16x2048xf32, #tpu.memory_space<hbm>>
    %dma_start3A_138 = arith.constant 0 : i32
    %dma_start3A_139 = tpu.memref_slice %arg3[%add3A_135, %dma_start3A_138] : memref<4096x2048xf32, #tpu.memory_space<hbm>> -> memref<16x2048xf32, #tpu.memory_space<hbm>>
    tpu.enqueue_dma source(%dma_start3A_139 : memref<16x2048xf32, #tpu.memory_space<hbm>>) target(%arg6 : memref<16x2048xf32, #tpu.memory_space<vmem>>) target_semaphore(%arg8 : memref<!tpu.dma_semaphore, #tpu.memory_space<semaphore_mem>>)
    %dma_wait3A_140 = arith.constant 0 : i32
    %dma_wait3A_141 = tpu.memref_slice %arg3[%add3A_111, %dma_wait3A_140] : memref<4096x2048xf32, #tpu.memory_space<hbm>> -> memref<16x2048xf32, #tpu.memory_space<hbm>>
    %dma_wait3A_142 = arith.constant 0 : i32
    %dma_wait3A_143 = tpu.memref_slice %arg3[%add3A_111, %dma_wait3A_142] : memref<4096x2048xf32, #tpu.memory_space<hbm>> -> memref<16x2048xf32, #tpu.memory_space<hbm>>
    tpu.wait_dma2 semaphore(%arg9 : memref<!tpu.dma_semaphore, #tpu.memory_space<semaphore_mem>>) src(%dma_wait3A_143 : memref<16x2048xf32, #tpu.memory_space<hbm>>) dst(%arg7 : memref<16x2048xf32, #tpu.memory_space<vmem>>)
    %dma_start3A_144 = arith.constant 5 : i32
    %dma_start3A_145 = arith.constant 0 : i32
    %dma_start3A_146 = tpu.memref_slice %arg5[%dma_start3A_144, %dma_start3A_145] : memref<16x16xi32, #tpu.memory_space<vmem>> -> memref<1x16xi32, #tpu.memory_space<vmem>>
    %dma_start3A_147 = tpu.memref_squeeze %dma_start3A_146 : memref<1x16xi32, #tpu.memory_space<vmem>> -> memref<16xi32, #tpu.memory_space<vmem>>
    %dma_start3A_148 = arith.constant 0 : i32
    %dma_start3A_149 = arith.constant 0 : i32
    %dma_start3A_150 = tpu.memref_slice %arg4[%dma_start3A_148, %dma_start3A_149] : memref<9984x2048xf32, #tpu.memory_space<hbm>> -> memref<9984x2048xf32, #tpu.memory_space<hbm>>
    tpu.enqueue_indirect_dma source(%arg7 : memref<16x2048xf32, #tpu.memory_space<vmem>>) target(%dma_start3A_150 : memref<9984x2048xf32, #tpu.memory_space<hbm>>) offsets(%dma_start3A_147 : memref<16xi32, #tpu.memory_space<vmem>>) semaphore(%arg10 : memref<!tpu.dma_semaphore, #tpu.memory_space<semaphore_mem>>)
    %dma_wait3A_151 = arith.constant 5 : i32
    %dma_wait3A_152 = arith.constant 0 : i32
    %dma_wait3A_153 = tpu.memref_slice %arg5[%dma_wait3A_151, %dma_wait3A_152] : memref<16x16xi32, #tpu.memory_space<vmem>> -> memref<1x16xi32, #tpu.memory_space<vmem>>
    %dma_wait3A_154 = tpu.memref_squeeze %dma_wait3A_153 : memref<1x16xi32, #tpu.memory_space<vmem>> -> memref<16xi32, #tpu.memory_space<vmem>>
    %dma_wait3A_155 = arith.constant 0 : i32
    %dma_wait3A_156 = arith.constant 0 : i32
    %dma_wait3A_157 = tpu.memref_slice %arg4[%dma_wait3A_155, %dma_wait3A_156] : memref<9984x2048xf32, #tpu.memory_space<hbm>> -> memref<9984x2048xf32, #tpu.memory_space<hbm>>
    tpu.wait_indirect_dma semaphore(%arg10 : memref<!tpu.dma_semaphore, #tpu.memory_space<semaphore_mem>>) src(%arg7 : memref<16x2048xf32, #tpu.memory_space<vmem>>) dst(%dma_wait3A_157 : memref<9984x2048xf32, #tpu.memory_space<hbm>>)
    %add3A_158 = arith.constant 112 : i32
    %add3A_159 = arith.addi %select_n3A_11, %add3A_158 : i32
    %dma_start3A_160 = arith.constant 0 : i32
    %dma_start3A_161 = tpu.memref_slice %arg3[%add3A_159, %dma_start3A_160] : memref<4096x2048xf32, #tpu.memory_space<hbm>> -> memref<16x2048xf32, #tpu.memory_space<hbm>>
    %dma_start3A_162 = arith.constant 0 : i32
    %dma_start3A_163 = tpu.memref_slice %arg3[%add3A_159, %dma_start3A_162] : memref<4096x2048xf32, #tpu.memory_space<hbm>> -> memref<16x2048xf32, #tpu.memory_space<hbm>>
    tpu.enqueue_dma source(%dma_start3A_163 : memref<16x2048xf32, #tpu.memory_space<hbm>>) target(%arg7 : memref<16x2048xf32, #tpu.memory_space<vmem>>) target_semaphore(%arg9 : memref<!tpu.dma_semaphore, #tpu.memory_space<semaphore_mem>>)
    %dma_wait3A_164 = arith.constant 0 : i32
    %dma_wait3A_165 = tpu.memref_slice %arg3[%add3A_135, %dma_wait3A_164] : memref<4096x2048xf32, #tpu.memory_space<hbm>> -> memref<16x2048xf32, #tpu.memory_space<hbm>>
    %dma_wait3A_166 = arith.constant 0 : i32
    %dma_wait3A_167 = tpu.memref_slice %arg3[%add3A_135, %dma_wait3A_166] : memref<4096x2048xf32, #tpu.memory_space<hbm>> -> memref<16x2048xf32, #tpu.memory_space<hbm>>
    tpu.wait_dma2 semaphore(%arg8 : memref<!tpu.dma_semaphore, #tpu.memory_space<semaphore_mem>>) src(%dma_wait3A_167 : memref<16x2048xf32, #tpu.memory_space<hbm>>) dst(%arg6 : memref<16x2048xf32, #tpu.memory_space<vmem>>)
    %dma_start3A_168 = arith.constant 6 : i32
    %dma_start3A_169 = arith.constant 0 : i32
    %dma_start3A_170 = tpu.memref_slice %arg5[%dma_start3A_168, %dma_start3A_169] : memref<16x16xi32, #tpu.memory_space<vmem>> -> memref<1x16xi32, #tpu.memory_space<vmem>>
    %dma_start3A_171 = tpu.memref_squeeze %dma_start3A_170 : memref<1x16xi32, #tpu.memory_space<vmem>> -> memref<16xi32, #tpu.memory_space<vmem>>
    %dma_start3A_172 = arith.constant 0 : i32
    %dma_start3A_173 = arith.constant 0 : i32
    %dma_start3A_174 = tpu.memref_slice %arg4[%dma_start3A_172, %dma_start3A_173] : memref<9984x2048xf32, #tpu.memory_space<hbm>> -> memref<9984x2048xf32, #tpu.memory_space<hbm>>
    tpu.enqueue_indirect_dma source(%arg6 : memref<16x2048xf32, #tpu.memory_space<vmem>>) target(%dma_start3A_174 : memref<9984x2048xf32, #tpu.memory_space<hbm>>) offsets(%dma_start3A_171 : memref<16xi32, #tpu.memory_space<vmem>>) semaphore(%arg10 : memref<!tpu.dma_semaphore, #tpu.memory_space<semaphore_mem>>)
    %dma_wait3A_175 = arith.constant 6 : i32
    %dma_wait3A_176 = arith.constant 0 : i32
    %dma_wait3A_177 = tpu.memref_slice %arg5[%dma_wait3A_175, %dma_wait3A_176] : memref<16x16xi32, #tpu.memory_space<vmem>> -> memref<1x16xi32, #tpu.memory_space<vmem>>
    %dma_wait3A_178 = tpu.memref_squeeze %dma_wait3A_177 : memref<1x16xi32, #tpu.memory_space<vmem>> -> memref<16xi32, #tpu.memory_space<vmem>>
    %dma_wait3A_179 = arith.constant 0 : i32
    %dma_wait3A_180 = arith.constant 0 : i32
    %dma_wait3A_181 = tpu.memref_slice %arg4[%dma_wait3A_179, %dma_wait3A_180] : memref<9984x2048xf32, #tpu.memory_space<hbm>> -> memref<9984x2048xf32, #tpu.memory_space<hbm>>
    tpu.wait_indirect_dma semaphore(%arg10 : memref<!tpu.dma_semaphore, #tpu.memory_space<semaphore_mem>>) src(%arg6 : memref<16x2048xf32, #tpu.memory_space<vmem>>) dst(%dma_wait3A_181 : memref<9984x2048xf32, #tpu.memory_space<hbm>>)
    %add3A_182 = arith.constant 128 : i32
    %add3A_183 = arith.addi %select_n3A_11, %add3A_182 : i32
    %dma_start3A_184 = arith.constant 0 : i32
    %dma_start3A_185 = tpu.memref_slice %arg3[%add3A_183, %dma_start3A_184] : memref<4096x2048xf32, #tpu.memory_space<hbm>> -> memref<16x2048xf32, #tpu.memory_space<hbm>>
    %dma_start3A_186 = arith.constant 0 : i32
    %dma_start3A_187 = tpu.memref_slice %arg3[%add3A_183, %dma_start3A_186] : memref<4096x2048xf32, #tpu.memory_space<hbm>> -> memref<16x2048xf32, #tpu.memory_space<hbm>>
    tpu.enqueue_dma source(%dma_start3A_187 : memref<16x2048xf32, #tpu.memory_space<hbm>>) target(%arg6 : memref<16x2048xf32, #tpu.memory_space<vmem>>) target_semaphore(%arg8 : memref<!tpu.dma_semaphore, #tpu.memory_space<semaphore_mem>>)
    %dma_wait3A_188 = arith.constant 0 : i32
    %dma_wait3A_189 = tpu.memref_slice %arg3[%add3A_159, %dma_wait3A_188] : memref<4096x2048xf32, #tpu.memory_space<hbm>> -> memref<16x2048xf32, #tpu.memory_space<hbm>>
    %dma_wait3A_190 = arith.constant 0 : i32
    %dma_wait3A_191 = tpu.memref_slice %arg3[%add3A_159, %dma_wait3A_190] : memref<4096x2048xf32, #tpu.memory_space<hbm>> -> memref<16x2048xf32, #tpu.memory_space<hbm>>
    tpu.wait_dma2 semaphore(%arg9 : memref<!tpu.dma_semaphore, #tpu.memory_space<semaphore_mem>>) src(%dma_wait3A_191 : memref<16x2048xf32, #tpu.memory_space<hbm>>) dst(%arg7 : memref<16x2048xf32, #tpu.memory_space<vmem>>)
    %dma_start3A_192 = arith.constant 7 : i32
    %dma_start3A_193 = arith.constant 0 : i32
    %dma_start3A_194 = tpu.memref_slice %arg5[%dma_start3A_192, %dma_start3A_193] : memref<16x16xi32, #tpu.memory_space<vmem>> -> memref<1x16xi32, #tpu.memory_space<vmem>>
    %dma_start3A_195 = tpu.memref_squeeze %dma_start3A_194 : memref<1x16xi32, #tpu.memory_space<vmem>> -> memref<16xi32, #tpu.memory_space<vmem>>
    %dma_start3A_196 = arith.constant 0 : i32
    %dma_start3A_197 = arith.constant 0 : i32
    %dma_start3A_198 = tpu.memref_slice %arg4[%dma_start3A_196, %dma_start3A_197] : memref<9984x2048xf32, #tpu.memory_space<hbm>> -> memref<9984x2048xf32, #tpu.memory_space<hbm>>
    tpu.enqueue_indirect_dma source(%arg7 : memref<16x2048xf32, #tpu.memory_space<vmem>>) target(%dma_start3A_198 : memref<9984x2048xf32, #tpu.memory_space<hbm>>) offsets(%dma_start3A_195 : memref<16xi32, #tpu.memory_space<vmem>>) semaphore(%arg10 : memref<!tpu.dma_semaphore, #tpu.memory_space<semaphore_mem>>)
    %dma_wait3A_199 = arith.constant 7 : i32
    %dma_wait3A_200 = arith.constant 0 : i32
    %dma_wait3A_201 = tpu.memref_slice %arg5[%dma_wait3A_199, %dma_wait3A_200] : memref<16x16xi32, #tpu.memory_space<vmem>> -> memref<1x16xi32, #tpu.memory_space<vmem>>
    %dma_wait3A_202 = tpu.memref_squeeze %dma_wait3A_201 : memref<1x16xi32, #tpu.memory_space<vmem>> -> memref<16xi32, #tpu.memory_space<vmem>>
    %dma_wait3A_203 = arith.constant 0 : i32
    %dma_wait3A_204 = arith.constant 0 : i32
    %dma_wait3A_205 = tpu.memref_slice %arg4[%dma_wait3A_203, %dma_wait3A_204] : memref<9984x2048xf32, #tpu.memory_space<hbm>> -> memref<9984x2048xf32, #tpu.memory_space<hbm>>
    tpu.wait_indirect_dma semaphore(%arg10 : memref<!tpu.dma_semaphore, #tpu.memory_space<semaphore_mem>>) src(%arg7 : memref<16x2048xf32, #tpu.memory_space<vmem>>) dst(%dma_wait3A_205 : memref<9984x2048xf32, #tpu.memory_space<hbm>>)
    %add3A_206 = arith.constant 144 : i32
    %add3A_207 = arith.addi %select_n3A_11, %add3A_206 : i32
    %dma_start3A_208 = arith.constant 0 : i32
    %dma_start3A_209 = tpu.memref_slice %arg3[%add3A_207, %dma_start3A_208] : memref<4096x2048xf32, #tpu.memory_space<hbm>> -> memref<16x2048xf32, #tpu.memory_space<hbm>>
    %dma_start3A_210 = arith.constant 0 : i32
    %dma_start3A_211 = tpu.memref_slice %arg3[%add3A_207, %dma_start3A_210] : memref<4096x2048xf32, #tpu.memory_space<hbm>> -> memref<16x2048xf32, #tpu.memory_space<hbm>>
    tpu.enqueue_dma source(%dma_start3A_211 : memref<16x2048xf32, #tpu.memory_space<hbm>>) target(%arg7 : memref<16x2048xf32, #tpu.memory_space<vmem>>) target_semaphore(%arg9 : memref<!tpu.dma_semaphore, #tpu.memory_space<semaphore_mem>>)
    %dma_wait3A_212 = arith.constant 0 : i32
    %dma_wait3A_213 = tpu.memref_slice %arg3[%add3A_183, %dma_wait3A_212] : memref<4096x2048xf32, #tpu.memory_space<hbm>> -> memref<16x2048xf32, #tpu.memory_space<hbm>>
    %dma_wait3A_214 = arith.constant 0 : i32
    %dma_wait3A_215 = tpu.memref_slice %arg3[%add3A_183, %dma_wait3A_214] : memref<4096x2048xf32, #tpu.memory_space<hbm>> -> memref<16x2048xf32, #tpu.memory_space<hbm>>
    tpu.wait_dma2 semaphore(%arg8 : memref<!tpu.dma_semaphore, #tpu.memory_space<semaphore_mem>>) src(%dma_wait3A_215 : memref<16x2048xf32, #tpu.memory_space<hbm>>) dst(%arg6 : memref<16x2048xf32, #tpu.memory_space<vmem>>)
    %dma_start3A_216 = arith.constant 8 : i32
    %dma_start3A_217 = arith.constant 0 : i32
    %dma_start3A_218 = tpu.memref_slice %arg5[%dma_start3A_216, %dma_start3A_217] : memref<16x16xi32, #tpu.memory_space<vmem>> -> memref<1x16xi32, #tpu.memory_space<vmem>>
    %dma_start3A_219 = tpu.memref_squeeze %dma_start3A_218 : memref<1x16xi32, #tpu.memory_space<vmem>> -> memref<16xi32, #tpu.memory_space<vmem>>
    %dma_start3A_220 = arith.constant 0 : i32
    %dma_start3A_221 = arith.constant 0 : i32
    %dma_start3A_222 = tpu.memref_slice %arg4[%dma_start3A_220, %dma_start3A_221] : memref<9984x2048xf32, #tpu.memory_space<hbm>> -> memref<9984x2048xf32, #tpu.memory_space<hbm>>
    tpu.enqueue_indirect_dma source(%arg6 : memref<16x2048xf32, #tpu.memory_space<vmem>>) target(%dma_start3A_222 : memref<9984x2048xf32, #tpu.memory_space<hbm>>) offsets(%dma_start3A_219 : memref<16xi32, #tpu.memory_space<vmem>>) semaphore(%arg10 : memref<!tpu.dma_semaphore, #tpu.memory_space<semaphore_mem>>)
    %dma_wait3A_223 = arith.constant 8 : i32
    %dma_wait3A_224 = arith.constant 0 : i32
    %dma_wait3A_225 = tpu.memref_slice %arg5[%dma_wait3A_223, %dma_wait3A_224] : memref<16x16xi32, #tpu.memory_space<vmem>> -> memref<1x16xi32, #tpu.memory_space<vmem>>
    %dma_wait3A_226 = tpu.memref_squeeze %dma_wait3A_225 : memref<1x16xi32, #tpu.memory_space<vmem>> -> memref<16xi32, #tpu.memory_space<vmem>>
    %dma_wait3A_227 = arith.constant 0 : i32
    %dma_wait3A_228 = arith.constant 0 : i32
    %dma_wait3A_229 = tpu.memref_slice %arg4[%dma_wait3A_227, %dma_wait3A_228] : memref<9984x2048xf32, #tpu.memory_space<hbm>> -> memref<9984x2048xf32, #tpu.memory_space<hbm>>
    tpu.wait_indirect_dma semaphore(%arg10 : memref<!tpu.dma_semaphore, #tpu.memory_space<semaphore_mem>>) src(%arg6 : memref<16x2048xf32, #tpu.memory_space<vmem>>) dst(%dma_wait3A_229 : memref<9984x2048xf32, #tpu.memory_space<hbm>>)
    %add3A_230 = arith.constant 160 : i32
    %add3A_231 = arith.addi %select_n3A_11, %add3A_230 : i32
    %dma_start3A_232 = arith.constant 0 : i32
    %dma_start3A_233 = tpu.memref_slice %arg3[%add3A_231, %dma_start3A_232] : memref<4096x2048xf32, #tpu.memory_space<hbm>> -> memref<16x2048xf32, #tpu.memory_space<hbm>>
    %dma_start3A_234 = arith.constant 0 : i32
    %dma_start3A_235 = tpu.memref_slice %arg3[%add3A_231, %dma_start3A_234] : memref<4096x2048xf32, #tpu.memory_space<hbm>> -> memref<16x2048xf32, #tpu.memory_space<hbm>>
    tpu.enqueue_dma source(%dma_start3A_235 : memref<16x2048xf32, #tpu.memory_space<hbm>>) target(%arg6 : memref<16x2048xf32, #tpu.memory_space<vmem>>) target_semaphore(%arg8 : memref<!tpu.dma_semaphore, #tpu.memory_space<semaphore_mem>>)
    %dma_wait3A_236 = arith.constant 0 : i32
    %dma_wait3A_237 = tpu.memref_slice %arg3[%add3A_207, %dma_wait3A_236] : memref<4096x2048xf32, #tpu.memory_space<hbm>> -> memref<16x2048xf32, #tpu.memory_space<hbm>>
    %dma_wait3A_238 = arith.constant 0 : i32
    %dma_wait3A_239 = tpu.memref_slice %arg3[%add3A_207, %dma_wait3A_238] : memref<4096x2048xf32, #tpu.memory_space<hbm>> -> memref<16x2048xf32, #tpu.memory_space<hbm>>
    tpu.wait_dma2 semaphore(%arg9 : memref<!tpu.dma_semaphore, #tpu.memory_space<semaphore_mem>>) src(%dma_wait3A_239 : memref<16x2048xf32, #tpu.memory_space<hbm>>) dst(%arg7 : memref<16x2048xf32, #tpu.memory_space<vmem>>)
    %dma_start3A_240 = arith.constant 9 : i32
    %dma_start3A_241 = arith.constant 0 : i32
    %dma_start3A_242 = tpu.memref_slice %arg5[%dma_start3A_240, %dma_start3A_241] : memref<16x16xi32, #tpu.memory_space<vmem>> -> memref<1x16xi32, #tpu.memory_space<vmem>>
    %dma_start3A_243 = tpu.memref_squeeze %dma_start3A_242 : memref<1x16xi32, #tpu.memory_space<vmem>> -> memref<16xi32, #tpu.memory_space<vmem>>
    %dma_start3A_244 = arith.constant 0 : i32
    %dma_start3A_245 = arith.constant 0 : i32
    %dma_start3A_246 = tpu.memref_slice %arg4[%dma_start3A_244, %dma_start3A_245] : memref<9984x2048xf32, #tpu.memory_space<hbm>> -> memref<9984x2048xf32, #tpu.memory_space<hbm>>
    tpu.enqueue_indirect_dma source(%arg7 : memref<16x2048xf32, #tpu.memory_space<vmem>>) target(%dma_start3A_246 : memref<9984x2048xf32, #tpu.memory_space<hbm>>) offsets(%dma_start3A_243 : memref<16xi32, #tpu.memory_space<vmem>>) semaphore(%arg10 : memref<!tpu.dma_semaphore, #tpu.memory_space<semaphore_mem>>)
    %dma_wait3A_247 = arith.constant 9 : i32
    %dma_wait3A_248 = arith.constant 0 : i32
    %dma_wait3A_249 = tpu.memref_slice %arg5[%dma_wait3A_247, %dma_wait3A_248] : memref<16x16xi32, #tpu.memory_space<vmem>> -> memref<1x16xi32, #tpu.memory_space<vmem>>
    %dma_wait3A_250 = tpu.memref_squeeze %dma_wait3A_249 : memref<1x16xi32, #tpu.memory_space<vmem>> -> memref<16xi32, #tpu.memory_space<vmem>>
    %dma_wait3A_251 = arith.constant 0 : i32
    %dma_wait3A_252 = arith.constant 0 : i32
    %dma_wait3A_253 = tpu.memref_slice %arg4[%dma_wait3A_251, %dma_wait3A_252] : memref<9984x2048xf32, #tpu.memory_space<hbm>> -> memref<9984x2048xf32, #tpu.memory_space<hbm>>
    tpu.wait_indirect_dma semaphore(%arg10 : memref<!tpu.dma_semaphore, #tpu.memory_space<semaphore_mem>>) src(%arg7 : memref<16x2048xf32, #tpu.memory_space<vmem>>) dst(%dma_wait3A_253 : memref<9984x2048xf32, #tpu.memory_space<hbm>>)
    %add3A_254 = arith.constant 176 : i32
    %add3A_255 = arith.addi %select_n3A_11, %add3A_254 : i32
    %dma_start3A_256 = arith.constant 0 : i32
    %dma_start3A_257 = tpu.memref_slice %arg3[%add3A_255, %dma_start3A_256] : memref<4096x2048xf32, #tpu.memory_space<hbm>> -> memref<16x2048xf32, #tpu.memory_space<hbm>>
    %dma_start3A_258 = arith.constant 0 : i32
    %dma_start3A_259 = tpu.memref_slice %arg3[%add3A_255, %dma_start3A_258] : memref<4096x2048xf32, #tpu.memory_space<hbm>> -> memref<16x2048xf32, #tpu.memory_space<hbm>>
    tpu.enqueue_dma source(%dma_start3A_259 : memref<16x2048xf32, #tpu.memory_space<hbm>>) target(%arg7 : memref<16x2048xf32, #tpu.memory_space<vmem>>) target_semaphore(%arg9 : memref<!tpu.dma_semaphore, #tpu.memory_space<semaphore_mem>>)
    %dma_wait3A_260 = arith.constant 0 : i32
    %dma_wait3A_261 = tpu.memref_slice %arg3[%add3A_231, %dma_wait3A_260] : memref<4096x2048xf32, #tpu.memory_space<hbm>> -> memref<16x2048xf32, #tpu.memory_space<hbm>>
    %dma_wait3A_262 = arith.constant 0 : i32
    %dma_wait3A_263 = tpu.memref_slice %arg3[%add3A_231, %dma_wait3A_262] : memref<4096x2048xf32, #tpu.memory_space<hbm>> -> memref<16x2048xf32, #tpu.memory_space<hbm>>
    tpu.wait_dma2 semaphore(%arg8 : memref<!tpu.dma_semaphore, #tpu.memory_space<semaphore_mem>>) src(%dma_wait3A_263 : memref<16x2048xf32, #tpu.memory_space<hbm>>) dst(%arg6 : memref<16x2048xf32, #tpu.memory_space<vmem>>)
    %dma_start3A_264 = arith.constant 10 : i32
    %dma_start3A_265 = arith.constant 0 : i32
    %dma_start3A_266 = tpu.memref_slice %arg5[%dma_start3A_264, %dma_start3A_265] : memref<16x16xi32, #tpu.memory_space<vmem>> -> memref<1x16xi32, #tpu.memory_space<vmem>>
    %dma_start3A_267 = tpu.memref_squeeze %dma_start3A_266 : memref<1x16xi32, #tpu.memory_space<vmem>> -> memref<16xi32, #tpu.memory_space<vmem>>
    %dma_start3A_268 = arith.constant 0 : i32
    %dma_start3A_269 = arith.constant 0 : i32
    %dma_start3A_270 = tpu.memref_slice %arg4[%dma_start3A_268, %dma_start3A_269] : memref<9984x2048xf32, #tpu.memory_space<hbm>> -> memref<9984x2048xf32, #tpu.memory_space<hbm>>
    tpu.enqueue_indirect_dma source(%arg6 : memref<16x2048xf32, #tpu.memory_space<vmem>>) target(%dma_start3A_270 : memref<9984x2048xf32, #tpu.memory_space<hbm>>) offsets(%dma_start3A_267 : memref<16xi32, #tpu.memory_space<vmem>>) semaphore(%arg10 : memref<!tpu.dma_semaphore, #tpu.memory_space<semaphore_mem>>)
    %dma_wait3A_271 = arith.constant 10 : i32
    %dma_wait3A_272 = arith.constant 0 : i32
    %dma_wait3A_273 = tpu.memref_slice %arg5[%dma_wait3A_271, %dma_wait3A_272] : memref<16x16xi32, #tpu.memory_space<vmem>> -> memref<1x16xi32, #tpu.memory_space<vmem>>
    %dma_wait3A_274 = tpu.memref_squeeze %dma_wait3A_273 : memref<1x16xi32, #tpu.memory_space<vmem>> -> memref<16xi32, #tpu.memory_space<vmem>>
    %dma_wait3A_275 = arith.constant 0 : i32
    %dma_wait3A_276 = arith.constant 0 : i32
    %dma_wait3A_277 = tpu.memref_slice %arg4[%dma_wait3A_275, %dma_wait3A_276] : memref<9984x2048xf32, #tpu.memory_space<hbm>> -> memref<9984x2048xf32, #tpu.memory_space<hbm>>
    tpu.wait_indirect_dma semaphore(%arg10 : memref<!tpu.dma_semaphore, #tpu.memory_space<semaphore_mem>>) src(%arg6 : memref<16x2048xf32, #tpu.memory_space<vmem>>) dst(%dma_wait3A_277 : memref<9984x2048xf32, #tpu.memory_space<hbm>>)
    %add3A_278 = arith.constant 192 : i32
    %add3A_279 = arith.addi %select_n3A_11, %add3A_278 : i32
    %dma_start3A_280 = arith.constant 0 : i32
    %dma_start3A_281 = tpu.memref_slice %arg3[%add3A_279, %dma_start3A_280] : memref<4096x2048xf32, #tpu.memory_space<hbm>> -> memref<16x2048xf32, #tpu.memory_space<hbm>>
    %dma_start3A_282 = arith.constant 0 : i32
    %dma_start3A_283 = tpu.memref_slice %arg3[%add3A_279, %dma_start3A_282] : memref<4096x2048xf32, #tpu.memory_space<hbm>> -> memref<16x2048xf32, #tpu.memory_space<hbm>>
    tpu.enqueue_dma source(%dma_start3A_283 : memref<16x2048xf32, #tpu.memory_space<hbm>>) target(%arg6 : memref<16x2048xf32, #tpu.memory_space<vmem>>) target_semaphore(%arg8 : memref<!tpu.dma_semaphore, #tpu.memory_space<semaphore_mem>>)
    %dma_wait3A_284 = arith.constant 0 : i32
    %dma_wait3A_285 = tpu.memref_slice %arg3[%add3A_255, %dma_wait3A_284] : memref<4096x2048xf32, #tpu.memory_space<hbm>> -> memref<16x2048xf32, #tpu.memory_space<hbm>>
    %dma_wait3A_286 = arith.constant 0 : i32
    %dma_wait3A_287 = tpu.memref_slice %arg3[%add3A_255, %dma_wait3A_286] : memref<4096x2048xf32, #tpu.memory_space<hbm>> -> memref<16x2048xf32, #tpu.memory_space<hbm>>
    tpu.wait_dma2 semaphore(%arg9 : memref<!tpu.dma_semaphore, #tpu.memory_space<semaphore_mem>>) src(%dma_wait3A_287 : memref<16x2048xf32, #tpu.memory_space<hbm>>) dst(%arg7 : memref<16x2048xf32, #tpu.memory_space<vmem>>)
    %dma_start3A_288 = arith.constant 11 : i32
    %dma_start3A_289 = arith.constant 0 : i32
    %dma_start3A_290 = tpu.memref_slice %arg5[%dma_start3A_288, %dma_start3A_289] : memref<16x16xi32, #tpu.memory_space<vmem>> -> memref<1x16xi32, #tpu.memory_space<vmem>>
    %dma_start3A_291 = tpu.memref_squeeze %dma_start3A_290 : memref<1x16xi32, #tpu.memory_space<vmem>> -> memref<16xi32, #tpu.memory_space<vmem>>
    %dma_start3A_292 = arith.constant 0 : i32
    %dma_start3A_293 = arith.constant 0 : i32
    %dma_start3A_294 = tpu.memref_slice %arg4[%dma_start3A_292, %dma_start3A_293] : memref<9984x2048xf32, #tpu.memory_space<hbm>> -> memref<9984x2048xf32, #tpu.memory_space<hbm>>
    tpu.enqueue_indirect_dma source(%arg7 : memref<16x2048xf32, #tpu.memory_space<vmem>>) target(%dma_start3A_294 : memref<9984x2048xf32, #tpu.memory_space<hbm>>) offsets(%dma_start3A_291 : memref<16xi32, #tpu.memory_space<vmem>>) semaphore(%arg10 : memref<!tpu.dma_semaphore, #tpu.memory_space<semaphore_mem>>)
    %dma_wait3A_295 = arith.constant 11 : i32
    %dma_wait3A_296 = arith.constant 0 : i32
    %dma_wait3A_297 = tpu.memref_slice %arg5[%dma_wait3A_295, %dma_wait3A_296] : memref<16x16xi32, #tpu.memory_space<vmem>> -> memref<1x16xi32, #tpu.memory_space<vmem>>
    %dma_wait3A_298 = tpu.memref_squeeze %dma_wait3A_297 : memref<1x16xi32, #tpu.memory_space<vmem>> -> memref<16xi32, #tpu.memory_space<vmem>>
    %dma_wait3A_299 = arith.constant 0 : i32
    %dma_wait3A_300 = arith.constant 0 : i32
    %dma_wait3A_301 = tpu.memref_slice %arg4[%dma_wait3A_299, %dma_wait3A_300] : memref<9984x2048xf32, #tpu.memory_space<hbm>> -> memref<9984x2048xf32, #tpu.memory_space<hbm>>
    tpu.wait_indirect_dma semaphore(%arg10 : memref<!tpu.dma_semaphore, #tpu.memory_space<semaphore_mem>>) src(%arg7 : memref<16x2048xf32, #tpu.memory_space<vmem>>) dst(%dma_wait3A_301 : memref<9984x2048xf32, #tpu.memory_space<hbm>>)
    %add3A_302 = arith.constant 208 : i32
    %add3A_303 = arith.addi %select_n3A_11, %add3A_302 : i32
    %dma_start3A_304 = arith.constant 0 : i32
    %dma_start3A_305 = tpu.memref_slice %arg3[%add3A_303, %dma_start3A_304] : memref<4096x2048xf32, #tpu.memory_space<hbm>> -> memref<16x2048xf32, #tpu.memory_space<hbm>>
    %dma_start3A_306 = arith.constant 0 : i32
    %dma_start3A_307 = tpu.memref_slice %arg3[%add3A_303, %dma_start3A_306] : memref<4096x2048xf32, #tpu.memory_space<hbm>> -> memref<16x2048xf32, #tpu.memory_space<hbm>>
    tpu.enqueue_dma source(%dma_start3A_307 : memref<16x2048xf32, #tpu.memory_space<hbm>>) target(%arg7 : memref<16x2048xf32, #tpu.memory_space<vmem>>) target_semaphore(%arg9 : memref<!tpu.dma_semaphore, #tpu.memory_space<semaphore_mem>>)
    %dma_wait3A_308 = arith.constant 0 : i32
    %dma_wait3A_309 = tpu.memref_slice %arg3[%add3A_279, %dma_wait3A_308] : memref<4096x2048xf32, #tpu.memory_space<hbm>> -> memref<16x2048xf32, #tpu.memory_space<hbm>>
    %dma_wait3A_310 = arith.constant 0 : i32
    %dma_wait3A_311 = tpu.memref_slice %arg3[%add3A_279, %dma_wait3A_310] : memref<4096x2048xf32, #tpu.memory_space<hbm>> -> memref<16x2048xf32, #tpu.memory_space<hbm>>
    tpu.wait_dma2 semaphore(%arg8 : memref<!tpu.dma_semaphore, #tpu.memory_space<semaphore_mem>>) src(%dma_wait3A_311 : memref<16x2048xf32, #tpu.memory_space<hbm>>) dst(%arg6 : memref<16x2048xf32, #tpu.memory_space<vmem>>)
    %dma_start3A_312 = arith.constant 12 : i32
    %dma_start3A_313 = arith.constant 0 : i32
    %dma_start3A_314 = tpu.memref_slice %arg5[%dma_start3A_312, %dma_start3A_313] : memref<16x16xi32, #tpu.memory_space<vmem>> -> memref<1x16xi32, #tpu.memory_space<vmem>>
    %dma_start3A_315 = tpu.memref_squeeze %dma_start3A_314 : memref<1x16xi32, #tpu.memory_space<vmem>> -> memref<16xi32, #tpu.memory_space<vmem>>
    %dma_start3A_316 = arith.constant 0 : i32
    %dma_start3A_317 = arith.constant 0 : i32
    %dma_start3A_318 = tpu.memref_slice %arg4[%dma_start3A_316, %dma_start3A_317] : memref<9984x2048xf32, #tpu.memory_space<hbm>> -> memref<9984x2048xf32, #tpu.memory_space<hbm>>
    tpu.enqueue_indirect_dma source(%arg6 : memref<16x2048xf32, #tpu.memory_space<vmem>>) target(%dma_start3A_318 : memref<9984x2048xf32, #tpu.memory_space<hbm>>) offsets(%dma_start3A_315 : memref<16xi32, #tpu.memory_space<vmem>>) semaphore(%arg10 : memref<!tpu.dma_semaphore, #tpu.memory_space<semaphore_mem>>)
    %dma_wait3A_319 = arith.constant 12 : i32
    %dma_wait3A_320 = arith.constant 0 : i32
    %dma_wait3A_321 = tpu.memref_slice %arg5[%dma_wait3A_319, %dma_wait3A_320] : memref<16x16xi32, #tpu.memory_space<vmem>> -> memref<1x16xi32, #tpu.memory_space<vmem>>
    %dma_wait3A_322 = tpu.memref_squeeze %dma_wait3A_321 : memref<1x16xi32, #tpu.memory_space<vmem>> -> memref<16xi32, #tpu.memory_space<vmem>>
    %dma_wait3A_323 = arith.constant 0 : i32
    %dma_wait3A_324 = arith.constant 0 : i32
    %dma_wait3A_325 = tpu.memref_slice %arg4[%dma_wait3A_323, %dma_wait3A_324] : memref<9984x2048xf32, #tpu.memory_space<hbm>> -> memref<9984x2048xf32, #tpu.memory_space<hbm>>
    tpu.wait_indirect_dma semaphore(%arg10 : memref<!tpu.dma_semaphore, #tpu.memory_space<semaphore_mem>>) src(%arg6 : memref<16x2048xf32, #tpu.memory_space<vmem>>) dst(%dma_wait3A_325 : memref<9984x2048xf32, #tpu.memory_space<hbm>>)
    %add3A_326 = arith.constant 224 : i32
    %add3A_327 = arith.addi %select_n3A_11, %add3A_326 : i32
    %dma_start3A_328 = arith.constant 0 : i32
    %dma_start3A_329 = tpu.memref_slice %arg3[%add3A_327, %dma_start3A_328] : memref<4096x2048xf32, #tpu.memory_space<hbm>> -> memref<16x2048xf32, #tpu.memory_space<hbm>>
    %dma_start3A_330 = arith.constant 0 : i32
    %dma_start3A_331 = tpu.memref_slice %arg3[%add3A_327, %dma_start3A_330] : memref<4096x2048xf32, #tpu.memory_space<hbm>> -> memref<16x2048xf32, #tpu.memory_space<hbm>>
    tpu.enqueue_dma source(%dma_start3A_331 : memref<16x2048xf32, #tpu.memory_space<hbm>>) target(%arg6 : memref<16x2048xf32, #tpu.memory_space<vmem>>) target_semaphore(%arg8 : memref<!tpu.dma_semaphore, #tpu.memory_space<semaphore_mem>>)
    %dma_wait3A_332 = arith.constant 0 : i32
    %dma_wait3A_333 = tpu.memref_slice %arg3[%add3A_303, %dma_wait3A_332] : memref<4096x2048xf32, #tpu.memory_space<hbm>> -> memref<16x2048xf32, #tpu.memory_space<hbm>>
    %dma_wait3A_334 = arith.constant 0 : i32
    %dma_wait3A_335 = tpu.memref_slice %arg3[%add3A_303, %dma_wait3A_334] : memref<4096x2048xf32, #tpu.memory_space<hbm>> -> memref<16x2048xf32, #tpu.memory_space<hbm>>
    tpu.wait_dma2 semaphore(%arg9 : memref<!tpu.dma_semaphore, #tpu.memory_space<semaphore_mem>>) src(%dma_wait3A_335 : memref<16x2048xf32, #tpu.memory_space<hbm>>) dst(%arg7 : memref<16x2048xf32, #tpu.memory_space<vmem>>)
    %dma_start3A_336 = arith.constant 13 : i32
    %dma_start3A_337 = arith.constant 0 : i32
    %dma_start3A_338 = tpu.memref_slice %arg5[%dma_start3A_336, %dma_start3A_337] : memref<16x16xi32, #tpu.memory_space<vmem>> -> memref<1x16xi32, #tpu.memory_space<vmem>>
    %dma_start3A_339 = tpu.memref_squeeze %dma_start3A_338 : memref<1x16xi32, #tpu.memory_space<vmem>> -> memref<16xi32, #tpu.memory_space<vmem>>
    %dma_start3A_340 = arith.constant 0 : i32
    %dma_start3A_341 = arith.constant 0 : i32
    %dma_start3A_342 = tpu.memref_slice %arg4[%dma_start3A_340, %dma_start3A_341] : memref<9984x2048xf32, #tpu.memory_space<hbm>> -> memref<9984x2048xf32, #tpu.memory_space<hbm>>
    tpu.enqueue_indirect_dma source(%arg7 : memref<16x2048xf32, #tpu.memory_space<vmem>>) target(%dma_start3A_342 : memref<9984x2048xf32, #tpu.memory_space<hbm>>) offsets(%dma_start3A_339 : memref<16xi32, #tpu.memory_space<vmem>>) semaphore(%arg10 : memref<!tpu.dma_semaphore, #tpu.memory_space<semaphore_mem>>)
    %dma_wait3A_343 = arith.constant 13 : i32
    %dma_wait3A_344 = arith.constant 0 : i32
    %dma_wait3A_345 = tpu.memref_slice %arg5[%dma_wait3A_343, %dma_wait3A_344] : memref<16x16xi32, #tpu.memory_space<vmem>> -> memref<1x16xi32, #tpu.memory_space<vmem>>
    %dma_wait3A_346 = tpu.memref_squeeze %dma_wait3A_345 : memref<1x16xi32, #tpu.memory_space<vmem>> -> memref<16xi32, #tpu.memory_space<vmem>>
    %dma_wait3A_347 = arith.constant 0 : i32
    %dma_wait3A_348 = arith.constant 0 : i32
    %dma_wait3A_349 = tpu.memref_slice %arg4[%dma_wait3A_347, %dma_wait3A_348] : memref<9984x2048xf32, #tpu.memory_space<hbm>> -> memref<9984x2048xf32, #tpu.memory_space<hbm>>
    tpu.wait_indirect_dma semaphore(%arg10 : memref<!tpu.dma_semaphore, #tpu.memory_space<semaphore_mem>>) src(%arg7 : memref<16x2048xf32, #tpu.memory_space<vmem>>) dst(%dma_wait3A_349 : memref<9984x2048xf32, #tpu.memory_space<hbm>>)
    %add3A_350 = arith.constant 240 : i32
    %add3A_351 = arith.addi %select_n3A_11, %add3A_350 : i32
    %dma_start3A_352 = arith.constant 0 : i32
    %dma_start3A_353 = tpu.memref_slice %arg3[%add3A_351, %dma_start3A_352] : memref<4096x2048xf32, #tpu.memory_space<hbm>> -> memref<16x2048xf32, #tpu.memory_space<hbm>>
    %dma_start3A_354 = arith.constant 0 : i32
    %dma_start3A_355 = tpu.memref_slice %arg3[%add3A_351, %dma_start3A_354] : memref<4096x2048xf32, #tpu.memory_space<hbm>> -> memref<16x2048xf32, #tpu.memory_space<hbm>>
    tpu.enqueue_dma source(%dma_start3A_355 : memref<16x2048xf32, #tpu.memory_space<hbm>>) target(%arg7 : memref<16x2048xf32, #tpu.memory_space<vmem>>) target_semaphore(%arg9 : memref<!tpu.dma_semaphore, #tpu.memory_space<semaphore_mem>>)
    %dma_wait3A_356 = arith.constant 0 : i32
    %dma_wait3A_357 = tpu.memref_slice %arg3[%add3A_327, %dma_wait3A_356] : memref<4096x2048xf32, #tpu.memory_space<hbm>> -> memref<16x2048xf32, #tpu.memory_space<hbm>>
    %dma_wait3A_358 = arith.constant 0 : i32
    %dma_wait3A_359 = tpu.memref_slice %arg3[%add3A_327, %dma_wait3A_358] : memref<4096x2048xf32, #tpu.memory_space<hbm>> -> memref<16x2048xf32, #tpu.memory_space<hbm>>
    tpu.wait_dma2 semaphore(%arg8 : memref<!tpu.dma_semaphore, #tpu.memory_space<semaphore_mem>>) src(%dma_wait3A_359 : memref<16x2048xf32, #tpu.memory_space<hbm>>) dst(%arg6 : memref<16x2048xf32, #tpu.memory_space<vmem>>)
    %dma_start3A_360 = arith.constant 14 : i32
    %dma_start3A_361 = arith.constant 0 : i32
    %dma_start3A_362 = tpu.memref_slice %arg5[%dma_start3A_360, %dma_start3A_361] : memref<16x16xi32, #tpu.memory_space<vmem>> -> memref<1x16xi32, #tpu.memory_space<vmem>>
    %dma_start3A_363 = tpu.memref_squeeze %dma_start3A_362 : memref<1x16xi32, #tpu.memory_space<vmem>> -> memref<16xi32, #tpu.memory_space<vmem>>
    %dma_start3A_364 = arith.constant 0 : i32
    %dma_start3A_365 = arith.constant 0 : i32
    %dma_start3A_366 = tpu.memref_slice %arg4[%dma_start3A_364, %dma_start3A_365] : memref<9984x2048xf32, #tpu.memory_space<hbm>> -> memref<9984x2048xf32, #tpu.memory_space<hbm>>
    tpu.enqueue_indirect_dma source(%arg6 : memref<16x2048xf32, #tpu.memory_space<vmem>>) target(%dma_start3A_366 : memref<9984x2048xf32, #tpu.memory_space<hbm>>) offsets(%dma_start3A_363 : memref<16xi32, #tpu.memory_space<vmem>>) semaphore(%arg10 : memref<!tpu.dma_semaphore, #tpu.memory_space<semaphore_mem>>)
    %dma_wait3A_367 = arith.constant 14 : i32
    %dma_wait3A_368 = arith.constant 0 : i32
    %dma_wait3A_369 = tpu.memref_slice %arg5[%dma_wait3A_367, %dma_wait3A_368] : memref<16x16xi32, #tpu.memory_space<vmem>> -> memref<1x16xi32, #tpu.memory_space<vmem>>
    %dma_wait3A_370 = tpu.memref_squeeze %dma_wait3A_369 : memref<1x16xi32, #tpu.memory_space<vmem>> -> memref<16xi32, #tpu.memory_space<vmem>>
    %dma_wait3A_371 = arith.constant 0 : i32
    %dma_wait3A_372 = arith.constant 0 : i32
    %dma_wait3A_373 = tpu.memref_slice %arg4[%dma_wait3A_371, %dma_wait3A_372] : memref<9984x2048xf32, #tpu.memory_space<hbm>> -> memref<9984x2048xf32, #tpu.memory_space<hbm>>
    tpu.wait_indirect_dma semaphore(%arg10 : memref<!tpu.dma_semaphore, #tpu.memory_space<semaphore_mem>>) src(%arg6 : memref<16x2048xf32, #tpu.memory_space<vmem>>) dst(%dma_wait3A_373 : memref<9984x2048xf32, #tpu.memory_space<hbm>>)
    %dma_wait3A_374 = arith.constant 0 : i32
    %dma_wait3A_375 = tpu.memref_slice %arg3[%add3A_351, %dma_wait3A_374] : memref<4096x2048xf32, #tpu.memory_space<hbm>> -> memref<16x2048xf32, #tpu.memory_space<hbm>>
    %dma_wait3A_376 = arith.constant 0 : i32
    %dma_wait3A_377 = tpu.memref_slice %arg3[%add3A_351, %dma_wait3A_376] : memref<4096x2048xf32, #tpu.memory_space<hbm>> -> memref<16x2048xf32, #tpu.memory_space<hbm>>
    tpu.wait_dma2 semaphore(%arg9 : memref<!tpu.dma_semaphore, #tpu.memory_space<semaphore_mem>>) src(%dma_wait3A_377 : memref<16x2048xf32, #tpu.memory_space<hbm>>) dst(%arg7 : memref<16x2048xf32, #tpu.memory_space<vmem>>)
    %dma_start3A_378 = arith.constant 15 : i32
    %dma_start3A_379 = arith.constant 0 : i32
    %dma_start3A_380 = tpu.memref_slice %arg5[%dma_start3A_378, %dma_start3A_379] : memref<16x16xi32, #tpu.memory_space<vmem>> -> memref<1x16xi32, #tpu.memory_space<vmem>>
    %dma_start3A_381 = tpu.memref_squeeze %dma_start3A_380 : memref<1x16xi32, #tpu.memory_space<vmem>> -> memref<16xi32, #tpu.memory_space<vmem>>
    %dma_start3A_382 = arith.constant 0 : i32
    %dma_start3A_383 = arith.constant 0 : i32
    %dma_start3A_384 = tpu.memref_slice %arg4[%dma_start3A_382, %dma_start3A_383] : memref<9984x2048xf32, #tpu.memory_space<hbm>> -> memref<9984x2048xf32, #tpu.memory_space<hbm>>
    tpu.enqueue_indirect_dma source(%arg7 : memref<16x2048xf32, #tpu.memory_space<vmem>>) target(%dma_start3A_384 : memref<9984x2048xf32, #tpu.memory_space<hbm>>) offsets(%dma_start3A_381 : memref<16xi32, #tpu.memory_space<vmem>>) semaphore(%arg10 : memref<!tpu.dma_semaphore, #tpu.memory_space<semaphore_mem>>)
    %dma_wait3A_385 = arith.constant 15 : i32
    %dma_wait3A_386 = arith.constant 0 : i32
    %dma_wait3A_387 = tpu.memref_slice %arg5[%dma_wait3A_385, %dma_wait3A_386] : memref<16x16xi32, #tpu.memory_space<vmem>> -> memref<1x16xi32, #tpu.memory_space<vmem>>
    %dma_wait3A_388 = tpu.memref_squeeze %dma_wait3A_387 : memref<1x16xi32, #tpu.memory_space<vmem>> -> memref<16xi32, #tpu.memory_space<vmem>>
    %dma_wait3A_389 = arith.constant 0 : i32
    %dma_wait3A_390 = arith.constant 0 : i32
    %dma_wait3A_391 = tpu.memref_slice %arg4[%dma_wait3A_389, %dma_wait3A_390] : memref<9984x2048xf32, #tpu.memory_space<hbm>> -> memref<9984x2048xf32, #tpu.memory_space<hbm>>
    tpu.wait_indirect_dma semaphore(%arg10 : memref<!tpu.dma_semaphore, #tpu.memory_space<semaphore_mem>>) src(%arg7 : memref<16x2048xf32, #tpu.memory_space<vmem>>) dst(%dma_wait3A_391 : memref<9984x2048xf32, #tpu.memory_space<hbm>>)
    return
  }
}

#map = affine_map<(d0, d1) -> (0, 0, 0)>
#map1 = affine_map<(d0, d1) -> (0, 0)>
module attributes {stable_mosaic.version = 14 : i64} {
  func.func @k(%arg0: i32, %arg1: i32, %arg2: memref<32x8x16xi32, #tpu.memory_space<hbm>>, %arg3: memref<32x8x16xi32, #tpu.memory_space<hbm>>, %arg4: memref<9984x2048xf32, #tpu.memory_space<hbm>>, %arg5: memref<8192x2048xf32, #tpu.memory_space<hbm>>, %arg6: memref<8x16xi32, #tpu.memory_space<vmem>>, %arg7: memref<8x16xi32, #tpu.memory_space<vmem>>, %arg8: memref<16x2048xf32, #tpu.memory_space<vmem>>, %arg9: memref<16x2048xf32, #tpu.memory_space<vmem>>, %arg10: memref<!tpu.dma_semaphore, #tpu.memory_space<semaphore_mem>>, %arg11: memref<!tpu.dma_semaphore, #tpu.memory_space<semaphore_mem>>) attributes {dimension_semantics = [#tpu.dimension_semantics<core_parallel>, #tpu.dimension_semantics<subcore_parallel>], iteration_bounds = array<i64: 2, 16>, scalar_prefetch = 0 : i64, scratch_operands = 6 : i64, tpu.core_type = #tpu.core_type<sc_vector_subcore>, window_params = [{transform_indices = #map}, {transform_indices = #map}, {transform_indices = #map1}, {transform_indices = #map1}]} {
    %mul3A = arith.constant 2 : i32
    %mul3A_0 = arith.muli %arg1, %mul3A : i32
    %add3A = arith.addi %mul3A_0, %arg0 : i32
    %mul3A_1 = arith.constant 128 : i32
    %mul3A_2 = arith.muli %add3A, %mul3A_1 : i32
    "tpu.region"() ({
      %run_scoped3A = tpu.sem_alloc : memref<!tpu.dma_semaphore, #tpu.memory_space<semaphore_mem>>
      %dma_start3A_273 = arith.constant 0 : i32
      %dma_start3A_274 = arith.constant 0 : i32
      %dma_start3A_275 = tpu.memref_slice %arg2[%add3A, %dma_start3A_273, %dma_start3A_274] : memref<32x8x16xi32, #tpu.memory_space<hbm>> -> memref<1x8x16xi32, #tpu.memory_space<hbm>>
      %dma_start3A_276 = tpu.memref_squeeze %dma_start3A_275 : memref<1x8x16xi32, #tpu.memory_space<hbm>> -> memref<8x16xi32, #tpu.memory_space<hbm>>
      %dma_start3A_277 = arith.constant 0 : i32
      %dma_start3A_278 = arith.constant 0 : i32
      %dma_start3A_279 = tpu.memref_slice %arg2[%add3A, %dma_start3A_277, %dma_start3A_278] : memref<32x8x16xi32, #tpu.memory_space<hbm>> -> memref<1x8x16xi32, #tpu.memory_space<hbm>>
      %dma_start3A_280 = tpu.memref_squeeze %dma_start3A_279 : memref<1x8x16xi32, #tpu.memory_space<hbm>> -> memref<8x16xi32, #tpu.memory_space<hbm>>
      tpu.enqueue_dma source(%dma_start3A_280 : memref<8x16xi32, #tpu.memory_space<hbm>>) target(%arg6 : memref<8x16xi32, #tpu.memory_space<vmem>>) target_semaphore(%run_scoped3A : memref<!tpu.dma_semaphore, #tpu.memory_space<semaphore_mem>>)
      %dma_wait3A_281 = arith.constant 0 : i32
      %dma_wait3A_282 = arith.constant 0 : i32
      %dma_wait3A_283 = tpu.memref_slice %arg2[%add3A, %dma_wait3A_281, %dma_wait3A_282] : memref<32x8x16xi32, #tpu.memory_space<hbm>> -> memref<1x8x16xi32, #tpu.memory_space<hbm>>
      %dma_wait3A_284 = tpu.memref_squeeze %dma_wait3A_283 : memref<1x8x16xi32, #tpu.memory_space<hbm>> -> memref<8x16xi32, #tpu.memory_space<hbm>>
      %dma_wait3A_285 = arith.constant 0 : i32
      %dma_wait3A_286 = arith.constant 0 : i32
      %dma_wait3A_287 = tpu.memref_slice %arg2[%add3A, %dma_wait3A_285, %dma_wait3A_286] : memref<32x8x16xi32, #tpu.memory_space<hbm>> -> memref<1x8x16xi32, #tpu.memory_space<hbm>>
      %dma_wait3A_288 = tpu.memref_squeeze %dma_wait3A_287 : memref<1x8x16xi32, #tpu.memory_space<hbm>> -> memref<8x16xi32, #tpu.memory_space<hbm>>
      tpu.wait_dma2 semaphore(%run_scoped3A : memref<!tpu.dma_semaphore, #tpu.memory_space<semaphore_mem>>) src(%dma_wait3A_288 : memref<8x16xi32, #tpu.memory_space<hbm>>) dst(%arg6 : memref<8x16xi32, #tpu.memory_space<vmem>>)
      tpu.yield
    }) : () -> ()
    "tpu.region"() ({
      %run_scoped3A = tpu.sem_alloc : memref<!tpu.dma_semaphore, #tpu.memory_space<semaphore_mem>>
      %dma_start3A_273 = arith.constant 0 : i32
      %dma_start3A_274 = arith.constant 0 : i32
      %dma_start3A_275 = tpu.memref_slice %arg3[%add3A, %dma_start3A_273, %dma_start3A_274] : memref<32x8x16xi32, #tpu.memory_space<hbm>> -> memref<1x8x16xi32, #tpu.memory_space<hbm>>
      %dma_start3A_276 = tpu.memref_squeeze %dma_start3A_275 : memref<1x8x16xi32, #tpu.memory_space<hbm>> -> memref<8x16xi32, #tpu.memory_space<hbm>>
      %dma_start3A_277 = arith.constant 0 : i32
      %dma_start3A_278 = arith.constant 0 : i32
      %dma_start3A_279 = tpu.memref_slice %arg3[%add3A, %dma_start3A_277, %dma_start3A_278] : memref<32x8x16xi32, #tpu.memory_space<hbm>> -> memref<1x8x16xi32, #tpu.memory_space<hbm>>
      %dma_start3A_280 = tpu.memref_squeeze %dma_start3A_279 : memref<1x8x16xi32, #tpu.memory_space<hbm>> -> memref<8x16xi32, #tpu.memory_space<hbm>>
      tpu.enqueue_dma source(%dma_start3A_280 : memref<8x16xi32, #tpu.memory_space<hbm>>) target(%arg7 : memref<8x16xi32, #tpu.memory_space<vmem>>) target_semaphore(%run_scoped3A : memref<!tpu.dma_semaphore, #tpu.memory_space<semaphore_mem>>)
      %dma_wait3A_281 = arith.constant 0 : i32
      %dma_wait3A_282 = arith.constant 0 : i32
      %dma_wait3A_283 = tpu.memref_slice %arg3[%add3A, %dma_wait3A_281, %dma_wait3A_282] : memref<32x8x16xi32, #tpu.memory_space<hbm>> -> memref<1x8x16xi32, #tpu.memory_space<hbm>>
      %dma_wait3A_284 = tpu.memref_squeeze %dma_wait3A_283 : memref<1x8x16xi32, #tpu.memory_space<hbm>> -> memref<8x16xi32, #tpu.memory_space<hbm>>
      %dma_wait3A_285 = arith.constant 0 : i32
      %dma_wait3A_286 = arith.constant 0 : i32
      %dma_wait3A_287 = tpu.memref_slice %arg3[%add3A, %dma_wait3A_285, %dma_wait3A_286] : memref<32x8x16xi32, #tpu.memory_space<hbm>> -> memref<1x8x16xi32, #tpu.memory_space<hbm>>
      %dma_wait3A_288 = tpu.memref_squeeze %dma_wait3A_287 : memref<1x8x16xi32, #tpu.memory_space<hbm>> -> memref<8x16xi32, #tpu.memory_space<hbm>>
      tpu.wait_dma2 semaphore(%run_scoped3A : memref<!tpu.dma_semaphore, #tpu.memory_space<semaphore_mem>>) src(%dma_wait3A_288 : memref<8x16xi32, #tpu.memory_space<hbm>>) dst(%arg7 : memref<8x16xi32, #tpu.memory_space<vmem>>)
      tpu.yield
    }) : () -> ()
    %dma_start3A = arith.constant 0 : i32
    %dma_start3A_3 = arith.constant 0 : i32
    %dma_start3A_4 = tpu.memref_slice %arg6[%dma_start3A, %dma_start3A_3] : memref<8x16xi32, #tpu.memory_space<vmem>> -> memref<1x16xi32, #tpu.memory_space<vmem>>
    %dma_start3A_5 = tpu.memref_squeeze %dma_start3A_4 : memref<1x16xi32, #tpu.memory_space<vmem>> -> memref<16xi32, #tpu.memory_space<vmem>>
    %dma_start3A_6 = arith.constant 0 : i32
    %dma_start3A_7 = arith.constant 0 : i32
    %dma_start3A_8 = tpu.memref_slice %arg4[%dma_start3A_6, %dma_start3A_7] : memref<9984x2048xf32, #tpu.memory_space<hbm>> -> memref<9984x2048xf32, #tpu.memory_space<hbm>>
    tpu.enqueue_indirect_dma source(%dma_start3A_8 : memref<9984x2048xf32, #tpu.memory_space<hbm>>) target(%arg8 : memref<16x2048xf32, #tpu.memory_space<vmem>>) offsets(%dma_start3A_5 : memref<16xi32, #tpu.memory_space<vmem>>) semaphore(%arg10 : memref<!tpu.dma_semaphore, #tpu.memory_space<semaphore_mem>>)
    %dma_start3A_9 = arith.constant 0 : i32
    %dma_start3A_10 = arith.constant 0 : i32
    %dma_start3A_11 = tpu.memref_slice %arg7[%dma_start3A_9, %dma_start3A_10] : memref<8x16xi32, #tpu.memory_space<vmem>> -> memref<1x16xi32, #tpu.memory_space<vmem>>
    %dma_start3A_12 = tpu.memref_squeeze %dma_start3A_11 : memref<1x16xi32, #tpu.memory_space<vmem>> -> memref<16xi32, #tpu.memory_space<vmem>>
    %dma_start3A_13 = arith.constant 0 : i32
    %dma_start3A_14 = arith.constant 0 : i32
    %dma_start3A_15 = tpu.memref_slice %arg4[%dma_start3A_13, %dma_start3A_14] : memref<9984x2048xf32, #tpu.memory_space<hbm>> -> memref<9984x2048xf32, #tpu.memory_space<hbm>>
    tpu.enqueue_indirect_dma source(%dma_start3A_15 : memref<9984x2048xf32, #tpu.memory_space<hbm>>) target(%arg9 : memref<16x2048xf32, #tpu.memory_space<vmem>>) offsets(%dma_start3A_12 : memref<16xi32, #tpu.memory_space<vmem>>) semaphore(%arg11 : memref<!tpu.dma_semaphore, #tpu.memory_space<semaphore_mem>>)
    %dma_wait3A = arith.constant 0 : i32
    %dma_wait3A_16 = arith.constant 0 : i32
    %dma_wait3A_17 = tpu.memref_slice %arg6[%dma_wait3A, %dma_wait3A_16] : memref<8x16xi32, #tpu.memory_space<vmem>> -> memref<1x16xi32, #tpu.memory_space<vmem>>
    %dma_wait3A_18 = tpu.memref_squeeze %dma_wait3A_17 : memref<1x16xi32, #tpu.memory_space<vmem>> -> memref<16xi32, #tpu.memory_space<vmem>>
    %dma_wait3A_19 = arith.constant 0 : i32
    %dma_wait3A_20 = arith.constant 0 : i32
    %dma_wait3A_21 = tpu.memref_slice %arg4[%dma_wait3A_19, %dma_wait3A_20] : memref<9984x2048xf32, #tpu.memory_space<hbm>> -> memref<9984x2048xf32, #tpu.memory_space<hbm>>
    tpu.wait_indirect_dma semaphore(%arg10 : memref<!tpu.dma_semaphore, #tpu.memory_space<semaphore_mem>>) src(%dma_wait3A_21 : memref<9984x2048xf32, #tpu.memory_space<hbm>>) dst(%arg8 : memref<16x2048xf32, #tpu.memory_space<vmem>>)
    %add3A_22 = arith.constant 0 : i32
    %add3A_23 = arith.addi %mul3A_2, %add3A_22 : i32
    "tpu.region"() ({
      %run_scoped3A = tpu.sem_alloc : memref<!tpu.dma_semaphore, #tpu.memory_space<semaphore_mem>>
      %dma_start3A_273 = arith.constant 0 : i32
      %dma_start3A_274 = tpu.memref_slice %arg5[%add3A_23, %dma_start3A_273] : memref<8192x2048xf32, #tpu.memory_space<hbm>> -> memref<16x2048xf32, #tpu.memory_space<hbm>>
      %dma_start3A_275 = arith.constant 0 : i32
      %dma_start3A_276 = tpu.memref_slice %arg5[%add3A_23, %dma_start3A_275] : memref<8192x2048xf32, #tpu.memory_space<hbm>> -> memref<16x2048xf32, #tpu.memory_space<hbm>>
      tpu.enqueue_dma source(%arg8 : memref<16x2048xf32, #tpu.memory_space<vmem>>) target(%dma_start3A_276 : memref<16x2048xf32, #tpu.memory_space<hbm>>) target_semaphore(%run_scoped3A : memref<!tpu.dma_semaphore, #tpu.memory_space<semaphore_mem>>)
      %dma_wait3A_277 = arith.constant 0 : i32
      %dma_wait3A_278 = tpu.memref_slice %arg5[%add3A_23, %dma_wait3A_277] : memref<8192x2048xf32, #tpu.memory_space<hbm>> -> memref<16x2048xf32, #tpu.memory_space<hbm>>
      %dma_wait3A_279 = arith.constant 0 : i32
      %dma_wait3A_280 = tpu.memref_slice %arg5[%add3A_23, %dma_wait3A_279] : memref<8192x2048xf32, #tpu.memory_space<hbm>> -> memref<16x2048xf32, #tpu.memory_space<hbm>>
      tpu.wait_dma2 semaphore(%run_scoped3A : memref<!tpu.dma_semaphore, #tpu.memory_space<semaphore_mem>>) src(%arg8 : memref<16x2048xf32, #tpu.memory_space<vmem>>) dst(%dma_wait3A_280 : memref<16x2048xf32, #tpu.memory_space<hbm>>)
      tpu.yield
    }) : () -> ()
    %dma_wait3A_24 = arith.constant 0 : i32
    %dma_wait3A_25 = arith.constant 0 : i32
    %dma_wait3A_26 = tpu.memref_slice %arg7[%dma_wait3A_24, %dma_wait3A_25] : memref<8x16xi32, #tpu.memory_space<vmem>> -> memref<1x16xi32, #tpu.memory_space<vmem>>
    %dma_wait3A_27 = tpu.memref_squeeze %dma_wait3A_26 : memref<1x16xi32, #tpu.memory_space<vmem>> -> memref<16xi32, #tpu.memory_space<vmem>>
    %dma_wait3A_28 = arith.constant 0 : i32
    %dma_wait3A_29 = arith.constant 0 : i32
    %dma_wait3A_30 = tpu.memref_slice %arg4[%dma_wait3A_28, %dma_wait3A_29] : memref<9984x2048xf32, #tpu.memory_space<hbm>> -> memref<9984x2048xf32, #tpu.memory_space<hbm>>
    tpu.wait_indirect_dma semaphore(%arg11 : memref<!tpu.dma_semaphore, #tpu.memory_space<semaphore_mem>>) src(%dma_wait3A_30 : memref<9984x2048xf32, #tpu.memory_space<hbm>>) dst(%arg9 : memref<16x2048xf32, #tpu.memory_space<vmem>>)
    %add3A_31 = arith.constant 4096 : i32
    %add3A_32 = arith.addi %add3A_31, %mul3A_2 : i32
    %add3A_33 = arith.constant 0 : i32
    %add3A_34 = arith.addi %add3A_32, %add3A_33 : i32
    "tpu.region"() ({
      %run_scoped3A = tpu.sem_alloc : memref<!tpu.dma_semaphore, #tpu.memory_space<semaphore_mem>>
      %dma_start3A_273 = arith.constant 0 : i32
      %dma_start3A_274 = tpu.memref_slice %arg5[%add3A_34, %dma_start3A_273] : memref<8192x2048xf32, #tpu.memory_space<hbm>> -> memref<16x2048xf32, #tpu.memory_space<hbm>>
      %dma_start3A_275 = arith.constant 0 : i32
      %dma_start3A_276 = tpu.memref_slice %arg5[%add3A_34, %dma_start3A_275] : memref<8192x2048xf32, #tpu.memory_space<hbm>> -> memref<16x2048xf32, #tpu.memory_space<hbm>>
      tpu.enqueue_dma source(%arg9 : memref<16x2048xf32, #tpu.memory_space<vmem>>) target(%dma_start3A_276 : memref<16x2048xf32, #tpu.memory_space<hbm>>) target_semaphore(%run_scoped3A : memref<!tpu.dma_semaphore, #tpu.memory_space<semaphore_mem>>)
      %dma_wait3A_277 = arith.constant 0 : i32
      %dma_wait3A_278 = tpu.memref_slice %arg5[%add3A_34, %dma_wait3A_277] : memref<8192x2048xf32, #tpu.memory_space<hbm>> -> memref<16x2048xf32, #tpu.memory_space<hbm>>
      %dma_wait3A_279 = arith.constant 0 : i32
      %dma_wait3A_280 = tpu.memref_slice %arg5[%add3A_34, %dma_wait3A_279] : memref<8192x2048xf32, #tpu.memory_space<hbm>> -> memref<16x2048xf32, #tpu.memory_space<hbm>>
      tpu.wait_dma2 semaphore(%run_scoped3A : memref<!tpu.dma_semaphore, #tpu.memory_space<semaphore_mem>>) src(%arg9 : memref<16x2048xf32, #tpu.memory_space<vmem>>) dst(%dma_wait3A_280 : memref<16x2048xf32, #tpu.memory_space<hbm>>)
      tpu.yield
    }) : () -> ()
    %dma_start3A_35 = arith.constant 1 : i32
    %dma_start3A_36 = arith.constant 0 : i32
    %dma_start3A_37 = tpu.memref_slice %arg6[%dma_start3A_35, %dma_start3A_36] : memref<8x16xi32, #tpu.memory_space<vmem>> -> memref<1x16xi32, #tpu.memory_space<vmem>>
    %dma_start3A_38 = tpu.memref_squeeze %dma_start3A_37 : memref<1x16xi32, #tpu.memory_space<vmem>> -> memref<16xi32, #tpu.memory_space<vmem>>
    %dma_start3A_39 = arith.constant 0 : i32
    %dma_start3A_40 = arith.constant 0 : i32
    %dma_start3A_41 = tpu.memref_slice %arg4[%dma_start3A_39, %dma_start3A_40] : memref<9984x2048xf32, #tpu.memory_space<hbm>> -> memref<9984x2048xf32, #tpu.memory_space<hbm>>
    tpu.enqueue_indirect_dma source(%dma_start3A_41 : memref<9984x2048xf32, #tpu.memory_space<hbm>>) target(%arg8 : memref<16x2048xf32, #tpu.memory_space<vmem>>) offsets(%dma_start3A_38 : memref<16xi32, #tpu.memory_space<vmem>>) semaphore(%arg10 : memref<!tpu.dma_semaphore, #tpu.memory_space<semaphore_mem>>)
    %dma_start3A_42 = arith.constant 1 : i32
    %dma_start3A_43 = arith.constant 0 : i32
    %dma_start3A_44 = tpu.memref_slice %arg7[%dma_start3A_42, %dma_start3A_43] : memref<8x16xi32, #tpu.memory_space<vmem>> -> memref<1x16xi32, #tpu.memory_space<vmem>>
    %dma_start3A_45 = tpu.memref_squeeze %dma_start3A_44 : memref<1x16xi32, #tpu.memory_space<vmem>> -> memref<16xi32, #tpu.memory_space<vmem>>
    %dma_start3A_46 = arith.constant 0 : i32
    %dma_start3A_47 = arith.constant 0 : i32
    %dma_start3A_48 = tpu.memref_slice %arg4[%dma_start3A_46, %dma_start3A_47] : memref<9984x2048xf32, #tpu.memory_space<hbm>> -> memref<9984x2048xf32, #tpu.memory_space<hbm>>
    tpu.enqueue_indirect_dma source(%dma_start3A_48 : memref<9984x2048xf32, #tpu.memory_space<hbm>>) target(%arg9 : memref<16x2048xf32, #tpu.memory_space<vmem>>) offsets(%dma_start3A_45 : memref<16xi32, #tpu.memory_space<vmem>>) semaphore(%arg11 : memref<!tpu.dma_semaphore, #tpu.memory_space<semaphore_mem>>)
    %dma_wait3A_49 = arith.constant 1 : i32
    %dma_wait3A_50 = arith.constant 0 : i32
    %dma_wait3A_51 = tpu.memref_slice %arg6[%dma_wait3A_49, %dma_wait3A_50] : memref<8x16xi32, #tpu.memory_space<vmem>> -> memref<1x16xi32, #tpu.memory_space<vmem>>
    %dma_wait3A_52 = tpu.memref_squeeze %dma_wait3A_51 : memref<1x16xi32, #tpu.memory_space<vmem>> -> memref<16xi32, #tpu.memory_space<vmem>>
    %dma_wait3A_53 = arith.constant 0 : i32
    %dma_wait3A_54 = arith.constant 0 : i32
    %dma_wait3A_55 = tpu.memref_slice %arg4[%dma_wait3A_53, %dma_wait3A_54] : memref<9984x2048xf32, #tpu.memory_space<hbm>> -> memref<9984x2048xf32, #tpu.memory_space<hbm>>
    tpu.wait_indirect_dma semaphore(%arg10 : memref<!tpu.dma_semaphore, #tpu.memory_space<semaphore_mem>>) src(%dma_wait3A_55 : memref<9984x2048xf32, #tpu.memory_space<hbm>>) dst(%arg8 : memref<16x2048xf32, #tpu.memory_space<vmem>>)
    %add3A_56 = arith.constant 16 : i32
    %add3A_57 = arith.addi %mul3A_2, %add3A_56 : i32
    "tpu.region"() ({
      %run_scoped3A = tpu.sem_alloc : memref<!tpu.dma_semaphore, #tpu.memory_space<semaphore_mem>>
      %dma_start3A_273 = arith.constant 0 : i32
      %dma_start3A_274 = tpu.memref_slice %arg5[%add3A_57, %dma_start3A_273] : memref<8192x2048xf32, #tpu.memory_space<hbm>> -> memref<16x2048xf32, #tpu.memory_space<hbm>>
      %dma_start3A_275 = arith.constant 0 : i32
      %dma_start3A_276 = tpu.memref_slice %arg5[%add3A_57, %dma_start3A_275] : memref<8192x2048xf32, #tpu.memory_space<hbm>> -> memref<16x2048xf32, #tpu.memory_space<hbm>>
      tpu.enqueue_dma source(%arg8 : memref<16x2048xf32, #tpu.memory_space<vmem>>) target(%dma_start3A_276 : memref<16x2048xf32, #tpu.memory_space<hbm>>) target_semaphore(%run_scoped3A : memref<!tpu.dma_semaphore, #tpu.memory_space<semaphore_mem>>)
      %dma_wait3A_277 = arith.constant 0 : i32
      %dma_wait3A_278 = tpu.memref_slice %arg5[%add3A_57, %dma_wait3A_277] : memref<8192x2048xf32, #tpu.memory_space<hbm>> -> memref<16x2048xf32, #tpu.memory_space<hbm>>
      %dma_wait3A_279 = arith.constant 0 : i32
      %dma_wait3A_280 = tpu.memref_slice %arg5[%add3A_57, %dma_wait3A_279] : memref<8192x2048xf32, #tpu.memory_space<hbm>> -> memref<16x2048xf32, #tpu.memory_space<hbm>>
      tpu.wait_dma2 semaphore(%run_scoped3A : memref<!tpu.dma_semaphore, #tpu.memory_space<semaphore_mem>>) src(%arg8 : memref<16x2048xf32, #tpu.memory_space<vmem>>) dst(%dma_wait3A_280 : memref<16x2048xf32, #tpu.memory_space<hbm>>)
      tpu.yield
    }) : () -> ()
    %dma_wait3A_58 = arith.constant 1 : i32
    %dma_wait3A_59 = arith.constant 0 : i32
    %dma_wait3A_60 = tpu.memref_slice %arg7[%dma_wait3A_58, %dma_wait3A_59] : memref<8x16xi32, #tpu.memory_space<vmem>> -> memref<1x16xi32, #tpu.memory_space<vmem>>
    %dma_wait3A_61 = tpu.memref_squeeze %dma_wait3A_60 : memref<1x16xi32, #tpu.memory_space<vmem>> -> memref<16xi32, #tpu.memory_space<vmem>>
    %dma_wait3A_62 = arith.constant 0 : i32
    %dma_wait3A_63 = arith.constant 0 : i32
    %dma_wait3A_64 = tpu.memref_slice %arg4[%dma_wait3A_62, %dma_wait3A_63] : memref<9984x2048xf32, #tpu.memory_space<hbm>> -> memref<9984x2048xf32, #tpu.memory_space<hbm>>
    tpu.wait_indirect_dma semaphore(%arg11 : memref<!tpu.dma_semaphore, #tpu.memory_space<semaphore_mem>>) src(%dma_wait3A_64 : memref<9984x2048xf32, #tpu.memory_space<hbm>>) dst(%arg9 : memref<16x2048xf32, #tpu.memory_space<vmem>>)
    %add3A_65 = arith.constant 4096 : i32
    %add3A_66 = arith.addi %add3A_65, %mul3A_2 : i32
    %add3A_67 = arith.constant 16 : i32
    %add3A_68 = arith.addi %add3A_66, %add3A_67 : i32
    "tpu.region"() ({
      %run_scoped3A = tpu.sem_alloc : memref<!tpu.dma_semaphore, #tpu.memory_space<semaphore_mem>>
      %dma_start3A_273 = arith.constant 0 : i32
      %dma_start3A_274 = tpu.memref_slice %arg5[%add3A_68, %dma_start3A_273] : memref<8192x2048xf32, #tpu.memory_space<hbm>> -> memref<16x2048xf32, #tpu.memory_space<hbm>>
      %dma_start3A_275 = arith.constant 0 : i32
      %dma_start3A_276 = tpu.memref_slice %arg5[%add3A_68, %dma_start3A_275] : memref<8192x2048xf32, #tpu.memory_space<hbm>> -> memref<16x2048xf32, #tpu.memory_space<hbm>>
      tpu.enqueue_dma source(%arg9 : memref<16x2048xf32, #tpu.memory_space<vmem>>) target(%dma_start3A_276 : memref<16x2048xf32, #tpu.memory_space<hbm>>) target_semaphore(%run_scoped3A : memref<!tpu.dma_semaphore, #tpu.memory_space<semaphore_mem>>)
      %dma_wait3A_277 = arith.constant 0 : i32
      %dma_wait3A_278 = tpu.memref_slice %arg5[%add3A_68, %dma_wait3A_277] : memref<8192x2048xf32, #tpu.memory_space<hbm>> -> memref<16x2048xf32, #tpu.memory_space<hbm>>
      %dma_wait3A_279 = arith.constant 0 : i32
      %dma_wait3A_280 = tpu.memref_slice %arg5[%add3A_68, %dma_wait3A_279] : memref<8192x2048xf32, #tpu.memory_space<hbm>> -> memref<16x2048xf32, #tpu.memory_space<hbm>>
      tpu.wait_dma2 semaphore(%run_scoped3A : memref<!tpu.dma_semaphore, #tpu.memory_space<semaphore_mem>>) src(%arg9 : memref<16x2048xf32, #tpu.memory_space<vmem>>) dst(%dma_wait3A_280 : memref<16x2048xf32, #tpu.memory_space<hbm>>)
      tpu.yield
    }) : () -> ()
    %dma_start3A_69 = arith.constant 2 : i32
    %dma_start3A_70 = arith.constant 0 : i32
    %dma_start3A_71 = tpu.memref_slice %arg6[%dma_start3A_69, %dma_start3A_70] : memref<8x16xi32, #tpu.memory_space<vmem>> -> memref<1x16xi32, #tpu.memory_space<vmem>>
    %dma_start3A_72 = tpu.memref_squeeze %dma_start3A_71 : memref<1x16xi32, #tpu.memory_space<vmem>> -> memref<16xi32, #tpu.memory_space<vmem>>
    %dma_start3A_73 = arith.constant 0 : i32
    %dma_start3A_74 = arith.constant 0 : i32
    %dma_start3A_75 = tpu.memref_slice %arg4[%dma_start3A_73, %dma_start3A_74] : memref<9984x2048xf32, #tpu.memory_space<hbm>> -> memref<9984x2048xf32, #tpu.memory_space<hbm>>
    tpu.enqueue_indirect_dma source(%dma_start3A_75 : memref<9984x2048xf32, #tpu.memory_space<hbm>>) target(%arg8 : memref<16x2048xf32, #tpu.memory_space<vmem>>) offsets(%dma_start3A_72 : memref<16xi32, #tpu.memory_space<vmem>>) semaphore(%arg10 : memref<!tpu.dma_semaphore, #tpu.memory_space<semaphore_mem>>)
    %dma_start3A_76 = arith.constant 2 : i32
    %dma_start3A_77 = arith.constant 0 : i32
    %dma_start3A_78 = tpu.memref_slice %arg7[%dma_start3A_76, %dma_start3A_77] : memref<8x16xi32, #tpu.memory_space<vmem>> -> memref<1x16xi32, #tpu.memory_space<vmem>>
    %dma_start3A_79 = tpu.memref_squeeze %dma_start3A_78 : memref<1x16xi32, #tpu.memory_space<vmem>> -> memref<16xi32, #tpu.memory_space<vmem>>
    %dma_start3A_80 = arith.constant 0 : i32
    %dma_start3A_81 = arith.constant 0 : i32
    %dma_start3A_82 = tpu.memref_slice %arg4[%dma_start3A_80, %dma_start3A_81] : memref<9984x2048xf32, #tpu.memory_space<hbm>> -> memref<9984x2048xf32, #tpu.memory_space<hbm>>
    tpu.enqueue_indirect_dma source(%dma_start3A_82 : memref<9984x2048xf32, #tpu.memory_space<hbm>>) target(%arg9 : memref<16x2048xf32, #tpu.memory_space<vmem>>) offsets(%dma_start3A_79 : memref<16xi32, #tpu.memory_space<vmem>>) semaphore(%arg11 : memref<!tpu.dma_semaphore, #tpu.memory_space<semaphore_mem>>)
    %dma_wait3A_83 = arith.constant 2 : i32
    %dma_wait3A_84 = arith.constant 0 : i32
    %dma_wait3A_85 = tpu.memref_slice %arg6[%dma_wait3A_83, %dma_wait3A_84] : memref<8x16xi32, #tpu.memory_space<vmem>> -> memref<1x16xi32, #tpu.memory_space<vmem>>
    %dma_wait3A_86 = tpu.memref_squeeze %dma_wait3A_85 : memref<1x16xi32, #tpu.memory_space<vmem>> -> memref<16xi32, #tpu.memory_space<vmem>>
    %dma_wait3A_87 = arith.constant 0 : i32
    %dma_wait3A_88 = arith.constant 0 : i32
    %dma_wait3A_89 = tpu.memref_slice %arg4[%dma_wait3A_87, %dma_wait3A_88] : memref<9984x2048xf32, #tpu.memory_space<hbm>> -> memref<9984x2048xf32, #tpu.memory_space<hbm>>
    tpu.wait_indirect_dma semaphore(%arg10 : memref<!tpu.dma_semaphore, #tpu.memory_space<semaphore_mem>>) src(%dma_wait3A_89 : memref<9984x2048xf32, #tpu.memory_space<hbm>>) dst(%arg8 : memref<16x2048xf32, #tpu.memory_space<vmem>>)
    %add3A_90 = arith.constant 32 : i32
    %add3A_91 = arith.addi %mul3A_2, %add3A_90 : i32
    "tpu.region"() ({
      %run_scoped3A = tpu.sem_alloc : memref<!tpu.dma_semaphore, #tpu.memory_space<semaphore_mem>>
      %dma_start3A_273 = arith.constant 0 : i32
      %dma_start3A_274 = tpu.memref_slice %arg5[%add3A_91, %dma_start3A_273] : memref<8192x2048xf32, #tpu.memory_space<hbm>> -> memref<16x2048xf32, #tpu.memory_space<hbm>>
      %dma_start3A_275 = arith.constant 0 : i32
      %dma_start3A_276 = tpu.memref_slice %arg5[%add3A_91, %dma_start3A_275] : memref<8192x2048xf32, #tpu.memory_space<hbm>> -> memref<16x2048xf32, #tpu.memory_space<hbm>>
      tpu.enqueue_dma source(%arg8 : memref<16x2048xf32, #tpu.memory_space<vmem>>) target(%dma_start3A_276 : memref<16x2048xf32, #tpu.memory_space<hbm>>) target_semaphore(%run_scoped3A : memref<!tpu.dma_semaphore, #tpu.memory_space<semaphore_mem>>)
      %dma_wait3A_277 = arith.constant 0 : i32
      %dma_wait3A_278 = tpu.memref_slice %arg5[%add3A_91, %dma_wait3A_277] : memref<8192x2048xf32, #tpu.memory_space<hbm>> -> memref<16x2048xf32, #tpu.memory_space<hbm>>
      %dma_wait3A_279 = arith.constant 0 : i32
      %dma_wait3A_280 = tpu.memref_slice %arg5[%add3A_91, %dma_wait3A_279] : memref<8192x2048xf32, #tpu.memory_space<hbm>> -> memref<16x2048xf32, #tpu.memory_space<hbm>>
      tpu.wait_dma2 semaphore(%run_scoped3A : memref<!tpu.dma_semaphore, #tpu.memory_space<semaphore_mem>>) src(%arg8 : memref<16x2048xf32, #tpu.memory_space<vmem>>) dst(%dma_wait3A_280 : memref<16x2048xf32, #tpu.memory_space<hbm>>)
      tpu.yield
    }) : () -> ()
    %dma_wait3A_92 = arith.constant 2 : i32
    %dma_wait3A_93 = arith.constant 0 : i32
    %dma_wait3A_94 = tpu.memref_slice %arg7[%dma_wait3A_92, %dma_wait3A_93] : memref<8x16xi32, #tpu.memory_space<vmem>> -> memref<1x16xi32, #tpu.memory_space<vmem>>
    %dma_wait3A_95 = tpu.memref_squeeze %dma_wait3A_94 : memref<1x16xi32, #tpu.memory_space<vmem>> -> memref<16xi32, #tpu.memory_space<vmem>>
    %dma_wait3A_96 = arith.constant 0 : i32
    %dma_wait3A_97 = arith.constant 0 : i32
    %dma_wait3A_98 = tpu.memref_slice %arg4[%dma_wait3A_96, %dma_wait3A_97] : memref<9984x2048xf32, #tpu.memory_space<hbm>> -> memref<9984x2048xf32, #tpu.memory_space<hbm>>
    tpu.wait_indirect_dma semaphore(%arg11 : memref<!tpu.dma_semaphore, #tpu.memory_space<semaphore_mem>>) src(%dma_wait3A_98 : memref<9984x2048xf32, #tpu.memory_space<hbm>>) dst(%arg9 : memref<16x2048xf32, #tpu.memory_space<vmem>>)
    %add3A_99 = arith.constant 4096 : i32
    %add3A_100 = arith.addi %add3A_99, %mul3A_2 : i32
    %add3A_101 = arith.constant 32 : i32
    %add3A_102 = arith.addi %add3A_100, %add3A_101 : i32
    "tpu.region"() ({
      %run_scoped3A = tpu.sem_alloc : memref<!tpu.dma_semaphore, #tpu.memory_space<semaphore_mem>>
      %dma_start3A_273 = arith.constant 0 : i32
      %dma_start3A_274 = tpu.memref_slice %arg5[%add3A_102, %dma_start3A_273] : memref<8192x2048xf32, #tpu.memory_space<hbm>> -> memref<16x2048xf32, #tpu.memory_space<hbm>>
      %dma_start3A_275 = arith.constant 0 : i32
      %dma_start3A_276 = tpu.memref_slice %arg5[%add3A_102, %dma_start3A_275] : memref<8192x2048xf32, #tpu.memory_space<hbm>> -> memref<16x2048xf32, #tpu.memory_space<hbm>>
      tpu.enqueue_dma source(%arg9 : memref<16x2048xf32, #tpu.memory_space<vmem>>) target(%dma_start3A_276 : memref<16x2048xf32, #tpu.memory_space<hbm>>) target_semaphore(%run_scoped3A : memref<!tpu.dma_semaphore, #tpu.memory_space<semaphore_mem>>)
      %dma_wait3A_277 = arith.constant 0 : i32
      %dma_wait3A_278 = tpu.memref_slice %arg5[%add3A_102, %dma_wait3A_277] : memref<8192x2048xf32, #tpu.memory_space<hbm>> -> memref<16x2048xf32, #tpu.memory_space<hbm>>
      %dma_wait3A_279 = arith.constant 0 : i32
      %dma_wait3A_280 = tpu.memref_slice %arg5[%add3A_102, %dma_wait3A_279] : memref<8192x2048xf32, #tpu.memory_space<hbm>> -> memref<16x2048xf32, #tpu.memory_space<hbm>>
      tpu.wait_dma2 semaphore(%run_scoped3A : memref<!tpu.dma_semaphore, #tpu.memory_space<semaphore_mem>>) src(%arg9 : memref<16x2048xf32, #tpu.memory_space<vmem>>) dst(%dma_wait3A_280 : memref<16x2048xf32, #tpu.memory_space<hbm>>)
      tpu.yield
    }) : () -> ()
    %dma_start3A_103 = arith.constant 3 : i32
    %dma_start3A_104 = arith.constant 0 : i32
    %dma_start3A_105 = tpu.memref_slice %arg6[%dma_start3A_103, %dma_start3A_104] : memref<8x16xi32, #tpu.memory_space<vmem>> -> memref<1x16xi32, #tpu.memory_space<vmem>>
    %dma_start3A_106 = tpu.memref_squeeze %dma_start3A_105 : memref<1x16xi32, #tpu.memory_space<vmem>> -> memref<16xi32, #tpu.memory_space<vmem>>
    %dma_start3A_107 = arith.constant 0 : i32
    %dma_start3A_108 = arith.constant 0 : i32
    %dma_start3A_109 = tpu.memref_slice %arg4[%dma_start3A_107, %dma_start3A_108] : memref<9984x2048xf32, #tpu.memory_space<hbm>> -> memref<9984x2048xf32, #tpu.memory_space<hbm>>
    tpu.enqueue_indirect_dma source(%dma_start3A_109 : memref<9984x2048xf32, #tpu.memory_space<hbm>>) target(%arg8 : memref<16x2048xf32, #tpu.memory_space<vmem>>) offsets(%dma_start3A_106 : memref<16xi32, #tpu.memory_space<vmem>>) semaphore(%arg10 : memref<!tpu.dma_semaphore, #tpu.memory_space<semaphore_mem>>)
    %dma_start3A_110 = arith.constant 3 : i32
    %dma_start3A_111 = arith.constant 0 : i32
    %dma_start3A_112 = tpu.memref_slice %arg7[%dma_start3A_110, %dma_start3A_111] : memref<8x16xi32, #tpu.memory_space<vmem>> -> memref<1x16xi32, #tpu.memory_space<vmem>>
    %dma_start3A_113 = tpu.memref_squeeze %dma_start3A_112 : memref<1x16xi32, #tpu.memory_space<vmem>> -> memref<16xi32, #tpu.memory_space<vmem>>
    %dma_start3A_114 = arith.constant 0 : i32
    %dma_start3A_115 = arith.constant 0 : i32
    %dma_start3A_116 = tpu.memref_slice %arg4[%dma_start3A_114, %dma_start3A_115] : memref<9984x2048xf32, #tpu.memory_space<hbm>> -> memref<9984x2048xf32, #tpu.memory_space<hbm>>
    tpu.enqueue_indirect_dma source(%dma_start3A_116 : memref<9984x2048xf32, #tpu.memory_space<hbm>>) target(%arg9 : memref<16x2048xf32, #tpu.memory_space<vmem>>) offsets(%dma_start3A_113 : memref<16xi32, #tpu.memory_space<vmem>>) semaphore(%arg11 : memref<!tpu.dma_semaphore, #tpu.memory_space<semaphore_mem>>)
    %dma_wait3A_117 = arith.constant 3 : i32
    %dma_wait3A_118 = arith.constant 0 : i32
    %dma_wait3A_119 = tpu.memref_slice %arg6[%dma_wait3A_117, %dma_wait3A_118] : memref<8x16xi32, #tpu.memory_space<vmem>> -> memref<1x16xi32, #tpu.memory_space<vmem>>
    %dma_wait3A_120 = tpu.memref_squeeze %dma_wait3A_119 : memref<1x16xi32, #tpu.memory_space<vmem>> -> memref<16xi32, #tpu.memory_space<vmem>>
    %dma_wait3A_121 = arith.constant 0 : i32
    %dma_wait3A_122 = arith.constant 0 : i32
    %dma_wait3A_123 = tpu.memref_slice %arg4[%dma_wait3A_121, %dma_wait3A_122] : memref<9984x2048xf32, #tpu.memory_space<hbm>> -> memref<9984x2048xf32, #tpu.memory_space<hbm>>
    tpu.wait_indirect_dma semaphore(%arg10 : memref<!tpu.dma_semaphore, #tpu.memory_space<semaphore_mem>>) src(%dma_wait3A_123 : memref<9984x2048xf32, #tpu.memory_space<hbm>>) dst(%arg8 : memref<16x2048xf32, #tpu.memory_space<vmem>>)
    %add3A_124 = arith.constant 48 : i32
    %add3A_125 = arith.addi %mul3A_2, %add3A_124 : i32
    "tpu.region"() ({
      %run_scoped3A = tpu.sem_alloc : memref<!tpu.dma_semaphore, #tpu.memory_space<semaphore_mem>>
      %dma_start3A_273 = arith.constant 0 : i32
      %dma_start3A_274 = tpu.memref_slice %arg5[%add3A_125, %dma_start3A_273] : memref<8192x2048xf32, #tpu.memory_space<hbm>> -> memref<16x2048xf32, #tpu.memory_space<hbm>>
      %dma_start3A_275 = arith.constant 0 : i32
      %dma_start3A_276 = tpu.memref_slice %arg5[%add3A_125, %dma_start3A_275] : memref<8192x2048xf32, #tpu.memory_space<hbm>> -> memref<16x2048xf32, #tpu.memory_space<hbm>>
      tpu.enqueue_dma source(%arg8 : memref<16x2048xf32, #tpu.memory_space<vmem>>) target(%dma_start3A_276 : memref<16x2048xf32, #tpu.memory_space<hbm>>) target_semaphore(%run_scoped3A : memref<!tpu.dma_semaphore, #tpu.memory_space<semaphore_mem>>)
      %dma_wait3A_277 = arith.constant 0 : i32
      %dma_wait3A_278 = tpu.memref_slice %arg5[%add3A_125, %dma_wait3A_277] : memref<8192x2048xf32, #tpu.memory_space<hbm>> -> memref<16x2048xf32, #tpu.memory_space<hbm>>
      %dma_wait3A_279 = arith.constant 0 : i32
      %dma_wait3A_280 = tpu.memref_slice %arg5[%add3A_125, %dma_wait3A_279] : memref<8192x2048xf32, #tpu.memory_space<hbm>> -> memref<16x2048xf32, #tpu.memory_space<hbm>>
      tpu.wait_dma2 semaphore(%run_scoped3A : memref<!tpu.dma_semaphore, #tpu.memory_space<semaphore_mem>>) src(%arg8 : memref<16x2048xf32, #tpu.memory_space<vmem>>) dst(%dma_wait3A_280 : memref<16x2048xf32, #tpu.memory_space<hbm>>)
      tpu.yield
    }) : () -> ()
    %dma_wait3A_126 = arith.constant 3 : i32
    %dma_wait3A_127 = arith.constant 0 : i32
    %dma_wait3A_128 = tpu.memref_slice %arg7[%dma_wait3A_126, %dma_wait3A_127] : memref<8x16xi32, #tpu.memory_space<vmem>> -> memref<1x16xi32, #tpu.memory_space<vmem>>
    %dma_wait3A_129 = tpu.memref_squeeze %dma_wait3A_128 : memref<1x16xi32, #tpu.memory_space<vmem>> -> memref<16xi32, #tpu.memory_space<vmem>>
    %dma_wait3A_130 = arith.constant 0 : i32
    %dma_wait3A_131 = arith.constant 0 : i32
    %dma_wait3A_132 = tpu.memref_slice %arg4[%dma_wait3A_130, %dma_wait3A_131] : memref<9984x2048xf32, #tpu.memory_space<hbm>> -> memref<9984x2048xf32, #tpu.memory_space<hbm>>
    tpu.wait_indirect_dma semaphore(%arg11 : memref<!tpu.dma_semaphore, #tpu.memory_space<semaphore_mem>>) src(%dma_wait3A_132 : memref<9984x2048xf32, #tpu.memory_space<hbm>>) dst(%arg9 : memref<16x2048xf32, #tpu.memory_space<vmem>>)
    %add3A_133 = arith.constant 4096 : i32
    %add3A_134 = arith.addi %add3A_133, %mul3A_2 : i32
    %add3A_135 = arith.constant 48 : i32
    %add3A_136 = arith.addi %add3A_134, %add3A_135 : i32
    "tpu.region"() ({
      %run_scoped3A = tpu.sem_alloc : memref<!tpu.dma_semaphore, #tpu.memory_space<semaphore_mem>>
      %dma_start3A_273 = arith.constant 0 : i32
      %dma_start3A_274 = tpu.memref_slice %arg5[%add3A_136, %dma_start3A_273] : memref<8192x2048xf32, #tpu.memory_space<hbm>> -> memref<16x2048xf32, #tpu.memory_space<hbm>>
      %dma_start3A_275 = arith.constant 0 : i32
      %dma_start3A_276 = tpu.memref_slice %arg5[%add3A_136, %dma_start3A_275] : memref<8192x2048xf32, #tpu.memory_space<hbm>> -> memref<16x2048xf32, #tpu.memory_space<hbm>>
      tpu.enqueue_dma source(%arg9 : memref<16x2048xf32, #tpu.memory_space<vmem>>) target(%dma_start3A_276 : memref<16x2048xf32, #tpu.memory_space<hbm>>) target_semaphore(%run_scoped3A : memref<!tpu.dma_semaphore, #tpu.memory_space<semaphore_mem>>)
      %dma_wait3A_277 = arith.constant 0 : i32
      %dma_wait3A_278 = tpu.memref_slice %arg5[%add3A_136, %dma_wait3A_277] : memref<8192x2048xf32, #tpu.memory_space<hbm>> -> memref<16x2048xf32, #tpu.memory_space<hbm>>
      %dma_wait3A_279 = arith.constant 0 : i32
      %dma_wait3A_280 = tpu.memref_slice %arg5[%add3A_136, %dma_wait3A_279] : memref<8192x2048xf32, #tpu.memory_space<hbm>> -> memref<16x2048xf32, #tpu.memory_space<hbm>>
      tpu.wait_dma2 semaphore(%run_scoped3A : memref<!tpu.dma_semaphore, #tpu.memory_space<semaphore_mem>>) src(%arg9 : memref<16x2048xf32, #tpu.memory_space<vmem>>) dst(%dma_wait3A_280 : memref<16x2048xf32, #tpu.memory_space<hbm>>)
      tpu.yield
    }) : () -> ()
    %dma_start3A_137 = arith.constant 4 : i32
    %dma_start3A_138 = arith.constant 0 : i32
    %dma_start3A_139 = tpu.memref_slice %arg6[%dma_start3A_137, %dma_start3A_138] : memref<8x16xi32, #tpu.memory_space<vmem>> -> memref<1x16xi32, #tpu.memory_space<vmem>>
    %dma_start3A_140 = tpu.memref_squeeze %dma_start3A_139 : memref<1x16xi32, #tpu.memory_space<vmem>> -> memref<16xi32, #tpu.memory_space<vmem>>
    %dma_start3A_141 = arith.constant 0 : i32
    %dma_start3A_142 = arith.constant 0 : i32
    %dma_start3A_143 = tpu.memref_slice %arg4[%dma_start3A_141, %dma_start3A_142] : memref<9984x2048xf32, #tpu.memory_space<hbm>> -> memref<9984x2048xf32, #tpu.memory_space<hbm>>
    tpu.enqueue_indirect_dma source(%dma_start3A_143 : memref<9984x2048xf32, #tpu.memory_space<hbm>>) target(%arg8 : memref<16x2048xf32, #tpu.memory_space<vmem>>) offsets(%dma_start3A_140 : memref<16xi32, #tpu.memory_space<vmem>>) semaphore(%arg10 : memref<!tpu.dma_semaphore, #tpu.memory_space<semaphore_mem>>)
    %dma_start3A_144 = arith.constant 4 : i32
    %dma_start3A_145 = arith.constant 0 : i32
    %dma_start3A_146 = tpu.memref_slice %arg7[%dma_start3A_144, %dma_start3A_145] : memref<8x16xi32, #tpu.memory_space<vmem>> -> memref<1x16xi32, #tpu.memory_space<vmem>>
    %dma_start3A_147 = tpu.memref_squeeze %dma_start3A_146 : memref<1x16xi32, #tpu.memory_space<vmem>> -> memref<16xi32, #tpu.memory_space<vmem>>
    %dma_start3A_148 = arith.constant 0 : i32
    %dma_start3A_149 = arith.constant 0 : i32
    %dma_start3A_150 = tpu.memref_slice %arg4[%dma_start3A_148, %dma_start3A_149] : memref<9984x2048xf32, #tpu.memory_space<hbm>> -> memref<9984x2048xf32, #tpu.memory_space<hbm>>
    tpu.enqueue_indirect_dma source(%dma_start3A_150 : memref<9984x2048xf32, #tpu.memory_space<hbm>>) target(%arg9 : memref<16x2048xf32, #tpu.memory_space<vmem>>) offsets(%dma_start3A_147 : memref<16xi32, #tpu.memory_space<vmem>>) semaphore(%arg11 : memref<!tpu.dma_semaphore, #tpu.memory_space<semaphore_mem>>)
    %dma_wait3A_151 = arith.constant 4 : i32
    %dma_wait3A_152 = arith.constant 0 : i32
    %dma_wait3A_153 = tpu.memref_slice %arg6[%dma_wait3A_151, %dma_wait3A_152] : memref<8x16xi32, #tpu.memory_space<vmem>> -> memref<1x16xi32, #tpu.memory_space<vmem>>
    %dma_wait3A_154 = tpu.memref_squeeze %dma_wait3A_153 : memref<1x16xi32, #tpu.memory_space<vmem>> -> memref<16xi32, #tpu.memory_space<vmem>>
    %dma_wait3A_155 = arith.constant 0 : i32
    %dma_wait3A_156 = arith.constant 0 : i32
    %dma_wait3A_157 = tpu.memref_slice %arg4[%dma_wait3A_155, %dma_wait3A_156] : memref<9984x2048xf32, #tpu.memory_space<hbm>> -> memref<9984x2048xf32, #tpu.memory_space<hbm>>
    tpu.wait_indirect_dma semaphore(%arg10 : memref<!tpu.dma_semaphore, #tpu.memory_space<semaphore_mem>>) src(%dma_wait3A_157 : memref<9984x2048xf32, #tpu.memory_space<hbm>>) dst(%arg8 : memref<16x2048xf32, #tpu.memory_space<vmem>>)
    %add3A_158 = arith.constant 64 : i32
    %add3A_159 = arith.addi %mul3A_2, %add3A_158 : i32
    "tpu.region"() ({
      %run_scoped3A = tpu.sem_alloc : memref<!tpu.dma_semaphore, #tpu.memory_space<semaphore_mem>>
      %dma_start3A_273 = arith.constant 0 : i32
      %dma_start3A_274 = tpu.memref_slice %arg5[%add3A_159, %dma_start3A_273] : memref<8192x2048xf32, #tpu.memory_space<hbm>> -> memref<16x2048xf32, #tpu.memory_space<hbm>>
      %dma_start3A_275 = arith.constant 0 : i32
      %dma_start3A_276 = tpu.memref_slice %arg5[%add3A_159, %dma_start3A_275] : memref<8192x2048xf32, #tpu.memory_space<hbm>> -> memref<16x2048xf32, #tpu.memory_space<hbm>>
      tpu.enqueue_dma source(%arg8 : memref<16x2048xf32, #tpu.memory_space<vmem>>) target(%dma_start3A_276 : memref<16x2048xf32, #tpu.memory_space<hbm>>) target_semaphore(%run_scoped3A : memref<!tpu.dma_semaphore, #tpu.memory_space<semaphore_mem>>)
      %dma_wait3A_277 = arith.constant 0 : i32
      %dma_wait3A_278 = tpu.memref_slice %arg5[%add3A_159, %dma_wait3A_277] : memref<8192x2048xf32, #tpu.memory_space<hbm>> -> memref<16x2048xf32, #tpu.memory_space<hbm>>
      %dma_wait3A_279 = arith.constant 0 : i32
      %dma_wait3A_280 = tpu.memref_slice %arg5[%add3A_159, %dma_wait3A_279] : memref<8192x2048xf32, #tpu.memory_space<hbm>> -> memref<16x2048xf32, #tpu.memory_space<hbm>>
      tpu.wait_dma2 semaphore(%run_scoped3A : memref<!tpu.dma_semaphore, #tpu.memory_space<semaphore_mem>>) src(%arg8 : memref<16x2048xf32, #tpu.memory_space<vmem>>) dst(%dma_wait3A_280 : memref<16x2048xf32, #tpu.memory_space<hbm>>)
      tpu.yield
    }) : () -> ()
    %dma_wait3A_160 = arith.constant 4 : i32
    %dma_wait3A_161 = arith.constant 0 : i32
    %dma_wait3A_162 = tpu.memref_slice %arg7[%dma_wait3A_160, %dma_wait3A_161] : memref<8x16xi32, #tpu.memory_space<vmem>> -> memref<1x16xi32, #tpu.memory_space<vmem>>
    %dma_wait3A_163 = tpu.memref_squeeze %dma_wait3A_162 : memref<1x16xi32, #tpu.memory_space<vmem>> -> memref<16xi32, #tpu.memory_space<vmem>>
    %dma_wait3A_164 = arith.constant 0 : i32
    %dma_wait3A_165 = arith.constant 0 : i32
    %dma_wait3A_166 = tpu.memref_slice %arg4[%dma_wait3A_164, %dma_wait3A_165] : memref<9984x2048xf32, #tpu.memory_space<hbm>> -> memref<9984x2048xf32, #tpu.memory_space<hbm>>
    tpu.wait_indirect_dma semaphore(%arg11 : memref<!tpu.dma_semaphore, #tpu.memory_space<semaphore_mem>>) src(%dma_wait3A_166 : memref<9984x2048xf32, #tpu.memory_space<hbm>>) dst(%arg9 : memref<16x2048xf32, #tpu.memory_space<vmem>>)
    %add3A_167 = arith.constant 4096 : i32
    %add3A_168 = arith.addi %add3A_167, %mul3A_2 : i32
    %add3A_169 = arith.constant 64 : i32
    %add3A_170 = arith.addi %add3A_168, %add3A_169 : i32
    "tpu.region"() ({
      %run_scoped3A = tpu.sem_alloc : memref<!tpu.dma_semaphore, #tpu.memory_space<semaphore_mem>>
      %dma_start3A_273 = arith.constant 0 : i32
      %dma_start3A_274 = tpu.memref_slice %arg5[%add3A_170, %dma_start3A_273] : memref<8192x2048xf32, #tpu.memory_space<hbm>> -> memref<16x2048xf32, #tpu.memory_space<hbm>>
      %dma_start3A_275 = arith.constant 0 : i32
      %dma_start3A_276 = tpu.memref_slice %arg5[%add3A_170, %dma_start3A_275] : memref<8192x2048xf32, #tpu.memory_space<hbm>> -> memref<16x2048xf32, #tpu.memory_space<hbm>>
      tpu.enqueue_dma source(%arg9 : memref<16x2048xf32, #tpu.memory_space<vmem>>) target(%dma_start3A_276 : memref<16x2048xf32, #tpu.memory_space<hbm>>) target_semaphore(%run_scoped3A : memref<!tpu.dma_semaphore, #tpu.memory_space<semaphore_mem>>)
      %dma_wait3A_277 = arith.constant 0 : i32
      %dma_wait3A_278 = tpu.memref_slice %arg5[%add3A_170, %dma_wait3A_277] : memref<8192x2048xf32, #tpu.memory_space<hbm>> -> memref<16x2048xf32, #tpu.memory_space<hbm>>
      %dma_wait3A_279 = arith.constant 0 : i32
      %dma_wait3A_280 = tpu.memref_slice %arg5[%add3A_170, %dma_wait3A_279] : memref<8192x2048xf32, #tpu.memory_space<hbm>> -> memref<16x2048xf32, #tpu.memory_space<hbm>>
      tpu.wait_dma2 semaphore(%run_scoped3A : memref<!tpu.dma_semaphore, #tpu.memory_space<semaphore_mem>>) src(%arg9 : memref<16x2048xf32, #tpu.memory_space<vmem>>) dst(%dma_wait3A_280 : memref<16x2048xf32, #tpu.memory_space<hbm>>)
      tpu.yield
    }) : () -> ()
    %dma_start3A_171 = arith.constant 5 : i32
    %dma_start3A_172 = arith.constant 0 : i32
    %dma_start3A_173 = tpu.memref_slice %arg6[%dma_start3A_171, %dma_start3A_172] : memref<8x16xi32, #tpu.memory_space<vmem>> -> memref<1x16xi32, #tpu.memory_space<vmem>>
    %dma_start3A_174 = tpu.memref_squeeze %dma_start3A_173 : memref<1x16xi32, #tpu.memory_space<vmem>> -> memref<16xi32, #tpu.memory_space<vmem>>
    %dma_start3A_175 = arith.constant 0 : i32
    %dma_start3A_176 = arith.constant 0 : i32
    %dma_start3A_177 = tpu.memref_slice %arg4[%dma_start3A_175, %dma_start3A_176] : memref<9984x2048xf32, #tpu.memory_space<hbm>> -> memref<9984x2048xf32, #tpu.memory_space<hbm>>
    tpu.enqueue_indirect_dma source(%dma_start3A_177 : memref<9984x2048xf32, #tpu.memory_space<hbm>>) target(%arg8 : memref<16x2048xf32, #tpu.memory_space<vmem>>) offsets(%dma_start3A_174 : memref<16xi32, #tpu.memory_space<vmem>>) semaphore(%arg10 : memref<!tpu.dma_semaphore, #tpu.memory_space<semaphore_mem>>)
    %dma_start3A_178 = arith.constant 5 : i32
    %dma_start3A_179 = arith.constant 0 : i32
    %dma_start3A_180 = tpu.memref_slice %arg7[%dma_start3A_178, %dma_start3A_179] : memref<8x16xi32, #tpu.memory_space<vmem>> -> memref<1x16xi32, #tpu.memory_space<vmem>>
    %dma_start3A_181 = tpu.memref_squeeze %dma_start3A_180 : memref<1x16xi32, #tpu.memory_space<vmem>> -> memref<16xi32, #tpu.memory_space<vmem>>
    %dma_start3A_182 = arith.constant 0 : i32
    %dma_start3A_183 = arith.constant 0 : i32
    %dma_start3A_184 = tpu.memref_slice %arg4[%dma_start3A_182, %dma_start3A_183] : memref<9984x2048xf32, #tpu.memory_space<hbm>> -> memref<9984x2048xf32, #tpu.memory_space<hbm>>
    tpu.enqueue_indirect_dma source(%dma_start3A_184 : memref<9984x2048xf32, #tpu.memory_space<hbm>>) target(%arg9 : memref<16x2048xf32, #tpu.memory_space<vmem>>) offsets(%dma_start3A_181 : memref<16xi32, #tpu.memory_space<vmem>>) semaphore(%arg11 : memref<!tpu.dma_semaphore, #tpu.memory_space<semaphore_mem>>)
    %dma_wait3A_185 = arith.constant 5 : i32
    %dma_wait3A_186 = arith.constant 0 : i32
    %dma_wait3A_187 = tpu.memref_slice %arg6[%dma_wait3A_185, %dma_wait3A_186] : memref<8x16xi32, #tpu.memory_space<vmem>> -> memref<1x16xi32, #tpu.memory_space<vmem>>
    %dma_wait3A_188 = tpu.memref_squeeze %dma_wait3A_187 : memref<1x16xi32, #tpu.memory_space<vmem>> -> memref<16xi32, #tpu.memory_space<vmem>>
    %dma_wait3A_189 = arith.constant 0 : i32
    %dma_wait3A_190 = arith.constant 0 : i32
    %dma_wait3A_191 = tpu.memref_slice %arg4[%dma_wait3A_189, %dma_wait3A_190] : memref<9984x2048xf32, #tpu.memory_space<hbm>> -> memref<9984x2048xf32, #tpu.memory_space<hbm>>
    tpu.wait_indirect_dma semaphore(%arg10 : memref<!tpu.dma_semaphore, #tpu.memory_space<semaphore_mem>>) src(%dma_wait3A_191 : memref<9984x2048xf32, #tpu.memory_space<hbm>>) dst(%arg8 : memref<16x2048xf32, #tpu.memory_space<vmem>>)
    %add3A_192 = arith.constant 80 : i32
    %add3A_193 = arith.addi %mul3A_2, %add3A_192 : i32
    "tpu.region"() ({
      %run_scoped3A = tpu.sem_alloc : memref<!tpu.dma_semaphore, #tpu.memory_space<semaphore_mem>>
      %dma_start3A_273 = arith.constant 0 : i32
      %dma_start3A_274 = tpu.memref_slice %arg5[%add3A_193, %dma_start3A_273] : memref<8192x2048xf32, #tpu.memory_space<hbm>> -> memref<16x2048xf32, #tpu.memory_space<hbm>>
      %dma_start3A_275 = arith.constant 0 : i32
      %dma_start3A_276 = tpu.memref_slice %arg5[%add3A_193, %dma_start3A_275] : memref<8192x2048xf32, #tpu.memory_space<hbm>> -> memref<16x2048xf32, #tpu.memory_space<hbm>>
      tpu.enqueue_dma source(%arg8 : memref<16x2048xf32, #tpu.memory_space<vmem>>) target(%dma_start3A_276 : memref<16x2048xf32, #tpu.memory_space<hbm>>) target_semaphore(%run_scoped3A : memref<!tpu.dma_semaphore, #tpu.memory_space<semaphore_mem>>)
      %dma_wait3A_277 = arith.constant 0 : i32
      %dma_wait3A_278 = tpu.memref_slice %arg5[%add3A_193, %dma_wait3A_277] : memref<8192x2048xf32, #tpu.memory_space<hbm>> -> memref<16x2048xf32, #tpu.memory_space<hbm>>
      %dma_wait3A_279 = arith.constant 0 : i32
      %dma_wait3A_280 = tpu.memref_slice %arg5[%add3A_193, %dma_wait3A_279] : memref<8192x2048xf32, #tpu.memory_space<hbm>> -> memref<16x2048xf32, #tpu.memory_space<hbm>>
      tpu.wait_dma2 semaphore(%run_scoped3A : memref<!tpu.dma_semaphore, #tpu.memory_space<semaphore_mem>>) src(%arg8 : memref<16x2048xf32, #tpu.memory_space<vmem>>) dst(%dma_wait3A_280 : memref<16x2048xf32, #tpu.memory_space<hbm>>)
      tpu.yield
    }) : () -> ()
    %dma_wait3A_194 = arith.constant 5 : i32
    %dma_wait3A_195 = arith.constant 0 : i32
    %dma_wait3A_196 = tpu.memref_slice %arg7[%dma_wait3A_194, %dma_wait3A_195] : memref<8x16xi32, #tpu.memory_space<vmem>> -> memref<1x16xi32, #tpu.memory_space<vmem>>
    %dma_wait3A_197 = tpu.memref_squeeze %dma_wait3A_196 : memref<1x16xi32, #tpu.memory_space<vmem>> -> memref<16xi32, #tpu.memory_space<vmem>>
    %dma_wait3A_198 = arith.constant 0 : i32
    %dma_wait3A_199 = arith.constant 0 : i32
    %dma_wait3A_200 = tpu.memref_slice %arg4[%dma_wait3A_198, %dma_wait3A_199] : memref<9984x2048xf32, #tpu.memory_space<hbm>> -> memref<9984x2048xf32, #tpu.memory_space<hbm>>
    tpu.wait_indirect_dma semaphore(%arg11 : memref<!tpu.dma_semaphore, #tpu.memory_space<semaphore_mem>>) src(%dma_wait3A_200 : memref<9984x2048xf32, #tpu.memory_space<hbm>>) dst(%arg9 : memref<16x2048xf32, #tpu.memory_space<vmem>>)
    %add3A_201 = arith.constant 4096 : i32
    %add3A_202 = arith.addi %add3A_201, %mul3A_2 : i32
    %add3A_203 = arith.constant 80 : i32
    %add3A_204 = arith.addi %add3A_202, %add3A_203 : i32
    "tpu.region"() ({
      %run_scoped3A = tpu.sem_alloc : memref<!tpu.dma_semaphore, #tpu.memory_space<semaphore_mem>>
      %dma_start3A_273 = arith.constant 0 : i32
      %dma_start3A_274 = tpu.memref_slice %arg5[%add3A_204, %dma_start3A_273] : memref<8192x2048xf32, #tpu.memory_space<hbm>> -> memref<16x2048xf32, #tpu.memory_space<hbm>>
      %dma_start3A_275 = arith.constant 0 : i32
      %dma_start3A_276 = tpu.memref_slice %arg5[%add3A_204, %dma_start3A_275] : memref<8192x2048xf32, #tpu.memory_space<hbm>> -> memref<16x2048xf32, #tpu.memory_space<hbm>>
      tpu.enqueue_dma source(%arg9 : memref<16x2048xf32, #tpu.memory_space<vmem>>) target(%dma_start3A_276 : memref<16x2048xf32, #tpu.memory_space<hbm>>) target_semaphore(%run_scoped3A : memref<!tpu.dma_semaphore, #tpu.memory_space<semaphore_mem>>)
      %dma_wait3A_277 = arith.constant 0 : i32
      %dma_wait3A_278 = tpu.memref_slice %arg5[%add3A_204, %dma_wait3A_277] : memref<8192x2048xf32, #tpu.memory_space<hbm>> -> memref<16x2048xf32, #tpu.memory_space<hbm>>
      %dma_wait3A_279 = arith.constant 0 : i32
      %dma_wait3A_280 = tpu.memref_slice %arg5[%add3A_204, %dma_wait3A_279] : memref<8192x2048xf32, #tpu.memory_space<hbm>> -> memref<16x2048xf32, #tpu.memory_space<hbm>>
      tpu.wait_dma2 semaphore(%run_scoped3A : memref<!tpu.dma_semaphore, #tpu.memory_space<semaphore_mem>>) src(%arg9 : memref<16x2048xf32, #tpu.memory_space<vmem>>) dst(%dma_wait3A_280 : memref<16x2048xf32, #tpu.memory_space<hbm>>)
      tpu.yield
    }) : () -> ()
    %dma_start3A_205 = arith.constant 6 : i32
    %dma_start3A_206 = arith.constant 0 : i32
    %dma_start3A_207 = tpu.memref_slice %arg6[%dma_start3A_205, %dma_start3A_206] : memref<8x16xi32, #tpu.memory_space<vmem>> -> memref<1x16xi32, #tpu.memory_space<vmem>>
    %dma_start3A_208 = tpu.memref_squeeze %dma_start3A_207 : memref<1x16xi32, #tpu.memory_space<vmem>> -> memref<16xi32, #tpu.memory_space<vmem>>
    %dma_start3A_209 = arith.constant 0 : i32
    %dma_start3A_210 = arith.constant 0 : i32
    %dma_start3A_211 = tpu.memref_slice %arg4[%dma_start3A_209, %dma_start3A_210] : memref<9984x2048xf32, #tpu.memory_space<hbm>> -> memref<9984x2048xf32, #tpu.memory_space<hbm>>
    tpu.enqueue_indirect_dma source(%dma_start3A_211 : memref<9984x2048xf32, #tpu.memory_space<hbm>>) target(%arg8 : memref<16x2048xf32, #tpu.memory_space<vmem>>) offsets(%dma_start3A_208 : memref<16xi32, #tpu.memory_space<vmem>>) semaphore(%arg10 : memref<!tpu.dma_semaphore, #tpu.memory_space<semaphore_mem>>)
    %dma_start3A_212 = arith.constant 6 : i32
    %dma_start3A_213 = arith.constant 0 : i32
    %dma_start3A_214 = tpu.memref_slice %arg7[%dma_start3A_212, %dma_start3A_213] : memref<8x16xi32, #tpu.memory_space<vmem>> -> memref<1x16xi32, #tpu.memory_space<vmem>>
    %dma_start3A_215 = tpu.memref_squeeze %dma_start3A_214 : memref<1x16xi32, #tpu.memory_space<vmem>> -> memref<16xi32, #tpu.memory_space<vmem>>
    %dma_start3A_216 = arith.constant 0 : i32
    %dma_start3A_217 = arith.constant 0 : i32
    %dma_start3A_218 = tpu.memref_slice %arg4[%dma_start3A_216, %dma_start3A_217] : memref<9984x2048xf32, #tpu.memory_space<hbm>> -> memref<9984x2048xf32, #tpu.memory_space<hbm>>
    tpu.enqueue_indirect_dma source(%dma_start3A_218 : memref<9984x2048xf32, #tpu.memory_space<hbm>>) target(%arg9 : memref<16x2048xf32, #tpu.memory_space<vmem>>) offsets(%dma_start3A_215 : memref<16xi32, #tpu.memory_space<vmem>>) semaphore(%arg11 : memref<!tpu.dma_semaphore, #tpu.memory_space<semaphore_mem>>)
    %dma_wait3A_219 = arith.constant 6 : i32
    %dma_wait3A_220 = arith.constant 0 : i32
    %dma_wait3A_221 = tpu.memref_slice %arg6[%dma_wait3A_219, %dma_wait3A_220] : memref<8x16xi32, #tpu.memory_space<vmem>> -> memref<1x16xi32, #tpu.memory_space<vmem>>
    %dma_wait3A_222 = tpu.memref_squeeze %dma_wait3A_221 : memref<1x16xi32, #tpu.memory_space<vmem>> -> memref<16xi32, #tpu.memory_space<vmem>>
    %dma_wait3A_223 = arith.constant 0 : i32
    %dma_wait3A_224 = arith.constant 0 : i32
    %dma_wait3A_225 = tpu.memref_slice %arg4[%dma_wait3A_223, %dma_wait3A_224] : memref<9984x2048xf32, #tpu.memory_space<hbm>> -> memref<9984x2048xf32, #tpu.memory_space<hbm>>
    tpu.wait_indirect_dma semaphore(%arg10 : memref<!tpu.dma_semaphore, #tpu.memory_space<semaphore_mem>>) src(%dma_wait3A_225 : memref<9984x2048xf32, #tpu.memory_space<hbm>>) dst(%arg8 : memref<16x2048xf32, #tpu.memory_space<vmem>>)
    %add3A_226 = arith.constant 96 : i32
    %add3A_227 = arith.addi %mul3A_2, %add3A_226 : i32
    "tpu.region"() ({
      %run_scoped3A = tpu.sem_alloc : memref<!tpu.dma_semaphore, #tpu.memory_space<semaphore_mem>>
      %dma_start3A_273 = arith.constant 0 : i32
      %dma_start3A_274 = tpu.memref_slice %arg5[%add3A_227, %dma_start3A_273] : memref<8192x2048xf32, #tpu.memory_space<hbm>> -> memref<16x2048xf32, #tpu.memory_space<hbm>>
      %dma_start3A_275 = arith.constant 0 : i32
      %dma_start3A_276 = tpu.memref_slice %arg5[%add3A_227, %dma_start3A_275] : memref<8192x2048xf32, #tpu.memory_space<hbm>> -> memref<16x2048xf32, #tpu.memory_space<hbm>>
      tpu.enqueue_dma source(%arg8 : memref<16x2048xf32, #tpu.memory_space<vmem>>) target(%dma_start3A_276 : memref<16x2048xf32, #tpu.memory_space<hbm>>) target_semaphore(%run_scoped3A : memref<!tpu.dma_semaphore, #tpu.memory_space<semaphore_mem>>)
      %dma_wait3A_277 = arith.constant 0 : i32
      %dma_wait3A_278 = tpu.memref_slice %arg5[%add3A_227, %dma_wait3A_277] : memref<8192x2048xf32, #tpu.memory_space<hbm>> -> memref<16x2048xf32, #tpu.memory_space<hbm>>
      %dma_wait3A_279 = arith.constant 0 : i32
      %dma_wait3A_280 = tpu.memref_slice %arg5[%add3A_227, %dma_wait3A_279] : memref<8192x2048xf32, #tpu.memory_space<hbm>> -> memref<16x2048xf32, #tpu.memory_space<hbm>>
      tpu.wait_dma2 semaphore(%run_scoped3A : memref<!tpu.dma_semaphore, #tpu.memory_space<semaphore_mem>>) src(%arg8 : memref<16x2048xf32, #tpu.memory_space<vmem>>) dst(%dma_wait3A_280 : memref<16x2048xf32, #tpu.memory_space<hbm>>)
      tpu.yield
    }) : () -> ()
    %dma_wait3A_228 = arith.constant 6 : i32
    %dma_wait3A_229 = arith.constant 0 : i32
    %dma_wait3A_230 = tpu.memref_slice %arg7[%dma_wait3A_228, %dma_wait3A_229] : memref<8x16xi32, #tpu.memory_space<vmem>> -> memref<1x16xi32, #tpu.memory_space<vmem>>
    %dma_wait3A_231 = tpu.memref_squeeze %dma_wait3A_230 : memref<1x16xi32, #tpu.memory_space<vmem>> -> memref<16xi32, #tpu.memory_space<vmem>>
    %dma_wait3A_232 = arith.constant 0 : i32
    %dma_wait3A_233 = arith.constant 0 : i32
    %dma_wait3A_234 = tpu.memref_slice %arg4[%dma_wait3A_232, %dma_wait3A_233] : memref<9984x2048xf32, #tpu.memory_space<hbm>> -> memref<9984x2048xf32, #tpu.memory_space<hbm>>
    tpu.wait_indirect_dma semaphore(%arg11 : memref<!tpu.dma_semaphore, #tpu.memory_space<semaphore_mem>>) src(%dma_wait3A_234 : memref<9984x2048xf32, #tpu.memory_space<hbm>>) dst(%arg9 : memref<16x2048xf32, #tpu.memory_space<vmem>>)
    %add3A_235 = arith.constant 4096 : i32
    %add3A_236 = arith.addi %add3A_235, %mul3A_2 : i32
    %add3A_237 = arith.constant 96 : i32
    %add3A_238 = arith.addi %add3A_236, %add3A_237 : i32
    "tpu.region"() ({
      %run_scoped3A = tpu.sem_alloc : memref<!tpu.dma_semaphore, #tpu.memory_space<semaphore_mem>>
      %dma_start3A_273 = arith.constant 0 : i32
      %dma_start3A_274 = tpu.memref_slice %arg5[%add3A_238, %dma_start3A_273] : memref<8192x2048xf32, #tpu.memory_space<hbm>> -> memref<16x2048xf32, #tpu.memory_space<hbm>>
      %dma_start3A_275 = arith.constant 0 : i32
      %dma_start3A_276 = tpu.memref_slice %arg5[%add3A_238, %dma_start3A_275] : memref<8192x2048xf32, #tpu.memory_space<hbm>> -> memref<16x2048xf32, #tpu.memory_space<hbm>>
      tpu.enqueue_dma source(%arg9 : memref<16x2048xf32, #tpu.memory_space<vmem>>) target(%dma_start3A_276 : memref<16x2048xf32, #tpu.memory_space<hbm>>) target_semaphore(%run_scoped3A : memref<!tpu.dma_semaphore, #tpu.memory_space<semaphore_mem>>)
      %dma_wait3A_277 = arith.constant 0 : i32
      %dma_wait3A_278 = tpu.memref_slice %arg5[%add3A_238, %dma_wait3A_277] : memref<8192x2048xf32, #tpu.memory_space<hbm>> -> memref<16x2048xf32, #tpu.memory_space<hbm>>
      %dma_wait3A_279 = arith.constant 0 : i32
      %dma_wait3A_280 = tpu.memref_slice %arg5[%add3A_238, %dma_wait3A_279] : memref<8192x2048xf32, #tpu.memory_space<hbm>> -> memref<16x2048xf32, #tpu.memory_space<hbm>>
      tpu.wait_dma2 semaphore(%run_scoped3A : memref<!tpu.dma_semaphore, #tpu.memory_space<semaphore_mem>>) src(%arg9 : memref<16x2048xf32, #tpu.memory_space<vmem>>) dst(%dma_wait3A_280 : memref<16x2048xf32, #tpu.memory_space<hbm>>)
      tpu.yield
    }) : () -> ()
    %dma_start3A_239 = arith.constant 7 : i32
    %dma_start3A_240 = arith.constant 0 : i32
    %dma_start3A_241 = tpu.memref_slice %arg6[%dma_start3A_239, %dma_start3A_240] : memref<8x16xi32, #tpu.memory_space<vmem>> -> memref<1x16xi32, #tpu.memory_space<vmem>>
    %dma_start3A_242 = tpu.memref_squeeze %dma_start3A_241 : memref<1x16xi32, #tpu.memory_space<vmem>> -> memref<16xi32, #tpu.memory_space<vmem>>
    %dma_start3A_243 = arith.constant 0 : i32
    %dma_start3A_244 = arith.constant 0 : i32
    %dma_start3A_245 = tpu.memref_slice %arg4[%dma_start3A_243, %dma_start3A_244] : memref<9984x2048xf32, #tpu.memory_space<hbm>> -> memref<9984x2048xf32, #tpu.memory_space<hbm>>
    tpu.enqueue_indirect_dma source(%dma_start3A_245 : memref<9984x2048xf32, #tpu.memory_space<hbm>>) target(%arg8 : memref<16x2048xf32, #tpu.memory_space<vmem>>) offsets(%dma_start3A_242 : memref<16xi32, #tpu.memory_space<vmem>>) semaphore(%arg10 : memref<!tpu.dma_semaphore, #tpu.memory_space<semaphore_mem>>)
    %dma_start3A_246 = arith.constant 7 : i32
    %dma_start3A_247 = arith.constant 0 : i32
    %dma_start3A_248 = tpu.memref_slice %arg7[%dma_start3A_246, %dma_start3A_247] : memref<8x16xi32, #tpu.memory_space<vmem>> -> memref<1x16xi32, #tpu.memory_space<vmem>>
    %dma_start3A_249 = tpu.memref_squeeze %dma_start3A_248 : memref<1x16xi32, #tpu.memory_space<vmem>> -> memref<16xi32, #tpu.memory_space<vmem>>
    %dma_start3A_250 = arith.constant 0 : i32
    %dma_start3A_251 = arith.constant 0 : i32
    %dma_start3A_252 = tpu.memref_slice %arg4[%dma_start3A_250, %dma_start3A_251] : memref<9984x2048xf32, #tpu.memory_space<hbm>> -> memref<9984x2048xf32, #tpu.memory_space<hbm>>
    tpu.enqueue_indirect_dma source(%dma_start3A_252 : memref<9984x2048xf32, #tpu.memory_space<hbm>>) target(%arg9 : memref<16x2048xf32, #tpu.memory_space<vmem>>) offsets(%dma_start3A_249 : memref<16xi32, #tpu.memory_space<vmem>>) semaphore(%arg11 : memref<!tpu.dma_semaphore, #tpu.memory_space<semaphore_mem>>)
    %dma_wait3A_253 = arith.constant 7 : i32
    %dma_wait3A_254 = arith.constant 0 : i32
    %dma_wait3A_255 = tpu.memref_slice %arg6[%dma_wait3A_253, %dma_wait3A_254] : memref<8x16xi32, #tpu.memory_space<vmem>> -> memref<1x16xi32, #tpu.memory_space<vmem>>
    %dma_wait3A_256 = tpu.memref_squeeze %dma_wait3A_255 : memref<1x16xi32, #tpu.memory_space<vmem>> -> memref<16xi32, #tpu.memory_space<vmem>>
    %dma_wait3A_257 = arith.constant 0 : i32
    %dma_wait3A_258 = arith.constant 0 : i32
    %dma_wait3A_259 = tpu.memref_slice %arg4[%dma_wait3A_257, %dma_wait3A_258] : memref<9984x2048xf32, #tpu.memory_space<hbm>> -> memref<9984x2048xf32, #tpu.memory_space<hbm>>
    tpu.wait_indirect_dma semaphore(%arg10 : memref<!tpu.dma_semaphore, #tpu.memory_space<semaphore_mem>>) src(%dma_wait3A_259 : memref<9984x2048xf32, #tpu.memory_space<hbm>>) dst(%arg8 : memref<16x2048xf32, #tpu.memory_space<vmem>>)
    %add3A_260 = arith.constant 112 : i32
    %add3A_261 = arith.addi %mul3A_2, %add3A_260 : i32
    "tpu.region"() ({
      %run_scoped3A = tpu.sem_alloc : memref<!tpu.dma_semaphore, #tpu.memory_space<semaphore_mem>>
      %dma_start3A_273 = arith.constant 0 : i32
      %dma_start3A_274 = tpu.memref_slice %arg5[%add3A_261, %dma_start3A_273] : memref<8192x2048xf32, #tpu.memory_space<hbm>> -> memref<16x2048xf32, #tpu.memory_space<hbm>>
      %dma_start3A_275 = arith.constant 0 : i32
      %dma_start3A_276 = tpu.memref_slice %arg5[%add3A_261, %dma_start3A_275] : memref<8192x2048xf32, #tpu.memory_space<hbm>> -> memref<16x2048xf32, #tpu.memory_space<hbm>>
      tpu.enqueue_dma source(%arg8 : memref<16x2048xf32, #tpu.memory_space<vmem>>) target(%dma_start3A_276 : memref<16x2048xf32, #tpu.memory_space<hbm>>) target_semaphore(%run_scoped3A : memref<!tpu.dma_semaphore, #tpu.memory_space<semaphore_mem>>)
      %dma_wait3A_277 = arith.constant 0 : i32
      %dma_wait3A_278 = tpu.memref_slice %arg5[%add3A_261, %dma_wait3A_277] : memref<8192x2048xf32, #tpu.memory_space<hbm>> -> memref<16x2048xf32, #tpu.memory_space<hbm>>
      %dma_wait3A_279 = arith.constant 0 : i32
      %dma_wait3A_280 = tpu.memref_slice %arg5[%add3A_261, %dma_wait3A_279] : memref<8192x2048xf32, #tpu.memory_space<hbm>> -> memref<16x2048xf32, #tpu.memory_space<hbm>>
      tpu.wait_dma2 semaphore(%run_scoped3A : memref<!tpu.dma_semaphore, #tpu.memory_space<semaphore_mem>>) src(%arg8 : memref<16x2048xf32, #tpu.memory_space<vmem>>) dst(%dma_wait3A_280 : memref<16x2048xf32, #tpu.memory_space<hbm>>)
      tpu.yield
    }) : () -> ()
    %dma_wait3A_262 = arith.constant 7 : i32
    %dma_wait3A_263 = arith.constant 0 : i32
    %dma_wait3A_264 = tpu.memref_slice %arg7[%dma_wait3A_262, %dma_wait3A_263] : memref<8x16xi32, #tpu.memory_space<vmem>> -> memref<1x16xi32, #tpu.memory_space<vmem>>
    %dma_wait3A_265 = tpu.memref_squeeze %dma_wait3A_264 : memref<1x16xi32, #tpu.memory_space<vmem>> -> memref<16xi32, #tpu.memory_space<vmem>>
    %dma_wait3A_266 = arith.constant 0 : i32
    %dma_wait3A_267 = arith.constant 0 : i32
    %dma_wait3A_268 = tpu.memref_slice %arg4[%dma_wait3A_266, %dma_wait3A_267] : memref<9984x2048xf32, #tpu.memory_space<hbm>> -> memref<9984x2048xf32, #tpu.memory_space<hbm>>
    tpu.wait_indirect_dma semaphore(%arg11 : memref<!tpu.dma_semaphore, #tpu.memory_space<semaphore_mem>>) src(%dma_wait3A_268 : memref<9984x2048xf32, #tpu.memory_space<hbm>>) dst(%arg9 : memref<16x2048xf32, #tpu.memory_space<vmem>>)
    %add3A_269 = arith.constant 4096 : i32
    %add3A_270 = arith.addi %add3A_269, %mul3A_2 : i32
    %add3A_271 = arith.constant 112 : i32
    %add3A_272 = arith.addi %add3A_270, %add3A_271 : i32
    "tpu.region"() ({
      %run_scoped3A = tpu.sem_alloc : memref<!tpu.dma_semaphore, #tpu.memory_space<semaphore_mem>>
      %dma_start3A_273 = arith.constant 0 : i32
      %dma_start3A_274 = tpu.memref_slice %arg5[%add3A_272, %dma_start3A_273] : memref<8192x2048xf32, #tpu.memory_space<hbm>> -> memref<16x2048xf32, #tpu.memory_space<hbm>>
      %dma_start3A_275 = arith.constant 0 : i32
      %dma_start3A_276 = tpu.memref_slice %arg5[%add3A_272, %dma_start3A_275] : memref<8192x2048xf32, #tpu.memory_space<hbm>> -> memref<16x2048xf32, #tpu.memory_space<hbm>>
      tpu.enqueue_dma source(%arg9 : memref<16x2048xf32, #tpu.memory_space<vmem>>) target(%dma_start3A_276 : memref<16x2048xf32, #tpu.memory_space<hbm>>) target_semaphore(%run_scoped3A : memref<!tpu.dma_semaphore, #tpu.memory_space<semaphore_mem>>)
      %dma_wait3A_277 = arith.constant 0 : i32
      %dma_wait3A_278 = tpu.memref_slice %arg5[%add3A_272, %dma_wait3A_277] : memref<8192x2048xf32, #tpu.memory_space<hbm>> -> memref<16x2048xf32, #tpu.memory_space<hbm>>
      %dma_wait3A_279 = arith.constant 0 : i32
      %dma_wait3A_280 = tpu.memref_slice %arg5[%add3A_272, %dma_wait3A_279] : memref<8192x2048xf32, #tpu.memory_space<hbm>> -> memref<16x2048xf32, #tpu.memory_space<hbm>>
      tpu.wait_dma2 semaphore(%run_scoped3A : memref<!tpu.dma_semaphore, #tpu.memory_space<semaphore_mem>>) src(%arg9 : memref<16x2048xf32, #tpu.memory_space<vmem>>) dst(%dma_wait3A_280 : memref<16x2048xf32, #tpu.memory_space<hbm>>)
      tpu.yield
    }) : () -> ()
    return
  }
}

module attributes {stable_mosaic.version = 14 : i64} {
  func.func @_router_body(%arg0: i32, %arg1: memref<512x2048xf32, #tpu.memory_space<vmem>>, %arg2: memref<8x2048xf32, #tpu.memory_space<vmem>>, %arg3: memref<512x1xi32, #tpu.memory_space<vmem>>, %arg4: memref<512x1xi32, #tpu.memory_space<vmem>>, %arg5: memref<512x1xf32, #tpu.memory_space<vmem>>, %arg6: memref<512x1xf32, #tpu.memory_space<vmem>>) attributes {dimension_semantics = [#tpu.dimension_semantics<arbitrary>], iteration_bounds = array<i64: 8>, scalar_prefetch = 0 : i64, scratch_operands = 0 : i64, tpu.core_type = #tpu.core_type<tc>, window_params = [{transform_indices = @transform_0, window_bounds = array<i64: 512, 2048>}, {pipeline_mode = #tpu.pipeline_mode<synchronous>, transform_indices = @transform_1, window_bounds = array<i64: 8, 2048>}, {transform_indices = @transform_2, window_bounds = array<i64: 512, 1>}, {transform_indices = @transform_3, window_bounds = array<i64: 512, 1>}, {transform_indices = @transform_4, window_bounds = array<i64: 512, 1>}, {transform_indices = @transform_5, window_bounds = array<i64: 512, 1>}]} {
    %get3A = arith.constant 0 : index
    %get3A_0 = arith.constant 0 : index
    %get3A_1 = vector.load %arg1[%get3A, %get3A_0] : memref<512x2048xf32, #tpu.memory_space<vmem>>, vector<512x2048xf32>
    %get3A_2 = arith.constant 0 : index
    %get3A_3 = arith.constant 0 : index
    %get3A_4 = vector.load %arg2[%get3A_2, %get3A_3] : memref<8x2048xf32, #tpu.memory_space<vmem>>, vector<8x2048xf32>
    %dot_general3A = arith.constant dense<0.000000e+00> : vector<512x8xf32>
    %dot_general3A_5 = tpu.matmul %get3A_1, %get3A_4, %dot_general3A {dimension_numbers = #tpu.dot_dimension_numbers<[1], [1], [0], [0], [0, 0, 1, 0], [], []>, transpose_lhs_hint = false} : vector<512x2048xf32>, vector<8x2048xf32>, vector<512x8xf32> -> vector<512x8xf32>
    %iota3A = tpu.iota {dimensions = array<i32: 1>} : vector<512x8xi32>
    %reduce_max3A = arith.constant dense<0xFF800000> : vector<512xf32>
    %reduce_max3A_6 = vector.multi_reduction <maximumf>, %dot_general3A_5, %reduce_max3A [1] : vector<512x8xf32> to vector<512xf32>
    %broadcast_in_dim3A = vector.shape_cast %reduce_max3A_6 : vector<512xf32> to vector<512x1xf32>
    %eq3A = vector.broadcast %broadcast_in_dim3A : vector<512x1xf32> to vector<512x8xf32>
    %eq3A_7 = arith.cmpf oeq, %dot_general3A_5, %eq3A : vector<512x8xf32>
    %jit3A = arith.constant 8 : i32
    %broadcast_in_dim3A_8 = vector.broadcast %jit3A : i32 to vector<512x8xi32>
    %select_n3A = arith.select %eq3A_7, %iota3A, %broadcast_in_dim3A_8 : vector<512x8xi1>, vector<512x8xi32>
    %reduce_min3A = arith.constant dense<2147483647> : vector<512xi32>
    %reduce_min3A_9 = vector.multi_reduction <minsi>, %select_n3A, %reduce_min3A [1] : vector<512x8xi32> to vector<512xi32>
    %broadcast_in_dim3A_10 = vector.shape_cast %reduce_min3A_9 : vector<512xi32> to vector<512x1xi32>
    %eq3A_11 = vector.broadcast %broadcast_in_dim3A_10 : vector<512x1xi32> to vector<512x8xi32>
    %eq3A_12 = arith.cmpi eq, %iota3A, %eq3A_11 : vector<512x8xi32>
    %jit3A_13 = arith.constant 0xFF800000 : f32
    %broadcast_in_dim3A_14 = vector.broadcast %jit3A_13 : f32 to vector<512x8xf32>
    %select_n3A_15 = arith.select %eq3A_12, %broadcast_in_dim3A_14, %dot_general3A_5 : vector<512x8xi1>, vector<512x8xf32>
    %reduce_max3A_16 = arith.constant dense<0xFF800000> : vector<512xf32>
    %reduce_max3A_17 = vector.multi_reduction <maximumf>, %select_n3A_15, %reduce_max3A_16 [1] : vector<512x8xf32> to vector<512xf32>
    %broadcast_in_dim3A_18 = vector.shape_cast %reduce_max3A_17 : vector<512xf32> to vector<512x1xf32>
    %eq3A_19 = vector.broadcast %broadcast_in_dim3A_18 : vector<512x1xf32> to vector<512x8xf32>
    %eq3A_20 = arith.cmpf oeq, %select_n3A_15, %eq3A_19 : vector<512x8xf32>
    %jit3A_21 = arith.constant 8 : i32
    %broadcast_in_dim3A_22 = vector.broadcast %jit3A_21 : i32 to vector<512x8xi32>
    %select_n3A_23 = arith.select %eq3A_20, %iota3A, %broadcast_in_dim3A_22 : vector<512x8xi1>, vector<512x8xi32>
    %reduce_min3A_24 = arith.constant dense<2147483647> : vector<512xi32>
    %reduce_min3A_25 = vector.multi_reduction <minsi>, %select_n3A_23, %reduce_min3A_24 [1] : vector<512x8xi32> to vector<512xi32>
    %broadcast_in_dim3A_26 = vector.shape_cast %reduce_min3A_25 : vector<512xi32> to vector<512x1xi32>
    %sub3A = arith.subf %broadcast_in_dim3A, %broadcast_in_dim3A_18 : vector<512x1xf32>
    %logistic3A = arith.negf %sub3A : vector<512x1xf32>
    %logistic3A_27 = math.exp %logistic3A : vector<512x1xf32>
    %logistic3A_28 = arith.constant 1.000000e+00 : f32
    %logistic3A_29 = vector.broadcast %logistic3A_28 : f32 to vector<512x1xf32>
    %logistic3A_30 = arith.addf %logistic3A_29, %logistic3A_27 : vector<512x1xf32>
    %logistic3A_31 = arith.divf %logistic3A_29, %logistic3A_30 : vector<512x1xf32>
    %swap3A = arith.constant 0 : index
    %swap3A_32 = arith.constant 0 : index
    %swap3A_33 = vector.load %arg3[%swap3A, %swap3A_32] : memref<512x1xi32, #tpu.memory_space<vmem>>, vector<512x1xi32>
    tpu.vector_store %arg3[%swap3A, %swap3A_32], %broadcast_in_dim3A_10 {strides = array<i32>} : memref<512x1xi32, #tpu.memory_space<vmem>>, vector<512x1xi32>,
    %swap3A_34 = arith.constant 0 : index
    %swap3A_35 = arith.constant 0 : index
    %swap3A_36 = vector.load %arg4[%swap3A_34, %swap3A_35] : memref<512x1xi32, #tpu.memory_space<vmem>>, vector<512x1xi32>
    tpu.vector_store %arg4[%swap3A_34, %swap3A_35], %broadcast_in_dim3A_26 {strides = array<i32>} : memref<512x1xi32, #tpu.memory_space<vmem>>, vector<512x1xi32>,
    %swap3A_37 = arith.constant 0 : index
    %swap3A_38 = arith.constant 0 : index
    %swap3A_39 = vector.load %arg5[%swap3A_37, %swap3A_38] : memref<512x1xf32, #tpu.memory_space<vmem>>, vector<512x1xf32>
    tpu.vector_store %arg5[%swap3A_37, %swap3A_38], %logistic3A_31 {strides = array<i32>} : memref<512x1xf32, #tpu.memory_space<vmem>>, vector<512x1xf32>,
    %sub3A_40 = arith.constant 1.000000e+00 : f32
    %sub3A_41 = vector.broadcast %sub3A_40 : f32 to vector<512x1xf32>
    %sub3A_42 = arith.subf %sub3A_41, %logistic3A_31 : vector<512x1xf32>
    %swap3A_43 = arith.constant 0 : index
    %swap3A_44 = arith.constant 0 : index
    %swap3A_45 = vector.load %arg6[%swap3A_43, %swap3A_44] : memref<512x1xf32, #tpu.memory_space<vmem>>, vector<512x1xf32>
    tpu.vector_store %arg6[%swap3A_43, %swap3A_44], %sub3A_42 {strides = array<i32>} : memref<512x1xf32, #tpu.memory_space<vmem>>, vector<512x1xf32>,
    return
  }
  func.func @transform_0(%arg0: i32) -> (i32, i32) {
    %c0_i32 = arith.constant 0 : i32
    %c0_i32_0 = arith.constant 0 : i32
    return %arg0, %c0_i32 : i32, i32
  }
  func.func @transform_1(%arg0: i32) -> (i32, i32) {
    %c0_i32 = arith.constant 0 : i32
    %c0_i32_0 = arith.constant 0 : i32
    %c0_i32_1 = arith.constant 0 : i32
    return %c0_i32, %c0_i32_0 : i32, i32
  }
  func.func @transform_2(%arg0: i32) -> (i32, i32) {
    %c0_i32 = arith.constant 0 : i32
    %c0_i32_0 = arith.constant 0 : i32
    return %arg0, %c0_i32 : i32, i32
  }
  func.func @transform_3(%arg0: i32) -> (i32, i32) {
    %c0_i32 = arith.constant 0 : i32
    %c0_i32_0 = arith.constant 0 : i32
    return %arg0, %c0_i32 : i32, i32
  }
  func.func @transform_4(%arg0: i32) -> (i32, i32) {
    %c0_i32 = arith.constant 0 : i32
    %c0_i32_0 = arith.constant 0 : i32
    return %arg0, %c0_i32 : i32, i32
  }
  func.func @transform_5(%arg0: i32) -> (i32, i32) {
    %c0_i32 = arith.constant 0 : i32
    %c0_i32_0 = arith.constant 0 : i32
    return %arg0, %c0_i32 : i32, i32
  }
}

module attributes {stable_mosaic.version = 14 : i64} {
  func.func @_meta_body(%arg0: i32, %arg1: memref<64x128xi32, #tpu.memory_space<vmem>>, %arg2: memref<64x128xi32, #tpu.memory_space<vmem>>, %arg3: memref<1x39xi32, #tpu.memory_space<vmem>>) attributes {dimension_semantics = [#tpu.dimension_semantics<arbitrary>], iteration_bounds = array<i64: 1>, scalar_prefetch = 0 : i64, scratch_operands = 0 : i64, tpu.core_type = #tpu.core_type<tc>, window_params = [{pipeline_mode = #tpu.pipeline_mode<synchronous>, transform_indices = @transform_0, window_bounds = array<i64: 64, 128>}, {pipeline_mode = #tpu.pipeline_mode<synchronous>, transform_indices = @transform_1, window_bounds = array<i64: 64, 128>}, {pipeline_mode = #tpu.pipeline_mode<synchronous>, transform_indices = @transform_2, window_bounds = array<i64: 1, 39>}]} {
    %get3A = arith.constant 0 : index
    %get3A_0 = arith.constant 0 : index
    %get3A_1 = vector.load %arg1[%get3A, %get3A_0] : memref<64x128xi32, #tpu.memory_space<vmem>>, vector<64x128xi32>
    %broadcast_in_dim3A = vector.shape_cast %get3A_1 : vector<64x128xi32> to vector<1x64x128xi32>
    %iota3A = tpu.iota {dimensions = array<i32: 0>} : vector<8x64x128xi32>
    %eq3A = vector.broadcast %broadcast_in_dim3A : vector<1x64x128xi32> to vector<8x64x128xi32>
    %eq3A_2 = arith.cmpi eq, %eq3A, %iota3A : vector<8x64x128xi32>
    %convert_element_type3A = arith.extui %eq3A_2 : vector<8x64x128xi1> to vector<8x64x128xi32>
    %convert_element_type3A_3 = arith.sitofp %convert_element_type3A : vector<8x64x128xi32> to vector<8x64x128xf32>
    %reshape3A = vector.shape_cast %convert_element_type3A_3 : vector<8x64x128xf32> to vector<512x128xf32>
    %iota3A_4 = tpu.iota {dimensions = array<i32: 0>} : vector<128x128xi32>
    %iota3A_5 = tpu.iota {dimensions = array<i32: 1>} : vector<128x128xi32>
    %lt3A = arith.cmpi slt, %iota3A_4, %iota3A_5 : vector<128x128xi32>
    %convert_element_type3A_6 = arith.extui %lt3A : vector<128x128xi1> to vector<128x128xi32>
    %convert_element_type3A_7 = arith.sitofp %convert_element_type3A_6 : vector<128x128xi32> to vector<128x128xf32>
    %dot_general3A = arith.constant dense<0.000000e+00> : vector<512x128xf32>
    %dot_general3A_8 = tpu.matmul %reshape3A, %convert_element_type3A_7, %dot_general3A {dimension_numbers = #tpu.dot_dimension_numbers<[1], [0], [0], [1], [0, 0, 1, 1], [], []>, transpose_lhs_hint = false} : vector<512x128xf32>, vector<128x128xf32>, vector<512x128xf32> -> vector<512x128xf32>
    %reduce_sum3A = arith.constant dense<0.000000e+00> : vector<512xf32>
    %reduce_sum3A_9 = vector.multi_reduction <add>, %reshape3A, %reduce_sum3A [1] : vector<512x128xf32> to vector<512xf32>
    %broadcast_in_dim3A_10 = vector.shape_cast %reduce_sum3A_9 : vector<512xf32> to vector<512x1xf32>
    %iota3A_11 = tpu.iota {dimensions = array<i32: 0>} : vector<512x512xi32>
    %iota3A_12 = tpu.iota {dimensions = array<i32: 1>} : vector<512x512xi32>
    %jit3A = arith.constant 64 : i32
    %div3A = vector.broadcast %jit3A : i32 to vector<512x512xi32>
    %div3A_13 = arith.divsi %iota3A_11, %div3A : vector<512x512xi32>
    %sign3A = arith.constant 0 : i32
    %sign3A_14 = vector.broadcast %sign3A : i32 to vector<512x512xi32>
    %sign3A_15 = arith.cmpi sgt, %iota3A_11, %sign3A_14 : vector<512x512xi32>
    %sign3A_16 = arith.extui %sign3A_15 : vector<512x512xi1> to vector<512x512xi32>
    %sign3A_17 = arith.constant 0 : i32
    %sign3A_18 = vector.broadcast %sign3A_17 : i32 to vector<512x512xi32>
    %sign3A_19 = arith.cmpi slt, %iota3A_11, %sign3A_18 : vector<512x512xi32>
    %sign3A_20 = arith.extui %sign3A_19 : vector<512x512xi1> to vector<512x512xi32>
    %sign3A_21 = arith.subi %sign3A_16, %sign3A_20 : vector<512x512xi32>
    %sign3A_22 = arith.constant 0 : i32
    %sign3A_23 = arith.cmpi sgt, %jit3A, %sign3A_22 : i32
    %sign3A_24 = arith.extui %sign3A_23 : i1 to i32
    %sign3A_25 = arith.constant 0 : i32
    %sign3A_26 = arith.cmpi slt, %jit3A, %sign3A_25 : i32
    %sign3A_27 = arith.extui %sign3A_26 : i1 to i32
    %sign3A_28 = arith.subi %sign3A_24, %sign3A_27 : i32
    %ne3A = vector.broadcast %sign3A_28 : i32 to vector<512x512xi32>
    %ne3A_29 = arith.cmpi ne, %sign3A_21, %ne3A : vector<512x512xi32>
    %rem3A = vector.broadcast %jit3A : i32 to vector<512x512xi32>
    %rem3A_30 = arith.remsi %iota3A_11, %rem3A : vector<512x512xi32>
    %ne3A_31 = arith.constant 0 : i32
    %ne3A_32 = vector.broadcast %ne3A_31 : i32 to vector<512x512xi32>
    %ne3A_33 = arith.cmpi ne, %rem3A_30, %ne3A_32 : vector<512x512xi32>
    %and3A = arith.andi %ne3A_29, %ne3A_33 : vector<512x512xi1>
    %sub3A = arith.constant 1 : i32
    %sub3A_34 = vector.broadcast %sub3A : i32 to vector<512x512xi32>
    %sub3A_35 = arith.subi %div3A_13, %sub3A_34 : vector<512x512xi32>
    %select_n3A = arith.select %and3A, %sub3A_35, %div3A_13 : vector<512x512xi1>, vector<512x512xi32>
    %jit3A_36 = arith.constant 64 : i32
    %div3A_37 = vector.broadcast %jit3A_36 : i32 to vector<512x512xi32>
    %div3A_38 = arith.divsi %iota3A_12, %div3A_37 : vector<512x512xi32>
    %sign3A_39 = arith.constant 0 : i32
    %sign3A_40 = vector.broadcast %sign3A_39 : i32 to vector<512x512xi32>
    %sign3A_41 = arith.cmpi sgt, %iota3A_12, %sign3A_40 : vector<512x512xi32>
    %sign3A_42 = arith.extui %sign3A_41 : vector<512x512xi1> to vector<512x512xi32>
    %sign3A_43 = arith.constant 0 : i32
    %sign3A_44 = vector.broadcast %sign3A_43 : i32 to vector<512x512xi32>
    %sign3A_45 = arith.cmpi slt, %iota3A_12, %sign3A_44 : vector<512x512xi32>
    %sign3A_46 = arith.extui %sign3A_45 : vector<512x512xi1> to vector<512x512xi32>
    %sign3A_47 = arith.subi %sign3A_42, %sign3A_46 : vector<512x512xi32>
    %sign3A_48 = arith.constant 0 : i32
    %sign3A_49 = arith.cmpi sgt, %jit3A_36, %sign3A_48 : i32
    %sign3A_50 = arith.extui %sign3A_49 : i1 to i32
    %sign3A_51 = arith.constant 0 : i32
    %sign3A_52 = arith.cmpi slt, %jit3A_36, %sign3A_51 : i32
    %sign3A_53 = arith.extui %sign3A_52 : i1 to i32
    %sign3A_54 = arith.subi %sign3A_50, %sign3A_53 : i32
    %ne3A_55 = vector.broadcast %sign3A_54 : i32 to vector<512x512xi32>
    %ne3A_56 = arith.cmpi ne, %sign3A_47, %ne3A_55 : vector<512x512xi32>
    %rem3A_57 = vector.broadcast %jit3A_36 : i32 to vector<512x512xi32>
    %rem3A_58 = arith.remsi %iota3A_12, %rem3A_57 : vector<512x512xi32>
    %ne3A_59 = arith.constant 0 : i32
    %ne3A_60 = vector.broadcast %ne3A_59 : i32 to vector<512x512xi32>
    %ne3A_61 = arith.cmpi ne, %rem3A_58, %ne3A_60 : vector<512x512xi32>
    %and3A_62 = arith.andi %ne3A_56, %ne3A_61 : vector<512x512xi1>
    %sub3A_63 = arith.constant 1 : i32
    %sub3A_64 = vector.broadcast %sub3A_63 : i32 to vector<512x512xi32>
    %sub3A_65 = arith.subi %div3A_38, %sub3A_64 : vector<512x512xi32>
    %select_n3A_66 = arith.select %and3A_62, %sub3A_65, %div3A_38 : vector<512x512xi1>, vector<512x512xi32>
    %eq3A_67 = arith.cmpi eq, %select_n3A, %select_n3A_66 : vector<512x512xi32>
    %jit3A_68 = arith.constant 64 : i32
    %eq3A_69 = arith.constant 0 : i32
    %eq3A_70 = arith.cmpi eq, %jit3A_68, %eq3A_69 : i32
    %jit3A_71 = arith.constant 1 : i32
    %select_n3A_72 = arith.select %eq3A_70, %jit3A_71, %jit3A_68 : i32
    %rem3A_73 = vector.broadcast %select_n3A_72 : i32 to vector<512x512xi32>
    %rem3A_74 = arith.remsi %iota3A_12, %rem3A_73 : vector<512x512xi32>
    %ne3A_75 = arith.constant 0 : i32
    %ne3A_76 = vector.broadcast %ne3A_75 : i32 to vector<512x512xi32>
    %ne3A_77 = arith.cmpi ne, %rem3A_74, %ne3A_76 : vector<512x512xi32>
    %lt3A_78 = arith.constant 0 : i32
    %lt3A_79 = vector.broadcast %lt3A_78 : i32 to vector<512x512xi32>
    %lt3A_80 = arith.cmpi slt, %rem3A_74, %lt3A_79 : vector<512x512xi32>
    %lt3A_81 = arith.constant 0 : i32
    %lt3A_82 = arith.cmpi slt, %select_n3A_72, %lt3A_81 : i32
    %ne3A_83 = vector.broadcast %lt3A_82 : i1 to vector<512x512xi1>
    %ne3A_84 = vector.broadcast %ne3A_83 : vector<512x512xi1> to vector<512x512xi1>
    %ne3A_85 = arith.xori %lt3A_80, %ne3A_84 : vector<512x512xi1>
    %and3A_86 = arith.andi %ne3A_85, %ne3A_77 : vector<512x512xi1>
    %add3A = vector.broadcast %select_n3A_72 : i32 to vector<512x512xi32>
    %add3A_87 = arith.addi %rem3A_74, %add3A : vector<512x512xi32>
    %select_n3A_88 = arith.select %and3A_86, %add3A_87, %rem3A_74 : vector<512x512xi1>, vector<512x512xi32>
    %jit3A_89 = arith.constant 64 : i32
    %eq3A_90 = arith.constant 0 : i32
    %eq3A_91 = arith.cmpi eq, %jit3A_89, %eq3A_90 : i32
    %jit3A_92 = arith.constant 1 : i32
    %select_n3A_93 = arith.select %eq3A_91, %jit3A_92, %jit3A_89 : i32
    %rem3A_94 = vector.broadcast %select_n3A_93 : i32 to vector<512x512xi32>
    %rem3A_95 = arith.remsi %iota3A_11, %rem3A_94 : vector<512x512xi32>
    %ne3A_96 = arith.constant 0 : i32
    %ne3A_97 = vector.broadcast %ne3A_96 : i32 to vector<512x512xi32>
    %ne3A_98 = arith.cmpi ne, %rem3A_95, %ne3A_97 : vector<512x512xi32>
    %lt3A_99 = arith.constant 0 : i32
    %lt3A_100 = vector.broadcast %lt3A_99 : i32 to vector<512x512xi32>
    %lt3A_101 = arith.cmpi slt, %rem3A_95, %lt3A_100 : vector<512x512xi32>
    %lt3A_102 = arith.constant 0 : i32
    %lt3A_103 = arith.cmpi slt, %select_n3A_93, %lt3A_102 : i32
    %ne3A_104 = vector.broadcast %lt3A_103 : i1 to vector<512x512xi1>
    %ne3A_105 = vector.broadcast %ne3A_104 : vector<512x512xi1> to vector<512x512xi1>
    %ne3A_106 = arith.xori %lt3A_101, %ne3A_105 : vector<512x512xi1>
    %and3A_107 = arith.andi %ne3A_106, %ne3A_98 : vector<512x512xi1>
    %add3A_108 = vector.broadcast %select_n3A_93 : i32 to vector<512x512xi32>
    %add3A_109 = arith.addi %rem3A_95, %add3A_108 : vector<512x512xi32>
    %select_n3A_110 = arith.select %and3A_107, %add3A_109, %rem3A_95 : vector<512x512xi1>, vector<512x512xi32>
    %lt3A_111 = arith.cmpi slt, %select_n3A_88, %select_n3A_110 : vector<512x512xi32>
    %and3A_112 = arith.andi %eq3A_67, %lt3A_111 : vector<512x512xi1>
    %convert_element_type3A_113 = arith.extui %and3A_112 : vector<512x512xi1> to vector<512x512xi32>
    %convert_element_type3A_114 = arith.sitofp %convert_element_type3A_113 : vector<512x512xi32> to vector<512x512xf32>
    %dot_general3A_115 = arith.constant dense<0.000000e+00> : vector<512x1xf32>
    %dot_general3A_116 = tpu.matmul %convert_element_type3A_114, %broadcast_in_dim3A_10, %dot_general3A_115 {dimension_numbers = #tpu.dot_dimension_numbers<[1], [0], [0], [1], [0, 0, 1, 1], [], []>, transpose_lhs_hint = false} : vector<512x512xf32>, vector<512x1xf32>, vector<512x1xf32> -> vector<512x1xf32>
    %add3A_117 = vector.broadcast %dot_general3A_116 : vector<512x1xf32> to vector<512x128xf32>
    %add3A_118 = arith.addf %dot_general3A_8, %add3A_117 : vector<512x128xf32>
    %iota3A_119 = tpu.iota {dimensions = array<i32: 0>} : vector<8x512xi32>
    %iota3A_120 = tpu.iota {dimensions = array<i32: 1>} : vector<8x512xi32>
    %jit3A_121 = arith.constant 64 : i32
    %div3A_122 = vector.broadcast %jit3A_121 : i32 to vector<8x512xi32>
    %div3A_123 = arith.divsi %iota3A_120, %div3A_122 : vector<8x512xi32>
    %sign3A_124 = arith.constant 0 : i32
    %sign3A_125 = vector.broadcast %sign3A_124 : i32 to vector<8x512xi32>
    %sign3A_126 = arith.cmpi sgt, %iota3A_120, %sign3A_125 : vector<8x512xi32>
    %sign3A_127 = arith.extui %sign3A_126 : vector<8x512xi1> to vector<8x512xi32>
    %sign3A_128 = arith.constant 0 : i32
    %sign3A_129 = vector.broadcast %sign3A_128 : i32 to vector<8x512xi32>
    %sign3A_130 = arith.cmpi slt, %iota3A_120, %sign3A_129 : vector<8x512xi32>
    %sign3A_131 = arith.extui %sign3A_130 : vector<8x512xi1> to vector<8x512xi32>
    %sign3A_132 = arith.subi %sign3A_127, %sign3A_131 : vector<8x512xi32>
    %sign3A_133 = arith.constant 0 : i32
    %sign3A_134 = arith.cmpi sgt, %jit3A_121, %sign3A_133 : i32
    %sign3A_135 = arith.extui %sign3A_134 : i1 to i32
    %sign3A_136 = arith.constant 0 : i32
    %sign3A_137 = arith.cmpi slt, %jit3A_121, %sign3A_136 : i32
    %sign3A_138 = arith.extui %sign3A_137 : i1 to i32
    %sign3A_139 = arith.subi %sign3A_135, %sign3A_138 : i32
    %ne3A_140 = vector.broadcast %sign3A_139 : i32 to vector<8x512xi32>
    %ne3A_141 = arith.cmpi ne, %sign3A_132, %ne3A_140 : vector<8x512xi32>
    %rem3A_142 = vector.broadcast %jit3A_121 : i32 to vector<8x512xi32>
    %rem3A_143 = arith.remsi %iota3A_120, %rem3A_142 : vector<8x512xi32>
    %ne3A_144 = arith.constant 0 : i32
    %ne3A_145 = vector.broadcast %ne3A_144 : i32 to vector<8x512xi32>
    %ne3A_146 = arith.cmpi ne, %rem3A_143, %ne3A_145 : vector<8x512xi32>
    %and3A_147 = arith.andi %ne3A_141, %ne3A_146 : vector<8x512xi1>
    %sub3A_148 = arith.constant 1 : i32
    %sub3A_149 = vector.broadcast %sub3A_148 : i32 to vector<8x512xi32>
    %sub3A_150 = arith.subi %div3A_123, %sub3A_149 : vector<8x512xi32>
    %select_n3A_151 = arith.select %and3A_147, %sub3A_150, %div3A_123 : vector<8x512xi1>, vector<8x512xi32>
    %eq3A_152 = arith.cmpi eq, %select_n3A_151, %iota3A_119 : vector<8x512xi32>
    %convert_element_type3A_153 = arith.extui %eq3A_152 : vector<8x512xi1> to vector<8x512xi32>
    %convert_element_type3A_154 = arith.sitofp %convert_element_type3A_153 : vector<8x512xi32> to vector<8x512xf32>
    %dot_general3A_155 = arith.constant dense<0.000000e+00> : vector<8x1xf32>
    %dot_general3A_156 = tpu.matmul %convert_element_type3A_154, %broadcast_in_dim3A_10, %dot_general3A_155 {dimension_numbers = #tpu.dot_dimension_numbers<[1], [0], [0], [1], [0, 0, 1, 1], [], []>, transpose_lhs_hint = false} : vector<8x512xf32>, vector<512x1xf32>, vector<8x1xf32> -> vector<8x1xf32>
    %add3A_157 = arith.constant 2.550000e+02 : f32
    %add3A_158 = vector.broadcast %add3A_157 : f32 to vector<8x1xf32>
    %add3A_159 = arith.addf %dot_general3A_156, %add3A_158 : vector<8x1xf32>
    %mul3A = arith.constant 3.906250e-03 : f32
    %mul3A_160 = vector.broadcast %mul3A : f32 to vector<8x1xf32>
    %mul3A_161 = arith.mulf %add3A_159, %mul3A_160 : vector<8x1xf32>
    %floor3A = math.floor %mul3A_161 : vector<8x1xf32>
    %iota3A_162 = tpu.iota {dimensions = array<i32: 0>} : vector<8x8xi32>
    %iota3A_163 = tpu.iota {dimensions = array<i32: 1>} : vector<8x8xi32>
    %le3A = arith.cmpi sle, %iota3A_163, %iota3A_162 : vector<8x8xi32>
    %convert_element_type3A_164 = arith.extui %le3A : vector<8x8xi1> to vector<8x8xi32>
    %convert_element_type3A_165 = arith.sitofp %convert_element_type3A_164 : vector<8x8xi32> to vector<8x8xf32>
    %dot_general3A_166 = arith.constant dense<0.000000e+00> : vector<8x1xf32>
    %dot_general3A_167 = tpu.matmul %convert_element_type3A_165, %floor3A, %dot_general3A_166 {dimension_numbers = #tpu.dot_dimension_numbers<[1], [0], [0], [1], [0, 0, 1, 1], [], []>, transpose_lhs_hint = false} : vector<8x8xf32>, vector<8x1xf32>, vector<8x1xf32> -> vector<8x1xf32>
    %sub3A_168 = arith.subf %dot_general3A_167, %floor3A : vector<8x1xf32>
    %mul3A_169 = arith.constant 2.560000e+02 : f32
    %mul3A_170 = vector.broadcast %mul3A_169 : f32 to vector<8x1xf32>
    %mul3A_171 = arith.mulf %sub3A_168, %mul3A_170 : vector<8x1xf32>
    %reshape3A_172 = vector.shape_cast %add3A_118 : vector<512x128xf32> to vector<8x64x128xf32>
    %broadcast_in_dim3A_173 = vector.shape_cast %mul3A_171 : vector<8x1xf32> to vector<8x1x1xf32>
    %add3A_174 = vector.broadcast %broadcast_in_dim3A_173 : vector<8x1x1xf32> to vector<8x64x128xf32>
    %add3A_175 = arith.addf %reshape3A_172, %add3A_174 : vector<8x64x128xf32>
    %mul3A_176 = arith.mulf %convert_element_type3A_3, %add3A_175 : vector<8x64x128xf32>
    %reduce_sum3A_177 = arith.constant dense<0.000000e+00> : vector<64x128xf32>
    %reduce_sum3A_178 = vector.multi_reduction <add>, %mul3A_176, %reduce_sum3A_177 [0] : vector<8x64x128xf32> to vector<64x128xf32>
    %convert_element_type3A_179 = arith.fptosi %reduce_sum3A_178 : vector<64x128xf32> to vector<64x128xi32>
    %swap3A = arith.constant 0 : index
    %swap3A_180 = arith.constant 0 : index
    %swap3A_181 = vector.load %arg2[%swap3A, %swap3A_180] : memref<64x128xi32, #tpu.memory_space<vmem>>, vector<64x128xi32>
    tpu.vector_store %arg2[%swap3A, %swap3A_180], %convert_element_type3A_179 {strides = array<i32>} : memref<64x128xi32, #tpu.memory_space<vmem>>, vector<64x128xi32>,
    %iota3A_182 = tpu.iota {dimensions = array<i32: 1>} : vector<8x39xi32>
    %convert_element_type3A_183 = arith.sitofp %iota3A_182 : vector<8x39xi32> to vector<8x39xf32>
    %ge3A = vector.broadcast %dot_general3A_167 : vector<8x1xf32> to vector<8x39xf32>
    %ge3A_184 = arith.cmpf oge, %convert_element_type3A_183, %ge3A : vector<8x39xf32>
    %convert_element_type3A_185 = arith.extui %ge3A_184 : vector<8x39xi1> to vector<8x39xi32>
    %convert_element_type3A_186 = arith.sitofp %convert_element_type3A_185 : vector<8x39xi32> to vector<8x39xf32>
    %reduce_sum3A_187 = arith.constant dense<0.000000e+00> : vector<39xf32>
    %reduce_sum3A_188 = vector.multi_reduction <add>, %convert_element_type3A_186, %reduce_sum3A_187 [0] : vector<8x39xf32> to vector<39xf32>
    %broadcast_in_dim3A_189 = vector.shape_cast %reduce_sum3A_188 : vector<39xf32> to vector<1x39xf32>
    %jit3A_190 = arith.constant 0.000000e+00 : f32
    %jit3A_191 = arith.constant 7.000000e+00 : f32
    %max3A = vector.broadcast %jit3A_190 : f32 to vector<1x39xf32>
    %max3A_192 = arith.maximumf %max3A, %broadcast_in_dim3A_189 : vector<1x39xf32>
    %min3A = vector.broadcast %jit3A_191 : f32 to vector<1x39xf32>
    %min3A_193 = arith.minimumf %min3A, %max3A_192 : vector<1x39xf32>
    %convert_element_type3A_194 = arith.fptosi %min3A_193 : vector<1x39xf32> to vector<1x39xi32>
    %swap3A_195 = arith.constant 0 : index
    %swap3A_196 = arith.constant 0 : index
    %swap3A_197 = vector.load %arg3[%swap3A_195, %swap3A_196] : memref<1x39xi32, #tpu.memory_space<vmem>>, vector<1x39xi32>
    tpu.vector_store %arg3[%swap3A_195, %swap3A_196], %convert_element_type3A_194 {strides = array<i32>} : memref<1x39xi32, #tpu.memory_space<vmem>>, vector<1x39xi32>,
    return
  }
  func.func @transform_0(%arg0: i32) -> (i32, i32) {
    %c0_i32 = arith.constant 0 : i32
    %c0_i32_0 = arith.constant 0 : i32
    %c0_i32_1 = arith.constant 0 : i32
    return %c0_i32, %c0_i32_0 : i32, i32
  }
  func.func @transform_1(%arg0: i32) -> (i32, i32) {
    %c0_i32 = arith.constant 0 : i32
    %c0_i32_0 = arith.constant 0 : i32
    %c0_i32_1 = arith.constant 0 : i32
    return %c0_i32, %c0_i32_0 : i32, i32
  }
  func.func @transform_2(%arg0: i32) -> (i32, i32) {
    %c0_i32 = arith.constant 0 : i32
    %c0_i32_0 = arith.constant 0 : i32
    %c0_i32_1 = arith.constant 0 : i32
    return %c0_i32, %c0_i32_0 : i32, i32
  }
}

module attributes {stable_mosaic.version = 14 : i64} {
  func.func @_gmm_body(%arg0: i32, %arg1: i32, %arg2: memref<39xi32, #tpu.memory_space<smem>>, %arg3: memref<256x2048xf32, #tpu.memory_space<vmem>>, %arg4: memref<1x1024x2048xf32, #tpu.memory_space<vmem>>, %arg5: memref<1x1024x2048xf32, #tpu.memory_space<vmem>>, %arg6: memref<1x2048x1024xf32, #tpu.memory_space<vmem>>, %arg7: memref<256x2048xf32, #tpu.memory_space<vmem>>, %arg8: memref<256x2048xf32, #tpu.memory_space<vmem>>) attributes {dimension_semantics = [#tpu.dimension_semantics<arbitrary>, #tpu.dimension_semantics<arbitrary>], iteration_bounds = array<i64: 4, 39>, scalar_prefetch = 1 : i64, scratch_operands = 0 : i64, tpu.core_type = #tpu.core_type<tc>, window_params = [{transform_indices = @transform_0, window_bounds = array<i64: 256, 2048>}, {transform_indices = @transform_1, window_bounds = array<i64: 1, 1024, 2048>}, {transform_indices = @transform_2, window_bounds = array<i64: 1, 1024, 2048>}, {transform_indices = @transform_3, window_bounds = array<i64: 1, 2048, 1024>}, {transform_indices = @transform_4, window_bounds = array<i64: 256, 2048>}, {transform_indices = @transform_5, window_bounds = array<i64: 256, 2048>}]} {
    %get3A = arith.constant 0 : index
    %get3A_0 = arith.constant 0 : index
    %get3A_1 = vector.load %arg3[%get3A, %get3A_0] : memref<256x2048xf32, #tpu.memory_space<vmem>>, vector<256x2048xf32>
    %get3A_2 = arith.constant 0 : index
    %get3A_3 = arith.constant 0 : index
    %get3A_4 = arith.constant 0 : index
    %get3A_5 = vector.load %arg4[%get3A_2, %get3A_3, %get3A_4] : memref<1x1024x2048xf32, #tpu.memory_space<vmem>>, vector<1x1024x2048xf32>
    %get3A_6 = vector.shape_cast %get3A_5 : vector<1x1024x2048xf32> to vector<1024x2048xf32>
    %get3A_7 = arith.constant 0 : index
    %get3A_8 = arith.constant 0 : index
    %get3A_9 = arith.constant 0 : index
    %get3A_10 = vector.load %arg5[%get3A_7, %get3A_8, %get3A_9] : memref<1x1024x2048xf32, #tpu.memory_space<vmem>>, vector<1x1024x2048xf32>
    %get3A_11 = vector.shape_cast %get3A_10 : vector<1x1024x2048xf32> to vector<1024x2048xf32>
    %get3A_12 = arith.constant 0 : index
    %get3A_13 = arith.constant 0 : index
    %get3A_14 = arith.constant 0 : index
    %get3A_15 = vector.load %arg6[%get3A_12, %get3A_13, %get3A_14] : memref<1x2048x1024xf32, #tpu.memory_space<vmem>>, vector<1x2048x1024xf32>
    %get3A_16 = vector.shape_cast %get3A_15 : vector<1x2048x1024xf32> to vector<2048x1024xf32>
    %dot_general3A = arith.constant dense<0.000000e+00> : vector<256x1024xf32>
    %dot_general3A_17 = tpu.matmul %get3A_1, %get3A_6, %dot_general3A {dimension_numbers = #tpu.dot_dimension_numbers<[1], [1], [0], [0], [0, 0, 1, 0], [], []>, transpose_lhs_hint = false} : vector<256x2048xf32>, vector<1024x2048xf32>, vector<256x1024xf32> -> vector<256x1024xf32>
    %dot_general3A_18 = arith.constant dense<0.000000e+00> : vector<256x1024xf32>
    %dot_general3A_19 = tpu.matmul %get3A_1, %get3A_11, %dot_general3A_18 {dimension_numbers = #tpu.dot_dimension_numbers<[1], [1], [0], [0], [0, 0, 1, 0], [], []>, transpose_lhs_hint = false} : vector<256x2048xf32>, vector<1024x2048xf32>, vector<256x1024xf32> -> vector<256x1024xf32>
    %logistic3A = arith.negf %dot_general3A_17 : vector<256x1024xf32>
    %logistic3A_20 = math.exp %logistic3A : vector<256x1024xf32>
    %logistic3A_21 = arith.constant 1.000000e+00 : f32
    %logistic3A_22 = vector.broadcast %logistic3A_21 : f32 to vector<256x1024xf32>
    %logistic3A_23 = arith.addf %logistic3A_22, %logistic3A_20 : vector<256x1024xf32>
    %logistic3A_24 = arith.divf %logistic3A_22, %logistic3A_23 : vector<256x1024xf32>
    %mul3A = arith.mulf %dot_general3A_17, %logistic3A_24 : vector<256x1024xf32>
    %mul3A_25 = arith.mulf %mul3A, %dot_general3A_19 : vector<256x1024xf32>
    %dot_general3A_26 = arith.constant dense<0.000000e+00> : vector<256x2048xf32>
    %dot_general3A_27 = tpu.matmul %mul3A_25, %get3A_16, %dot_general3A_26 {dimension_numbers = #tpu.dot_dimension_numbers<[1], [1], [0], [0], [0, 0, 1, 0], [], []>, transpose_lhs_hint = false} : vector<256x1024xf32>, vector<2048x1024xf32>, vector<256x2048xf32> -> vector<256x2048xf32>
    %eq3A = arith.constant 0 : i32
    %eq3A_28 = arith.cmpi eq, %arg0, %eq3A : i32
    %convert_element_type3A = arith.extui %eq3A_28 : i1 to i32
    %cond3A = arith.constant 0 : i32
    %cond3A_29 = arith.cmpi ne, %convert_element_type3A, %cond3A : i32
    scf.if %cond3A_29 {
      %swap3A = arith.constant 0 : index
      %swap3A_34 = arith.constant 0 : index
      %swap3A_35 = vector.load %arg8[%swap3A, %swap3A_34] : memref<256x2048xf32, #tpu.memory_space<vmem>>, vector<256x2048xf32>
      tpu.vector_store %arg8[%swap3A, %swap3A_34], %dot_general3A_27 {strides = array<i32>} : memref<256x2048xf32, #tpu.memory_space<vmem>>, vector<256x2048xf32>,
    } else {
    }
    %ne3A = arith.constant 0 : i32
    %ne3A_30 = arith.cmpi ne, %arg0, %ne3A : i32
    %convert_element_type3A_31 = arith.extui %ne3A_30 : i1 to i32
    %cond3A_32 = arith.constant 0 : i32
    %cond3A_33 = arith.cmpi ne, %convert_element_type3A_31, %cond3A_32 : i32
    scf.if %cond3A_33 {
      %get3A_34 = arith.constant 0 : index
      %get3A_35 = arith.constant 0 : index
      %get3A_36 = vector.load %arg7[%get3A_34, %get3A_35] : memref<256x2048xf32, #tpu.memory_space<vmem>>, vector<256x2048xf32>
      %add3A = arith.addf %get3A_36, %dot_general3A_27 : vector<256x2048xf32>
      %swap3A = arith.constant 0 : index
      %swap3A_37 = arith.constant 0 : index
      %swap3A_38 = vector.load %arg8[%swap3A, %swap3A_37] : memref<256x2048xf32, #tpu.memory_space<vmem>>, vector<256x2048xf32>
      tpu.vector_store %arg8[%swap3A, %swap3A_37], %add3A {strides = array<i32>} : memref<256x2048xf32, #tpu.memory_space<vmem>>, vector<256x2048xf32>,
    } else {
    }
    return
  }
  func.func @transform_0(%arg0: i32, %arg1: i32, %arg2: memref<39xi32, #tpu.memory_space<smem>>) -> (i32, i32) {
    %c0_i32 = arith.constant 0 : i32
    %c0_i32_0 = arith.constant 0 : i32
    return %arg1, %c0_i32 : i32, i32
  }
  func.func @transform_1(%arg0: i32, %arg1: i32, %arg2: memref<39xi32, #tpu.memory_space<smem>>) -> (i32, i32, i32) {
    %get3A = arith.index_cast %arg1 : i32 to index
    %get3A_0 = memref.load %arg2[%get3A] : memref<39xi32, #tpu.memory_space<smem>>
    %c0_i32 = arith.constant 0 : i32
    %c0_i32_1 = arith.constant 0 : i32
    return %get3A_0, %arg0, %c0_i32 : i32, i32, i32
  }
  func.func @transform_2(%arg0: i32, %arg1: i32, %arg2: memref<39xi32, #tpu.memory_space<smem>>) -> (i32, i32, i32) {
    %get3A = arith.index_cast %arg1 : i32 to index
    %get3A_0 = memref.load %arg2[%get3A] : memref<39xi32, #tpu.memory_space<smem>>
    %c0_i32 = arith.constant 0 : i32
    %c0_i32_1 = arith.constant 0 : i32
    return %get3A_0, %arg0, %c0_i32 : i32, i32, i32
  }
  func.func @transform_3(%arg0: i32, %arg1: i32, %arg2: memref<39xi32, #tpu.memory_space<smem>>) -> (i32, i32, i32) {
    %get3A = arith.index_cast %arg1 : i32 to index
    %get3A_0 = memref.load %arg2[%get3A] : memref<39xi32, #tpu.memory_space<smem>>
    %c0_i32 = arith.constant 0 : i32
    %c0_i32_1 = arith.constant 0 : i32
    return %get3A_0, %c0_i32, %arg0 : i32, i32, i32
  }
  func.func @transform_4(%arg0: i32, %arg1: i32, %arg2: memref<39xi32, #tpu.memory_space<smem>>) -> (i32, i32) {
    %c0_i32 = arith.constant 0 : i32
    %c0_i32_0 = arith.constant 0 : i32
    return %arg1, %c0_i32 : i32, i32
  }
  func.func @transform_5(%arg0: i32, %arg1: i32, %arg2: memref<39xi32, #tpu.memory_space<smem>>) -> (i32, i32) {
    %c0_i32 = arith.constant 0 : i32
    %c0_i32_0 = arith.constant 0 : i32
    return %arg1, %c0_i32 : i32, i32
  }
}

module attributes {stable_mosaic.version = 14 : i64} {
  func.func @_wadd_body(%arg0: i32, %arg1: memref<512x2048xf32, #tpu.memory_space<vmem>>, %arg2: memref<512x2048xf32, #tpu.memory_space<vmem>>, %arg3: memref<512x1xf32, #tpu.memory_space<vmem>>, %arg4: memref<512x1xf32, #tpu.memory_space<vmem>>, %arg5: memref<512x2048xf32, #tpu.memory_space<vmem>>) attributes {dimension_semantics = [#tpu.dimension_semantics<arbitrary>], iteration_bounds = array<i64: 8>, scalar_prefetch = 0 : i64, scratch_operands = 0 : i64, tpu.core_type = #tpu.core_type<tc>, window_params = [{transform_indices = @transform_0, window_bounds = array<i64: 512, 2048>}, {transform_indices = @transform_1, window_bounds = array<i64: 512, 2048>}, {transform_indices = @transform_2, window_bounds = array<i64: 512, 1>}, {transform_indices = @transform_3, window_bounds = array<i64: 512, 1>}, {transform_indices = @transform_4, window_bounds = array<i64: 512, 2048>}]} {
    %get3A = arith.constant 0 : index
    %get3A_0 = arith.constant 0 : index
    %get3A_1 = vector.load %arg3[%get3A, %get3A_0] : memref<512x1xf32, #tpu.memory_space<vmem>>, vector<512x1xf32>
    %get3A_2 = arith.constant 0 : index
    %get3A_3 = arith.constant 0 : index
    %get3A_4 = vector.load %arg1[%get3A_2, %get3A_3] : memref<512x2048xf32, #tpu.memory_space<vmem>>, vector<512x2048xf32>
    %mul3A = vector.broadcast %get3A_1 : vector<512x1xf32> to vector<512x2048xf32>
    %mul3A_5 = arith.mulf %mul3A, %get3A_4 : vector<512x2048xf32>
    %get3A_6 = arith.constant 0 : index
    %get3A_7 = arith.constant 0 : index
    %get3A_8 = vector.load %arg4[%get3A_6, %get3A_7] : memref<512x1xf32, #tpu.memory_space<vmem>>, vector<512x1xf32>
    %get3A_9 = arith.constant 0 : index
    %get3A_10 = arith.constant 0 : index
    %get3A_11 = vector.load %arg2[%get3A_9, %get3A_10] : memref<512x2048xf32, #tpu.memory_space<vmem>>, vector<512x2048xf32>
    %mul3A_12 = vector.broadcast %get3A_8 : vector<512x1xf32> to vector<512x2048xf32>
    %mul3A_13 = arith.mulf %mul3A_12, %get3A_11 : vector<512x2048xf32>
    %add3A = arith.addf %mul3A_5, %mul3A_13 : vector<512x2048xf32>
    %swap3A = arith.constant 0 : index
    %swap3A_14 = arith.constant 0 : index
    %swap3A_15 = vector.load %arg5[%swap3A, %swap3A_14] : memref<512x2048xf32, #tpu.memory_space<vmem>>, vector<512x2048xf32>
    tpu.vector_store %arg5[%swap3A, %swap3A_14], %add3A {strides = array<i32>} : memref<512x2048xf32, #tpu.memory_space<vmem>>, vector<512x2048xf32>,
    return
  }
  func.func @transform_0(%arg0: i32) -> (i32, i32) {
    %c0_i32 = arith.constant 0 : i32
    %c0_i32_0 = arith.constant 0 : i32
    return %arg0, %c0_i32 : i32, i32
  }
  func.func @transform_1(%arg0: i32) -> (i32, i32) {
    %add3A = arith.constant 8 : i32
    %add3A_0 = arith.addi %add3A, %arg0 : i32
    %c0_i32 = arith.constant 0 : i32
    %c0_i32_1 = arith.constant 0 : i32
    return %add3A_0, %c0_i32 : i32, i32
  }
  func.func @transform_2(%arg0: i32) -> (i32, i32) {
    %c0_i32 = arith.constant 0 : i32
    %c0_i32_0 = arith.constant 0 : i32
    return %arg0, %c0_i32 : i32, i32
  }
  func.func @transform_3(%arg0: i32) -> (i32, i32) {
    %c0_i32 = arith.constant 0 : i32
    %c0_i32_0 = arith.constant 0 : i32
    return %arg0, %c0_i32 : i32, i32
  }
  func.func @transform_4(%arg0: i32) -> (i32, i32) {
    %c0_i32 = arith.constant 0 : i32
    %c0_i32_0 = arith.constant 0 : i32
    return %arg0, %c0_i32 : i32, i32
  }
}

</mosaic_0001>

<sc_bundles>
// kernel: kernel.11.cloned.1.call-start
scs
__scs_entry_jumppad:
0x0: {  	(pc) =	sbr.rel $0x88, $3  }
0x1: {  	(tag) =	ssettag $0x0;
	lr =	simm.s32 $0x1  }
0x2: {  	[smem:$0x3F9C] =	sst lr;
	_ =	strace $0xD0000000  }
0x3: {  	_ = 	snop  }
0x4: {  	_ = 	snop  }
0x5: {  	_ = 	snop  }
0x6: {  	_ = 	snop  }
0x7: {  	_ = 	snop  }
__scs_overlays_trampoline_lowered:
0x8: {  	[smem:$0x3FAB] =	sst s0  }
0x9: {  	[smem:$0x3FAC] =	sst s1  }
0xa: {  	[smem:$0x3FAD] =	sst s2  }
0xb: {  	[smem:$0x3FAE] =	sst s3  }
0xc: {  	[smem:$0x3FAF] =	sst s4  }
0xd: {  	[smem:$0x3FB0] =	sst s5  }
0xe: {  	[smem:$0x3FB1] =	sst s6  }
0xf: {  	[smem:$0x3FB2] =	sst s7  }
0x10: {  	[smem:$0x3FB3] =	sst s8  }
0x11: {  	[smem:$0x3FB4] =	sst s9;
	s0 =	simm.s32 @!p0 $0x0  }
0x12: {  	s1 =	sld [smem:$0x3F9A];
	s0 =	simm.s32 @p0 $0x1  }
0x13: {  	[smem:$0x3FB5] =	sst s0;
	s0 =	simm.s32 @!p1 $0x0  }
0x14: {  	s2 =	sld [smem:$0x3F99];
	s0 =	simm.s32 @p1 $0x1  }
0x15: {  	[smem:$0x3FB6] =	sst s0;
	s0 =	simm.s32 @!p2 $0x0  }
0x16: {  	s3 =	sld [smem:$0x3FDB];
	s0 =	simm.s32 @p2 $0x1  }
0x17: {  	s4 =	simm.s32 $0x1BF5;
	[smem:$0x3FB8] =	sst s0  }
0x18: {  	s0 =	sld [smem:$0x3F9B];
	_ =	swait.ge [sflag:s4], $0x0  }
0x19: {  	s7 =	sld [smem:$0x3F9C]  }
0x1a: {  	s8 =	sadd.s32 $0xFFFFE003, lr  }
0x1b: {  	s9 =	sadd.s32 $0xFFFFFEF7, lr;
	s5 =	simm.s32 $0xFFFFFFFF;
	p2 =	slt.u32 s8, $0xFFFFF086  }
0x1c: {  	p1 =	slt.u32 s9, $0xF7A;
	s5 =	simm.s32 @!p2 $0x0  }
0x1d: {  	s5 =	simm.s32 @p1 $0x1;
	p0 =	seq.s32 s7, s2  }
0x1e: {  	s7 =	smul.u32 @!p0 $0xF7A, s2;
	p2 =	seq.s32 @!p0 s5, $0x0  }
0x1f: {  	s9 =	smul.u32 $0xF7A, s1;
	s8 =	simm.s32 @!p0 $0x1BF5;
	p2 =	por !p2, p0  }
0x20: {  	[sflag:s8] =	ssyncset.s32 @!p0 $0xFFFFF086;
	s6 =	sadd.s32 @!p0 s3, s7;
	s7 =	simm.s32 @!p0 $0x108  }
0x21: {  	s3 =	sadd.s32 s3, s9;
	s6 =	sadd.s32 @!p0 $0x88, s6;
	s7 =	simm.s32 @p2 $0x1082  }
0x22: {  	[simem:s7], [sflag:s8] =	dma.local @!p0 [hbm:s6], $0xF7A  }
0x23: {  	s9 =	sor.u32 $0xD0000000, s2;
	s6 =	simm.s32 $0x108;
	_ =	swait.ge @!p0 [sflag:s8], $0x0  }
0x24: {  	s3 =	sadd.s32 $0x88, s3;
	s6 =	simm.s32 @!p1 $0x1082;
	[sflag:s4] =	ssyncset.s32 $0xFFFFF086  }
0x25: {  	[simem:s6], [sflag:s4] =	dma.local [hbm:s3], $0xF7A  }
0x26: {  	[smem:$0x3F9C] =	sst s1;
	(tag) =	ssettag s2;
	_ =	strace s9  }
0x27: {  	s1 =	sld [smem:$0x3FAC]  }
0x28: {  	s2 =	sld [smem:$0x3FAD]  }
0x29: {  	s4 =	sld [smem:$0x3FAF]  }
0x2a: {  	p0 =	seq.s32 s5, $0x0;
	s5 =	sld [smem:$0x3FB0]  }
0x2b: {  	s6 =	sld [smem:$0x3FB1]  }
0x2c: {  	s7 =	sld [smem:$0x3FB2]  }
0x2d: {  	s3 =	simm.s32 $0x108;
	s8 =	sld [smem:$0x3FB3]  }
0x2e: {  	s3 =	simm.s32 @!p0 $0x1082;
	s9 =	sld [smem:$0x3FB4]  }
0x2f: {  	lr =	sadd.s32 s0, s3;
	s0 =	sld [smem:$0x3FAB]  }
0x30: {  	s3 =	sld [smem:$0x3FAE]  }
0x31: {  	[smem:$0x3FB7] =	sst s10  }
0x32: {  	s10 =	sld [smem:$0x3FB5];
	_ =	sdelay $0x3  }
0x33: {  	p0 =	seq.s32 s10, $0x1;
	s10 =	sld [smem:$0x3FB7];
	_ =	sdelay $0x3  }
0x34: {  	[smem:$0x3FB7] =	sst s10  }
0x35: {  	s10 =	sld [smem:$0x3FB6];
	_ =	sdelay $0x3  }
0x36: {  	p1 =	seq.s32 s10, $0x1;
	s10 =	sld [smem:$0x3FB7];
	_ =	sdelay $0x3  }
0x37: {  	[smem:$0x3FB7] =	sst s10  }
0x38: {  	s10 =	sld [smem:$0x3FB8]  }
0x39: {  	_ = 	snop;
	(pc) =	sbr.ind lr, $3  }
0x3a: {  	_ = 	snop  }
0x3b: {  	_ = 	snop  }
0x3c: {  	p2 =	seq.s32 s10, $0x1;
	s10 =	sld [smem:$0x3FB7]  }
0x3d: {  	_ =	shalt  }
0x3e: {  	_ =	shalt  }
0x3f: {  	_ =	shalt  }
0x40: {  	_ =	shalt  }
0x41: {  	_ =	shalt  }
0x42: {  	_ =	shalt  }
0x43: {  	_ =	shalt  }
0x44: {  	_ =	shalt  }
0x45: {  	_ =	shalt  }
0x46: {  	_ =	shalt  }
0x47: {  	_ =	shalt  }
0x48: {  	_ =	shalt  }
0x49: {  	_ =	shalt  }
0x4a: {  	_ =	shalt  }
0x4b: {  	_ =	shalt  }
0x4c: {  	_ =	shalt  }
0x4d: {  	_ =	shalt  }
0x4e: {  	_ =	shalt  }
0x4f: {  	_ =	shalt  }
0x50: {  	_ =	shalt  }
0x51: {  	_ =	shalt  }
0x52: {  	_ =	shalt  }
0x53: {  	_ =	shalt  }
0x54: {  	_ =	shalt  }
0x55: {  	_ =	shalt  }
0x56: {  	_ =	shalt  }
0x57: {  	_ =	shalt  }
0x58: {  	_ =	shalt  }
0x59: {  	_ =	shalt  }
0x5a: {  	_ =	shalt  }
0x5b: {  	_ =	shalt  }
0x5c: {  	_ =	shalt  }
0x5d: {  	_ =	shalt  }
0x5e: {  	_ =	shalt  }
0x5f: {  	_ =	shalt  }
0x60: {  	_ =	shalt  }
0x61: {  	_ =	shalt  }
0x62: {  	_ =	shalt  }
0x63: {  	_ =	shalt  }
0x64: {  	_ =	shalt  }
0x65: {  	_ =	shalt  }
0x66: {  	_ =	shalt  }
0x67: {  	_ =	shalt  }
0x68: {  	_ =	shalt  }
0x69: {  	_ =	shalt  }
0x6a: {  	_ =	shalt  }
0x6b: {  	_ =	shalt  }
0x6c: {  	_ =	shalt  }
0x6d: {  	_ =	shalt  }
0x6e: {  	_ =	shalt  }
0x6f: {  	_ =	shalt  }
0x70: {  	_ =	shalt  }
0x71: {  	_ =	shalt  }
0x72: {  	_ =	shalt  }
0x73: {  	_ =	shalt  }
0x74: {  	_ =	shalt  }
0x75: {  	_ =	shalt  }
0x76: {  	_ =	shalt  }
0x77: {  	_ =	shalt  }
0x78: {  	_ =	shalt  }
0x79: {  	_ =	shalt  }
0x7a: {  	_ =	shalt  }
0x7b: {  	_ =	shalt  }
0x7c: {  	_ =	shalt  }
0x7d: {  	_ =	shalt  }
0x7e: {  	_ =	shalt  }
0x7f: {  	_ =	shalt  }
0x80: {  	_ =	shalt  }
0x81: {  	_ =	shalt  }
0x82: {  	_ =	shalt  }
0x83: {  	_ =	shalt  }
0x84: {  	_ =	shalt  }
0x85: {  	_ =	shalt  }
0x86: {  	_ =	shalt  }
0x87: {  	_ =	shalt  }
.Lfunc_end0:
.L_simem_size_0:
called_computation.1_lowered:
.L_overlay_start_0:
0x88: {  	s2 =	sld [smem:$0x3FD9]  }
0x89: {  	s3 =	sld [smem:$0x3FFE];
	_ =	sdelay $0x1  }
0x8a: {  	s1 =	srdreg.scid  }
0x8b: {  	s0 =	sand.u32 $0x1, s1  }
0x8c: {  	s16 =	sshll.u32 s0, $0xA;
	s2 =	sadd.s32 s3, s2  }
0x8d: {  	s2 =	sadd.s32 s2, s16  }
0x8e: {  	[smem:$0x3FC3] =	sst s2  }
0x8f: {  	_ = 	snop  }
0x90: {  	(tm) =	ssettm $0x1  }
0x91: {  	s17 =	sld [smem:$0x3FFB];
	_ =	sdelay $0x3  }
0x92: {  	_ =	strace s17  }
0x93: {  	s2 =	sld [smem:$0x3FFC];
	_ =	sdelay $0x3  }
0x94: {  	_ =	strace s2  }
0x95: {  	s2 =	sld [smem:$0x3FFD];
	_ =	sdelay $0x3  }
0x96: {  	_ =	strace s2  }
0x97: {  	_ =	strace $0x8FFFFFFF  }
0x98: {  	s18 =	sld [smem:$0x3FDB];
	_ =	sdelay $0x1  }
0x99: {  	s19 =	simm.s32 $_scs_section_size  }
0x9a: {  	s4 =	simm.s32 $_size__tile_overlayer_lowered;
	s5 =	simm.s32 $_tile_overlayer_lowered  }
0x9b: {  	s22 =	simm.s32 $0x1BFF;
	s21 =	sshll.u32 s5, $0x1;
	s2 =	sadd.s32 s19, s18  }
0x9c: {  	s6 =	simm.s32 $0x0;
	s20 =	sshll.u32 s4, $0x1;
	s4 =	sadd.s32 s21, s2  }
0x9d: {  	[timem:s6], [sflag:s22] =	dma.local [hbm:s4], s20  }
0x9e: {  	_ =	swait.ge [sflag:s22], s20  }
0x9f: {  	s3 =	ssub.s32 $0x0, s20;
	[sflag:s22] =	ssyncset.done $0x0  }
0xa0: {  	[sflag:s22] =	ssyncadd.s32 s3;
	_ =	sdelay $0x1  }
0xa1: {  	s23 =	simm.s32 $0x1B8B  }
0xa2: {  	_ =	swait.ge [sflag:s23], $0x1  }
0xa3: {  	[sflag:s23] =	ssyncset.done $0x0  }
0xa4: {  	s25 =	simm.s32 $0x1B8E;
	s24 =	sld [smem:$0x3FFE];
	[sflag:s23] =	ssyncadd.s32 $0xFFFFFFFF  }
0xa5: {  	s26 =	simm.s32 $execute0_lowered;
	[smem:$0x3FD2] =	sst s25  }
0xa6: {  	s4 =	sshll.u32 s26, $0x1;
	_ =	strace $0x80000049;
	[dreg:$0x1] =	wrdreg $0xFFFFFFFF  }
0xa7: {  	s28 =	simm.s32 $_size_execute0_lowered;
	s2 =	sadd.s32 s2, s4;
	[dreg:$0x0] =	wrdreg $0x0  }
0xa8: {  	s4 =	sshll.u32 s28, $0x1;
	[dreg:$0x2] =	wrdreg s2  }
0xa9: {  	[dreg:$0x3] =	wrdreg s4  }
0xaa: {  	[dreg:$0x4] =	wrdreg $0xC0  }
0xab: {  	_ =	task [dreg:s6], $0x5FFFF  }
0xac: {  	[dreg:$0x1] =	wrdreg $0xFFFFFFFF  }
0xad: {  	[dreg:$0x0] =	wrdreg $0x60  }
0xae: {  	[dreg:$0x2] =	wrdreg s24  }
0xaf: {  	[dreg:$0x3] =	wrdreg $0x9  }
0xb0: {  	_ =	task.clear_ibuf [dreg:s6], $0x4FFFF;
	_ =	strace $0x90000049  }
0xb1: {  	s29 =	simm.s32 $0x9;
	_ =	strace $0x8000004B  }
0xb2: {  	_ =	swait.ge [sflag:s29], $0x1  }
0xb3: {  	[sflag:s29] =	ssyncadd.s32 $0xFFFFFFFF  }
0xb4: {  	_ =	strace $0x9000004B  }
0xb5: {  	_ =	sfence  }
0xb6: {  	s30 =	sld [smem:$0x0];
	_ =	sdelay $0x2  }
0xb7: {  	s31 =	sshll.u32 s1, $0xD;
	s1 =	sshrl.u32 s1, $0x2  }
0xb8: {  	s3 =	sand.u32 $0x4000, s31;
	s1 =	sadd.s32 s1, s30  }
0xb9: {  	s0 =	sor.u32 s3, s0;
	s1 =	sshll.u32 s1, $0x11  }
0xba: {  	s0 =	sor.u32 s1, s0  }
0xbb: {  	s0 =	sadd.s32 $0x8F2B, s0  }
0xbc: {  	[sflag:s0] =	ssyncadd.remote.s32 $0x1  }
0xbd: {  	_ =	sfence.sel $0xFFFF  }
0xbe: {  	[dreg:$0x0] =	wrdreg $0xFFFFFFFF;
	(pc) =	sbr.abs _section_cstart, $3  }
0xbf: {  	[dreg:$0x1] =	wrdreg $0xFFFFFFFF  }
0xc0: {  	_ =	task.clear_ibuf [dreg:s6], $0x2FFFF;
	_ =	strace $0x9FFFFFFF  }
0xc1: {  	(tm) =	ssettm $0x7FFFFFFF  }
tec
execute0_lowered:
.L_overlay_start_1:
0x0: {  	(tag) =	ssettag $0x1  }
0x1: {  	s0 =	srdreg.scid;
	s2 =	stileid.u32  }
0x2: {  	s0 =	sand.u32 $0x1, s0;
	s3 =	sshll.u32 s2, $0x1  }
0x3: {  	s1 =	rddreg [dreg:$0x0];
	s2 =	simm.s32 $0x0;
	s3 =	sor.u32 s0, s3  }
0x4: {  	[smem:$0x7FF] =	sst s2;
	s4 =	sshll.u32 s3, $0x7  }
0x5: {  	s31 =	simm.s32 $0x400;
	_ =	strace $0x8000004A;
	s4 =	sadd.s32 s4, s1  }
0x6: {  	s3 =	sshll.u32 s3, $0xF;
	[dreg:$0x14] =	wrdreg s31;
	s5 =	sadd.s32 $0x284A00, s4  }
0x7: {  	s11 =	sadd.s32 s3, s1;
	s16 =	sadd.s32 $0x283A00, s4;
	[dreg:$0x2] =	wrdreg s5  }
0x8: {  	s17 =	sadd.s32 $0x11800, s11;
	[dreg:$0x3] =	wrdreg s16  }
0x9: {  	s18 =	sadd.s32 $0x111800, s11;
	[dreg:$0x4] =	wrdreg s17  }
0xa: {  	s19 =	sadd.s32 $0x12800, s11;
	[dreg:$0x5] =	wrdreg s18  }
0xb: {  	s20 =	sadd.s32 $0x112800, s11;
	[dreg:$0x6] =	wrdreg s19  }
0xc: {  	s13 =	simm.s32 $0x800;
	s21 =	sadd.s32 $0x13800, s11;
	[dreg:$0x7] =	wrdreg s20  }
0xd: {  	s30 =	simm.s32 $0x8800;
	s22 =	sadd.s32 $0x113800, s11;
	[dreg:$0x8] =	wrdreg s21  }
0xe: {  	s28 =	simm.s32 $0x2;
	s23 =	sadd.s32 $0x14800, s11;
	[dreg:$0x9] =	wrdreg s22  }
0xf: {  	s0 =	ssub.s32 $0x2, s0;
	s25 =	sadd.s32 $0x114800, s11;
	[dreg:$0xa] =	wrdreg s23  }
0x10: {  	s24 =	sshrl.u32 s0, $0x1;
	s26 =	sadd.s32 $0x15800, s11;
	[dreg:$0xb] =	wrdreg s25  }
0x11: {  	s3 =	sadd.s32 $0x285A00, s1;
	s6 =	sadd.s32 $0x115800, s11;
	[dreg:$0xc] =	wrdreg s26  }
0x12: {  	s0 =	ssub.s32 s0, s24;
	s7 =	sadd.s32 $0x16800, s11;
	[dreg:$0xd] =	wrdreg s6  }
0x13: {  	s4 =	sadd.s32 $0x285B00, s1;
	s8 =	sadd.s32 $0x116800, s11;
	[dreg:$0xe] =	wrdreg s7  }
0x14: {  	s9 =	sadd.s32 $0x17800, s11;
	s10 =	sadd.s32 $0x117800, s11;
	[dreg:$0xf] =	wrdreg s8  }
0x15: {  	s12 =	sadd.s32 $0x18800, s11;
	s29 =	sadd.s32 $0x118800, s11;
	[dreg:$0x10] =	wrdreg s9  }
0x16: {  	s5 =	sadd.s32 $0x285C00, s1;
	s6 =	sadd.s32 $0x285D00, s1;
	[dreg:$0x11] =	wrdreg s10  }
0x17: {  	v2 =	vlaneseq.u32;
	s7 =	sadd.s32 $0x285E00, s1;
	s8 =	sadd.s32 $0x285F00, s1;
	[dreg:$0x12] =	wrdreg s12  }
0x18: {  	vm0 =	vmmov $0xffff;
	v1 =	vshrl.u32 v2, $0x3;
	s9 =	sadd.s32 $0x286000, s1;
	s10 =	sadd.s32 $0x286100, s1;
	[dreg:$0x13] =	wrdreg s29  }
0x19: {  	v0 =	vand.u32 $0x7, v2;
	v2 =	vor.u32 $0x8, v2;
	v1 =	vmul.u32 $0x8, v1;
	s22 =	smax.u32 s0, $0x1;
	s12 =	simm.s32 $0x3;
	s26 =	simm.s32 $0x1  }
.LBB2_1:
0x1a: {  	s29 =	rddreg [dreg:$0x2]  }
0x1b: {  	[tilespmem:s2], [sflag:$0x3] =	stream.linear.gather [hbm4b:s29+s2], $0x400, $0x38;
	[tilespmem:$0x10800] =	vst v63  }
0x1c: {  	_ =	swait.ge [sflag:s12], $0x400  }
0x1d: {  	s1 =	rddreg [dreg:$0x3];
	[sflag:s12] =	ssyncset.done $0x0  }
0x1e: {  	s31 =	rddreg [dreg:$0x14];
	[sflag:s12] =	ssyncadd.s32 $0xFFFFFC00  }
0x1f: {  	[tilespmem:s31], [sflag:$0x3] =	stream.linear.gather [hbm4b:s1+s2], $0x400, $0x38;
	[tilespmem:$0x10800] =	vst v63  }
0x20: {  	_ =	swait.ge [sflag:s12], $0x400  }
0x21: {  	[sflag:s12] =	ssyncset.done $0x0  }
0x22: {  	[sflag:s12] =	ssyncadd.s32 $0xFFFFFC00  }
0x23: {  	v3 =	vld [tilespmem:$0x0];
	_ =	sdelay $0x4  }
0x24: {  	v4 =	vshll.u32 v3, $0x4  }
0x25: {  	v3 =	vand.u32 $0x7, v3;
	v4 =	vand.u32 $0xFFFFFF80, v4  }
0x26: {  	v3 =	vor.u32 v3, v4  }
0x27: {  	v4 =	vperm.xlane v3, v0;
	_ =	sdelay $0x1  }
0x28: {  	v4 =	vadd.s32 v1, v4;
	_ =	sdelay $0x4  }
0x29: {  	[tilespmem:s13], [sflag:$0x1] =	stream.indirect_vreg.gather [hbm4b:s3+s2], $0x80, v4, vm0, $0xb8;
	[tilespmem:$0x10800] =	vst v63  }
0x2a: {  	s0 =	simm.s32 $0x1000  }
0x2b: {  	[tilespmem:s0], [sflag:$0x1] =	stream.indirect_vreg.gather [hbm4b:s4+s2], $0x80, v4, vm0, $0xb8;
	[tilespmem:$0x10800] =	vst v63  }
0x2c: {  	s11 =	simm.s32 $0x1800  }
0x2d: {  	[tilespmem:s11], [sflag:$0x1] =	stream.indirect_vreg.gather [hbm4b:s5+s2], $0x80, v4, vm0, $0xb8;
	[tilespmem:$0x10800] =	vst v63  }
0x2e: {  	s14 =	simm.s32 $0x2000  }
0x2f: {  	[tilespmem:s14], [sflag:$0x1] =	stream.indirect_vreg.gather [hbm4b:s6+s2], $0x80, v4, vm0, $0xb8;
	[tilespmem:$0x10800] =	vst v63  }
0x30: {  	s15 =	simm.s32 $0x2800  }
0x31: {  	[tilespmem:s15], [sflag:$0x1] =	stream.indirect_vreg.gather [hbm4b:s7+s2], $0x80, v4, vm0, $0xb8;
	[tilespmem:$0x10800] =	vst v63  }
0x32: {  	s16 =	simm.s32 $0x3000;
	v3 =	vperm.xlane v3, v2  }
0x33: {  	[tilespmem:s16], [sflag:$0x1] =	stream.indirect_vreg.gather [hbm4b:s8+s2], $0x80, v4, vm0, $0xb8;
	[tilespmem:$0x10800] =	vst v63  }
0x34: {  	s17 =	simm.s32 $0x3800;
	v3 =	vadd.s32 v1, v3  }
0x35: {  	[tilespmem:s17], [sflag:$0x1] =	stream.indirect_vreg.gather [hbm4b:s9+s2], $0x80, v4, vm0, $0xb8;
	[tilespmem:$0x10800] =	vst v63  }
0x36: {  	s18 =	simm.s32 $0x4000  }
0x37: {  	[tilespmem:s18], [sflag:$0x1] =	stream.indirect_vreg.gather [hbm4b:s10+s2], $0x80, v4, vm0, $0xb8;
	[tilespmem:$0x10800] =	vst v63  }
0x38: {  	s19 =	simm.s32 $0x4800  }
0x39: {  	[tilespmem:s19], [sflag:$0x1] =	stream.indirect_vreg.gather [hbm4b:s3+s2], $0x80, v3, vm0, $0xb8;
	[tilespmem:$0x10800] =	vst v63  }
0x3a: {  	s20 =	simm.s32 $0x5000  }
0x3b: {  	[tilespmem:s20], [sflag:$0x1] =	stream.indirect_vreg.gather [hbm4b:s4+s2], $0x80, v3, vm0, $0xb8;
	[tilespmem:$0x10800] =	vst v63  }
0x3c: {  	s21 =	simm.s32 $0x5800  }
0x3d: {  	[tilespmem:s21], [sflag:$0x1] =	stream.indirect_vreg.gather [hbm4b:s5+s2], $0x80, v3, vm0, $0xb8;
	[tilespmem:$0x10800] =	vst v63  }
0x3e: {  	s23 =	simm.s32 $0x6000  }
0x3f: {  	[tilespmem:s23], [sflag:$0x1] =	stream.indirect_vreg.gather [hbm4b:s6+s2], $0x80, v3, vm0, $0xb8;
	[tilespmem:$0x10800] =	vst v63  }
0x40: {  	s24 =	simm.s32 $0x6800  }
0x41: {  	[tilespmem:s24], [sflag:$0x1] =	stream.indirect_vreg.gather [hbm4b:s7+s2], $0x80, v3, vm0, $0xb8;
	[tilespmem:$0x10800] =	vst v63  }
0x42: {  	s25 =	simm.s32 $0x7000  }
0x43: {  	[tilespmem:s25], [sflag:$0x1] =	stream.indirect_vreg.gather [hbm4b:s8+s2], $0x80, v3, vm0, $0xb8;
	[tilespmem:$0x10800] =	vst v63  }
0x44: {  	s29 =	simm.s32 $0x7800  }
0x45: {  	[tilespmem:s29], [sflag:$0x1] =	stream.indirect_vreg.gather [hbm4b:s9+s2], $0x80, v3, vm0, $0xb8;
	[tilespmem:$0x10800] =	vst v63  }
0x46: {  	s31 =	simm.s32 $0x8000  }
0x47: {  	[tilespmem:s31], [sflag:$0x1] =	stream.indirect_vreg.gather [hbm4b:s10+s2], $0x80, v3, vm0, $0xb8;
	[tilespmem:$0x10800] =	vst v63  }
0x48: {  	v3 =	vld [tilespmem:$0x400];
	_ =	sdelay $0x4  }
0x49: {  	v49 =	vshll.u32 v3, $0x4  }
0x4a: {  	v3 =	vand.u32 $0x7, v3;
	v4 =	vand.u32 $0xFFFFFF80, v49  }
0x4b: {  	v3 =	vor.u32 v3, v4  }
0x4c: {  	v4 =	vperm.xlane v3, v0;
	_ =	sdelay $0x1  }
0x4d: {  	v4 =	vadd.s32 v1, v4;
	_ =	sdelay $0x4  }
0x4e: {  	[tilespmem:s30], [sflag:$0x2] =	stream.indirect_vreg.gather [hbm4b:s3+s2], $0x80, v4, vm0, $0xb8;
	[tilespmem:$0x10800] =	vst v63  }
0x4f: {  	s0 =	simm.s32 $0x9000  }
0x50: {  	[tilespmem:s0], [sflag:$0x2] =	stream.indirect_vreg.gather [hbm4b:s4+s2], $0x80, v4, vm0, $0xb8;
	[tilespmem:$0x10800] =	vst v63  }
0x51: {  	s15 =	simm.s32 $0x9800  }
0x52: {  	[tilespmem:s15], [sflag:$0x2] =	stream.indirect_vreg.gather [hbm4b:s5+s2], $0x80, v4, vm0, $0xb8;
	[tilespmem:$0x10800] =	vst v63  }
0x53: {  	s16 =	simm.s32 $0xA000  }
0x54: {  	[tilespmem:s16], [sflag:$0x2] =	stream.indirect_vreg.gather [hbm4b:s6+s2], $0x80, v4, vm0, $0xb8;
	[tilespmem:$0x10800] =	vst v63  }
0x55: {  	s17 =	simm.s32 $0xA800  }
0x56: {  	[tilespmem:s17], [sflag:$0x2] =	stream.indirect_vreg.gather [hbm4b:s7+s2], $0x80, v4, vm0, $0xb8;
	[tilespmem:$0x10800] =	vst v63  }
0x57: {  	s18 =	simm.s32 $0xB000;
	v3 =	vperm.xlane v3, v2  }
0x58: {  	[tilespmem:s18], [sflag:$0x2] =	stream.indirect_vreg.gather [hbm4b:s8+s2], $0x80, v4, vm0, $0xb8;
	[tilespmem:$0x10800] =	vst v63  }
0x59: {  	s19 =	simm.s32 $0xB800;
	v3 =	vadd.s32 v1, v3  }
0x5a: {  	[tilespmem:s19], [sflag:$0x2] =	stream.indirect_vreg.gather [hbm4b:s9+s2], $0x80, v4, vm0, $0xb8;
	[tilespmem:$0x10800] =	vst v63  }
0x5b: {  	s20 =	simm.s32 $0xC000  }
0x5c: {  	[tilespmem:s20], [sflag:$0x2] =	stream.indirect_vreg.gather [hbm4b:s10+s2], $0x80, v4, vm0, $0xb8;
	[tilespmem:$0x10800] =	vst v63  }
0x5d: {  	s21 =	simm.s32 $0xC800  }
0x5e: {  	[tilespmem:s21], [sflag:$0x2] =	stream.indirect_vreg.gather [hbm4b:s3+s2], $0x80, v3, vm0, $0xb8;
	[tilespmem:$0x10800] =	vst v63  }
0x5f: {  	s25 =	simm.s32 $0xD000  }
0x60: {  	[tilespmem:s25], [sflag:$0x2] =	stream.indirect_vreg.gather [hbm4b:s4+s2], $0x80, v3, vm0, $0xb8;
	[tilespmem:$0x10800] =	vst v63  }
0x61: {  	s0 =	simm.s32 $0xD800  }
0x62: {  	[tilespmem:s0], [sflag:$0x2] =	stream.indirect_vreg.gather [hbm4b:s5+s2], $0x80, v3, vm0, $0xb8;
	[tilespmem:$0x10800] =	vst v63  }
0x63: {  	s15 =	simm.s32 $0xE000  }
0x64: {  	[tilespmem:s15], [sflag:$0x2] =	stream.indirect_vreg.gather [hbm4b:s6+s2], $0x80, v3, vm0, $0xb8;
	[tilespmem:$0x10800] =	vst v63  }
0x65: {  	s16 =	simm.s32 $0xE800  }
0x66: {  	[tilespmem:s16], [sflag:$0x2] =	stream.indirect_vreg.gather [hbm4b:s7+s2], $0x80, v3, vm0, $0xb8;
	[tilespmem:$0x10800] =	vst v63  }
0x67: {  	s17 =	simm.s32 $0xF000  }
0x68: {  	[tilespmem:s17], [sflag:$0x2] =	stream.indirect_vreg.gather [hbm4b:s8+s2], $0x80, v3, vm0, $0xb8;
	[tilespmem:$0x10800] =	vst v63  }
0x69: {  	s18 =	simm.s32 $0xF800  }
0x6a: {  	[tilespmem:s18], [sflag:$0x2] =	stream.indirect_vreg.gather [hbm4b:s9+s2], $0x80, v3, vm0, $0xb8;
	[tilespmem:$0x10800] =	vst v63  }
0x6b: {  	s19 =	simm.s32 $0x10000  }
0x6c: {  	[tilespmem:s19], [sflag:$0x2] =	stream.indirect_vreg.gather [hbm4b:s10+s2], $0x80, v3, vm0, $0xb8;
	[tilespmem:$0x10800] =	vst v63  }
0x6d: {  	_ =	swait.ge [sflag:s26], $0x8000  }
0x6e: {  	[sflag:s26] =	ssyncset.done $0x0  }
0x6f: {  	s20 =	rddreg [dreg:$0x4];
	[sflag:s26] =	ssyncadd.s32 $0xFFFF8000  }
0x70: {  	[hbm4b:s20+s2] =	stream.linear.scatter [tilespmem:s13], [sflag:$0x3], $0x8000, $0x38;
	[tilespmem:$0x10800] =	vst v63  }
0x71: {  	_ =	swait.ge [sflag:s12], $0x8000  }
0x72: {  	[sflag:s12] =	ssyncset.done $0x0  }
0x73: {  	[sflag:s12] =	ssyncadd.s32 $0xFFFF8000  }
0x74: {  	_ =	swait.ge [sflag:s28], $0x8000  }
0x75: {  	[sflag:s28] =	ssyncset.done $0x0  }
0x76: {  	s21 =	rddreg [dreg:$0x5];
	[sflag:s28] =	ssyncadd.s32 $0xFFFF8000  }
0x77: {  	[hbm4b:s21+s2] =	stream.linear.scatter [tilespmem:s30], [sflag:$0x3], $0x8000, $0x38;
	[tilespmem:$0x10800] =	vst v63  }
0x78: {  	_ =	swait.ge [sflag:s12], $0x8000  }
0x79: {  	[sflag:s12] =	ssyncset.done $0x0  }
0x7a: {  	[sflag:s12] =	ssyncadd.s32 $0xFFFF8000  }
0x7b: {  	v3 =	vld [tilespmem:$0x80];
	_ =	sdelay $0x4  }
0x7c: {  	v50 =	vshll.u32 v3, $0x4  }
0x7d: {  	v3 =	vand.u32 $0x7, v3;
	v4 =	vand.u32 $0xFFFFFF80, v50  }
0x7e: {  	v3 =	vor.u32 v3, v4  }
0x7f: {  	v4 =	vperm.xlane v3, v0;
	_ =	sdelay $0x1  }
0x80: {  	v4 =	vadd.s32 v1, v4;
	_ =	sdelay $0x4  }
0x81: {  	[tilespmem:s13], [sflag:$0x1] =	stream.indirect_vreg.gather [hbm4b:s3+s2], $0x80, v4, vm0, $0xb8;
	[tilespmem:$0x10800] =	vst v63  }
0x82: {  	s1 =	simm.s32 $0x1000  }
0x83: {  	[tilespmem:s1], [sflag:$0x1] =	stream.indirect_vreg.gather [hbm4b:s4+s2], $0x80, v4, vm0, $0xb8;
	[tilespmem:$0x10800] =	vst v63  }
0x84: {  	s1 =	simm.s32 $0x1800  }
0x85: {  	[tilespmem:s1], [sflag:$0x1] =	stream.indirect_vreg.gather [hbm4b:s5+s2], $0x80, v4, vm0, $0xb8;
	[tilespmem:$0x10800] =	vst v63  }
0x86: {  	s0 =	simm.s32 $0x2000  }
0x87: {  	[tilespmem:s0], [sflag:$0x1] =	stream.indirect_vreg.gather [hbm4b:s6+s2], $0x80, v4, vm0, $0xb8;
	[tilespmem:$0x10800] =	vst v63  }
0x88: {  	s11 =	simm.s32 $0x2800  }
0x89: {  	[tilespmem:s11], [sflag:$0x1] =	stream.indirect_vreg.gather [hbm4b:s7+s2], $0x80, v4, vm0, $0xb8;
	[tilespmem:$0x10800] =	vst v63  }
0x8a: {  	s14 =	simm.s32 $0x3000;
	v3 =	vperm.xlane v3, v2  }
0x8b: {  	[tilespmem:s14], [sflag:$0x1] =	stream.indirect_vreg.gather [hbm4b:s8+s2], $0x80, v4, vm0, $0xb8;
	[tilespmem:$0x10800] =	vst v63  }
0x8c: {  	v3 =	vadd.s32 v1, v3;
	s11 =	simm.s32 $0x3800  }
0x8d: {  	[tilespmem:s11], [sflag:$0x1] =	stream.indirect_vreg.gather [hbm4b:s9+s2], $0x80, v4, vm0, $0xb8;
	[tilespmem:$0x10800] =	vst v63  }
0x8e: {  	s14 =	simm.s32 $0x4000  }
0x8f: {  	[tilespmem:s14], [sflag:$0x1] =	stream.indirect_vreg.gather [hbm4b:s10+s2], $0x80, v4, vm0, $0xb8;
	[tilespmem:$0x10800] =	vst v63  }
0x90: {  	s15 =	simm.s32 $0x4800  }
0x91: {  	[tilespmem:s15], [sflag:$0x1] =	stream.indirect_vreg.gather [hbm4b:s3+s2], $0x80, v3, vm0, $0xb8;
	[tilespmem:$0x10800] =	vst v63  }
0x92: {  	s16 =	simm.s32 $0x5000  }
0x93: {  	[tilespmem:s16], [sflag:$0x1] =	stream.indirect_vreg.gather [hbm4b:s4+s2], $0x80, v3, vm0, $0xb8;
	[tilespmem:$0x10800] =	vst v63  }
0x94: {  	s17 =	simm.s32 $0x5800  }
0x95: {  	[tilespmem:s17], [sflag:$0x1] =	stream.indirect_vreg.gather [hbm4b:s5+s2], $0x80, v3, vm0, $0xb8;
	[tilespmem:$0x10800] =	vst v63  }
0x96: {  	s18 =	simm.s32 $0x6000  }
0x97: {  	[tilespmem:s18], [sflag:$0x1] =	stream.indirect_vreg.gather [hbm4b:s6+s2], $0x80, v3, vm0, $0xb8;
	[tilespmem:$0x10800] =	vst v63  }
0x98: {  	s19 =	simm.s32 $0x6800  }
0x99: {  	[tilespmem:s19], [sflag:$0x1] =	stream.indirect_vreg.gather [hbm4b:s7+s2], $0x80, v3, vm0, $0xb8;
	[tilespmem:$0x10800] =	vst v63  }
0x9a: {  	s20 =	simm.s32 $0x7000  }
0x9b: {  	[tilespmem:s20], [sflag:$0x1] =	stream.indirect_vreg.gather [hbm4b:s8+s2], $0x80, v3, vm0, $0xb8;
	[tilespmem:$0x10800] =	vst v63  }
0x9c: {  	s21 =	simm.s32 $0x7800  }
0x9d: {  	[tilespmem:s21], [sflag:$0x1] =	stream.indirect_vreg.gather [hbm4b:s9+s2], $0x80, v3, vm0, $0xb8;
	[tilespmem:$0x10800] =	vst v63  }
0x9e: {  	s31 =	simm.s32 $0x8000  }
0x9f: {  	[tilespmem:s31], [sflag:$0x1] =	stream.indirect_vreg.gather [hbm4b:s10+s2], $0x80, v3, vm0, $0xb8;
	[tilespmem:$0x10800] =	vst v63  }
0xa0: {  	v3 =	vld [tilespmem:$0x480];
	_ =	sdelay $0x4  }
0xa1: {  	v51 =	vshll.u32 v3, $0x4  }
0xa2: {  	v3 =	vand.u32 $0x7, v3;
	v4 =	vand.u32 $0xFFFFFF80, v51  }
0xa3: {  	v3 =	vor.u32 v3, v4  }
0xa4: {  	v4 =	vperm.xlane v3, v0;
	_ =	sdelay $0x1  }
0xa5: {  	v4 =	vadd.s32 v1, v4;
	_ =	sdelay $0x4  }
0xa6: {  	[tilespmem:s30], [sflag:$0x2] =	stream.indirect_vreg.gather [hbm4b:s3+s2], $0x80, v4, vm0, $0xb8;
	[tilespmem:$0x10800] =	vst v63  }
0xa7: {  	s31 =	simm.s32 $0x9000  }
0xa8: {  	[tilespmem:s31], [sflag:$0x2] =	stream.indirect_vreg.gather [hbm4b:s4+s2], $0x80, v4, vm0, $0xb8;
	[tilespmem:$0x10800] =	vst v63  }
0xa9: {  	s29 =	simm.s32 $0x9800  }
0xaa: {  	[tilespmem:s29], [sflag:$0x2] =	stream.indirect_vreg.gather [hbm4b:s5+s2], $0x80, v4, vm0, $0xb8;
	[tilespmem:$0x10800] =	vst v63  }
0xab: {  	s29 =	simm.s32 $0xA000  }
0xac: {  	[tilespmem:s29], [sflag:$0x2] =	stream.indirect_vreg.gather [hbm4b:s6+s2], $0x80, v4, vm0, $0xb8;
	[tilespmem:$0x10800] =	vst v63  }
0xad: {  	s23 =	simm.s32 $0xA800  }
0xae: {  	[tilespmem:s23], [sflag:$0x2] =	stream.indirect_vreg.gather [hbm4b:s7+s2], $0x80, v4, vm0, $0xb8;
	[tilespmem:$0x10800] =	vst v63  }
0xaf: {  	s24 =	simm.s32 $0xB000;
	v3 =	vperm.xlane v3, v2  }
0xb0: {  	[tilespmem:s24], [sflag:$0x2] =	stream.indirect_vreg.gather [hbm4b:s8+s2], $0x80, v4, vm0, $0xb8;
	[tilespmem:$0x10800] =	vst v63  }
0xb1: {  	v3 =	vadd.s32 v1, v3;
	s24 =	simm.s32 $0xB800  }
0xb2: {  	[tilespmem:s24], [sflag:$0x2] =	stream.indirect_vreg.gather [hbm4b:s9+s2], $0x80, v4, vm0, $0xb8;
	[tilespmem:$0x10800] =	vst v63  }
0xb3: {  	s29 =	simm.s32 $0xC000  }
0xb4: {  	[tilespmem:s29], [sflag:$0x2] =	stream.indirect_vreg.gather [hbm4b:s10+s2], $0x80, v4, vm0, $0xb8;
	[tilespmem:$0x10800] =	vst v63  }
0xb5: {  	s29 =	simm.s32 $0xC800  }
0xb6: {  	[tilespmem:s29], [sflag:$0x2] =	stream.indirect_vreg.gather [hbm4b:s3+s2], $0x80, v3, vm0, $0xb8;
	[tilespmem:$0x10800] =	vst v63  }
0xb7: {  	s29 =	simm.s32 $0xD000  }
0xb8: {  	[tilespmem:s29], [sflag:$0x2] =	stream.indirect_vreg.gather [hbm4b:s4+s2], $0x80, v3, vm0, $0xb8;
	[tilespmem:$0x10800] =	vst v63  }
0xb9: {  	s29 =	simm.s32 $0xD800  }
0xba: {  	[tilespmem:s29], [sflag:$0x2] =	stream.indirect_vreg.gather [hbm4b:s5+s2], $0x80, v3, vm0, $0xb8;
	[tilespmem:$0x10800] =	vst v63  }
0xbb: {  	s29 =	simm.s32 $0xE000  }
0xbc: {  	[tilespmem:s29], [sflag:$0x2] =	stream.indirect_vreg.gather [hbm4b:s6+s2], $0x80, v3, vm0, $0xb8;
	[tilespmem:$0x10800] =	vst v63  }
0xbd: {  	s29 =	simm.s32 $0xE800  }
0xbe: {  	[tilespmem:s29], [sflag:$0x2] =	stream.indirect_vreg.gather [hbm4b:s7+s2], $0x80, v3, vm0, $0xb8;
	[tilespmem:$0x10800] =	vst v63  }
0xbf: {  	s29 =	simm.s32 $0xF000  }
0xc0: {  	[tilespmem:s29], [sflag:$0x2] =	stream.indirect_vreg.gather [hbm4b:s8+s2], $0x80, v3, vm0, $0xb8;
	[tilespmem:$0x10800] =	vst v63  }
0xc1: {  	s29 =	simm.s32 $0xF800  }
0xc2: {  	[tilespmem:s29], [sflag:$0x2] =	stream.indirect_vreg.gather [hbm4b:s9+s2], $0x80, v3, vm0, $0xb8;
	[tilespmem:$0x10800] =	vst v63  }
0xc3: {  	s25 =	simm.s32 $0x10000  }
0xc4: {  	[tilespmem:s25], [sflag:$0x2] =	stream.indirect_vreg.gather [hbm4b:s10+s2], $0x80, v3, vm0, $0xb8;
	[tilespmem:$0x10800] =	vst v63  }
0xc5: {  	_ =	swait.ge [sflag:s26], $0x8000  }
0xc6: {  	[sflag:s26] =	ssyncset.done $0x0  }
0xc7: {  	s29 =	rddreg [dreg:$0x6];
	[sflag:s26] =	ssyncadd.s32 $0xFFFF8000  }
0xc8: {  	[hbm4b:s29+s2] =	stream.linear.scatter [tilespmem:s13], [sflag:$0x3], $0x8000, $0x38;
	[tilespmem:$0x10800] =	vst v63  }
0xc9: {  	_ =	swait.ge [sflag:s12], $0x8000  }
0xca: {  	[sflag:s12] =	ssyncset.done $0x0  }
0xcb: {  	[sflag:s12] =	ssyncadd.s32 $0xFFFF8000  }
0xcc: {  	_ =	swait.ge [sflag:s28], $0x8000  }
0xcd: {  	[sflag:s28] =	ssyncset.done $0x0  }
0xce: {  	s29 =	rddreg [dreg:$0x7];
	[sflag:s28] =	ssyncadd.s32 $0xFFFF8000  }
0xcf: {  	[hbm4b:s29+s2] =	stream.linear.scatter [tilespmem:s30], [sflag:$0x3], $0x8000, $0x38;
	[tilespmem:$0x10800] =	vst v63  }
0xd0: {  	_ =	swait.ge [sflag:s12], $0x8000  }
0xd1: {  	[sflag:s12] =	ssyncset.done $0x0  }
0xd2: {  	[sflag:s12] =	ssyncadd.s32 $0xFFFF8000  }
0xd3: {  	v3 =	vld [tilespmem:$0x100];
	_ =	sdelay $0x4  }
0xd4: {  	v52 =	vshll.u32 v3, $0x4  }
0xd5: {  	v3 =	vand.u32 $0x7, v3;
	v4 =	vand.u32 $0xFFFFFF80, v52  }
0xd6: {  	v3 =	vor.u32 v3, v4  }
0xd7: {  	v4 =	vperm.xlane v3, v0;
	_ =	sdelay $0x1  }
0xd8: {  	v4 =	vadd.s32 v1, v4;
	_ =	sdelay $0x4  }
0xd9: {  	[tilespmem:s13], [sflag:$0x1] =	stream.indirect_vreg.gather [hbm4b:s3+s2], $0x80, v4, vm0, $0xb8;
	[tilespmem:$0x10800] =	vst v63  }
0xda: {  	s29 =	simm.s32 $0x1000  }
0xdb: {  	[tilespmem:s29], [sflag:$0x1] =	stream.indirect_vreg.gather [hbm4b:s4+s2], $0x80, v4, vm0, $0xb8;
	[tilespmem:$0x10800] =	vst v63  }
0xdc: {  	_ = 	snop  }
0xdd: {  	[tilespmem:s1], [sflag:$0x1] =	stream.indirect_vreg.gather [hbm4b:s5+s2], $0x80, v4, vm0, $0xb8;
	[tilespmem:$0x10800] =	vst v63  }
0xde: {  	_ = 	snop  }
0xdf: {  	[tilespmem:s0], [sflag:$0x1] =	stream.indirect_vreg.gather [hbm4b:s6+s2], $0x80, v4, vm0, $0xb8;
	[tilespmem:$0x10800] =	vst v63  }
0xe0: {  	s29 =	simm.s32 $0x2800  }
0xe1: {  	[tilespmem:s29], [sflag:$0x1] =	stream.indirect_vreg.gather [hbm4b:s7+s2], $0x80, v4, vm0, $0xb8;
	[tilespmem:$0x10800] =	vst v63  }
0xe2: {  	v3 =	vperm.xlane v3, v2;
	s29 =	simm.s32 $0x3000  }
0xe3: {  	[tilespmem:s29], [sflag:$0x1] =	stream.indirect_vreg.gather [hbm4b:s8+s2], $0x80, v4, vm0, $0xb8;
	[tilespmem:$0x10800] =	vst v63  }
0xe4: {  	v3 =	vadd.s32 v1, v3  }
0xe5: {  	[tilespmem:s11], [sflag:$0x1] =	stream.indirect_vreg.gather [hbm4b:s9+s2], $0x80, v4, vm0, $0xb8;
	[tilespmem:$0x10800] =	vst v63  }
0xe6: {  	_ = 	snop  }
0xe7: {  	[tilespmem:s14], [sflag:$0x1] =	stream.indirect_vreg.gather [hbm4b:s10+s2], $0x80, v4, vm0, $0xb8;
	[tilespmem:$0x10800] =	vst v63  }
0xe8: {  	_ = 	snop  }
0xe9: {  	[tilespmem:s15], [sflag:$0x1] =	stream.indirect_vreg.gather [hbm4b:s3+s2], $0x80, v3, vm0, $0xb8;
	[tilespmem:$0x10800] =	vst v63  }
0xea: {  	_ = 	snop  }
0xeb: {  	[tilespmem:s16], [sflag:$0x1] =	stream.indirect_vreg.gather [hbm4b:s4+s2], $0x80, v3, vm0, $0xb8;
	[tilespmem:$0x10800] =	vst v63  }
0xec: {  	_ = 	snop  }
0xed: {  	[tilespmem:s17], [sflag:$0x1] =	stream.indirect_vreg.gather [hbm4b:s5+s2], $0x80, v3, vm0, $0xb8;
	[tilespmem:$0x10800] =	vst v63  }
0xee: {  	_ = 	snop  }
0xef: {  	[tilespmem:s18], [sflag:$0x1] =	stream.indirect_vreg.gather [hbm4b:s6+s2], $0x80, v3, vm0, $0xb8;
	[tilespmem:$0x10800] =	vst v63  }
0xf0: {  	_ = 	snop  }
0xf1: {  	[tilespmem:s19], [sflag:$0x1] =	stream.indirect_vreg.gather [hbm4b:s7+s2], $0x80, v3, vm0, $0xb8;
	[tilespmem:$0x10800] =	vst v63  }
0xf2: {  	_ = 	snop  }
0xf3: {  	[tilespmem:s20], [sflag:$0x1] =	stream.indirect_vreg.gather [hbm4b:s8+s2], $0x80, v3, vm0, $0xb8;
	[tilespmem:$0x10800] =	vst v63  }
0xf4: {  	_ = 	snop  }
0xf5: {  	[tilespmem:s21], [sflag:$0x1] =	stream.indirect_vreg.gather [hbm4b:s9+s2], $0x80, v3, vm0, $0xb8;
	[tilespmem:$0x10800] =	vst v63  }
0xf6: {  	s29 =	simm.s32 $0x8000  }
0xf7: {  	[tilespmem:s29], [sflag:$0x1] =	stream.indirect_vreg.gather [hbm4b:s10+s2], $0x80, v3, vm0, $0xb8;
	[tilespmem:$0x10800] =	vst v63  }
0xf8: {  	v3 =	vld [tilespmem:$0x500];
	_ =	sdelay $0x4  }
0xf9: {  	v53 =	vshll.u32 v3, $0x4  }
0xfa: {  	v3 =	vand.u32 $0x7, v3;
	v4 =	vand.u32 $0xFFFFFF80, v53  }
0xfb: {  	v3 =	vor.u32 v3, v4  }
0xfc: {  	v4 =	vperm.xlane v3, v0;
	_ =	sdelay $0x1  }
0xfd: {  	v4 =	vadd.s32 v1, v4;
	_ =	sdelay $0x4  }
0xfe: {  	[tilespmem:s30], [sflag:$0x2] =	stream.indirect_vreg.gather [hbm4b:s3+s2], $0x80, v4, vm0, $0xb8;
	[tilespmem:$0x10800] =	vst v63  }
0xff: {  	s31 =	simm.s32 $0x9000  }
0x100: {  	[tilespmem:s31], [sflag:$0x2] =	stream.indirect_vreg.gather [hbm4b:s4+s2], $0x80, v4, vm0, $0xb8;
	[tilespmem:$0x10800] =	vst v63  }
0x101: {  	s29 =	simm.s32 $0x9800  }
0x102: {  	[tilespmem:s29], [sflag:$0x2] =	stream.indirect_vreg.gather [hbm4b:s5+s2], $0x80, v4, vm0, $0xb8;
	[tilespmem:$0x10800] =	vst v63  }
0x103: {  	s29 =	simm.s32 $0xA000  }
0x104: {  	[tilespmem:s29], [sflag:$0x2] =	stream.indirect_vreg.gather [hbm4b:s6+s2], $0x80, v4, vm0, $0xb8;
	[tilespmem:$0x10800] =	vst v63  }
0x105: {  	s29 =	simm.s32 $0xA800  }
0x106: {  	[tilespmem:s29], [sflag:$0x2] =	stream.indirect_vreg.gather [hbm4b:s7+s2], $0x80, v4, vm0, $0xb8;
	[tilespmem:$0x10800] =	vst v63  }
0x107: {  	v3 =	vperm.xlane v3, v2;
	s29 =	simm.s32 $0xB000  }
0x108: {  	[tilespmem:s29], [sflag:$0x2] =	stream.indirect_vreg.gather [hbm4b:s8+s2], $0x80, v4, vm0, $0xb8;
	[tilespmem:$0x10800] =	vst v63  }
0x109: {  	s23 =	simm.s32 $0xB800;
	v3 =	vadd.s32 v1, v3  }
0x10a: {  	[tilespmem:s23], [sflag:$0x2] =	stream.indirect_vreg.gather [hbm4b:s9+s2], $0x80, v4, vm0, $0xb8;
	[tilespmem:$0x10800] =	vst v63  }
0x10b: {  	s24 =	simm.s32 $0xC000  }
0x10c: {  	[tilespmem:s24], [sflag:$0x2] =	stream.indirect_vreg.gather [hbm4b:s10+s2], $0x80, v4, vm0, $0xb8;
	[tilespmem:$0x10800] =	vst v63  }
0x10d: {  	s29 =	simm.s32 $0xC800  }
0x10e: {  	[tilespmem:s29], [sflag:$0x2] =	stream.indirect_vreg.gather [hbm4b:s3+s2], $0x80, v3, vm0, $0xb8;
	[tilespmem:$0x10800] =	vst v63  }
0x10f: {  	s29 =	simm.s32 $0xD000  }
0x110: {  	[tilespmem:s29], [sflag:$0x2] =	stream.indirect_vreg.gather [hbm4b:s4+s2], $0x80, v3, vm0, $0xb8;
	[tilespmem:$0x10800] =	vst v63  }
0x111: {  	s29 =	simm.s32 $0xD800  }
0x112: {  	[tilespmem:s29], [sflag:$0x2] =	stream.indirect_vreg.gather [hbm4b:s5+s2], $0x80, v3, vm0, $0xb8;
	[tilespmem:$0x10800] =	vst v63  }
0x113: {  	s29 =	simm.s32 $0xE000  }
0x114: {  	[tilespmem:s29], [sflag:$0x2] =	stream.indirect_vreg.gather [hbm4b:s6+s2], $0x80, v3, vm0, $0xb8;
	[tilespmem:$0x10800] =	vst v63  }
0x115: {  	s29 =	simm.s32 $0xE800  }
0x116: {  	[tilespmem:s29], [sflag:$0x2] =	stream.indirect_vreg.gather [hbm4b:s7+s2], $0x80, v3, vm0, $0xb8;
	[tilespmem:$0x10800] =	vst v63  }
0x117: {  	s29 =	simm.s32 $0xF000  }
0x118: {  	[tilespmem:s29], [sflag:$0x2] =	stream.indirect_vreg.gather [hbm4b:s8+s2], $0x80, v3, vm0, $0xb8;
	[tilespmem:$0x10800] =	vst v63  }
0x119: {  	s29 =	simm.s32 $0xF800  }
0x11a: {  	[tilespmem:s29], [sflag:$0x2] =	stream.indirect_vreg.gather [hbm4b:s9+s2], $0x80, v3, vm0, $0xb8;
	[tilespmem:$0x10800] =	vst v63  }
0x11b: {  	s25 =	simm.s32 $0x10000  }
0x11c: {  	[tilespmem:s25], [sflag:$0x2] =	stream.indirect_vreg.gather [hbm4b:s10+s2], $0x80, v3, vm0, $0xb8;
	[tilespmem:$0x10800] =	vst v63  }
0x11d: {  	_ =	swait.ge [sflag:s26], $0x8000  }
0x11e: {  	[sflag:s26] =	ssyncset.done $0x0  }
0x11f: {  	s29 =	rddreg [dreg:$0x8];
	[sflag:s26] =	ssyncadd.s32 $0xFFFF8000  }
0x120: {  	[hbm4b:s29+s2] =	stream.linear.scatter [tilespmem:s13], [sflag:$0x3], $0x8000, $0x38;
	[tilespmem:$0x10800] =	vst v63  }
0x121: {  	_ =	swait.ge [sflag:s12], $0x8000  }
0x122: {  	[sflag:s12] =	ssyncset.done $0x0  }
0x123: {  	[sflag:s12] =	ssyncadd.s32 $0xFFFF8000  }
0x124: {  	_ =	swait.ge [sflag:s28], $0x8000  }
0x125: {  	[sflag:s28] =	ssyncset.done $0x0  }
0x126: {  	s29 =	rddreg [dreg:$0x9];
	[sflag:s28] =	ssyncadd.s32 $0xFFFF8000  }
0x127: {  	[hbm4b:s29+s2] =	stream.linear.scatter [tilespmem:s30], [sflag:$0x3], $0x8000, $0x38;
	[tilespmem:$0x10800] =	vst v63  }
0x128: {  	_ =	swait.ge [sflag:s12], $0x8000  }
0x129: {  	[sflag:s12] =	ssyncset.done $0x0  }
0x12a: {  	[sflag:s12] =	ssyncadd.s32 $0xFFFF8000  }
0x12b: {  	v3 =	vld [tilespmem:$0x180];
	_ =	sdelay $0x4  }
0x12c: {  	v54 =	vshll.u32 v3, $0x4  }
0x12d: {  	v3 =	vand.u32 $0x7, v3;
	v4 =	vand.u32 $0xFFFFFF80, v54  }
0x12e: {  	v3 =	vor.u32 v3, v4  }
0x12f: {  	v4 =	vperm.xlane v3, v0;
	_ =	sdelay $0x1  }
0x130: {  	v4 =	vadd.s32 v1, v4;
	_ =	sdelay $0x4  }
0x131: {  	[tilespmem:s13], [sflag:$0x1] =	stream.indirect_vreg.gather [hbm4b:s3+s2], $0x80, v4, vm0, $0xb8;
	[tilespmem:$0x10800] =	vst v63  }
0x132: {  	s29 =	simm.s32 $0x1000  }
0x133: {  	[tilespmem:s29], [sflag:$0x1] =	stream.indirect_vreg.gather [hbm4b:s4+s2], $0x80, v4, vm0, $0xb8;
	[tilespmem:$0x10800] =	vst v63  }
0x134: {  	s1 =	simm.s32 $0x1800  }
0x135: {  	[tilespmem:s1], [sflag:$0x1] =	stream.indirect_vreg.gather [hbm4b:s5+s2], $0x80, v4, vm0, $0xb8;
	[tilespmem:$0x10800] =	vst v63  }
0x136: {  	s0 =	simm.s32 $0x2000  }
0x137: {  	[tilespmem:s0], [sflag:$0x1] =	stream.indirect_vreg.gather [hbm4b:s6+s2], $0x80, v4, vm0, $0xb8;
	[tilespmem:$0x10800] =	vst v63  }
0x138: {  	s29 =	simm.s32 $0x2800  }
0x139: {  	[tilespmem:s29], [sflag:$0x1] =	stream.indirect_vreg.gather [hbm4b:s7+s2], $0x80, v4, vm0, $0xb8;
	[tilespmem:$0x10800] =	vst v63  }
0x13a: {  	v3 =	vperm.xlane v3, v2;
	s29 =	simm.s32 $0x3000  }
0x13b: {  	[tilespmem:s29], [sflag:$0x1] =	stream.indirect_vreg.gather [hbm4b:s8+s2], $0x80, v4, vm0, $0xb8;
	[tilespmem:$0x10800] =	vst v63  }
0x13c: {  	s11 =	simm.s32 $0x3800;
	v3 =	vadd.s32 v1, v3  }
0x13d: {  	[tilespmem:s11], [sflag:$0x1] =	stream.indirect_vreg.gather [hbm4b:s9+s2], $0x80, v4, vm0, $0xb8;
	[tilespmem:$0x10800] =	vst v63  }
0x13e: {  	s14 =	simm.s32 $0x4000  }
0x13f: {  	[tilespmem:s14], [sflag:$0x1] =	stream.indirect_vreg.gather [hbm4b:s10+s2], $0x80, v4, vm0, $0xb8;
	[tilespmem:$0x10800] =	vst v63  }
0x140: {  	s15 =	simm.s32 $0x4800  }
0x141: {  	[tilespmem:s15], [sflag:$0x1] =	stream.indirect_vreg.gather [hbm4b:s3+s2], $0x80, v3, vm0, $0xb8;
	[tilespmem:$0x10800] =	vst v63  }
0x142: {  	s16 =	simm.s32 $0x5000  }
0x143: {  	[tilespmem:s16], [sflag:$0x1] =	stream.indirect_vreg.gather [hbm4b:s4+s2], $0x80, v3, vm0, $0xb8;
	[tilespmem:$0x10800] =	vst v63  }
0x144: {  	s17 =	simm.s32 $0x5800  }
0x145: {  	[tilespmem:s17], [sflag:$0x1] =	stream.indirect_vreg.gather [hbm4b:s5+s2], $0x80, v3, vm0, $0xb8;
	[tilespmem:$0x10800] =	vst v63  }
0x146: {  	s18 =	simm.s32 $0x6000  }
0x147: {  	[tilespmem:s18], [sflag:$0x1] =	stream.indirect_vreg.gather [hbm4b:s6+s2], $0x80, v3, vm0, $0xb8;
	[tilespmem:$0x10800] =	vst v63  }
0x148: {  	s19 =	simm.s32 $0x6800  }
0x149: {  	[tilespmem:s19], [sflag:$0x1] =	stream.indirect_vreg.gather [hbm4b:s7+s2], $0x80, v3, vm0, $0xb8;
	[tilespmem:$0x10800] =	vst v63  }
0x14a: {  	s20 =	simm.s32 $0x7000  }
0x14b: {  	[tilespmem:s20], [sflag:$0x1] =	stream.indirect_vreg.gather [hbm4b:s8+s2], $0x80, v3, vm0, $0xb8;
	[tilespmem:$0x10800] =	vst v63  }
0x14c: {  	s21 =	simm.s32 $0x7800  }
0x14d: {  	[tilespmem:s21], [sflag:$0x1] =	stream.indirect_vreg.gather [hbm4b:s9+s2], $0x80, v3, vm0, $0xb8;
	[tilespmem:$0x10800] =	vst v63  }
0x14e: {  	s29 =	simm.s32 $0x8000  }
0x14f: {  	[tilespmem:s29], [sflag:$0x1] =	stream.indirect_vreg.gather [hbm4b:s10+s2], $0x80, v3, vm0, $0xb8;
	[tilespmem:$0x10800] =	vst v63  }
0x150: {  	v3 =	vld [tilespmem:$0x580];
	_ =	sdelay $0x4  }
0x151: {  	v55 =	vshll.u32 v3, $0x4  }
0x152: {  	v3 =	vand.u32 $0x7, v3;
	v4 =	vand.u32 $0xFFFFFF80, v55  }
0x153: {  	v3 =	vor.u32 v3, v4  }
0x154: {  	v4 =	vperm.xlane v3, v0;
	_ =	sdelay $0x1  }
0x155: {  	v4 =	vadd.s32 v1, v4;
	_ =	sdelay $0x4  }
0x156: {  	[tilespmem:s30], [sflag:$0x2] =	stream.indirect_vreg.gather [hbm4b:s3+s2], $0x80, v4, vm0, $0xb8;
	[tilespmem:$0x10800] =	vst v63  }
0x157: {  	s31 =	simm.s32 $0x9000  }
0x158: {  	[tilespmem:s31], [sflag:$0x2] =	stream.indirect_vreg.gather [hbm4b:s4+s2], $0x80, v4, vm0, $0xb8;
	[tilespmem:$0x10800] =	vst v63  }
0x159: {  	s31 =	simm.s32 $0x9800  }
0x15a: {  	[tilespmem:s31], [sflag:$0x2] =	stream.indirect_vreg.gather [hbm4b:s5+s2], $0x80, v4, vm0, $0xb8;
	[tilespmem:$0x10800] =	vst v63  }
0x15b: {  	s31 =	simm.s32 $0xA000  }
0x15c: {  	[tilespmem:s31], [sflag:$0x2] =	stream.indirect_vreg.gather [hbm4b:s6+s2], $0x80, v4, vm0, $0xb8;
	[tilespmem:$0x10800] =	vst v63  }
0x15d: {  	s29 =	simm.s32 $0xA800  }
0x15e: {  	[tilespmem:s29], [sflag:$0x2] =	stream.indirect_vreg.gather [hbm4b:s7+s2], $0x80, v4, vm0, $0xb8;
	[tilespmem:$0x10800] =	vst v63  }
0x15f: {  	v3 =	vperm.xlane v3, v2;
	s29 =	simm.s32 $0xB000  }
0x160: {  	[tilespmem:s29], [sflag:$0x2] =	stream.indirect_vreg.gather [hbm4b:s8+s2], $0x80, v4, vm0, $0xb8;
	[tilespmem:$0x10800] =	vst v63  }
0x161: {  	s23 =	simm.s32 $0xB800;
	v3 =	vadd.s32 v1, v3  }
0x162: {  	[tilespmem:s23], [sflag:$0x2] =	stream.indirect_vreg.gather [hbm4b:s9+s2], $0x80, v4, vm0, $0xb8;
	[tilespmem:$0x10800] =	vst v63  }
0x163: {  	s24 =	simm.s32 $0xC000  }
0x164: {  	[tilespmem:s24], [sflag:$0x2] =	stream.indirect_vreg.gather [hbm4b:s10+s2], $0x80, v4, vm0, $0xb8;
	[tilespmem:$0x10800] =	vst v63  }
0x165: {  	s29 =	simm.s32 $0xC800  }
0x166: {  	[tilespmem:s29], [sflag:$0x2] =	stream.indirect_vreg.gather [hbm4b:s3+s2], $0x80, v3, vm0, $0xb8;
	[tilespmem:$0x10800] =	vst v63  }
0x167: {  	s29 =	simm.s32 $0xD000  }
0x168: {  	[tilespmem:s29], [sflag:$0x2] =	stream.indirect_vreg.gather [hbm4b:s4+s2], $0x80, v3, vm0, $0xb8;
	[tilespmem:$0x10800] =	vst v63  }
0x169: {  	s29 =	simm.s32 $0xD800  }
0x16a: {  	[tilespmem:s29], [sflag:$0x2] =	stream.indirect_vreg.gather [hbm4b:s5+s2], $0x80, v3, vm0, $0xb8;
	[tilespmem:$0x10800] =	vst v63  }
0x16b: {  	s29 =	simm.s32 $0xE000  }
0x16c: {  	[tilespmem:s29], [sflag:$0x2] =	stream.indirect_vreg.gather [hbm4b:s6+s2], $0x80, v3, vm0, $0xb8;
	[tilespmem:$0x10800] =	vst v63  }
0x16d: {  	s29 =	simm.s32 $0xE800  }
0x16e: {  	[tilespmem:s29], [sflag:$0x2] =	stream.indirect_vreg.gather [hbm4b:s7+s2], $0x80, v3, vm0, $0xb8;
	[tilespmem:$0x10800] =	vst v63  }
0x16f: {  	s29 =	simm.s32 $0xF000  }
0x170: {  	[tilespmem:s29], [sflag:$0x2] =	stream.indirect_vreg.gather [hbm4b:s8+s2], $0x80, v3, vm0, $0xb8;
	[tilespmem:$0x10800] =	vst v63  }
0x171: {  	s29 =	simm.s32 $0xF800  }
0x172: {  	[tilespmem:s29], [sflag:$0x2] =	stream.indirect_vreg.gather [hbm4b:s9+s2], $0x80, v3, vm0, $0xb8;
	[tilespmem:$0x10800] =	vst v63  }
0x173: {  	s25 =	simm.s32 $0x10000  }
0x174: {  	[tilespmem:s25], [sflag:$0x2] =	stream.indirect_vreg.gather [hbm4b:s10+s2], $0x80, v3, vm0, $0xb8;
	[tilespmem:$0x10800] =	vst v63  }
0x175: {  	_ =	swait.ge [sflag:s26], $0x8000  }
0x176: {  	[sflag:s26] =	ssyncset.done $0x0  }
0x177: {  	s29 =	rddreg [dreg:$0xa];
	[sflag:s26] =	ssyncadd.s32 $0xFFFF8000  }
0x178: {  	[hbm4b:s29+s2] =	stream.linear.scatter [tilespmem:s13], [sflag:$0x3], $0x8000, $0x38;
	[tilespmem:$0x10800] =	vst v63  }
0x179: {  	_ =	swait.ge [sflag:s12], $0x8000  }
0x17a: {  	[sflag:s12] =	ssyncset.done $0x0  }
0x17b: {  	[sflag:s12] =	ssyncadd.s32 $0xFFFF8000  }
0x17c: {  	_ =	swait.ge [sflag:s28], $0x8000  }
0x17d: {  	[sflag:s28] =	ssyncset.done $0x0  }
0x17e: {  	s29 =	rddreg [dreg:$0xb];
	[sflag:s28] =	ssyncadd.s32 $0xFFFF8000  }
0x17f: {  	[hbm4b:s29+s2] =	stream.linear.scatter [tilespmem:s30], [sflag:$0x3], $0x8000, $0x38;
	[tilespmem:$0x10800] =	vst v63  }
0x180: {  	_ =	swait.ge [sflag:s12], $0x8000  }
0x181: {  	[sflag:s12] =	ssyncset.done $0x0  }
0x182: {  	[sflag:s12] =	ssyncadd.s32 $0xFFFF8000  }
0x183: {  	v3 =	vld [tilespmem:$0x200];
	_ =	sdelay $0x4  }
0x184: {  	v56 =	vshll.u32 v3, $0x4  }
0x185: {  	v3 =	vand.u32 $0x7, v3;
	v4 =	vand.u32 $0xFFFFFF80, v56  }
0x186: {  	v3 =	vor.u32 v3, v4  }
0x187: {  	v4 =	vperm.xlane v3, v0;
	_ =	sdelay $0x1  }
0x188: {  	v4 =	vadd.s32 v1, v4;
	_ =	sdelay $0x4  }
0x189: {  	[tilespmem:s13], [sflag:$0x1] =	stream.indirect_vreg.gather [hbm4b:s3+s2], $0x80, v4, vm0, $0xb8;
	[tilespmem:$0x10800] =	vst v63  }
0x18a: {  	s29 =	simm.s32 $0x1000  }
0x18b: {  	[tilespmem:s29], [sflag:$0x1] =	stream.indirect_vreg.gather [hbm4b:s4+s2], $0x80, v4, vm0, $0xb8;
	[tilespmem:$0x10800] =	vst v63  }
0x18c: {  	s29 =	simm.s32 $0x1800  }
0x18d: {  	[tilespmem:s29], [sflag:$0x1] =	stream.indirect_vreg.gather [hbm4b:s5+s2], $0x80, v4, vm0, $0xb8;
	[tilespmem:$0x10800] =	vst v63  }
0x18e: {  	s0 =	simm.s32 $0x2000  }
0x18f: {  	[tilespmem:s0], [sflag:$0x1] =	stream.indirect_vreg.gather [hbm4b:s6+s2], $0x80, v4, vm0, $0xb8;
	[tilespmem:$0x10800] =	vst v63  }
0x190: {  	s29 =	simm.s32 $0x2800  }
0x191: {  	[tilespmem:s29], [sflag:$0x1] =	stream.indirect_vreg.gather [hbm4b:s7+s2], $0x80, v4, vm0, $0xb8;
	[tilespmem:$0x10800] =	vst v63  }
0x192: {  	v3 =	vperm.xlane v3, v2;
	s29 =	simm.s32 $0x3000  }
0x193: {  	[tilespmem:s29], [sflag:$0x1] =	stream.indirect_vreg.gather [hbm4b:s8+s2], $0x80, v4, vm0, $0xb8;
	[tilespmem:$0x10800] =	vst v63  }
0x194: {  	s1 =	simm.s32 $0x3800;
	v3 =	vadd.s32 v1, v3  }
0x195: {  	[tilespmem:s1], [sflag:$0x1] =	stream.indirect_vreg.gather [hbm4b:s9+s2], $0x80, v4, vm0, $0xb8;
	[tilespmem:$0x10800] =	vst v63  }
0x196: {  	s11 =	simm.s32 $0x4000  }
0x197: {  	[tilespmem:s11], [sflag:$0x1] =	stream.indirect_vreg.gather [hbm4b:s10+s2], $0x80, v4, vm0, $0xb8;
	[tilespmem:$0x10800] =	vst v63  }
0x198: {  	s14 =	simm.s32 $0x4800  }
0x199: {  	[tilespmem:s14], [sflag:$0x1] =	stream.indirect_vreg.gather [hbm4b:s3+s2], $0x80, v3, vm0, $0xb8;
	[tilespmem:$0x10800] =	vst v63  }
0x19a: {  	s15 =	simm.s32 $0x5000  }
0x19b: {  	[tilespmem:s15], [sflag:$0x1] =	stream.indirect_vreg.gather [hbm4b:s4+s2], $0x80, v3, vm0, $0xb8;
	[tilespmem:$0x10800] =	vst v63  }
0x19c: {  	s16 =	simm.s32 $0x5800  }
0x19d: {  	[tilespmem:s16], [sflag:$0x1] =	stream.indirect_vreg.gather [hbm4b:s5+s2], $0x80, v3, vm0, $0xb8;
	[tilespmem:$0x10800] =	vst v63  }
0x19e: {  	s17 =	simm.s32 $0x6000  }
0x19f: {  	[tilespmem:s17], [sflag:$0x1] =	stream.indirect_vreg.gather [hbm4b:s6+s2], $0x80, v3, vm0, $0xb8;
	[tilespmem:$0x10800] =	vst v63  }
0x1a0: {  	s18 =	simm.s32 $0x6800  }
0x1a1: {  	[tilespmem:s18], [sflag:$0x1] =	stream.indirect_vreg.gather [hbm4b:s7+s2], $0x80, v3, vm0, $0xb8;
	[tilespmem:$0x10800] =	vst v63  }
0x1a2: {  	s19 =	simm.s32 $0x7000  }
0x1a3: {  	[tilespmem:s19], [sflag:$0x1] =	stream.indirect_vreg.gather [hbm4b:s8+s2], $0x80, v3, vm0, $0xb8;
	[tilespmem:$0x10800] =	vst v63  }
0x1a4: {  	s20 =	simm.s32 $0x7800  }
0x1a5: {  	[tilespmem:s20], [sflag:$0x1] =	stream.indirect_vreg.gather [hbm4b:s9+s2], $0x80, v3, vm0, $0xb8;
	[tilespmem:$0x10800] =	vst v63  }
0x1a6: {  	s29 =	simm.s32 $0x8000  }
0x1a7: {  	[tilespmem:s29], [sflag:$0x1] =	stream.indirect_vreg.gather [hbm4b:s10+s2], $0x80, v3, vm0, $0xb8;
	[tilespmem:$0x10800] =	vst v63  }
0x1a8: {  	v3 =	vld [tilespmem:$0x600];
	_ =	sdelay $0x4  }
0x1a9: {  	v57 =	vshll.u32 v3, $0x4  }
0x1aa: {  	v3 =	vand.u32 $0x7, v3;
	v4 =	vand.u32 $0xFFFFFF80, v57  }
0x1ab: {  	v3 =	vor.u32 v3, v4  }
0x1ac: {  	v4 =	vperm.xlane v3, v0;
	_ =	sdelay $0x1  }
0x1ad: {  	v4 =	vadd.s32 v1, v4;
	_ =	sdelay $0x4  }
0x1ae: {  	[tilespmem:s30], [sflag:$0x2] =	stream.indirect_vreg.gather [hbm4b:s3+s2], $0x80, v4, vm0, $0xb8;
	[tilespmem:$0x10800] =	vst v63  }
0x1af: {  	s21 =	simm.s32 $0x9000  }
0x1b0: {  	[tilespmem:s21], [sflag:$0x2] =	stream.indirect_vreg.gather [hbm4b:s4+s2], $0x80, v4, vm0, $0xb8;
	[tilespmem:$0x10800] =	vst v63  }
0x1b1: {  	s29 =	simm.s32 $0x9800  }
0x1b2: {  	[tilespmem:s29], [sflag:$0x2] =	stream.indirect_vreg.gather [hbm4b:s5+s2], $0x80, v4, vm0, $0xb8;
	[tilespmem:$0x10800] =	vst v63  }
0x1b3: {  	s31 =	simm.s32 $0xA000  }
0x1b4: {  	[tilespmem:s31], [sflag:$0x2] =	stream.indirect_vreg.gather [hbm4b:s6+s2], $0x80, v4, vm0, $0xb8;
	[tilespmem:$0x10800] =	vst v63  }
0x1b5: {  	s29 =	simm.s32 $0xA800  }
0x1b6: {  	[tilespmem:s29], [sflag:$0x2] =	stream.indirect_vreg.gather [hbm4b:s7+s2], $0x80, v4, vm0, $0xb8;
	[tilespmem:$0x10800] =	vst v63  }
0x1b7: {  	v3 =	vperm.xlane v3, v2;
	s29 =	simm.s32 $0xB000  }
0x1b8: {  	[tilespmem:s29], [sflag:$0x2] =	stream.indirect_vreg.gather [hbm4b:s8+s2], $0x80, v4, vm0, $0xb8;
	[tilespmem:$0x10800] =	vst v63  }
0x1b9: {  	s23 =	simm.s32 $0xB800;
	v3 =	vadd.s32 v1, v3  }
0x1ba: {  	[tilespmem:s23], [sflag:$0x2] =	stream.indirect_vreg.gather [hbm4b:s9+s2], $0x80, v4, vm0, $0xb8;
	[tilespmem:$0x10800] =	vst v63  }
0x1bb: {  	s24 =	simm.s32 $0xC000  }
0x1bc: {  	[tilespmem:s24], [sflag:$0x2] =	stream.indirect_vreg.gather [hbm4b:s10+s2], $0x80, v4, vm0, $0xb8;
	[tilespmem:$0x10800] =	vst v63  }
0x1bd: {  	s29 =	simm.s32 $0xC800  }
0x1be: {  	[tilespmem:s29], [sflag:$0x2] =	stream.indirect_vreg.gather [hbm4b:s3+s2], $0x80, v3, vm0, $0xb8;
	[tilespmem:$0x10800] =	vst v63  }
0x1bf: {  	s29 =	simm.s32 $0xD000  }
0x1c0: {  	[tilespmem:s29], [sflag:$0x2] =	stream.indirect_vreg.gather [hbm4b:s4+s2], $0x80, v3, vm0, $0xb8;
	[tilespmem:$0x10800] =	vst v63  }
0x1c1: {  	s29 =	simm.s32 $0xD800  }
0x1c2: {  	[tilespmem:s29], [sflag:$0x2] =	stream.indirect_vreg.gather [hbm4b:s5+s2], $0x80, v3, vm0, $0xb8;
	[tilespmem:$0x10800] =	vst v63  }
0x1c3: {  	s29 =	simm.s32 $0xE000  }
0x1c4: {  	[tilespmem:s29], [sflag:$0x2] =	stream.indirect_vreg.gather [hbm4b:s6+s2], $0x80, v3, vm0, $0xb8;
	[tilespmem:$0x10800] =	vst v63  }
0x1c5: {  	s29 =	simm.s32 $0xE800  }
0x1c6: {  	[tilespmem:s29], [sflag:$0x2] =	stream.indirect_vreg.gather [hbm4b:s7+s2], $0x80, v3, vm0, $0xb8;
	[tilespmem:$0x10800] =	vst v63  }
0x1c7: {  	s29 =	simm.s32 $0xF000  }
0x1c8: {  	[tilespmem:s29], [sflag:$0x2] =	stream.indirect_vreg.gather [hbm4b:s8+s2], $0x80, v3, vm0, $0xb8;
	[tilespmem:$0x10800] =	vst v63  }
0x1c9: {  	s29 =	simm.s32 $0xF800  }
0x1ca: {  	[tilespmem:s29], [sflag:$0x2] =	stream.indirect_vreg.gather [hbm4b:s9+s2], $0x80, v3, vm0, $0xb8;
	[tilespmem:$0x10800] =	vst v63  }
0x1cb: {  	s25 =	simm.s32 $0x10000  }
0x1cc: {  	[tilespmem:s25], [sflag:$0x2] =	stream.indirect_vreg.gather [hbm4b:s10+s2], $0x80, v3, vm0, $0xb8;
	[tilespmem:$0x10800] =	vst v63  }
0x1cd: {  	_ =	swait.ge [sflag:s26], $0x8000  }
0x1ce: {  	[sflag:s26] =	ssyncset.done $0x0  }
0x1cf: {  	s29 =	rddreg [dreg:$0xc];
	[sflag:s26] =	ssyncadd.s32 $0xFFFF8000  }
0x1d0: {  	[hbm4b:s29+s2] =	stream.linear.scatter [tilespmem:s13], [sflag:$0x3], $0x8000, $0x38;
	[tilespmem:$0x10800] =	vst v63  }
0x1d1: {  	_ =	swait.ge [sflag:s12], $0x8000  }
0x1d2: {  	[sflag:s12] =	ssyncset.done $0x0  }
0x1d3: {  	[sflag:s12] =	ssyncadd.s32 $0xFFFF8000  }
0x1d4: {  	_ =	swait.ge [sflag:s28], $0x8000  }
0x1d5: {  	[sflag:s28] =	ssyncset.done $0x0  }
0x1d6: {  	s29 =	rddreg [dreg:$0xd];
	[sflag:s28] =	ssyncadd.s32 $0xFFFF8000  }
0x1d7: {  	[hbm4b:s29+s2] =	stream.linear.scatter [tilespmem:s30], [sflag:$0x3], $0x8000, $0x38;
	[tilespmem:$0x10800] =	vst v63  }
0x1d8: {  	_ =	swait.ge [sflag:s12], $0x8000  }
0x1d9: {  	[sflag:s12] =	ssyncset.done $0x0  }
0x1da: {  	[sflag:s12] =	ssyncadd.s32 $0xFFFF8000  }
0x1db: {  	v3 =	vld [tilespmem:$0x280];
	_ =	sdelay $0x4  }
0x1dc: {  	v58 =	vshll.u32 v3, $0x4  }
0x1dd: {  	v3 =	vand.u32 $0x7, v3;
	v4 =	vand.u32 $0xFFFFFF80, v58  }
0x1de: {  	v3 =	vor.u32 v3, v4  }
0x1df: {  	v4 =	vperm.xlane v3, v0;
	_ =	sdelay $0x1  }
0x1e0: {  	v4 =	vadd.s32 v1, v4;
	_ =	sdelay $0x4  }
0x1e1: {  	[tilespmem:s13], [sflag:$0x1] =	stream.indirect_vreg.gather [hbm4b:s3+s2], $0x80, v4, vm0, $0xb8;
	[tilespmem:$0x10800] =	vst v63  }
0x1e2: {  	s29 =	simm.s32 $0x1000  }
0x1e3: {  	[tilespmem:s29], [sflag:$0x1] =	stream.indirect_vreg.gather [hbm4b:s4+s2], $0x80, v4, vm0, $0xb8;
	[tilespmem:$0x10800] =	vst v63  }
0x1e4: {  	s29 =	simm.s32 $0x1800  }
0x1e5: {  	[tilespmem:s29], [sflag:$0x1] =	stream.indirect_vreg.gather [hbm4b:s5+s2], $0x80, v4, vm0, $0xb8;
	[tilespmem:$0x10800] =	vst v63  }
0x1e6: {  	s0 =	simm.s32 $0x2000  }
0x1e7: {  	[tilespmem:s0], [sflag:$0x1] =	stream.indirect_vreg.gather [hbm4b:s6+s2], $0x80, v4, vm0, $0xb8;
	[tilespmem:$0x10800] =	vst v63  }
0x1e8: {  	s29 =	simm.s32 $0x2800  }
0x1e9: {  	[tilespmem:s29], [sflag:$0x1] =	stream.indirect_vreg.gather [hbm4b:s7+s2], $0x80, v4, vm0, $0xb8;
	[tilespmem:$0x10800] =	vst v63  }
0x1ea: {  	v3 =	vperm.xlane v3, v2;
	s29 =	simm.s32 $0x3000  }
0x1eb: {  	[tilespmem:s29], [sflag:$0x1] =	stream.indirect_vreg.gather [hbm4b:s8+s2], $0x80, v4, vm0, $0xb8;
	[tilespmem:$0x10800] =	vst v63  }
0x1ec: {  	s1 =	simm.s32 $0x3800;
	v3 =	vadd.s32 v1, v3  }
0x1ed: {  	[tilespmem:s1], [sflag:$0x1] =	stream.indirect_vreg.gather [hbm4b:s9+s2], $0x80, v4, vm0, $0xb8;
	[tilespmem:$0x10800] =	vst v63  }
0x1ee: {  	s11 =	simm.s32 $0x4000  }
0x1ef: {  	[tilespmem:s11], [sflag:$0x1] =	stream.indirect_vreg.gather [hbm4b:s10+s2], $0x80, v4, vm0, $0xb8;
	[tilespmem:$0x10800] =	vst v63  }
0x1f0: {  	s14 =	simm.s32 $0x4800  }
0x1f1: {  	[tilespmem:s14], [sflag:$0x1] =	stream.indirect_vreg.gather [hbm4b:s3+s2], $0x80, v3, vm0, $0xb8;
	[tilespmem:$0x10800] =	vst v63  }
0x1f2: {  	s15 =	simm.s32 $0x5000  }
0x1f3: {  	[tilespmem:s15], [sflag:$0x1] =	stream.indirect_vreg.gather [hbm4b:s4+s2], $0x80, v3, vm0, $0xb8;
	[tilespmem:$0x10800] =	vst v63  }
0x1f4: {  	s16 =	simm.s32 $0x5800  }
0x1f5: {  	[tilespmem:s16], [sflag:$0x1] =	stream.indirect_vreg.gather [hbm4b:s5+s2], $0x80, v3, vm0, $0xb8;
	[tilespmem:$0x10800] =	vst v63  }
0x1f6: {  	s17 =	simm.s32 $0x6000  }
0x1f7: {  	[tilespmem:s17], [sflag:$0x1] =	stream.indirect_vreg.gather [hbm4b:s6+s2], $0x80, v3, vm0, $0xb8;
	[tilespmem:$0x10800] =	vst v63  }
0x1f8: {  	s18 =	simm.s32 $0x6800  }
0x1f9: {  	[tilespmem:s18], [sflag:$0x1] =	stream.indirect_vreg.gather [hbm4b:s7+s2], $0x80, v3, vm0, $0xb8;
	[tilespmem:$0x10800] =	vst v63  }
0x1fa: {  	s19 =	simm.s32 $0x7000  }
0x1fb: {  	[tilespmem:s19], [sflag:$0x1] =	stream.indirect_vreg.gather [hbm4b:s8+s2], $0x80, v3, vm0, $0xb8;
	[tilespmem:$0x10800] =	vst v63  }
0x1fc: {  	s20 =	simm.s32 $0x7800  }
0x1fd: {  	[tilespmem:s20], [sflag:$0x1] =	stream.indirect_vreg.gather [hbm4b:s9+s2], $0x80, v3, vm0, $0xb8;
	[tilespmem:$0x10800] =	vst v63  }
0x1fe: {  	s29 =	simm.s32 $0x8000  }
0x1ff: {  	[tilespmem:s29], [sflag:$0x1] =	stream.indirect_vreg.gather [hbm4b:s10+s2], $0x80, v3, vm0, $0xb8;
	[tilespmem:$0x10800] =	vst v63  }
0x200: {  	v3 =	vld [tilespmem:$0x680];
	_ =	sdelay $0x4  }
0x201: {  	v59 =	vshll.u32 v3, $0x4  }
0x202: {  	v3 =	vand.u32 $0x7, v3;
	v4 =	vand.u32 $0xFFFFFF80, v59  }
0x203: {  	v3 =	vor.u32 v3, v4  }
0x204: {  	v4 =	vperm.xlane v3, v0;
	_ =	sdelay $0x1  }
0x205: {  	v4 =	vadd.s32 v1, v4;
	_ =	sdelay $0x4  }
0x206: {  	[tilespmem:s30], [sflag:$0x2] =	stream.indirect_vreg.gather [hbm4b:s3+s2], $0x80, v4, vm0, $0xb8;
	[tilespmem:$0x10800] =	vst v63  }
0x207: {  	s21 =	simm.s32 $0x9000  }
0x208: {  	[tilespmem:s21], [sflag:$0x2] =	stream.indirect_vreg.gather [hbm4b:s4+s2], $0x80, v4, vm0, $0xb8;
	[tilespmem:$0x10800] =	vst v63  }
0x209: {  	s29 =	simm.s32 $0x9800  }
0x20a: {  	[tilespmem:s29], [sflag:$0x2] =	stream.indirect_vreg.gather [hbm4b:s5+s2], $0x80, v4, vm0, $0xb8;
	[tilespmem:$0x10800] =	vst v63  }
0x20b: {  	s31 =	simm.s32 $0xA000  }
0x20c: {  	[tilespmem:s31], [sflag:$0x2] =	stream.indirect_vreg.gather [hbm4b:s6+s2], $0x80, v4, vm0, $0xb8;
	[tilespmem:$0x10800] =	vst v63  }
0x20d: {  	s29 =	simm.s32 $0xA800  }
0x20e: {  	[tilespmem:s29], [sflag:$0x2] =	stream.indirect_vreg.gather [hbm4b:s7+s2], $0x80, v4, vm0, $0xb8;
	[tilespmem:$0x10800] =	vst v63  }
0x20f: {  	v3 =	vperm.xlane v3, v2;
	s29 =	simm.s32 $0xB000  }
0x210: {  	[tilespmem:s29], [sflag:$0x2] =	stream.indirect_vreg.gather [hbm4b:s8+s2], $0x80, v4, vm0, $0xb8;
	[tilespmem:$0x10800] =	vst v63  }
0x211: {  	s23 =	simm.s32 $0xB800;
	v3 =	vadd.s32 v1, v3  }
0x212: {  	[tilespmem:s23], [sflag:$0x2] =	stream.indirect_vreg.gather [hbm4b:s9+s2], $0x80, v4, vm0, $0xb8;
	[tilespmem:$0x10800] =	vst v63  }
0x213: {  	s24 =	simm.s32 $0xC000  }
0x214: {  	[tilespmem:s24], [sflag:$0x2] =	stream.indirect_vreg.gather [hbm4b:s10+s2], $0x80, v4, vm0, $0xb8;
	[tilespmem:$0x10800] =	vst v63  }
0x215: {  	s23 =	simm.s32 $0xC800  }
0x216: {  	[tilespmem:s23], [sflag:$0x2] =	stream.indirect_vreg.gather [hbm4b:s3+s2], $0x80, v3, vm0, $0xb8;
	[tilespmem:$0x10800] =	vst v63  }
0x217: {  	s24 =	simm.s32 $0xD000  }
0x218: {  	[tilespmem:s24], [sflag:$0x2] =	stream.indirect_vreg.gather [hbm4b:s4+s2], $0x80, v3, vm0, $0xb8;
	[tilespmem:$0x10800] =	vst v63  }
0x219: {  	s29 =	simm.s32 $0xD800  }
0x21a: {  	[tilespmem:s29], [sflag:$0x2] =	stream.indirect_vreg.gather [hbm4b:s5+s2], $0x80, v3, vm0, $0xb8;
	[tilespmem:$0x10800] =	vst v63  }
0x21b: {  	s23 =	simm.s32 $0xE000  }
0x21c: {  	[tilespmem:s23], [sflag:$0x2] =	stream.indirect_vreg.gather [hbm4b:s6+s2], $0x80, v3, vm0, $0xb8;
	[tilespmem:$0x10800] =	vst v63  }
0x21d: {  	s24 =	simm.s32 $0xE800  }
0x21e: {  	[tilespmem:s24], [sflag:$0x2] =	stream.indirect_vreg.gather [hbm4b:s7+s2], $0x80, v3, vm0, $0xb8;
	[tilespmem:$0x10800] =	vst v63  }
0x21f: {  	s29 =	simm.s32 $0xF000  }
0x220: {  	[tilespmem:s29], [sflag:$0x2] =	stream.indirect_vreg.gather [hbm4b:s8+s2], $0x80, v3, vm0, $0xb8;
	[tilespmem:$0x10800] =	vst v63  }
0x221: {  	s23 =	simm.s32 $0xF800  }
0x222: {  	[tilespmem:s23], [sflag:$0x2] =	stream.indirect_vreg.gather [hbm4b:s9+s2], $0x80, v3, vm0, $0xb8;
	[tilespmem:$0x10800] =	vst v63  }
0x223: {  	s25 =	simm.s32 $0x10000  }
0x224: {  	[tilespmem:s25], [sflag:$0x2] =	stream.indirect_vreg.gather [hbm4b:s10+s2], $0x80, v3, vm0, $0xb8;
	[tilespmem:$0x10800] =	vst v63  }
0x225: {  	_ =	swait.ge [sflag:s26], $0x8000  }
0x226: {  	[sflag:s26] =	ssyncset.done $0x0  }
0x227: {  	s24 =	rddreg [dreg:$0xe];
	[sflag:s26] =	ssyncadd.s32 $0xFFFF8000  }
0x228: {  	[hbm4b:s24+s2] =	stream.linear.scatter [tilespmem:s13], [sflag:$0x3], $0x8000, $0x38;
	[tilespmem:$0x10800] =	vst v63  }
0x229: {  	_ =	swait.ge [sflag:s12], $0x8000  }
0x22a: {  	[sflag:s12] =	ssyncset.done $0x0  }
0x22b: {  	[sflag:s12] =	ssyncadd.s32 $0xFFFF8000  }
0x22c: {  	_ =	swait.ge [sflag:s28], $0x8000  }
0x22d: {  	[sflag:s28] =	ssyncset.done $0x0  }
0x22e: {  	s25 =	rddreg [dreg:$0xf];
	[sflag:s28] =	ssyncadd.s32 $0xFFFF8000  }
0x22f: {  	[hbm4b:s25+s2] =	stream.linear.scatter [tilespmem:s30], [sflag:$0x3], $0x8000, $0x38;
	[tilespmem:$0x10800] =	vst v63  }
0x230: {  	_ =	swait.ge [sflag:s12], $0x8000  }
0x231: {  	[sflag:s12] =	ssyncset.done $0x0  }
0x232: {  	[sflag:s12] =	ssyncadd.s32 $0xFFFF8000  }
0x233: {  	v3 =	vld [tilespmem:$0x300];
	_ =	sdelay $0x4  }
0x234: {  	v60 =	vshll.u32 v3, $0x4  }
0x235: {  	v3 =	vand.u32 $0x7, v3;
	v4 =	vand.u32 $0xFFFFFF80, v60  }
0x236: {  	v3 =	vor.u32 v3, v4  }
0x237: {  	v4 =	vperm.xlane v3, v0;
	_ =	sdelay $0x1  }
0x238: {  	v4 =	vadd.s32 v1, v4;
	_ =	sdelay $0x4  }
0x239: {  	[tilespmem:s13], [sflag:$0x1] =	stream.indirect_vreg.gather [hbm4b:s3+s2], $0x80, v4, vm0, $0xb8;
	[tilespmem:$0x10800] =	vst v63  }
0x23a: {  	s29 =	simm.s32 $0x1000  }
0x23b: {  	[tilespmem:s29], [sflag:$0x1] =	stream.indirect_vreg.gather [hbm4b:s4+s2], $0x80, v4, vm0, $0xb8;
	[tilespmem:$0x10800] =	vst v63  }
0x23c: {  	s23 =	simm.s32 $0x1800  }
0x23d: {  	[tilespmem:s23], [sflag:$0x1] =	stream.indirect_vreg.gather [hbm4b:s5+s2], $0x80, v4, vm0, $0xb8;
	[tilespmem:$0x10800] =	vst v63  }
0x23e: {  	s0 =	simm.s32 $0x2000  }
0x23f: {  	[tilespmem:s0], [sflag:$0x1] =	stream.indirect_vreg.gather [hbm4b:s6+s2], $0x80, v4, vm0, $0xb8;
	[tilespmem:$0x10800] =	vst v63  }
0x240: {  	s24 =	simm.s32 $0x2800  }
0x241: {  	[tilespmem:s24], [sflag:$0x1] =	stream.indirect_vreg.gather [hbm4b:s7+s2], $0x80, v4, vm0, $0xb8;
	[tilespmem:$0x10800] =	vst v63  }
0x242: {  	v3 =	vperm.xlane v3, v2;
	s29 =	simm.s32 $0x3000  }
0x243: {  	[tilespmem:s29], [sflag:$0x1] =	stream.indirect_vreg.gather [hbm4b:s8+s2], $0x80, v4, vm0, $0xb8;
	[tilespmem:$0x10800] =	vst v63  }
0x244: {  	s1 =	simm.s32 $0x3800;
	v3 =	vadd.s32 v1, v3  }
0x245: {  	[tilespmem:s1], [sflag:$0x1] =	stream.indirect_vreg.gather [hbm4b:s9+s2], $0x80, v4, vm0, $0xb8;
	[tilespmem:$0x10800] =	vst v63  }
0x246: {  	s23 =	simm.s32 $0x4000  }
0x247: {  	[tilespmem:s23], [sflag:$0x1] =	stream.indirect_vreg.gather [hbm4b:s10+s2], $0x80, v4, vm0, $0xb8;
	[tilespmem:$0x10800] =	vst v63  }
0x248: {  	s14 =	simm.s32 $0x4800  }
0x249: {  	[tilespmem:s14], [sflag:$0x1] =	stream.indirect_vreg.gather [hbm4b:s3+s2], $0x80, v3, vm0, $0xb8;
	[tilespmem:$0x10800] =	vst v63  }
0x24a: {  	s15 =	simm.s32 $0x5000  }
0x24b: {  	[tilespmem:s15], [sflag:$0x1] =	stream.indirect_vreg.gather [hbm4b:s4+s2], $0x80, v3, vm0, $0xb8;
	[tilespmem:$0x10800] =	vst v63  }
0x24c: {  	s16 =	simm.s32 $0x5800  }
0x24d: {  	[tilespmem:s16], [sflag:$0x1] =	stream.indirect_vreg.gather [hbm4b:s5+s2], $0x80, v3, vm0, $0xb8;
	[tilespmem:$0x10800] =	vst v63  }
0x24e: {  	s17 =	simm.s32 $0x6000  }
0x24f: {  	[tilespmem:s17], [sflag:$0x1] =	stream.indirect_vreg.gather [hbm4b:s6+s2], $0x80, v3, vm0, $0xb8;
	[tilespmem:$0x10800] =	vst v63  }
0x250: {  	s18 =	simm.s32 $0x6800  }
0x251: {  	[tilespmem:s18], [sflag:$0x1] =	stream.indirect_vreg.gather [hbm4b:s7+s2], $0x80, v3, vm0, $0xb8;
	[tilespmem:$0x10800] =	vst v63  }
0x252: {  	s19 =	simm.s32 $0x7000  }
0x253: {  	[tilespmem:s19], [sflag:$0x1] =	stream.indirect_vreg.gather [hbm4b:s8+s2], $0x80, v3, vm0, $0xb8;
	[tilespmem:$0x10800] =	vst v63  }
0x254: {  	s20 =	simm.s32 $0x7800  }
0x255: {  	[tilespmem:s20], [sflag:$0x1] =	stream.indirect_vreg.gather [hbm4b:s9+s2], $0x80, v3, vm0, $0xb8;
	[tilespmem:$0x10800] =	vst v63  }
0x256: {  	s24 =	simm.s32 $0x8000  }
0x257: {  	[tilespmem:s24], [sflag:$0x1] =	stream.indirect_vreg.gather [hbm4b:s10+s2], $0x80, v3, vm0, $0xb8;
	[tilespmem:$0x10800] =	vst v63  }
0x258: {  	v3 =	vld [tilespmem:$0x700];
	_ =	sdelay $0x4  }
0x259: {  	v61 =	vshll.u32 v3, $0x4  }
0x25a: {  	v3 =	vand.u32 $0x7, v3;
	v4 =	vand.u32 $0xFFFFFF80, v61  }
0x25b: {  	v3 =	vor.u32 v3, v4  }
0x25c: {  	v4 =	vperm.xlane v3, v0;
	_ =	sdelay $0x1  }
0x25d: {  	v4 =	vadd.s32 v1, v4;
	_ =	sdelay $0x4  }
0x25e: {  	[tilespmem:s30], [sflag:$0x2] =	stream.indirect_vreg.gather [hbm4b:s3+s2], $0x80, v4, vm0, $0xb8;
	[tilespmem:$0x10800] =	vst v63  }
0x25f: {  	s21 =	simm.s32 $0x9000  }
0x260: {  	[tilespmem:s21], [sflag:$0x2] =	stream.indirect_vreg.gather [hbm4b:s4+s2], $0x80, v4, vm0, $0xb8;
	[tilespmem:$0x10800] =	vst v63  }
0x261: {  	s29 =	simm.s32 $0x9800  }
0x262: {  	[tilespmem:s29], [sflag:$0x2] =	stream.indirect_vreg.gather [hbm4b:s5+s2], $0x80, v4, vm0, $0xb8;
	[tilespmem:$0x10800] =	vst v63  }
0x263: {  	s31 =	simm.s32 $0xA000  }
0x264: {  	[tilespmem:s31], [sflag:$0x2] =	stream.indirect_vreg.gather [hbm4b:s6+s2], $0x80, v4, vm0, $0xb8;
	[tilespmem:$0x10800] =	vst v63  }
0x265: {  	s31 =	simm.s32 $0xA800  }
0x266: {  	[tilespmem:s31], [sflag:$0x2] =	stream.indirect_vreg.gather [hbm4b:s7+s2], $0x80, v4, vm0, $0xb8;
	[tilespmem:$0x10800] =	vst v63  }
0x267: {  	v3 =	vperm.xlane v3, v2;
	s31 =	simm.s32 $0xB000  }
0x268: {  	[tilespmem:s31], [sflag:$0x2] =	stream.indirect_vreg.gather [hbm4b:s8+s2], $0x80, v4, vm0, $0xb8;
	[tilespmem:$0x10800] =	vst v63  }
0x269: {  	v3 =	vadd.s32 v1, v3;
	s31 =	simm.s32 $0xB800  }
0x26a: {  	[tilespmem:s31], [sflag:$0x2] =	stream.indirect_vreg.gather [hbm4b:s9+s2], $0x80, v4, vm0, $0xb8;
	[tilespmem:$0x10800] =	vst v63  }
0x26b: {  	s29 =	simm.s32 $0xC000  }
0x26c: {  	[tilespmem:s29], [sflag:$0x2] =	stream.indirect_vreg.gather [hbm4b:s10+s2], $0x80, v4, vm0, $0xb8;
	[tilespmem:$0x10800] =	vst v63  }
0x26d: {  	s29 =	simm.s32 $0xC800  }
0x26e: {  	[tilespmem:s29], [sflag:$0x2] =	stream.indirect_vreg.gather [hbm4b:s3+s2], $0x80, v3, vm0, $0xb8;
	[tilespmem:$0x10800] =	vst v63  }
0x26f: {  	s29 =	simm.s32 $0xD000  }
0x270: {  	[tilespmem:s29], [sflag:$0x2] =	stream.indirect_vreg.gather [hbm4b:s4+s2], $0x80, v3, vm0, $0xb8;
	[tilespmem:$0x10800] =	vst v63  }
0x271: {  	s29 =	simm.s32 $0xD800  }
0x272: {  	[tilespmem:s29], [sflag:$0x2] =	stream.indirect_vreg.gather [hbm4b:s5+s2], $0x80, v3, vm0, $0xb8;
	[tilespmem:$0x10800] =	vst v63  }
0x273: {  	s29 =	simm.s32 $0xE000  }
0x274: {  	[tilespmem:s29], [sflag:$0x2] =	stream.indirect_vreg.gather [hbm4b:s6+s2], $0x80, v3, vm0, $0xb8;
	[tilespmem:$0x10800] =	vst v63  }
0x275: {  	s29 =	simm.s32 $0xE800  }
0x276: {  	[tilespmem:s29], [sflag:$0x2] =	stream.indirect_vreg.gather [hbm4b:s7+s2], $0x80, v3, vm0, $0xb8;
	[tilespmem:$0x10800] =	vst v63  }
0x277: {  	s29 =	simm.s32 $0xF000  }
0x278: {  	[tilespmem:s29], [sflag:$0x2] =	stream.indirect_vreg.gather [hbm4b:s8+s2], $0x80, v3, vm0, $0xb8;
	[tilespmem:$0x10800] =	vst v63  }
0x279: {  	s29 =	simm.s32 $0xF800  }
0x27a: {  	[tilespmem:s29], [sflag:$0x2] =	stream.indirect_vreg.gather [hbm4b:s9+s2], $0x80, v3, vm0, $0xb8;
	[tilespmem:$0x10800] =	vst v63  }
0x27b: {  	s29 =	simm.s32 $0x10000  }
0x27c: {  	[tilespmem:s29], [sflag:$0x2] =	stream.indirect_vreg.gather [hbm4b:s10+s2], $0x80, v3, vm0, $0xb8;
	[tilespmem:$0x10800] =	vst v63  }
0x27d: {  	_ =	swait.ge [sflag:s26], $0x8000  }
0x27e: {  	[sflag:s26] =	ssyncset.done $0x0  }
0x27f: {  	s29 =	rddreg [dreg:$0x10];
	[sflag:s26] =	ssyncadd.s32 $0xFFFF8000  }
0x280: {  	[hbm4b:s29+s2] =	stream.linear.scatter [tilespmem:s13], [sflag:$0x3], $0x8000, $0x38;
	[tilespmem:$0x10800] =	vst v63  }
0x281: {  	_ =	swait.ge [sflag:s12], $0x8000  }
0x282: {  	[sflag:s12] =	ssyncset.done $0x0  }
0x283: {  	[sflag:s12] =	ssyncadd.s32 $0xFFFF8000  }
0x284: {  	_ =	swait.ge [sflag:s28], $0x8000  }
0x285: {  	[sflag:s28] =	ssyncset.done $0x0  }
0x286: {  	s29 =	rddreg [dreg:$0x11];
	[sflag:s28] =	ssyncadd.s32 $0xFFFF8000  }
0x287: {  	[hbm4b:s29+s2] =	stream.linear.scatter [tilespmem:s30], [sflag:$0x3], $0x8000, $0x38;
	[tilespmem:$0x10800] =	vst v63  }
0x288: {  	_ =	swait.ge [sflag:s12], $0x8000  }
0x289: {  	[sflag:s12] =	ssyncset.done $0x0  }
0x28a: {  	[sflag:s12] =	ssyncadd.s32 $0xFFFF8000  }
0x28b: {  	v3 =	vld [tilespmem:$0x380];
	_ =	sdelay $0x4  }
0x28c: {  	v62 =	vshll.u32 v3, $0x4  }
0x28d: {  	v3 =	vand.u32 $0x7, v3;
	v4 =	vand.u32 $0xFFFFFF80, v62  }
0x28e: {  	v3 =	vor.u32 v3, v4  }
0x28f: {  	v4 =	vperm.xlane v3, v0;
	_ =	sdelay $0x1  }
0x290: {  	v4 =	vadd.s32 v1, v4;
	_ =	sdelay $0x4  }
0x291: {  	[tilespmem:s13], [sflag:$0x1] =	stream.indirect_vreg.gather [hbm4b:s3+s2], $0x80, v4, vm0, $0xb8;
	[tilespmem:$0x10800] =	vst v63  }
0x292: {  	s29 =	simm.s32 $0x1000  }
0x293: {  	[tilespmem:s29], [sflag:$0x1] =	stream.indirect_vreg.gather [hbm4b:s4+s2], $0x80, v4, vm0, $0xb8;
	[tilespmem:$0x10800] =	vst v63  }
0x294: {  	s11 =	simm.s32 $0x1800  }
0x295: {  	[tilespmem:s11], [sflag:$0x1] =	stream.indirect_vreg.gather [hbm4b:s5+s2], $0x80, v4, vm0, $0xb8;
	[tilespmem:$0x10800] =	vst v63  }
0x296: {  	s25 =	simm.s32 $0x2000  }
0x297: {  	[tilespmem:s25], [sflag:$0x1] =	stream.indirect_vreg.gather [hbm4b:s6+s2], $0x80, v4, vm0, $0xb8;
	[tilespmem:$0x10800] =	vst v63  }
0x298: {  	s25 =	simm.s32 $0x2800  }
0x299: {  	[tilespmem:s25], [sflag:$0x1] =	stream.indirect_vreg.gather [hbm4b:s7+s2], $0x80, v4, vm0, $0xb8;
	[tilespmem:$0x10800] =	vst v63  }
0x29a: {  	v3 =	vperm.xlane v3, v2;
	s29 =	simm.s32 $0x3000  }
0x29b: {  	[tilespmem:s29], [sflag:$0x1] =	stream.indirect_vreg.gather [hbm4b:s8+s2], $0x80, v4, vm0, $0xb8;
	[tilespmem:$0x10800] =	vst v63  }
0x29c: {  	s0 =	simm.s32 $0x3800;
	v3 =	vadd.s32 v1, v3  }
0x29d: {  	[tilespmem:s0], [sflag:$0x1] =	stream.indirect_vreg.gather [hbm4b:s9+s2], $0x80, v4, vm0, $0xb8;
	[tilespmem:$0x10800] =	vst v63  }
0x29e: {  	s1 =	simm.s32 $0x4000  }
0x29f: {  	[tilespmem:s1], [sflag:$0x1] =	stream.indirect_vreg.gather [hbm4b:s10+s2], $0x80, v4, vm0, $0xb8;
	[tilespmem:$0x10800] =	vst v63  }
0x2a0: {  	s14 =	simm.s32 $0x4800  }
0x2a1: {  	[tilespmem:s14], [sflag:$0x1] =	stream.indirect_vreg.gather [hbm4b:s3+s2], $0x80, v3, vm0, $0xb8;
	[tilespmem:$0x10800] =	vst v63  }
0x2a2: {  	s15 =	simm.s32 $0x5000  }
0x2a3: {  	[tilespmem:s15], [sflag:$0x1] =	stream.indirect_vreg.gather [hbm4b:s4+s2], $0x80, v3, vm0, $0xb8;
	[tilespmem:$0x10800] =	vst v63  }
0x2a4: {  	s16 =	simm.s32 $0x5800  }
0x2a5: {  	[tilespmem:s16], [sflag:$0x1] =	stream.indirect_vreg.gather [hbm4b:s5+s2], $0x80, v3, vm0, $0xb8;
	[tilespmem:$0x10800] =	vst v63  }
0x2a6: {  	s17 =	simm.s32 $0x6000  }
0x2a7: {  	[tilespmem:s17], [sflag:$0x1] =	stream.indirect_vreg.gather [hbm4b:s6+s2], $0x80, v3, vm0, $0xb8;
	[tilespmem:$0x10800] =	vst v63  }
0x2a8: {  	s18 =	simm.s32 $0x6800  }
0x2a9: {  	[tilespmem:s18], [sflag:$0x1] =	stream.indirect_vreg.gather [hbm4b:s7+s2], $0x80, v3, vm0, $0xb8;
	[tilespmem:$0x10800] =	vst v63  }
0x2aa: {  	s19 =	simm.s32 $0x7000  }
0x2ab: {  	[tilespmem:s19], [sflag:$0x1] =	stream.indirect_vreg.gather [hbm4b:s8+s2], $0x80, v3, vm0, $0xb8;
	[tilespmem:$0x10800] =	vst v63  }
0x2ac: {  	s20 =	simm.s32 $0x7800  }
0x2ad: {  	[tilespmem:s20], [sflag:$0x1] =	stream.indirect_vreg.gather [hbm4b:s9+s2], $0x80, v3, vm0, $0xb8;
	[tilespmem:$0x10800] =	vst v63  }
0x2ae: {  	s1 =	simm.s32 $0x8000  }
0x2af: {  	[tilespmem:s1], [sflag:$0x1] =	stream.indirect_vreg.gather [hbm4b:s10+s2], $0x80, v3, vm0, $0xb8;
	[tilespmem:$0x10800] =	vst v63  }
0x2b0: {  	v3 =	vld [tilespmem:$0x780];
	_ =	sdelay $0x4  }
0x2b1: {  	v63 =	vshll.u32 v3, $0x4  }
0x2b2: {  	v3 =	vand.u32 $0x7, v3;
	v4 =	vand.u32 $0xFFFFFF80, v63  }
0x2b3: {  	v3 =	vor.u32 v3, v4  }
0x2b4: {  	v4 =	vperm.xlane v3, v0;
	_ =	sdelay $0x1  }
0x2b5: {  	v4 =	vadd.s32 v1, v4;
	_ =	sdelay $0x4  }
0x2b6: {  	[tilespmem:s30], [sflag:$0x2] =	stream.indirect_vreg.gather [hbm4b:s3+s2], $0x80, v4, vm0, $0xb8;
	[tilespmem:$0x10800] =	vst v63  }
0x2b7: {  	s21 =	simm.s32 $0x9000  }
0x2b8: {  	[tilespmem:s21], [sflag:$0x2] =	stream.indirect_vreg.gather [hbm4b:s4+s2], $0x80, v4, vm0, $0xb8;
	[tilespmem:$0x10800] =	vst v63  }
0x2b9: {  	s24 =	simm.s32 $0x9800  }
0x2ba: {  	[tilespmem:s24], [sflag:$0x2] =	stream.indirect_vreg.gather [hbm4b:s5+s2], $0x80, v4, vm0, $0xb8;
	[tilespmem:$0x10800] =	vst v63  }
0x2bb: {  	s23 =	simm.s32 $0xA000  }
0x2bc: {  	[tilespmem:s23], [sflag:$0x2] =	stream.indirect_vreg.gather [hbm4b:s6+s2], $0x80, v4, vm0, $0xb8;
	[tilespmem:$0x10800] =	vst v63  }
0x2bd: {  	s11 =	simm.s32 $0xA800  }
0x2be: {  	[tilespmem:s11], [sflag:$0x2] =	stream.indirect_vreg.gather [hbm4b:s7+s2], $0x80, v4, vm0, $0xb8;
	[tilespmem:$0x10800] =	vst v63  }
0x2bf: {  	s14 =	simm.s32 $0xB000;
	v3 =	vperm.xlane v3, v2  }
0x2c0: {  	[tilespmem:s14], [sflag:$0x2] =	stream.indirect_vreg.gather [hbm4b:s8+s2], $0x80, v4, vm0, $0xb8;
	[tilespmem:$0x10800] =	vst v63  }
0x2c1: {  	s31 =	simm.s32 $0xB800;
	v3 =	vadd.s32 v1, v3  }
0x2c2: {  	[tilespmem:s31], [sflag:$0x2] =	stream.indirect_vreg.gather [hbm4b:s9+s2], $0x80, v4, vm0, $0xb8;
	[tilespmem:$0x10800] =	vst v63  }
0x2c3: {  	s15 =	simm.s32 $0xC000  }
0x2c4: {  	[tilespmem:s15], [sflag:$0x2] =	stream.indirect_vreg.gather [hbm4b:s10+s2], $0x80, v4, vm0, $0xb8;
	[tilespmem:$0x10800] =	vst v63  }
0x2c5: {  	s16 =	simm.s32 $0xC800  }
0x2c6: {  	[tilespmem:s16], [sflag:$0x2] =	stream.indirect_vreg.gather [hbm4b:s3+s2], $0x80, v3, vm0, $0xb8;
	[tilespmem:$0x10800] =	vst v63  }
0x2c7: {  	s17 =	simm.s32 $0xD000  }
0x2c8: {  	[tilespmem:s17], [sflag:$0x2] =	stream.indirect_vreg.gather [hbm4b:s4+s2], $0x80, v3, vm0, $0xb8;
	[tilespmem:$0x10800] =	vst v63  }
0x2c9: {  	s18 =	simm.s32 $0xD800  }
0x2ca: {  	[tilespmem:s18], [sflag:$0x2] =	stream.indirect_vreg.gather [hbm4b:s5+s2], $0x80, v3, vm0, $0xb8;
	[tilespmem:$0x10800] =	vst v63  }
0x2cb: {  	s19 =	simm.s32 $0xE000  }
0x2cc: {  	[tilespmem:s19], [sflag:$0x2] =	stream.indirect_vreg.gather [hbm4b:s6+s2], $0x80, v3, vm0, $0xb8;
	[tilespmem:$0x10800] =	vst v63  }
0x2cd: {  	s20 =	simm.s32 $0xE800  }
0x2ce: {  	[tilespmem:s20], [sflag:$0x2] =	stream.indirect_vreg.gather [hbm4b:s7+s2], $0x80, v3, vm0, $0xb8;
	[tilespmem:$0x10800] =	vst v63  }
0x2cf: {  	s21 =	simm.s32 $0xF000  }
0x2d0: {  	[tilespmem:s21], [sflag:$0x2] =	stream.indirect_vreg.gather [hbm4b:s8+s2], $0x80, v3, vm0, $0xb8;
	[tilespmem:$0x10800] =	vst v63  }
0x2d1: {  	s23 =	simm.s32 $0xF800  }
0x2d2: {  	[tilespmem:s23], [sflag:$0x2] =	stream.indirect_vreg.gather [hbm4b:s9+s2], $0x80, v3, vm0, $0xb8;
	[tilespmem:$0x10800] =	vst v63  }
0x2d3: {  	s24 =	simm.s32 $0x10000  }
0x2d4: {  	[tilespmem:s24], [sflag:$0x2] =	stream.indirect_vreg.gather [hbm4b:s10+s2], $0x80, v3, vm0, $0xb8;
	[tilespmem:$0x10800] =	vst v63  }
0x2d5: {  	_ =	swait.ge [sflag:s26], $0x8000  }
0x2d6: {  	[sflag:s26] =	ssyncset.done $0x0  }
0x2d7: {  	s25 =	rddreg [dreg:$0x12];
	[sflag:s26] =	ssyncadd.s32 $0xFFFF8000  }
0x2d8: {  	[hbm4b:s25+s2] =	stream.linear.scatter [tilespmem:s13], [sflag:$0x3], $0x8000, $0x38;
	[tilespmem:$0x10800] =	vst v63  }
0x2d9: {  	_ =	swait.ge [sflag:s12], $0x8000  }
0x2da: {  	[sflag:s12] =	ssyncset.done $0x0  }
0x2db: {  	[sflag:s12] =	ssyncadd.s32 $0xFFFF8000  }
0x2dc: {  	_ =	swait.ge [sflag:s28], $0x8000  }
0x2dd: {  	p0 =	sne.s32 s22, $0x1;
	[sflag:s28] =	ssyncset.done $0x0  }
.Ltmp0:
0x2de: {  	s31 =	rddreg [dreg:$0x13];
	[sflag:s28] =	ssyncadd.s32 $0xFFFF8000;
	(pc) =	sbr.rel @p0 .LBB2_1-.Ltmp0, $4  }
0x2df: {  	[hbm4b:s31+s2] =	stream.linear.scatter [tilespmem:s30], [sflag:$0x3], $0x8000, $0x38;
	[tilespmem:$0x10800] =	vst v63  }
0x2e0: {  	_ =	swait.ge [sflag:s12], $0x8000  }
0x2e1: {  	[sflag:s12] =	ssyncset.done $0x0  }
0x2e2: {  	s22 =	sadd.s32 $0xFFFFFFFF, s22;
	[sflag:s12] =	ssyncadd.s32 $0xFFFF8000  }
0x2e3: {  	_ =	sfence.sel $0x180000  }
0x2e4: {  	[bflag:$0x0] =	sbarrier.arrive $0xFFFF  }
0x2e5: {  	_ =	strace $0x9000004A  }
0x2e6: {  	s0 =	stileid.u32;
	[bflag:$0x2] =	sbarrier.arrive $0xFFFF  }
0x2e7: {  	p0 =	sne.s32 s0, $0x0;
	s0 =	rddreg [dreg:$0x1]  }
0x2e8: {  	s0 =	sadd.s32 @!p0 $0x100000, s0  }
0x2e9: {  	[sflag:s0] =	ssyncadd.tile.s32 @!p0 $0x1;
	_ =	shalt  }
.Lfunc_end2:
_tile_overlayer_lowered:
.L_overlay_start_2:
0x2ea: {  	(tag) =	ssettag $0x2  }
0x2eb: {  	s0 =	rddreg [dreg:$0x0];
	s2 =	stileid.u32  }
0x2ec: {  	s1 =	rddreg [dreg:$0x1];
	p0 =	sne.s32 s2, $0x0  }
0x2ed: {  	s3 =	rddreg [dreg:$0x2];
	[bflag:$0x3] =	sbarrier.arrive $0xFFFF;
	s2 =	simm.s32 @!p0 $0x1C03  }
0x2ee: {  	[timem:s3], [sflag:s2] =	dma.local @!p0 [hbm:s0], s1  }
0x2ef: {  	s0 =	simm.s32 @!p0 $0x3  }
0x2f0: {  	_ =	swait.ge @!p0 [sflag:s0], s1  }
0x2f1: {  	s1 =	ssub.s32 @!p0 $0x0, s1;
	[sflag:s0] =	ssyncset.done @!p0 $0x0  }
0x2f2: {  	[sflag:s0] =	ssyncadd.s32 @!p0 s1  }
0x2f3: {  	[bflag:$0x3] =	sbarrier.arrive $0xFFFF  }
0x2f4: {  	_ =	shalt  }

// kernel: kernel.8.cloned.1.call-start
scs
__scs_entry_jumppad:
0x0: {  	(pc) =	sbr.rel $0x88, $3  }
0x1: {  	(tag) =	ssettag $0x0;
	lr =	simm.s32 $0x1  }
0x2: {  	[smem:$0x3F9C] =	sst lr;
	_ =	strace $0xD0000000  }
0x3: {  	_ = 	snop  }
0x4: {  	_ = 	snop  }
0x5: {  	_ = 	snop  }
0x6: {  	_ = 	snop  }
0x7: {  	_ = 	snop  }
__scs_overlays_trampoline_lowered:
0x8: {  	[smem:$0x3FAB] =	sst s0  }
0x9: {  	[smem:$0x3FAC] =	sst s1  }
0xa: {  	[smem:$0x3FAD] =	sst s2  }
0xb: {  	[smem:$0x3FAE] =	sst s3  }
0xc: {  	[smem:$0x3FAF] =	sst s4  }
0xd: {  	[smem:$0x3FB0] =	sst s5  }
0xe: {  	[smem:$0x3FB1] =	sst s6  }
0xf: {  	[smem:$0x3FB2] =	sst s7  }
0x10: {  	[smem:$0x3FB3] =	sst s8  }
0x11: {  	[smem:$0x3FB4] =	sst s9;
	s0 =	simm.s32 @!p0 $0x0  }
0x12: {  	s1 =	sld [smem:$0x3F9A];
	s0 =	simm.s32 @p0 $0x1  }
0x13: {  	[smem:$0x3FB5] =	sst s0;
	s0 =	simm.s32 @!p1 $0x0  }
0x14: {  	s2 =	sld [smem:$0x3F99];
	s0 =	simm.s32 @p1 $0x1  }
0x15: {  	[smem:$0x3FB6] =	sst s0;
	s0 =	simm.s32 @!p2 $0x0  }
0x16: {  	s3 =	sld [smem:$0x3FDB];
	s0 =	simm.s32 @p2 $0x1  }
0x17: {  	s4 =	simm.s32 $0x1BF5;
	[smem:$0x3FB8] =	sst s0  }
0x18: {  	s0 =	sld [smem:$0x3F9B];
	_ =	swait.ge [sflag:s4], $0x0  }
0x19: {  	s7 =	sld [smem:$0x3F9C]  }
0x1a: {  	s8 =	sadd.s32 $0xFFFFE003, lr  }
0x1b: {  	s9 =	sadd.s32 $0xFFFFFEF7, lr;
	s5 =	simm.s32 $0xFFFFFFFF;
	p2 =	slt.u32 s8, $0xFFFFF086  }
0x1c: {  	p1 =	slt.u32 s9, $0xF7A;
	s5 =	simm.s32 @!p2 $0x0  }
0x1d: {  	s5 =	simm.s32 @p1 $0x1;
	p0 =	seq.s32 s7, s2  }
0x1e: {  	s7 =	smul.u32 @!p0 $0xF7A, s2;
	p2 =	seq.s32 @!p0 s5, $0x0  }
0x1f: {  	s9 =	smul.u32 $0xF7A, s1;
	s8 =	simm.s32 @!p0 $0x1BF5;
	p2 =	por !p2, p0  }
0x20: {  	[sflag:s8] =	ssyncset.s32 @!p0 $0xFFFFF086;
	s6 =	sadd.s32 @!p0 s3, s7;
	s7 =	simm.s32 @!p0 $0x108  }
0x21: {  	s3 =	sadd.s32 s3, s9;
	s6 =	sadd.s32 @!p0 $0x88, s6;
	s7 =	simm.s32 @p2 $0x1082  }
0x22: {  	[simem:s7], [sflag:s8] =	dma.local @!p0 [hbm:s6], $0xF7A  }
0x23: {  	s9 =	sor.u32 $0xD0000000, s2;
	s6 =	simm.s32 $0x108;
	_ =	swait.ge @!p0 [sflag:s8], $0x0  }
0x24: {  	s3 =	sadd.s32 $0x88, s3;
	s6 =	simm.s32 @!p1 $0x1082;
	[sflag:s4] =	ssyncset.s32 $0xFFFFF086  }
0x25: {  	[simem:s6], [sflag:s4] =	dma.local [hbm:s3], $0xF7A  }
0x26: {  	[smem:$0x3F9C] =	sst s1;
	(tag) =	ssettag s2;
	_ =	strace s9  }
0x27: {  	s1 =	sld [smem:$0x3FAC]  }
0x28: {  	s2 =	sld [smem:$0x3FAD]  }
0x29: {  	s4 =	sld [smem:$0x3FAF]  }
0x2a: {  	p0 =	seq.s32 s5, $0x0;
	s5 =	sld [smem:$0x3FB0]  }
0x2b: {  	s6 =	sld [smem:$0x3FB1]  }
0x2c: {  	s7 =	sld [smem:$0x3FB2]  }
0x2d: {  	s3 =	simm.s32 $0x108;
	s8 =	sld [smem:$0x3FB3]  }
0x2e: {  	s3 =	simm.s32 @!p0 $0x1082;
	s9 =	sld [smem:$0x3FB4]  }
0x2f: {  	lr =	sadd.s32 s0, s3;
	s0 =	sld [smem:$0x3FAB]  }
0x30: {  	s3 =	sld [smem:$0x3FAE]  }
0x31: {  	[smem:$0x3FB7] =	sst s10  }
0x32: {  	s10 =	sld [smem:$0x3FB5];
	_ =	sdelay $0x3  }
0x33: {  	p0 =	seq.s32 s10, $0x1;
	s10 =	sld [smem:$0x3FB7];
	_ =	sdelay $0x3  }
0x34: {  	[smem:$0x3FB7] =	sst s10  }
0x35: {  	s10 =	sld [smem:$0x3FB6];
	_ =	sdelay $0x3  }
0x36: {  	p1 =	seq.s32 s10, $0x1;
	s10 =	sld [smem:$0x3FB7];
	_ =	sdelay $0x3  }
0x37: {  	[smem:$0x3FB7] =	sst s10  }
0x38: {  	s10 =	sld [smem:$0x3FB8]  }
0x39: {  	_ = 	snop;
	(pc) =	sbr.ind lr, $3  }
0x3a: {  	_ = 	snop  }
0x3b: {  	_ = 	snop  }
0x3c: {  	p2 =	seq.s32 s10, $0x1;
	s10 =	sld [smem:$0x3FB7]  }
0x3d: {  	_ =	shalt  }
0x3e: {  	_ =	shalt  }
0x3f: {  	_ =	shalt  }
0x40: {  	_ =	shalt  }
0x41: {  	_ =	shalt  }
0x42: {  	_ =	shalt  }
0x43: {  	_ =	shalt  }
0x44: {  	_ =	shalt  }
0x45: {  	_ =	shalt  }
0x46: {  	_ =	shalt  }
0x47: {  	_ =	shalt  }
0x48: {  	_ =	shalt  }
0x49: {  	_ =	shalt  }
0x4a: {  	_ =	shalt  }
0x4b: {  	_ =	shalt  }
0x4c: {  	_ =	shalt  }
0x4d: {  	_ =	shalt  }
0x4e: {  	_ =	shalt  }
0x4f: {  	_ =	shalt  }
0x50: {  	_ =	shalt  }
0x51: {  	_ =	shalt  }
0x52: {  	_ =	shalt  }
0x53: {  	_ =	shalt  }
0x54: {  	_ =	shalt  }
0x55: {  	_ =	shalt  }
0x56: {  	_ =	shalt  }
0x57: {  	_ =	shalt  }
0x58: {  	_ =	shalt  }
0x59: {  	_ =	shalt  }
0x5a: {  	_ =	shalt  }
0x5b: {  	_ =	shalt  }
0x5c: {  	_ =	shalt  }
0x5d: {  	_ =	shalt  }
0x5e: {  	_ =	shalt  }
0x5f: {  	_ =	shalt  }
0x60: {  	_ =	shalt  }
0x61: {  	_ =	shalt  }
0x62: {  	_ =	shalt  }
0x63: {  	_ =	shalt  }
0x64: {  	_ =	shalt  }
0x65: {  	_ =	shalt  }
0x66: {  	_ =	shalt  }
0x67: {  	_ =	shalt  }
0x68: {  	_ =	shalt  }
0x69: {  	_ =	shalt  }
0x6a: {  	_ =	shalt  }
0x6b: {  	_ =	shalt  }
0x6c: {  	_ =	shalt  }
0x6d: {  	_ =	shalt  }
0x6e: {  	_ =	shalt  }
0x6f: {  	_ =	shalt  }
0x70: {  	_ =	shalt  }
0x71: {  	_ =	shalt  }
0x72: {  	_ =	shalt  }
0x73: {  	_ =	shalt  }
0x74: {  	_ =	shalt  }
0x75: {  	_ =	shalt  }
0x76: {  	_ =	shalt  }
0x77: {  	_ =	shalt  }
0x78: {  	_ =	shalt  }
0x79: {  	_ =	shalt  }
0x7a: {  	_ =	shalt  }
0x7b: {  	_ =	shalt  }
0x7c: {  	_ =	shalt  }
0x7d: {  	_ =	shalt  }
0x7e: {  	_ =	shalt  }
0x7f: {  	_ =	shalt  }
0x80: {  	_ =	shalt  }
0x81: {  	_ =	shalt  }
0x82: {  	_ =	shalt  }
0x83: {  	_ =	shalt  }
0x84: {  	_ =	shalt  }
0x85: {  	_ =	shalt  }
0x86: {  	_ =	shalt  }
0x87: {  	_ =	shalt  }
.Lfunc_end0:
.L_simem_size_0:
called_computation_lowered:
.L_overlay_start_0:
0x88: {  	s2 =	sld [smem:$0x3FD9]  }
0x89: {  	s3 =	sld [smem:$0x3FFE];
	_ =	sdelay $0x1  }
0x8a: {  	s1 =	srdreg.scid  }
0x8b: {  	s0 =	sand.u32 $0x1, s1  }
0x8c: {  	s17 =	sshll.u32 s0, $0xA;
	s2 =	sadd.s32 s3, s2  }
0x8d: {  	s2 =	sadd.s32 s2, s17  }
0x8e: {  	[smem:$0x3FC3] =	sst s2  }
0x8f: {  	_ = 	snop  }
0x90: {  	s2 =	sld [smem:$0x3FC9];
	(tm) =	ssettm $0x1  }
0x91: {  	s18 =	sld [smem:$0x3FFB];
	_ =	sdelay $0x3  }
0x92: {  	_ =	strace s18  }
0x93: {  	s3 =	sld [smem:$0x3FFC];
	_ =	sdelay $0x3  }
0x94: {  	_ =	strace s3  }
0x95: {  	s3 =	sld [smem:$0x3FFD];
	_ =	sdelay $0x3  }
0x96: {  	_ =	strace s3  }
0x97: {  	_ =	strace $0x8FFFFFFF  }
0x98: {  	s19 =	sld [smem:$0x3FDB];
	_ =	sdelay $0x1  }
0x99: {  	s4 =	simm.s32 $_scs_section_size  }
0x9a: {  	s5 =	simm.s32 $_size__tile_overlayer_lowered;
	s6 =	simm.s32 $_tile_overlayer_lowered  }
0x9b: {  	s22 =	simm.s32 $0x1BFF;
	s21 =	sshll.u32 s6, $0x1;
	s3 =	sadd.s32 s4, s19  }
0x9c: {  	s7 =	simm.s32 $0x0;
	s20 =	sshll.u32 s5, $0x1;
	s5 =	sadd.s32 s21, s3  }
0x9d: {  	[timem:s7], [sflag:s22] =	dma.local [hbm:s5], s20  }
0x9e: {  	_ =	swait.ge [sflag:s22], s20  }
0x9f: {  	s4 =	ssub.s32 $0x0, s20;
	[sflag:s22] =	ssyncset.done $0x0  }
0xa0: {  	[sflag:s22] =	ssyncadd.s32 s4;
	_ =	sdelay $0x1  }
0xa1: {  	s23 =	simm.s32 $0x1B8B  }
0xa2: {  	_ =	swait.ge [sflag:s23], $0x1  }
0xa3: {  	[sflag:s23] =	ssyncset.done $0x0  }
0xa4: {  	s25 =	simm.s32 $0x1B8E;
	s24 =	sld [smem:$0x3FFE];
	[sflag:s23] =	ssyncadd.s32 $0xFFFFFFFF  }
0xa5: {  	s26 =	simm.s32 $execute0_lowered;
	[smem:$0x3FD2] =	sst s25  }
0xa6: {  	s5 =	sshll.u32 s26, $0x1;
	_ =	strace $0x80000046;
	[dreg:$0x1] =	wrdreg $0xFFFFFFFF  }
0xa7: {  	s28 =	simm.s32 $_size_execute0_lowered;
	s3 =	sadd.s32 s3, s5;
	[dreg:$0x0] =	wrdreg $0x0  }
0xa8: {  	s5 =	sshll.u32 s28, $0x1;
	[dreg:$0x2] =	wrdreg s3  }
0xa9: {  	[dreg:$0x3] =	wrdreg s5  }
0xaa: {  	[dreg:$0x4] =	wrdreg $0xC0  }
0xab: {  	_ =	task [dreg:s7], $0x5FFFF  }
0xac: {  	[dreg:$0x1] =	wrdreg $0xFFFFFFFF  }
0xad: {  	[dreg:$0x0] =	wrdreg $0x60  }
0xae: {  	[dreg:$0x2] =	wrdreg s24  }
0xaf: {  	[dreg:$0x3] =	wrdreg s2  }
0xb0: {  	[dreg:$0x4] =	wrdreg $0x9  }
0xb1: {  	_ =	task.clear_ibuf [dreg:s7], $0x5FFFF;
	_ =	strace $0x90000046  }
0xb2: {  	s29 =	simm.s32 $0x9;
	_ =	strace $0x80000048  }
0xb3: {  	_ =	swait.ge [sflag:s29], $0x1  }
0xb4: {  	[sflag:s29] =	ssyncadd.s32 $0xFFFFFFFF  }
0xb5: {  	_ =	strace $0x90000048  }
0xb6: {  	_ =	sfence  }
0xb7: {  	s30 =	sld [smem:$0x0];
	_ =	sdelay $0x2  }
0xb8: {  	s31 =	sshll.u32 s1, $0xD;
	s1 =	sshrl.u32 s1, $0x2  }
0xb9: {  	s3 =	sand.u32 $0x4000, s31;
	s1 =	sadd.s32 s1, s30  }
0xba: {  	s0 =	sor.u32 s3, s0;
	s1 =	sshll.u32 s1, $0x11  }
0xbb: {  	s0 =	sor.u32 s1, s0  }
0xbc: {  	s0 =	sadd.s32 $0x8F2B, s0  }
0xbd: {  	[sflag:s0] =	ssyncadd.remote.s32 $0x1  }
0xbe: {  	_ =	sfence.sel $0xFFFF  }
0xbf: {  	[dreg:$0x0] =	wrdreg $0xFFFFFFFF;
	(pc) =	sbr.abs _section_cstart, $3  }
0xc0: {  	[dreg:$0x1] =	wrdreg $0xFFFFFFFF  }
0xc1: {  	_ =	task.clear_ibuf [dreg:s7], $0x2FFFF;
	_ =	strace $0x9FFFFFFF  }
0xc2: {  	(tm) =	ssettm $0x7FFFFFFF  }
0xc3: {  	_ =	shalt  }
tec
execute0_lowered:
.L_overlay_start_1:
0x0: {  	(tag) =	ssettag $0x1  }
0x1: {  	s0 =	srdreg.scid  }
0x2: {  	s2 =	stileid.u32;
	s0 =	sand.u32 $0x1, s0  }
0x3: {  	s1 =	rddreg [dreg:$0x0];
	s2 =	sshll.u32 s2, $0x9;
	s3 =	sshll.u32 s0, $0x8  }
0x4: {  	s4 =	rddreg [dreg:$0x1];
	s3 =	sor.u32 s3, s2  }
0x5: {  	s2 =	simm.s32 $0x0;
	s5 =	sshll.u32 s3, $0x8;
	s3 =	sadd.s32 s3, s1  }
0x6: {  	[smem:$0x7FF] =	sst s2;
	s5 =	sand.u32 $0xF0000, s5;
	s3 =	sadd.s32 $0x11A00, s3  }
0x7: {  	_ =	strace $0x80000047;
	s11 =	sadd.s32 s4, s5;
	[dreg:$0x3] =	wrdreg s3  }
0x8: {  	s14 =	simm.s32 $0x800;
	s15 =	sadd.s32 $0x1000, s11;
	[dreg:$0x13] =	wrdreg s11  }
0x9: {  	s6 =	sadd.s32 $0x13C00, s1;
	s16 =	sadd.s32 $0x2000, s11;
	[dreg:$0x4] =	wrdreg s15  }
0xa: {  	s7 =	sadd.s32 $0x13D00, s1;
	s17 =	sadd.s32 $0x3000, s11;
	[dreg:$0x5] =	wrdreg s16  }
0xb: {  	s8 =	sadd.s32 $0x13E00, s1;
	s18 =	sadd.s32 $0x4000, s11;
	[dreg:$0x6] =	wrdreg s17  }
0xc: {  	s9 =	sadd.s32 $0x13F00, s1;
	s19 =	sadd.s32 $0x5000, s11;
	[dreg:$0x7] =	wrdreg s18  }
0xd: {  	s10 =	sadd.s32 $0x14000, s1;
	s20 =	sadd.s32 $0x6000, s11;
	[dreg:$0x8] =	wrdreg s19  }
0xe: {  	s0 =	ssub.s32 $0x2, s0;
	s21 =	sadd.s32 $0x7000, s11;
	[dreg:$0x9] =	wrdreg s20  }
0xf: {  	s22 =	sshrl.u32 s0, $0x1;
	s23 =	sadd.s32 $0x8000, s11;
	[dreg:$0xa] =	wrdreg s21  }
0x10: {  	s0 =	ssub.s32 s0, s22;
	s24 =	sadd.s32 $0x9000, s11;
	[dreg:$0xb] =	wrdreg s23  }
0x11: {  	s12 =	smax.u32 s0, $0x1;
	s25 =	sadd.s32 $0xA000, s11;
	[dreg:$0xc] =	wrdreg s24  }
0x12: {  	s0 =	simm.s32 $0x3;
	s26 =	sadd.s32 $0xB000, s11;
	[dreg:$0xd] =	wrdreg s25  }
0x13: {  	s4 =	sadd.s32 $0x13A00, s1;
	s28 =	sadd.s32 $0xC000, s11;
	[dreg:$0xe] =	wrdreg s26  }
0x14: {  	s5 =	sadd.s32 $0x13B00, s1;
	s29 =	sadd.s32 $0xD000, s11;
	[dreg:$0xf] =	wrdreg s28  }
0x15: {  	v2 =	vlaneseq.u32;
	s3 =	simm.s32 $0x2;
	s30 =	sadd.s32 $0xE000, s11;
	[dreg:$0x10] =	wrdreg s29  }
0x16: {  	vm0 =	vmmov $0xffff;
	v1 =	vshrl.u32 v2, $0x3;
	s31 =	sadd.s32 $0xF000, s11;
	s11 =	sadd.s32 $0x14100, s1;
	[dreg:$0x11] =	wrdreg s30  }
0x17: {  	v0 =	vand.u32 $0x7, v2;
	v2 =	vor.u32 $0x8, v2;
	v1 =	vmul.u32 $0x8, v1;
	[dreg:$0x12] =	wrdreg s31;
	s15 =	simm.s32 $0x8800;
	s16 =	simm.s32 $0x1  }
.LBB2_1:
0x18: {  	s1 =	rddreg [dreg:$0x3];
	s28 =	simm.s32 $0x4  }
0x19: {  	[tilespmem:s2], [sflag:$0x4] =	stream.linear.gather [hbm4b:s1+s2], $0x800, $0x38;
	[tilespmem:$0x10800] =	vst v63  }
0x1a: {  	_ =	swait.ge [sflag:s28], $0x800  }
0x1b: {  	[sflag:s28] =	ssyncset.done $0x0  }
0x1c: {  	s13 =	rddreg [dreg:$0x13];
	[sflag:s28] =	ssyncadd.s32 $0xFFFFF800  }
0x1d: {  	[tilespmem:s14], [sflag:$0x1] =	stream.linear.gather [hbm4b:s13+s2], $0x8000, $0x38;
	[tilespmem:$0x10800] =	vst v63  }
0x1e: {  	s29 =	rddreg [dreg:$0x4]  }
0x1f: {  	[tilespmem:s15], [sflag:$0x2] =	stream.linear.gather [hbm4b:s29+s2], $0x8000, $0x38;
	[tilespmem:$0x10800] =	vst v63  }
0x20: {  	_ =	swait.ge [sflag:s16], $0x8000  }
0x21: {  	[sflag:s16] =	ssyncset.done $0x0  }
0x22: {  	[sflag:s16] =	ssyncadd.s32 $0xFFFF8000  }
0x23: {  	v3 =	vld [tilespmem:$0x0];
	_ =	sdelay $0x4  }
0x24: {  	v4 =	vshll.u32 v3, $0x4  }
0x25: {  	v3 =	vand.u32 $0x7, v3;
	v4 =	vand.u32 $0xFFFFFF80, v4  }
0x26: {  	v3 =	vor.u32 v3, v4  }
0x27: {  	v4 =	vperm.xlane v3, v0;
	_ =	sdelay $0x1  }
0x28: {  	v4 =	vadd.s32 v1, v4;
	_ =	sdelay $0x4  }
0x29: {  	[hbm4b:s4+s2] =	stream.indirect_vreg.scatter [tilespmem:s14], [sflag:$0x3], $0x80, v4, vm0, $0xb8;
	[tilespmem:$0x10800] =	vst v63  }
0x2a: {  	s30 =	simm.s32 $0x1000  }
0x2b: {  	[hbm4b:s5+s2] =	stream.indirect_vreg.scatter [tilespmem:s30], [sflag:$0x3], $0x80, v4, vm0, $0xb8;
	[tilespmem:$0x10800] =	vst v63  }
0x2c: {  	s31 =	simm.s32 $0x1800  }
0x2d: {  	[hbm4b:s6+s2] =	stream.indirect_vreg.scatter [tilespmem:s31], [sflag:$0x3], $0x80, v4, vm0, $0xb8;
	[tilespmem:$0x10800] =	vst v63  }
0x2e: {  	s13 =	simm.s32 $0x2000  }
0x2f: {  	[hbm4b:s7+s2] =	stream.indirect_vreg.scatter [tilespmem:s13], [sflag:$0x3], $0x80, v4, vm0, $0xb8;
	[tilespmem:$0x10800] =	vst v63  }
0x30: {  	s17 =	simm.s32 $0x2800  }
0x31: {  	[hbm4b:s8+s2] =	stream.indirect_vreg.scatter [tilespmem:s17], [sflag:$0x3], $0x80, v4, vm0, $0xb8;
	[tilespmem:$0x10800] =	vst v63  }
0x32: {  	s18 =	simm.s32 $0x3000;
	v3 =	vperm.xlane v3, v2  }
0x33: {  	[hbm4b:s9+s2] =	stream.indirect_vreg.scatter [tilespmem:s18], [sflag:$0x3], $0x80, v4, vm0, $0xb8;
	[tilespmem:$0x10800] =	vst v63  }
0x34: {  	s19 =	simm.s32 $0x3800;
	v3 =	vadd.s32 v1, v3  }
0x35: {  	[hbm4b:s10+s2] =	stream.indirect_vreg.scatter [tilespmem:s19], [sflag:$0x3], $0x80, v4, vm0, $0xb8;
	[tilespmem:$0x10800] =	vst v63  }
0x36: {  	s20 =	simm.s32 $0x4000  }
0x37: {  	[hbm4b:s11+s2] =	stream.indirect_vreg.scatter [tilespmem:s20], [sflag:$0x3], $0x80, v4, vm0, $0xb8;
	[tilespmem:$0x10800] =	vst v63  }
0x38: {  	s21 =	simm.s32 $0x4800  }
0x39: {  	[hbm4b:s4+s2] =	stream.indirect_vreg.scatter [tilespmem:s21], [sflag:$0x3], $0x80, v3, vm0, $0xb8;
	[tilespmem:$0x10800] =	vst v63  }
0x3a: {  	s22 =	simm.s32 $0x5000  }
0x3b: {  	[hbm4b:s5+s2] =	stream.indirect_vreg.scatter [tilespmem:s22], [sflag:$0x3], $0x80, v3, vm0, $0xb8;
	[tilespmem:$0x10800] =	vst v63  }
0x3c: {  	s23 =	simm.s32 $0x5800  }
0x3d: {  	[hbm4b:s6+s2] =	stream.indirect_vreg.scatter [tilespmem:s23], [sflag:$0x3], $0x80, v3, vm0, $0xb8;
	[tilespmem:$0x10800] =	vst v63  }
0x3e: {  	s24 =	simm.s32 $0x6000  }
0x3f: {  	[hbm4b:s7+s2] =	stream.indirect_vreg.scatter [tilespmem:s24], [sflag:$0x3], $0x80, v3, vm0, $0xb8;
	[tilespmem:$0x10800] =	vst v63  }
0x40: {  	s18 =	simm.s32 $0x6800  }
0x41: {  	[hbm4b:s8+s2] =	stream.indirect_vreg.scatter [tilespmem:s18], [sflag:$0x3], $0x80, v3, vm0, $0xb8;
	[tilespmem:$0x10800] =	vst v63  }
0x42: {  	s19 =	simm.s32 $0x7000  }
0x43: {  	[hbm4b:s9+s2] =	stream.indirect_vreg.scatter [tilespmem:s19], [sflag:$0x3], $0x80, v3, vm0, $0xb8;
	[tilespmem:$0x10800] =	vst v63  }
0x44: {  	s20 =	simm.s32 $0x7800  }
0x45: {  	[hbm4b:s10+s2] =	stream.indirect_vreg.scatter [tilespmem:s20], [sflag:$0x3], $0x80, v3, vm0, $0xb8;
	[tilespmem:$0x10800] =	vst v63  }
0x46: {  	s21 =	simm.s32 $0x8000  }
0x47: {  	[hbm4b:s11+s2] =	stream.indirect_vreg.scatter [tilespmem:s21], [sflag:$0x3], $0x80, v3, vm0, $0xb8;
	[tilespmem:$0x10800] =	vst v63  }
0x48: {  	_ =	swait.ge [sflag:s0], $0x8000  }
0x49: {  	[sflag:s0] =	ssyncset.done $0x0  }
0x4a: {  	s22 =	rddreg [dreg:$0x5];
	[sflag:s0] =	ssyncadd.s32 $0xFFFF8000  }
0x4b: {  	[tilespmem:s14], [sflag:$0x1] =	stream.linear.gather [hbm4b:s22+s2], $0x8000, $0x38;
	[tilespmem:$0x10800] =	vst v63  }
0x4c: {  	_ =	swait.ge [sflag:s3], $0x8000  }
0x4d: {  	[sflag:s3] =	ssyncset.done $0x0  }
0x4e: {  	[sflag:s3] =	ssyncadd.s32 $0xFFFF8000  }
0x4f: {  	v3 =	vld [tilespmem:$0x80];
	_ =	sdelay $0x4  }
0x50: {  	v49 =	vshll.u32 v3, $0x4  }
0x51: {  	v3 =	vand.u32 $0x7, v3;
	v4 =	vand.u32 $0xFFFFFF80, v49  }
0x52: {  	v3 =	vor.u32 v3, v4  }
0x53: {  	v4 =	vperm.xlane v3, v0;
	_ =	sdelay $0x1  }
0x54: {  	v4 =	vadd.s32 v1, v4;
	_ =	sdelay $0x4  }
0x55: {  	[hbm4b:s4+s2] =	stream.indirect_vreg.scatter [tilespmem:s15], [sflag:$0x3], $0x80, v4, vm0, $0xb8;
	[tilespmem:$0x10800] =	vst v63  }
0x56: {  	s23 =	simm.s32 $0x9000  }
0x57: {  	[hbm4b:s5+s2] =	stream.indirect_vreg.scatter [tilespmem:s23], [sflag:$0x3], $0x80, v4, vm0, $0xb8;
	[tilespmem:$0x10800] =	vst v63  }
0x58: {  	s24 =	simm.s32 $0x9800  }
0x59: {  	[hbm4b:s6+s2] =	stream.indirect_vreg.scatter [tilespmem:s24], [sflag:$0x3], $0x80, v4, vm0, $0xb8;
	[tilespmem:$0x10800] =	vst v63  }
0x5a: {  	s19 =	simm.s32 $0xA000  }
0x5b: {  	[hbm4b:s7+s2] =	stream.indirect_vreg.scatter [tilespmem:s19], [sflag:$0x3], $0x80, v4, vm0, $0xb8;
	[tilespmem:$0x10800] =	vst v63  }
0x5c: {  	s20 =	simm.s32 $0xA800  }
0x5d: {  	[hbm4b:s8+s2] =	stream.indirect_vreg.scatter [tilespmem:s20], [sflag:$0x3], $0x80, v4, vm0, $0xb8;
	[tilespmem:$0x10800] =	vst v63  }
0x5e: {  	s21 =	simm.s32 $0xB000;
	v3 =	vperm.xlane v3, v2  }
0x5f: {  	[hbm4b:s9+s2] =	stream.indirect_vreg.scatter [tilespmem:s21], [sflag:$0x3], $0x80, v4, vm0, $0xb8;
	[tilespmem:$0x10800] =	vst v63  }
0x60: {  	s22 =	simm.s32 $0xB800;
	v3 =	vadd.s32 v1, v3  }
0x61: {  	[hbm4b:s10+s2] =	stream.indirect_vreg.scatter [tilespmem:s22], [sflag:$0x3], $0x80, v4, vm0, $0xb8;
	[tilespmem:$0x10800] =	vst v63  }
0x62: {  	s23 =	simm.s32 $0xC000  }
0x63: {  	[hbm4b:s11+s2] =	stream.indirect_vreg.scatter [tilespmem:s23], [sflag:$0x3], $0x80, v4, vm0, $0xb8;
	[tilespmem:$0x10800] =	vst v63  }
0x64: {  	s24 =	simm.s32 $0xC800  }
0x65: {  	[hbm4b:s4+s2] =	stream.indirect_vreg.scatter [tilespmem:s24], [sflag:$0x3], $0x80, v3, vm0, $0xb8;
	[tilespmem:$0x10800] =	vst v63  }
0x66: {  	s21 =	simm.s32 $0xD000  }
0x67: {  	[hbm4b:s5+s2] =	stream.indirect_vreg.scatter [tilespmem:s21], [sflag:$0x3], $0x80, v3, vm0, $0xb8;
	[tilespmem:$0x10800] =	vst v63  }
0x68: {  	s22 =	simm.s32 $0xD800  }
0x69: {  	[hbm4b:s6+s2] =	stream.indirect_vreg.scatter [tilespmem:s22], [sflag:$0x3], $0x80, v3, vm0, $0xb8;
	[tilespmem:$0x10800] =	vst v63  }
0x6a: {  	s23 =	simm.s32 $0xE000  }
0x6b: {  	[hbm4b:s7+s2] =	stream.indirect_vreg.scatter [tilespmem:s23], [sflag:$0x3], $0x80, v3, vm0, $0xb8;
	[tilespmem:$0x10800] =	vst v63  }
0x6c: {  	s24 =	simm.s32 $0xE800  }
0x6d: {  	[hbm4b:s8+s2] =	stream.indirect_vreg.scatter [tilespmem:s24], [sflag:$0x3], $0x80, v3, vm0, $0xb8;
	[tilespmem:$0x10800] =	vst v63  }
0x6e: {  	s21 =	simm.s32 $0xF000  }
0x6f: {  	[hbm4b:s9+s2] =	stream.indirect_vreg.scatter [tilespmem:s21], [sflag:$0x3], $0x80, v3, vm0, $0xb8;
	[tilespmem:$0x10800] =	vst v63  }
0x70: {  	s22 =	simm.s32 $0xF800  }
0x71: {  	[hbm4b:s10+s2] =	stream.indirect_vreg.scatter [tilespmem:s22], [sflag:$0x3], $0x80, v3, vm0, $0xb8;
	[tilespmem:$0x10800] =	vst v63  }
0x72: {  	s23 =	simm.s32 $0x10000  }
0x73: {  	[hbm4b:s11+s2] =	stream.indirect_vreg.scatter [tilespmem:s23], [sflag:$0x3], $0x80, v3, vm0, $0xb8;
	[tilespmem:$0x10800] =	vst v63  }
0x74: {  	_ =	swait.ge [sflag:s0], $0x8000  }
0x75: {  	[sflag:s0] =	ssyncset.done $0x0  }
0x76: {  	s24 =	rddreg [dreg:$0x6];
	[sflag:s0] =	ssyncadd.s32 $0xFFFF8000  }
0x77: {  	[tilespmem:s15], [sflag:$0x2] =	stream.linear.gather [hbm4b:s24+s2], $0x8000, $0x38;
	[tilespmem:$0x10800] =	vst v63  }
0x78: {  	_ =	swait.ge [sflag:s16], $0x8000  }
0x79: {  	[sflag:s16] =	ssyncset.done $0x0  }
0x7a: {  	[sflag:s16] =	ssyncadd.s32 $0xFFFF8000  }
0x7b: {  	v3 =	vld [tilespmem:$0x100];
	_ =	sdelay $0x4  }
0x7c: {  	v50 =	vshll.u32 v3, $0x4  }
0x7d: {  	v3 =	vand.u32 $0x7, v3;
	v4 =	vand.u32 $0xFFFFFF80, v50  }
0x7e: {  	v3 =	vor.u32 v3, v4  }
0x7f: {  	v4 =	vperm.xlane v3, v0;
	_ =	sdelay $0x1  }
0x80: {  	v4 =	vadd.s32 v1, v4;
	_ =	sdelay $0x4  }
0x81: {  	[hbm4b:s4+s2] =	stream.indirect_vreg.scatter [tilespmem:s14], [sflag:$0x3], $0x80, v4, vm0, $0xb8;
	[tilespmem:$0x10800] =	vst v63  }
0x82: {  	s29 =	simm.s32 $0x1000  }
0x83: {  	[hbm4b:s5+s2] =	stream.indirect_vreg.scatter [tilespmem:s29], [sflag:$0x3], $0x80, v4, vm0, $0xb8;
	[tilespmem:$0x10800] =	vst v63  }
0x84: {  	s30 =	simm.s32 $0x1800  }
0x85: {  	[hbm4b:s6+s2] =	stream.indirect_vreg.scatter [tilespmem:s30], [sflag:$0x3], $0x80, v4, vm0, $0xb8;
	[tilespmem:$0x10800] =	vst v63  }
0x86: {  	s31 =	simm.s32 $0x2000  }
0x87: {  	[hbm4b:s7+s2] =	stream.indirect_vreg.scatter [tilespmem:s31], [sflag:$0x3], $0x80, v4, vm0, $0xb8;
	[tilespmem:$0x10800] =	vst v63  }
0x88: {  	s13 =	simm.s32 $0x2800  }
0x89: {  	[hbm4b:s8+s2] =	stream.indirect_vreg.scatter [tilespmem:s13], [sflag:$0x3], $0x80, v4, vm0, $0xb8;
	[tilespmem:$0x10800] =	vst v63  }
0x8a: {  	s17 =	simm.s32 $0x3000;
	v3 =	vperm.xlane v3, v2  }
0x8b: {  	[hbm4b:s9+s2] =	stream.indirect_vreg.scatter [tilespmem:s17], [sflag:$0x3], $0x80, v4, vm0, $0xb8;
	[tilespmem:$0x10800] =	vst v63  }
0x8c: {  	s25 =	simm.s32 $0x3800;
	v3 =	vadd.s32 v1, v3  }
0x8d: {  	[hbm4b:s10+s2] =	stream.indirect_vreg.scatter [tilespmem:s25], [sflag:$0x3], $0x80, v4, vm0, $0xb8;
	[tilespmem:$0x10800] =	vst v63  }
0x8e: {  	s26 =	simm.s32 $0x4000  }
0x8f: {  	[hbm4b:s11+s2] =	stream.indirect_vreg.scatter [tilespmem:s26], [sflag:$0x3], $0x80, v4, vm0, $0xb8;
	[tilespmem:$0x10800] =	vst v63  }
0x90: {  	s28 =	simm.s32 $0x4800  }
0x91: {  	[hbm4b:s4+s2] =	stream.indirect_vreg.scatter [tilespmem:s28], [sflag:$0x3], $0x80, v3, vm0, $0xb8;
	[tilespmem:$0x10800] =	vst v63  }
0x92: {  	s26 =	simm.s32 $0x5000  }
0x93: {  	[hbm4b:s5+s2] =	stream.indirect_vreg.scatter [tilespmem:s26], [sflag:$0x3], $0x80, v3, vm0, $0xb8;
	[tilespmem:$0x10800] =	vst v63  }
0x94: {  	s28 =	simm.s32 $0x5800  }
0x95: {  	[hbm4b:s6+s2] =	stream.indirect_vreg.scatter [tilespmem:s28], [sflag:$0x3], $0x80, v3, vm0, $0xb8;
	[tilespmem:$0x10800] =	vst v63  }
0x96: {  	s29 =	simm.s32 $0x6000  }
0x97: {  	[hbm4b:s7+s2] =	stream.indirect_vreg.scatter [tilespmem:s29], [sflag:$0x3], $0x80, v3, vm0, $0xb8;
	[tilespmem:$0x10800] =	vst v63  }
0x98: {  	s30 =	simm.s32 $0x6800  }
0x99: {  	[hbm4b:s8+s2] =	stream.indirect_vreg.scatter [tilespmem:s30], [sflag:$0x3], $0x80, v3, vm0, $0xb8;
	[tilespmem:$0x10800] =	vst v63  }
0x9a: {  	s31 =	simm.s32 $0x7000  }
0x9b: {  	[hbm4b:s9+s2] =	stream.indirect_vreg.scatter [tilespmem:s31], [sflag:$0x3], $0x80, v3, vm0, $0xb8;
	[tilespmem:$0x10800] =	vst v63  }
0x9c: {  	s1 =	simm.s32 $0x7800  }
0x9d: {  	[hbm4b:s10+s2] =	stream.indirect_vreg.scatter [tilespmem:s1], [sflag:$0x3], $0x80, v3, vm0, $0xb8;
	[tilespmem:$0x10800] =	vst v63  }
0x9e: {  	s18 =	simm.s32 $0x8000  }
0x9f: {  	[hbm4b:s11+s2] =	stream.indirect_vreg.scatter [tilespmem:s18], [sflag:$0x3], $0x80, v3, vm0, $0xb8;
	[tilespmem:$0x10800] =	vst v63  }
0xa0: {  	_ =	swait.ge [sflag:s0], $0x8000  }
0xa1: {  	[sflag:s0] =	ssyncset.done $0x0  }
0xa2: {  	s1 =	rddreg [dreg:$0x7];
	[sflag:s0] =	ssyncadd.s32 $0xFFFF8000  }
0xa3: {  	[tilespmem:s14], [sflag:$0x1] =	stream.linear.gather [hbm4b:s1+s2], $0x8000, $0x38;
	[tilespmem:$0x10800] =	vst v63  }
0xa4: {  	_ =	swait.ge [sflag:s3], $0x8000  }
0xa5: {  	[sflag:s3] =	ssyncset.done $0x0  }
0xa6: {  	[sflag:s3] =	ssyncadd.s32 $0xFFFF8000  }
0xa7: {  	v3 =	vld [tilespmem:$0x180];
	_ =	sdelay $0x4  }
0xa8: {  	v51 =	vshll.u32 v3, $0x4  }
0xa9: {  	v3 =	vand.u32 $0x7, v3;
	v4 =	vand.u32 $0xFFFFFF80, v51  }
0xaa: {  	v3 =	vor.u32 v3, v4  }
0xab: {  	v4 =	vperm.xlane v3, v0;
	_ =	sdelay $0x1  }
0xac: {  	v4 =	vadd.s32 v1, v4;
	_ =	sdelay $0x4  }
0xad: {  	[hbm4b:s4+s2] =	stream.indirect_vreg.scatter [tilespmem:s15], [sflag:$0x3], $0x80, v4, vm0, $0xb8;
	[tilespmem:$0x10800] =	vst v63  }
0xae: {  	s1 =	simm.s32 $0x9000  }
0xaf: {  	[hbm4b:s5+s2] =	stream.indirect_vreg.scatter [tilespmem:s1], [sflag:$0x3], $0x80, v4, vm0, $0xb8;
	[tilespmem:$0x10800] =	vst v63  }
0xb0: {  	s1 =	simm.s32 $0x9800  }
0xb1: {  	[hbm4b:s6+s2] =	stream.indirect_vreg.scatter [tilespmem:s1], [sflag:$0x3], $0x80, v4, vm0, $0xb8;
	[tilespmem:$0x10800] =	vst v63  }
0xb2: {  	s1 =	simm.s32 $0xA000  }
0xb3: {  	[hbm4b:s7+s2] =	stream.indirect_vreg.scatter [tilespmem:s1], [sflag:$0x3], $0x80, v4, vm0, $0xb8;
	[tilespmem:$0x10800] =	vst v63  }
0xb4: {  	s19 =	simm.s32 $0xA800  }
0xb5: {  	[hbm4b:s8+s2] =	stream.indirect_vreg.scatter [tilespmem:s19], [sflag:$0x3], $0x80, v4, vm0, $0xb8;
	[tilespmem:$0x10800] =	vst v63  }
0xb6: {  	s20 =	simm.s32 $0xB000;
	v3 =	vperm.xlane v3, v2  }
0xb7: {  	[hbm4b:s9+s2] =	stream.indirect_vreg.scatter [tilespmem:s20], [sflag:$0x3], $0x80, v4, vm0, $0xb8;
	[tilespmem:$0x10800] =	vst v63  }
0xb8: {  	v3 =	vadd.s32 v1, v3;
	s19 =	simm.s32 $0xB800  }
0xb9: {  	[hbm4b:s10+s2] =	stream.indirect_vreg.scatter [tilespmem:s19], [sflag:$0x3], $0x80, v4, vm0, $0xb8;
	[tilespmem:$0x10800] =	vst v63  }
0xba: {  	s20 =	simm.s32 $0xC000  }
0xbb: {  	[hbm4b:s11+s2] =	stream.indirect_vreg.scatter [tilespmem:s20], [sflag:$0x3], $0x80, v4, vm0, $0xb8;
	[tilespmem:$0x10800] =	vst v63  }
0xbc: {  	s1 =	simm.s32 $0xC800  }
0xbd: {  	[hbm4b:s4+s2] =	stream.indirect_vreg.scatter [tilespmem:s1], [sflag:$0x3], $0x80, v3, vm0, $0xb8;
	[tilespmem:$0x10800] =	vst v63  }
0xbe: {  	s1 =	simm.s32 $0xD000  }
0xbf: {  	[hbm4b:s5+s2] =	stream.indirect_vreg.scatter [tilespmem:s1], [sflag:$0x3], $0x80, v3, vm0, $0xb8;
	[tilespmem:$0x10800] =	vst v63  }
0xc0: {  	s1 =	simm.s32 $0xD800  }
0xc1: {  	[hbm4b:s6+s2] =	stream.indirect_vreg.scatter [tilespmem:s1], [sflag:$0x3], $0x80, v3, vm0, $0xb8;
	[tilespmem:$0x10800] =	vst v63  }
0xc2: {  	s1 =	simm.s32 $0xE000  }
0xc3: {  	[hbm4b:s7+s2] =	stream.indirect_vreg.scatter [tilespmem:s1], [sflag:$0x3], $0x80, v3, vm0, $0xb8;
	[tilespmem:$0x10800] =	vst v63  }
0xc4: {  	s1 =	simm.s32 $0xE800  }
0xc5: {  	[hbm4b:s8+s2] =	stream.indirect_vreg.scatter [tilespmem:s1], [sflag:$0x3], $0x80, v3, vm0, $0xb8;
	[tilespmem:$0x10800] =	vst v63  }
0xc6: {  	s1 =	simm.s32 $0xF000  }
0xc7: {  	[hbm4b:s9+s2] =	stream.indirect_vreg.scatter [tilespmem:s1], [sflag:$0x3], $0x80, v3, vm0, $0xb8;
	[tilespmem:$0x10800] =	vst v63  }
0xc8: {  	s1 =	simm.s32 $0xF800  }
0xc9: {  	[hbm4b:s10+s2] =	stream.indirect_vreg.scatter [tilespmem:s1], [sflag:$0x3], $0x80, v3, vm0, $0xb8;
	[tilespmem:$0x10800] =	vst v63  }
0xca: {  	s21 =	simm.s32 $0x10000  }
0xcb: {  	[hbm4b:s11+s2] =	stream.indirect_vreg.scatter [tilespmem:s21], [sflag:$0x3], $0x80, v3, vm0, $0xb8;
	[tilespmem:$0x10800] =	vst v63  }
0xcc: {  	_ =	swait.ge [sflag:s0], $0x8000  }
0xcd: {  	[sflag:s0] =	ssyncset.done $0x0  }
0xce: {  	s1 =	rddreg [dreg:$0x8];
	[sflag:s0] =	ssyncadd.s32 $0xFFFF8000  }
0xcf: {  	[tilespmem:s15], [sflag:$0x2] =	stream.linear.gather [hbm4b:s1+s2], $0x8000, $0x38;
	[tilespmem:$0x10800] =	vst v63  }
0xd0: {  	_ =	swait.ge [sflag:s16], $0x8000  }
0xd1: {  	[sflag:s16] =	ssyncset.done $0x0  }
0xd2: {  	[sflag:s16] =	ssyncadd.s32 $0xFFFF8000  }
0xd3: {  	v3 =	vld [tilespmem:$0x200];
	_ =	sdelay $0x4  }
0xd4: {  	v52 =	vshll.u32 v3, $0x4  }
0xd5: {  	v3 =	vand.u32 $0x7, v3;
	v4 =	vand.u32 $0xFFFFFF80, v52  }
0xd6: {  	v3 =	vor.u32 v3, v4  }
0xd7: {  	v4 =	vperm.xlane v3, v0;
	_ =	sdelay $0x1  }
0xd8: {  	v4 =	vadd.s32 v1, v4;
	_ =	sdelay $0x4  }
0xd9: {  	[hbm4b:s4+s2] =	stream.indirect_vreg.scatter [tilespmem:s14], [sflag:$0x3], $0x80, v4, vm0, $0xb8;
	[tilespmem:$0x10800] =	vst v63  }
0xda: {  	s22 =	simm.s32 $0x1000  }
0xdb: {  	[hbm4b:s5+s2] =	stream.indirect_vreg.scatter [tilespmem:s22], [sflag:$0x3], $0x80, v4, vm0, $0xb8;
	[tilespmem:$0x10800] =	vst v63  }
0xdc: {  	s23 =	simm.s32 $0x1800  }
0xdd: {  	[hbm4b:s6+s2] =	stream.indirect_vreg.scatter [tilespmem:s23], [sflag:$0x3], $0x80, v4, vm0, $0xb8;
	[tilespmem:$0x10800] =	vst v63  }
0xde: {  	s24 =	simm.s32 $0x2000  }
0xdf: {  	[hbm4b:s7+s2] =	stream.indirect_vreg.scatter [tilespmem:s24], [sflag:$0x3], $0x80, v4, vm0, $0xb8;
	[tilespmem:$0x10800] =	vst v63  }
0xe0: {  	s1 =	simm.s32 $0x2800  }
0xe1: {  	[hbm4b:s8+s2] =	stream.indirect_vreg.scatter [tilespmem:s1], [sflag:$0x3], $0x80, v4, vm0, $0xb8;
	[tilespmem:$0x10800] =	vst v63  }
0xe2: {  	v3 =	vperm.xlane v3, v2;
	s1 =	simm.s32 $0x3000  }
0xe3: {  	[hbm4b:s9+s2] =	stream.indirect_vreg.scatter [tilespmem:s1], [sflag:$0x3], $0x80, v4, vm0, $0xb8;
	[tilespmem:$0x10800] =	vst v63  }
0xe4: {  	s13 =	simm.s32 $0x3800;
	v3 =	vadd.s32 v1, v3  }
0xe5: {  	[hbm4b:s10+s2] =	stream.indirect_vreg.scatter [tilespmem:s13], [sflag:$0x3], $0x80, v4, vm0, $0xb8;
	[tilespmem:$0x10800] =	vst v63  }
0xe6: {  	s17 =	simm.s32 $0x4000  }
0xe7: {  	[hbm4b:s11+s2] =	stream.indirect_vreg.scatter [tilespmem:s17], [sflag:$0x3], $0x80, v4, vm0, $0xb8;
	[tilespmem:$0x10800] =	vst v63  }
0xe8: {  	s25 =	simm.s32 $0x4800  }
0xe9: {  	[hbm4b:s4+s2] =	stream.indirect_vreg.scatter [tilespmem:s25], [sflag:$0x3], $0x80, v3, vm0, $0xb8;
	[tilespmem:$0x10800] =	vst v63  }
0xea: {  	s26 =	simm.s32 $0x5000  }
0xeb: {  	[hbm4b:s5+s2] =	stream.indirect_vreg.scatter [tilespmem:s26], [sflag:$0x3], $0x80, v3, vm0, $0xb8;
	[tilespmem:$0x10800] =	vst v63  }
0xec: {  	s28 =	simm.s32 $0x5800  }
0xed: {  	[hbm4b:s6+s2] =	stream.indirect_vreg.scatter [tilespmem:s28], [sflag:$0x3], $0x80, v3, vm0, $0xb8;
	[tilespmem:$0x10800] =	vst v63  }
0xee: {  	s29 =	simm.s32 $0x6000  }
0xef: {  	[hbm4b:s7+s2] =	stream.indirect_vreg.scatter [tilespmem:s29], [sflag:$0x3], $0x80, v3, vm0, $0xb8;
	[tilespmem:$0x10800] =	vst v63  }
0xf0: {  	s30 =	simm.s32 $0x6800  }
0xf1: {  	[hbm4b:s8+s2] =	stream.indirect_vreg.scatter [tilespmem:s30], [sflag:$0x3], $0x80, v3, vm0, $0xb8;
	[tilespmem:$0x10800] =	vst v63  }
0xf2: {  	s31 =	simm.s32 $0x7000  }
0xf3: {  	[hbm4b:s9+s2] =	stream.indirect_vreg.scatter [tilespmem:s31], [sflag:$0x3], $0x80, v3, vm0, $0xb8;
	[tilespmem:$0x10800] =	vst v63  }
0xf4: {  	s1 =	simm.s32 $0x7800  }
0xf5: {  	[hbm4b:s10+s2] =	stream.indirect_vreg.scatter [tilespmem:s1], [sflag:$0x3], $0x80, v3, vm0, $0xb8;
	[tilespmem:$0x10800] =	vst v63  }
0xf6: {  	s18 =	simm.s32 $0x8000  }
0xf7: {  	[hbm4b:s11+s2] =	stream.indirect_vreg.scatter [tilespmem:s18], [sflag:$0x3], $0x80, v3, vm0, $0xb8;
	[tilespmem:$0x10800] =	vst v63  }
0xf8: {  	_ =	swait.ge [sflag:s0], $0x8000  }
0xf9: {  	[sflag:s0] =	ssyncset.done $0x0  }
0xfa: {  	s1 =	rddreg [dreg:$0x9];
	[sflag:s0] =	ssyncadd.s32 $0xFFFF8000  }
0xfb: {  	[tilespmem:s14], [sflag:$0x1] =	stream.linear.gather [hbm4b:s1+s2], $0x8000, $0x38;
	[tilespmem:$0x10800] =	vst v63  }
0xfc: {  	_ =	swait.ge [sflag:s3], $0x8000  }
0xfd: {  	[sflag:s3] =	ssyncset.done $0x0  }
0xfe: {  	[sflag:s3] =	ssyncadd.s32 $0xFFFF8000  }
0xff: {  	v3 =	vld [tilespmem:$0x280];
	_ =	sdelay $0x4  }
0x100: {  	v53 =	vshll.u32 v3, $0x4  }
0x101: {  	v3 =	vand.u32 $0x7, v3;
	v4 =	vand.u32 $0xFFFFFF80, v53  }
0x102: {  	v3 =	vor.u32 v3, v4  }
0x103: {  	v4 =	vperm.xlane v3, v0;
	_ =	sdelay $0x1  }
0x104: {  	v4 =	vadd.s32 v1, v4;
	_ =	sdelay $0x4  }
0x105: {  	[hbm4b:s4+s2] =	stream.indirect_vreg.scatter [tilespmem:s15], [sflag:$0x3], $0x80, v4, vm0, $0xb8;
	[tilespmem:$0x10800] =	vst v63  }
0x106: {  	s1 =	simm.s32 $0x9000  }
0x107: {  	[hbm4b:s5+s2] =	stream.indirect_vreg.scatter [tilespmem:s1], [sflag:$0x3], $0x80, v4, vm0, $0xb8;
	[tilespmem:$0x10800] =	vst v63  }
0x108: {  	s1 =	simm.s32 $0x9800  }
0x109: {  	[hbm4b:s6+s2] =	stream.indirect_vreg.scatter [tilespmem:s1], [sflag:$0x3], $0x80, v4, vm0, $0xb8;
	[tilespmem:$0x10800] =	vst v63  }
0x10a: {  	s1 =	simm.s32 $0xA000  }
0x10b: {  	[hbm4b:s7+s2] =	stream.indirect_vreg.scatter [tilespmem:s1], [sflag:$0x3], $0x80, v4, vm0, $0xb8;
	[tilespmem:$0x10800] =	vst v63  }
0x10c: {  	s1 =	simm.s32 $0xA800  }
0x10d: {  	[hbm4b:s8+s2] =	stream.indirect_vreg.scatter [tilespmem:s1], [sflag:$0x3], $0x80, v4, vm0, $0xb8;
	[tilespmem:$0x10800] =	vst v63  }
0x10e: {  	v3 =	vperm.xlane v3, v2;
	s1 =	simm.s32 $0xB000  }
0x10f: {  	[hbm4b:s9+s2] =	stream.indirect_vreg.scatter [tilespmem:s1], [sflag:$0x3], $0x80, v4, vm0, $0xb8;
	[tilespmem:$0x10800] =	vst v63  }
0x110: {  	s19 =	simm.s32 $0xB800;
	v3 =	vadd.s32 v1, v3  }
0x111: {  	[hbm4b:s10+s2] =	stream.indirect_vreg.scatter [tilespmem:s19], [sflag:$0x3], $0x80, v4, vm0, $0xb8;
	[tilespmem:$0x10800] =	vst v63  }
0x112: {  	s20 =	simm.s32 $0xC000  }
0x113: {  	[hbm4b:s11+s2] =	stream.indirect_vreg.scatter [tilespmem:s20], [sflag:$0x3], $0x80, v4, vm0, $0xb8;
	[tilespmem:$0x10800] =	vst v63  }
0x114: {  	s1 =	simm.s32 $0xC800  }
0x115: {  	[hbm4b:s4+s2] =	stream.indirect_vreg.scatter [tilespmem:s1], [sflag:$0x3], $0x80, v3, vm0, $0xb8;
	[tilespmem:$0x10800] =	vst v63  }
0x116: {  	s1 =	simm.s32 $0xD000  }
0x117: {  	[hbm4b:s5+s2] =	stream.indirect_vreg.scatter [tilespmem:s1], [sflag:$0x3], $0x80, v3, vm0, $0xb8;
	[tilespmem:$0x10800] =	vst v63  }
0x118: {  	s1 =	simm.s32 $0xD800  }
0x119: {  	[hbm4b:s6+s2] =	stream.indirect_vreg.scatter [tilespmem:s1], [sflag:$0x3], $0x80, v3, vm0, $0xb8;
	[tilespmem:$0x10800] =	vst v63  }
0x11a: {  	s1 =	simm.s32 $0xE000  }
0x11b: {  	[hbm4b:s7+s2] =	stream.indirect_vreg.scatter [tilespmem:s1], [sflag:$0x3], $0x80, v3, vm0, $0xb8;
	[tilespmem:$0x10800] =	vst v63  }
0x11c: {  	s1 =	simm.s32 $0xE800  }
0x11d: {  	[hbm4b:s8+s2] =	stream.indirect_vreg.scatter [tilespmem:s1], [sflag:$0x3], $0x80, v3, vm0, $0xb8;
	[tilespmem:$0x10800] =	vst v63  }
0x11e: {  	s1 =	simm.s32 $0xF000  }
0x11f: {  	[hbm4b:s9+s2] =	stream.indirect_vreg.scatter [tilespmem:s1], [sflag:$0x3], $0x80, v3, vm0, $0xb8;
	[tilespmem:$0x10800] =	vst v63  }
0x120: {  	s1 =	simm.s32 $0xF800  }
0x121: {  	[hbm4b:s10+s2] =	stream.indirect_vreg.scatter [tilespmem:s1], [sflag:$0x3], $0x80, v3, vm0, $0xb8;
	[tilespmem:$0x10800] =	vst v63  }
0x122: {  	s21 =	simm.s32 $0x10000  }
0x123: {  	[hbm4b:s11+s2] =	stream.indirect_vreg.scatter [tilespmem:s21], [sflag:$0x3], $0x80, v3, vm0, $0xb8;
	[tilespmem:$0x10800] =	vst v63  }
0x124: {  	_ =	swait.ge [sflag:s0], $0x8000  }
0x125: {  	[sflag:s0] =	ssyncset.done $0x0  }
0x126: {  	s1 =	rddreg [dreg:$0xa];
	[sflag:s0] =	ssyncadd.s32 $0xFFFF8000  }
0x127: {  	[tilespmem:s15], [sflag:$0x2] =	stream.linear.gather [hbm4b:s1+s2], $0x8000, $0x38;
	[tilespmem:$0x10800] =	vst v63  }
0x128: {  	_ =	swait.ge [sflag:s16], $0x8000  }
0x129: {  	[sflag:s16] =	ssyncset.done $0x0  }
0x12a: {  	[sflag:s16] =	ssyncadd.s32 $0xFFFF8000  }
0x12b: {  	v3 =	vld [tilespmem:$0x300];
	_ =	sdelay $0x4  }
0x12c: {  	v54 =	vshll.u32 v3, $0x4  }
0x12d: {  	v3 =	vand.u32 $0x7, v3;
	v4 =	vand.u32 $0xFFFFFF80, v54  }
0x12e: {  	v3 =	vor.u32 v3, v4  }
0x12f: {  	v4 =	vperm.xlane v3, v0;
	_ =	sdelay $0x1  }
0x130: {  	v4 =	vadd.s32 v1, v4;
	_ =	sdelay $0x4  }
0x131: {  	[hbm4b:s4+s2] =	stream.indirect_vreg.scatter [tilespmem:s14], [sflag:$0x3], $0x80, v4, vm0, $0xb8;
	[tilespmem:$0x10800] =	vst v63  }
0x132: {  	s22 =	simm.s32 $0x1000  }
0x133: {  	[hbm4b:s5+s2] =	stream.indirect_vreg.scatter [tilespmem:s22], [sflag:$0x3], $0x80, v4, vm0, $0xb8;
	[tilespmem:$0x10800] =	vst v63  }
0x134: {  	s23 =	simm.s32 $0x1800  }
0x135: {  	[hbm4b:s6+s2] =	stream.indirect_vreg.scatter [tilespmem:s23], [sflag:$0x3], $0x80, v4, vm0, $0xb8;
	[tilespmem:$0x10800] =	vst v63  }
0x136: {  	s24 =	simm.s32 $0x2000  }
0x137: {  	[hbm4b:s7+s2] =	stream.indirect_vreg.scatter [tilespmem:s24], [sflag:$0x3], $0x80, v4, vm0, $0xb8;
	[tilespmem:$0x10800] =	vst v63  }
0x138: {  	s1 =	simm.s32 $0x2800  }
0x139: {  	[hbm4b:s8+s2] =	stream.indirect_vreg.scatter [tilespmem:s1], [sflag:$0x3], $0x80, v4, vm0, $0xb8;
	[tilespmem:$0x10800] =	vst v63  }
0x13a: {  	v3 =	vperm.xlane v3, v2;
	s1 =	simm.s32 $0x3000  }
0x13b: {  	[hbm4b:s9+s2] =	stream.indirect_vreg.scatter [tilespmem:s1], [sflag:$0x3], $0x80, v4, vm0, $0xb8;
	[tilespmem:$0x10800] =	vst v63  }
0x13c: {  	s13 =	simm.s32 $0x3800;
	v3 =	vadd.s32 v1, v3  }
0x13d: {  	[hbm4b:s10+s2] =	stream.indirect_vreg.scatter [tilespmem:s13], [sflag:$0x3], $0x80, v4, vm0, $0xb8;
	[tilespmem:$0x10800] =	vst v63  }
0x13e: {  	s17 =	simm.s32 $0x4000  }
0x13f: {  	[hbm4b:s11+s2] =	stream.indirect_vreg.scatter [tilespmem:s17], [sflag:$0x3], $0x80, v4, vm0, $0xb8;
	[tilespmem:$0x10800] =	vst v63  }
0x140: {  	s25 =	simm.s32 $0x4800  }
0x141: {  	[hbm4b:s4+s2] =	stream.indirect_vreg.scatter [tilespmem:s25], [sflag:$0x3], $0x80, v3, vm0, $0xb8;
	[tilespmem:$0x10800] =	vst v63  }
0x142: {  	s26 =	simm.s32 $0x5000  }
0x143: {  	[hbm4b:s5+s2] =	stream.indirect_vreg.scatter [tilespmem:s26], [sflag:$0x3], $0x80, v3, vm0, $0xb8;
	[tilespmem:$0x10800] =	vst v63  }
0x144: {  	s28 =	simm.s32 $0x5800  }
0x145: {  	[hbm4b:s6+s2] =	stream.indirect_vreg.scatter [tilespmem:s28], [sflag:$0x3], $0x80, v3, vm0, $0xb8;
	[tilespmem:$0x10800] =	vst v63  }
0x146: {  	s29 =	simm.s32 $0x6000  }
0x147: {  	[hbm4b:s7+s2] =	stream.indirect_vreg.scatter [tilespmem:s29], [sflag:$0x3], $0x80, v3, vm0, $0xb8;
	[tilespmem:$0x10800] =	vst v63  }
0x148: {  	s30 =	simm.s32 $0x6800  }
0x149: {  	[hbm4b:s8+s2] =	stream.indirect_vreg.scatter [tilespmem:s30], [sflag:$0x3], $0x80, v3, vm0, $0xb8;
	[tilespmem:$0x10800] =	vst v63  }
0x14a: {  	s31 =	simm.s32 $0x7000  }
0x14b: {  	[hbm4b:s9+s2] =	stream.indirect_vreg.scatter [tilespmem:s31], [sflag:$0x3], $0x80, v3, vm0, $0xb8;
	[tilespmem:$0x10800] =	vst v63  }
0x14c: {  	s1 =	simm.s32 $0x7800  }
0x14d: {  	[hbm4b:s10+s2] =	stream.indirect_vreg.scatter [tilespmem:s1], [sflag:$0x3], $0x80, v3, vm0, $0xb8;
	[tilespmem:$0x10800] =	vst v63  }
0x14e: {  	s18 =	simm.s32 $0x8000  }
0x14f: {  	[hbm4b:s11+s2] =	stream.indirect_vreg.scatter [tilespmem:s18], [sflag:$0x3], $0x80, v3, vm0, $0xb8;
	[tilespmem:$0x10800] =	vst v63  }
0x150: {  	_ =	swait.ge [sflag:s0], $0x8000  }
0x151: {  	[sflag:s0] =	ssyncset.done $0x0  }
0x152: {  	s1 =	rddreg [dreg:$0xb];
	[sflag:s0] =	ssyncadd.s32 $0xFFFF8000  }
0x153: {  	[tilespmem:s14], [sflag:$0x1] =	stream.linear.gather [hbm4b:s1+s2], $0x8000, $0x38;
	[tilespmem:$0x10800] =	vst v63  }
0x154: {  	_ =	swait.ge [sflag:s3], $0x8000  }
0x155: {  	[sflag:s3] =	ssyncset.done $0x0  }
0x156: {  	[sflag:s3] =	ssyncadd.s32 $0xFFFF8000  }
0x157: {  	v3 =	vld [tilespmem:$0x380];
	_ =	sdelay $0x4  }
0x158: {  	v55 =	vshll.u32 v3, $0x4  }
0x159: {  	v3 =	vand.u32 $0x7, v3;
	v4 =	vand.u32 $0xFFFFFF80, v55  }
0x15a: {  	v3 =	vor.u32 v3, v4  }
0x15b: {  	v4 =	vperm.xlane v3, v0;
	_ =	sdelay $0x1  }
0x15c: {  	v4 =	vadd.s32 v1, v4;
	_ =	sdelay $0x4  }
0x15d: {  	[hbm4b:s4+s2] =	stream.indirect_vreg.scatter [tilespmem:s15], [sflag:$0x3], $0x80, v4, vm0, $0xb8;
	[tilespmem:$0x10800] =	vst v63  }
0x15e: {  	s1 =	simm.s32 $0x9000  }
0x15f: {  	[hbm4b:s5+s2] =	stream.indirect_vreg.scatter [tilespmem:s1], [sflag:$0x3], $0x80, v4, vm0, $0xb8;
	[tilespmem:$0x10800] =	vst v63  }
0x160: {  	s1 =	simm.s32 $0x9800  }
0x161: {  	[hbm4b:s6+s2] =	stream.indirect_vreg.scatter [tilespmem:s1], [sflag:$0x3], $0x80, v4, vm0, $0xb8;
	[tilespmem:$0x10800] =	vst v63  }
0x162: {  	s1 =	simm.s32 $0xA000  }
0x163: {  	[hbm4b:s7+s2] =	stream.indirect_vreg.scatter [tilespmem:s1], [sflag:$0x3], $0x80, v4, vm0, $0xb8;
	[tilespmem:$0x10800] =	vst v63  }
0x164: {  	s1 =	simm.s32 $0xA800  }
0x165: {  	[hbm4b:s8+s2] =	stream.indirect_vreg.scatter [tilespmem:s1], [sflag:$0x3], $0x80, v4, vm0, $0xb8;
	[tilespmem:$0x10800] =	vst v63  }
0x166: {  	v3 =	vperm.xlane v3, v2;
	s1 =	simm.s32 $0xB000  }
0x167: {  	[hbm4b:s9+s2] =	stream.indirect_vreg.scatter [tilespmem:s1], [sflag:$0x3], $0x80, v4, vm0, $0xb8;
	[tilespmem:$0x10800] =	vst v63  }
0x168: {  	s19 =	simm.s32 $0xB800;
	v3 =	vadd.s32 v1, v3  }
0x169: {  	[hbm4b:s10+s2] =	stream.indirect_vreg.scatter [tilespmem:s19], [sflag:$0x3], $0x80, v4, vm0, $0xb8;
	[tilespmem:$0x10800] =	vst v63  }
0x16a: {  	s20 =	simm.s32 $0xC000  }
0x16b: {  	[hbm4b:s11+s2] =	stream.indirect_vreg.scatter [tilespmem:s20], [sflag:$0x3], $0x80, v4, vm0, $0xb8;
	[tilespmem:$0x10800] =	vst v63  }
0x16c: {  	s1 =	simm.s32 $0xC800  }
0x16d: {  	[hbm4b:s4+s2] =	stream.indirect_vreg.scatter [tilespmem:s1], [sflag:$0x3], $0x80, v3, vm0, $0xb8;
	[tilespmem:$0x10800] =	vst v63  }
0x16e: {  	s1 =	simm.s32 $0xD000  }
0x16f: {  	[hbm4b:s5+s2] =	stream.indirect_vreg.scatter [tilespmem:s1], [sflag:$0x3], $0x80, v3, vm0, $0xb8;
	[tilespmem:$0x10800] =	vst v63  }
0x170: {  	s1 =	simm.s32 $0xD800  }
0x171: {  	[hbm4b:s6+s2] =	stream.indirect_vreg.scatter [tilespmem:s1], [sflag:$0x3], $0x80, v3, vm0, $0xb8;
	[tilespmem:$0x10800] =	vst v63  }
0x172: {  	s1 =	simm.s32 $0xE000  }
0x173: {  	[hbm4b:s7+s2] =	stream.indirect_vreg.scatter [tilespmem:s1], [sflag:$0x3], $0x80, v3, vm0, $0xb8;
	[tilespmem:$0x10800] =	vst v63  }
0x174: {  	s1 =	simm.s32 $0xE800  }
0x175: {  	[hbm4b:s8+s2] =	stream.indirect_vreg.scatter [tilespmem:s1], [sflag:$0x3], $0x80, v3, vm0, $0xb8;
	[tilespmem:$0x10800] =	vst v63  }
0x176: {  	s1 =	simm.s32 $0xF000  }
0x177: {  	[hbm4b:s9+s2] =	stream.indirect_vreg.scatter [tilespmem:s1], [sflag:$0x3], $0x80, v3, vm0, $0xb8;
	[tilespmem:$0x10800] =	vst v63  }
0x178: {  	s1 =	simm.s32 $0xF800  }
0x179: {  	[hbm4b:s10+s2] =	stream.indirect_vreg.scatter [tilespmem:s1], [sflag:$0x3], $0x80, v3, vm0, $0xb8;
	[tilespmem:$0x10800] =	vst v63  }
0x17a: {  	s21 =	simm.s32 $0x10000  }
0x17b: {  	[hbm4b:s11+s2] =	stream.indirect_vreg.scatter [tilespmem:s21], [sflag:$0x3], $0x80, v3, vm0, $0xb8;
	[tilespmem:$0x10800] =	vst v63  }
0x17c: {  	_ =	swait.ge [sflag:s0], $0x8000  }
0x17d: {  	[sflag:s0] =	ssyncset.done $0x0  }
0x17e: {  	s1 =	rddreg [dreg:$0xc];
	[sflag:s0] =	ssyncadd.s32 $0xFFFF8000  }
0x17f: {  	[tilespmem:s15], [sflag:$0x2] =	stream.linear.gather [hbm4b:s1+s2], $0x8000, $0x38;
	[tilespmem:$0x10800] =	vst v63  }
0x180: {  	_ =	swait.ge [sflag:s16], $0x8000  }
0x181: {  	[sflag:s16] =	ssyncset.done $0x0  }
0x182: {  	[sflag:s16] =	ssyncadd.s32 $0xFFFF8000  }
0x183: {  	v3 =	vld [tilespmem:$0x400];
	_ =	sdelay $0x4  }
0x184: {  	v56 =	vshll.u32 v3, $0x4  }
0x185: {  	v3 =	vand.u32 $0x7, v3;
	v4 =	vand.u32 $0xFFFFFF80, v56  }
0x186: {  	v3 =	vor.u32 v3, v4  }
0x187: {  	v4 =	vperm.xlane v3, v0;
	_ =	sdelay $0x1  }
0x188: {  	v4 =	vadd.s32 v1, v4;
	_ =	sdelay $0x4  }
0x189: {  	[hbm4b:s4+s2] =	stream.indirect_vreg.scatter [tilespmem:s14], [sflag:$0x3], $0x80, v4, vm0, $0xb8;
	[tilespmem:$0x10800] =	vst v63  }
0x18a: {  	s22 =	simm.s32 $0x1000  }
0x18b: {  	[hbm4b:s5+s2] =	stream.indirect_vreg.scatter [tilespmem:s22], [sflag:$0x3], $0x80, v4, vm0, $0xb8;
	[tilespmem:$0x10800] =	vst v63  }
0x18c: {  	s23 =	simm.s32 $0x1800  }
0x18d: {  	[hbm4b:s6+s2] =	stream.indirect_vreg.scatter [tilespmem:s23], [sflag:$0x3], $0x80, v4, vm0, $0xb8;
	[tilespmem:$0x10800] =	vst v63  }
0x18e: {  	s24 =	simm.s32 $0x2000  }
0x18f: {  	[hbm4b:s7+s2] =	stream.indirect_vreg.scatter [tilespmem:s24], [sflag:$0x3], $0x80, v4, vm0, $0xb8;
	[tilespmem:$0x10800] =	vst v63  }
0x190: {  	s1 =	simm.s32 $0x2800  }
0x191: {  	[hbm4b:s8+s2] =	stream.indirect_vreg.scatter [tilespmem:s1], [sflag:$0x3], $0x80, v4, vm0, $0xb8;
	[tilespmem:$0x10800] =	vst v63  }
0x192: {  	v3 =	vperm.xlane v3, v2;
	s1 =	simm.s32 $0x3000  }
0x193: {  	[hbm4b:s9+s2] =	stream.indirect_vreg.scatter [tilespmem:s1], [sflag:$0x3], $0x80, v4, vm0, $0xb8;
	[tilespmem:$0x10800] =	vst v63  }
0x194: {  	s13 =	simm.s32 $0x3800;
	v3 =	vadd.s32 v1, v3  }
0x195: {  	[hbm4b:s10+s2] =	stream.indirect_vreg.scatter [tilespmem:s13], [sflag:$0x3], $0x80, v4, vm0, $0xb8;
	[tilespmem:$0x10800] =	vst v63  }
0x196: {  	s17 =	simm.s32 $0x4000  }
0x197: {  	[hbm4b:s11+s2] =	stream.indirect_vreg.scatter [tilespmem:s17], [sflag:$0x3], $0x80, v4, vm0, $0xb8;
	[tilespmem:$0x10800] =	vst v63  }
0x198: {  	s25 =	simm.s32 $0x4800  }
0x199: {  	[hbm4b:s4+s2] =	stream.indirect_vreg.scatter [tilespmem:s25], [sflag:$0x3], $0x80, v3, vm0, $0xb8;
	[tilespmem:$0x10800] =	vst v63  }
0x19a: {  	s26 =	simm.s32 $0x5000  }
0x19b: {  	[hbm4b:s5+s2] =	stream.indirect_vreg.scatter [tilespmem:s26], [sflag:$0x3], $0x80, v3, vm0, $0xb8;
	[tilespmem:$0x10800] =	vst v63  }
0x19c: {  	s28 =	simm.s32 $0x5800  }
0x19d: {  	[hbm4b:s6+s2] =	stream.indirect_vreg.scatter [tilespmem:s28], [sflag:$0x3], $0x80, v3, vm0, $0xb8;
	[tilespmem:$0x10800] =	vst v63  }
0x19e: {  	s29 =	simm.s32 $0x6000  }
0x19f: {  	[hbm4b:s7+s2] =	stream.indirect_vreg.scatter [tilespmem:s29], [sflag:$0x3], $0x80, v3, vm0, $0xb8;
	[tilespmem:$0x10800] =	vst v63  }
0x1a0: {  	s30 =	simm.s32 $0x6800  }
0x1a1: {  	[hbm4b:s8+s2] =	stream.indirect_vreg.scatter [tilespmem:s30], [sflag:$0x3], $0x80, v3, vm0, $0xb8;
	[tilespmem:$0x10800] =	vst v63  }
0x1a2: {  	s31 =	simm.s32 $0x7000  }
0x1a3: {  	[hbm4b:s9+s2] =	stream.indirect_vreg.scatter [tilespmem:s31], [sflag:$0x3], $0x80, v3, vm0, $0xb8;
	[tilespmem:$0x10800] =	vst v63  }
0x1a4: {  	s1 =	simm.s32 $0x7800  }
0x1a5: {  	[hbm4b:s10+s2] =	stream.indirect_vreg.scatter [tilespmem:s1], [sflag:$0x3], $0x80, v3, vm0, $0xb8;
	[tilespmem:$0x10800] =	vst v63  }
0x1a6: {  	s18 =	simm.s32 $0x8000  }
0x1a7: {  	[hbm4b:s11+s2] =	stream.indirect_vreg.scatter [tilespmem:s18], [sflag:$0x3], $0x80, v3, vm0, $0xb8;
	[tilespmem:$0x10800] =	vst v63  }
0x1a8: {  	_ =	swait.ge [sflag:s0], $0x8000  }
0x1a9: {  	[sflag:s0] =	ssyncset.done $0x0  }
0x1aa: {  	s1 =	rddreg [dreg:$0xd];
	[sflag:s0] =	ssyncadd.s32 $0xFFFF8000  }
0x1ab: {  	[tilespmem:s14], [sflag:$0x1] =	stream.linear.gather [hbm4b:s1+s2], $0x8000, $0x38;
	[tilespmem:$0x10800] =	vst v63  }
0x1ac: {  	_ =	swait.ge [sflag:s3], $0x8000  }
0x1ad: {  	[sflag:s3] =	ssyncset.done $0x0  }
0x1ae: {  	[sflag:s3] =	ssyncadd.s32 $0xFFFF8000  }
0x1af: {  	v3 =	vld [tilespmem:$0x480];
	_ =	sdelay $0x4  }
0x1b0: {  	v57 =	vshll.u32 v3, $0x4  }
0x1b1: {  	v3 =	vand.u32 $0x7, v3;
	v4 =	vand.u32 $0xFFFFFF80, v57  }
0x1b2: {  	v3 =	vor.u32 v3, v4  }
0x1b3: {  	v4 =	vperm.xlane v3, v0;
	_ =	sdelay $0x1  }
0x1b4: {  	v4 =	vadd.s32 v1, v4;
	_ =	sdelay $0x4  }
0x1b5: {  	[hbm4b:s4+s2] =	stream.indirect_vreg.scatter [tilespmem:s15], [sflag:$0x3], $0x80, v4, vm0, $0xb8;
	[tilespmem:$0x10800] =	vst v63  }
0x1b6: {  	s1 =	simm.s32 $0x9000  }
0x1b7: {  	[hbm4b:s5+s2] =	stream.indirect_vreg.scatter [tilespmem:s1], [sflag:$0x3], $0x80, v4, vm0, $0xb8;
	[tilespmem:$0x10800] =	vst v63  }
0x1b8: {  	s1 =	simm.s32 $0x9800  }
0x1b9: {  	[hbm4b:s6+s2] =	stream.indirect_vreg.scatter [tilespmem:s1], [sflag:$0x3], $0x80, v4, vm0, $0xb8;
	[tilespmem:$0x10800] =	vst v63  }
0x1ba: {  	s1 =	simm.s32 $0xA000  }
0x1bb: {  	[hbm4b:s7+s2] =	stream.indirect_vreg.scatter [tilespmem:s1], [sflag:$0x3], $0x80, v4, vm0, $0xb8;
	[tilespmem:$0x10800] =	vst v63  }
0x1bc: {  	s1 =	simm.s32 $0xA800  }
0x1bd: {  	[hbm4b:s8+s2] =	stream.indirect_vreg.scatter [tilespmem:s1], [sflag:$0x3], $0x80, v4, vm0, $0xb8;
	[tilespmem:$0x10800] =	vst v63  }
0x1be: {  	v3 =	vperm.xlane v3, v2;
	s1 =	simm.s32 $0xB000  }
0x1bf: {  	[hbm4b:s9+s2] =	stream.indirect_vreg.scatter [tilespmem:s1], [sflag:$0x3], $0x80, v4, vm0, $0xb8;
	[tilespmem:$0x10800] =	vst v63  }
0x1c0: {  	s19 =	simm.s32 $0xB800;
	v3 =	vadd.s32 v1, v3  }
0x1c1: {  	[hbm4b:s10+s2] =	stream.indirect_vreg.scatter [tilespmem:s19], [sflag:$0x3], $0x80, v4, vm0, $0xb8;
	[tilespmem:$0x10800] =	vst v63  }
0x1c2: {  	s20 =	simm.s32 $0xC000  }
0x1c3: {  	[hbm4b:s11+s2] =	stream.indirect_vreg.scatter [tilespmem:s20], [sflag:$0x3], $0x80, v4, vm0, $0xb8;
	[tilespmem:$0x10800] =	vst v63  }
0x1c4: {  	s1 =	simm.s32 $0xC800  }
0x1c5: {  	[hbm4b:s4+s2] =	stream.indirect_vreg.scatter [tilespmem:s1], [sflag:$0x3], $0x80, v3, vm0, $0xb8;
	[tilespmem:$0x10800] =	vst v63  }
0x1c6: {  	s1 =	simm.s32 $0xD000  }
0x1c7: {  	[hbm4b:s5+s2] =	stream.indirect_vreg.scatter [tilespmem:s1], [sflag:$0x3], $0x80, v3, vm0, $0xb8;
	[tilespmem:$0x10800] =	vst v63  }
0x1c8: {  	s1 =	simm.s32 $0xD800  }
0x1c9: {  	[hbm4b:s6+s2] =	stream.indirect_vreg.scatter [tilespmem:s1], [sflag:$0x3], $0x80, v3, vm0, $0xb8;
	[tilespmem:$0x10800] =	vst v63  }
0x1ca: {  	s1 =	simm.s32 $0xE000  }
0x1cb: {  	[hbm4b:s7+s2] =	stream.indirect_vreg.scatter [tilespmem:s1], [sflag:$0x3], $0x80, v3, vm0, $0xb8;
	[tilespmem:$0x10800] =	vst v63  }
0x1cc: {  	s1 =	simm.s32 $0xE800  }
0x1cd: {  	[hbm4b:s8+s2] =	stream.indirect_vreg.scatter [tilespmem:s1], [sflag:$0x3], $0x80, v3, vm0, $0xb8;
	[tilespmem:$0x10800] =	vst v63  }
0x1ce: {  	s1 =	simm.s32 $0xF000  }
0x1cf: {  	[hbm4b:s9+s2] =	stream.indirect_vreg.scatter [tilespmem:s1], [sflag:$0x3], $0x80, v3, vm0, $0xb8;
	[tilespmem:$0x10800] =	vst v63  }
0x1d0: {  	s1 =	simm.s32 $0xF800  }
0x1d1: {  	[hbm4b:s10+s2] =	stream.indirect_vreg.scatter [tilespmem:s1], [sflag:$0x3], $0x80, v3, vm0, $0xb8;
	[tilespmem:$0x10800] =	vst v63  }
0x1d2: {  	s21 =	simm.s32 $0x10000  }
0x1d3: {  	[hbm4b:s11+s2] =	stream.indirect_vreg.scatter [tilespmem:s21], [sflag:$0x3], $0x80, v3, vm0, $0xb8;
	[tilespmem:$0x10800] =	vst v63  }
0x1d4: {  	_ =	swait.ge [sflag:s0], $0x8000  }
0x1d5: {  	[sflag:s0] =	ssyncset.done $0x0  }
0x1d6: {  	s1 =	rddreg [dreg:$0xe];
	[sflag:s0] =	ssyncadd.s32 $0xFFFF8000  }
0x1d7: {  	[tilespmem:s15], [sflag:$0x2] =	stream.linear.gather [hbm4b:s1+s2], $0x8000, $0x38;
	[tilespmem:$0x10800] =	vst v63  }
0x1d8: {  	_ =	swait.ge [sflag:s16], $0x8000  }
0x1d9: {  	[sflag:s16] =	ssyncset.done $0x0  }
0x1da: {  	[sflag:s16] =	ssyncadd.s32 $0xFFFF8000  }
0x1db: {  	v3 =	vld [tilespmem:$0x500];
	_ =	sdelay $0x4  }
0x1dc: {  	v58 =	vshll.u32 v3, $0x4  }
0x1dd: {  	v3 =	vand.u32 $0x7, v3;
	v4 =	vand.u32 $0xFFFFFF80, v58  }
0x1de: {  	v3 =	vor.u32 v3, v4  }
0x1df: {  	v4 =	vperm.xlane v3, v0;
	_ =	sdelay $0x1  }
0x1e0: {  	v4 =	vadd.s32 v1, v4;
	_ =	sdelay $0x4  }
0x1e1: {  	[hbm4b:s4+s2] =	stream.indirect_vreg.scatter [tilespmem:s14], [sflag:$0x3], $0x80, v4, vm0, $0xb8;
	[tilespmem:$0x10800] =	vst v63  }
0x1e2: {  	s22 =	simm.s32 $0x1000  }
0x1e3: {  	[hbm4b:s5+s2] =	stream.indirect_vreg.scatter [tilespmem:s22], [sflag:$0x3], $0x80, v4, vm0, $0xb8;
	[tilespmem:$0x10800] =	vst v63  }
0x1e4: {  	s23 =	simm.s32 $0x1800  }
0x1e5: {  	[hbm4b:s6+s2] =	stream.indirect_vreg.scatter [tilespmem:s23], [sflag:$0x3], $0x80, v4, vm0, $0xb8;
	[tilespmem:$0x10800] =	vst v63  }
0x1e6: {  	s24 =	simm.s32 $0x2000  }
0x1e7: {  	[hbm4b:s7+s2] =	stream.indirect_vreg.scatter [tilespmem:s24], [sflag:$0x3], $0x80, v4, vm0, $0xb8;
	[tilespmem:$0x10800] =	vst v63  }
0x1e8: {  	s1 =	simm.s32 $0x2800  }
0x1e9: {  	[hbm4b:s8+s2] =	stream.indirect_vreg.scatter [tilespmem:s1], [sflag:$0x3], $0x80, v4, vm0, $0xb8;
	[tilespmem:$0x10800] =	vst v63  }
0x1ea: {  	v3 =	vperm.xlane v3, v2;
	s1 =	simm.s32 $0x3000  }
0x1eb: {  	[hbm4b:s9+s2] =	stream.indirect_vreg.scatter [tilespmem:s1], [sflag:$0x3], $0x80, v4, vm0, $0xb8;
	[tilespmem:$0x10800] =	vst v63  }
0x1ec: {  	s13 =	simm.s32 $0x3800;
	v3 =	vadd.s32 v1, v3  }
0x1ed: {  	[hbm4b:s10+s2] =	stream.indirect_vreg.scatter [tilespmem:s13], [sflag:$0x3], $0x80, v4, vm0, $0xb8;
	[tilespmem:$0x10800] =	vst v63  }
0x1ee: {  	s17 =	simm.s32 $0x4000  }
0x1ef: {  	[hbm4b:s11+s2] =	stream.indirect_vreg.scatter [tilespmem:s17], [sflag:$0x3], $0x80, v4, vm0, $0xb8;
	[tilespmem:$0x10800] =	vst v63  }
0x1f0: {  	s25 =	simm.s32 $0x4800  }
0x1f1: {  	[hbm4b:s4+s2] =	stream.indirect_vreg.scatter [tilespmem:s25], [sflag:$0x3], $0x80, v3, vm0, $0xb8;
	[tilespmem:$0x10800] =	vst v63  }
0x1f2: {  	s26 =	simm.s32 $0x5000  }
0x1f3: {  	[hbm4b:s5+s2] =	stream.indirect_vreg.scatter [tilespmem:s26], [sflag:$0x3], $0x80, v3, vm0, $0xb8;
	[tilespmem:$0x10800] =	vst v63  }
0x1f4: {  	s28 =	simm.s32 $0x5800  }
0x1f5: {  	[hbm4b:s6+s2] =	stream.indirect_vreg.scatter [tilespmem:s28], [sflag:$0x3], $0x80, v3, vm0, $0xb8;
	[tilespmem:$0x10800] =	vst v63  }
0x1f6: {  	s29 =	simm.s32 $0x6000  }
0x1f7: {  	[hbm4b:s7+s2] =	stream.indirect_vreg.scatter [tilespmem:s29], [sflag:$0x3], $0x80, v3, vm0, $0xb8;
	[tilespmem:$0x10800] =	vst v63  }
0x1f8: {  	s30 =	simm.s32 $0x6800  }
0x1f9: {  	[hbm4b:s8+s2] =	stream.indirect_vreg.scatter [tilespmem:s30], [sflag:$0x3], $0x80, v3, vm0, $0xb8;
	[tilespmem:$0x10800] =	vst v63  }
0x1fa: {  	s31 =	simm.s32 $0x7000  }
0x1fb: {  	[hbm4b:s9+s2] =	stream.indirect_vreg.scatter [tilespmem:s31], [sflag:$0x3], $0x80, v3, vm0, $0xb8;
	[tilespmem:$0x10800] =	vst v63  }
0x1fc: {  	s1 =	simm.s32 $0x7800  }
0x1fd: {  	[hbm4b:s10+s2] =	stream.indirect_vreg.scatter [tilespmem:s1], [sflag:$0x3], $0x80, v3, vm0, $0xb8;
	[tilespmem:$0x10800] =	vst v63  }
0x1fe: {  	s18 =	simm.s32 $0x8000  }
0x1ff: {  	[hbm4b:s11+s2] =	stream.indirect_vreg.scatter [tilespmem:s18], [sflag:$0x3], $0x80, v3, vm0, $0xb8;
	[tilespmem:$0x10800] =	vst v63  }
0x200: {  	_ =	swait.ge [sflag:s0], $0x8000  }
0x201: {  	[sflag:s0] =	ssyncset.done $0x0  }
0x202: {  	s18 =	rddreg [dreg:$0xf];
	[sflag:s0] =	ssyncadd.s32 $0xFFFF8000  }
0x203: {  	[tilespmem:s14], [sflag:$0x1] =	stream.linear.gather [hbm4b:s18+s2], $0x8000, $0x38;
	[tilespmem:$0x10800] =	vst v63  }
0x204: {  	_ =	swait.ge [sflag:s3], $0x8000  }
0x205: {  	[sflag:s3] =	ssyncset.done $0x0  }
0x206: {  	[sflag:s3] =	ssyncadd.s32 $0xFFFF8000  }
0x207: {  	v3 =	vld [tilespmem:$0x580];
	_ =	sdelay $0x4  }
0x208: {  	v59 =	vshll.u32 v3, $0x4  }
0x209: {  	v3 =	vand.u32 $0x7, v3;
	v4 =	vand.u32 $0xFFFFFF80, v59  }
0x20a: {  	v3 =	vor.u32 v3, v4  }
0x20b: {  	v4 =	vperm.xlane v3, v0;
	_ =	sdelay $0x1  }
0x20c: {  	v4 =	vadd.s32 v1, v4;
	_ =	sdelay $0x4  }
0x20d: {  	[hbm4b:s4+s2] =	stream.indirect_vreg.scatter [tilespmem:s15], [sflag:$0x3], $0x80, v4, vm0, $0xb8;
	[tilespmem:$0x10800] =	vst v63  }
0x20e: {  	s18 =	simm.s32 $0x9000  }
0x20f: {  	[hbm4b:s5+s2] =	stream.indirect_vreg.scatter [tilespmem:s18], [sflag:$0x3], $0x80, v4, vm0, $0xb8;
	[tilespmem:$0x10800] =	vst v63  }
0x210: {  	s18 =	simm.s32 $0x9800  }
0x211: {  	[hbm4b:s6+s2] =	stream.indirect_vreg.scatter [tilespmem:s18], [sflag:$0x3], $0x80, v4, vm0, $0xb8;
	[tilespmem:$0x10800] =	vst v63  }
0x212: {  	s18 =	simm.s32 $0xA000  }
0x213: {  	[hbm4b:s7+s2] =	stream.indirect_vreg.scatter [tilespmem:s18], [sflag:$0x3], $0x80, v4, vm0, $0xb8;
	[tilespmem:$0x10800] =	vst v63  }
0x214: {  	s18 =	simm.s32 $0xA800  }
0x215: {  	[hbm4b:s8+s2] =	stream.indirect_vreg.scatter [tilespmem:s18], [sflag:$0x3], $0x80, v4, vm0, $0xb8;
	[tilespmem:$0x10800] =	vst v63  }
0x216: {  	v3 =	vperm.xlane v3, v2;
	s18 =	simm.s32 $0xB000  }
0x217: {  	[hbm4b:s9+s2] =	stream.indirect_vreg.scatter [tilespmem:s18], [sflag:$0x3], $0x80, v4, vm0, $0xb8;
	[tilespmem:$0x10800] =	vst v63  }
0x218: {  	s19 =	simm.s32 $0xB800;
	v3 =	vadd.s32 v1, v3  }
0x219: {  	[hbm4b:s10+s2] =	stream.indirect_vreg.scatter [tilespmem:s19], [sflag:$0x3], $0x80, v4, vm0, $0xb8;
	[tilespmem:$0x10800] =	vst v63  }
0x21a: {  	s20 =	simm.s32 $0xC000  }
0x21b: {  	[hbm4b:s11+s2] =	stream.indirect_vreg.scatter [tilespmem:s20], [sflag:$0x3], $0x80, v4, vm0, $0xb8;
	[tilespmem:$0x10800] =	vst v63  }
0x21c: {  	s19 =	simm.s32 $0xC800  }
0x21d: {  	[hbm4b:s4+s2] =	stream.indirect_vreg.scatter [tilespmem:s19], [sflag:$0x3], $0x80, v3, vm0, $0xb8;
	[tilespmem:$0x10800] =	vst v63  }
0x21e: {  	s20 =	simm.s32 $0xD000  }
0x21f: {  	[hbm4b:s5+s2] =	stream.indirect_vreg.scatter [tilespmem:s20], [sflag:$0x3], $0x80, v3, vm0, $0xb8;
	[tilespmem:$0x10800] =	vst v63  }
0x220: {  	s18 =	simm.s32 $0xD800  }
0x221: {  	[hbm4b:s6+s2] =	stream.indirect_vreg.scatter [tilespmem:s18], [sflag:$0x3], $0x80, v3, vm0, $0xb8;
	[tilespmem:$0x10800] =	vst v63  }
0x222: {  	s19 =	simm.s32 $0xE000  }
0x223: {  	[hbm4b:s7+s2] =	stream.indirect_vreg.scatter [tilespmem:s19], [sflag:$0x3], $0x80, v3, vm0, $0xb8;
	[tilespmem:$0x10800] =	vst v63  }
0x224: {  	s20 =	simm.s32 $0xE800  }
0x225: {  	[hbm4b:s8+s2] =	stream.indirect_vreg.scatter [tilespmem:s20], [sflag:$0x3], $0x80, v3, vm0, $0xb8;
	[tilespmem:$0x10800] =	vst v63  }
0x226: {  	s18 =	simm.s32 $0xF000  }
0x227: {  	[hbm4b:s9+s2] =	stream.indirect_vreg.scatter [tilespmem:s18], [sflag:$0x3], $0x80, v3, vm0, $0xb8;
	[tilespmem:$0x10800] =	vst v63  }
0x228: {  	s19 =	simm.s32 $0xF800  }
0x229: {  	[hbm4b:s10+s2] =	stream.indirect_vreg.scatter [tilespmem:s19], [sflag:$0x3], $0x80, v3, vm0, $0xb8;
	[tilespmem:$0x10800] =	vst v63  }
0x22a: {  	s21 =	simm.s32 $0x10000  }
0x22b: {  	[hbm4b:s11+s2] =	stream.indirect_vreg.scatter [tilespmem:s21], [sflag:$0x3], $0x80, v3, vm0, $0xb8;
	[tilespmem:$0x10800] =	vst v63  }
0x22c: {  	_ =	swait.ge [sflag:s0], $0x8000  }
0x22d: {  	[sflag:s0] =	ssyncset.done $0x0  }
0x22e: {  	s20 =	rddreg [dreg:$0x10];
	[sflag:s0] =	ssyncadd.s32 $0xFFFF8000  }
0x22f: {  	[tilespmem:s15], [sflag:$0x2] =	stream.linear.gather [hbm4b:s20+s2], $0x8000, $0x38;
	[tilespmem:$0x10800] =	vst v63  }
0x230: {  	_ =	swait.ge [sflag:s16], $0x8000  }
0x231: {  	[sflag:s16] =	ssyncset.done $0x0  }
0x232: {  	[sflag:s16] =	ssyncadd.s32 $0xFFFF8000  }
0x233: {  	v3 =	vld [tilespmem:$0x600];
	_ =	sdelay $0x4  }
0x234: {  	v60 =	vshll.u32 v3, $0x4  }
0x235: {  	v3 =	vand.u32 $0x7, v3;
	v4 =	vand.u32 $0xFFFFFF80, v60  }
0x236: {  	v3 =	vor.u32 v3, v4  }
0x237: {  	v4 =	vperm.xlane v3, v0;
	_ =	sdelay $0x1  }
0x238: {  	v4 =	vadd.s32 v1, v4;
	_ =	sdelay $0x4  }
0x239: {  	[hbm4b:s4+s2] =	stream.indirect_vreg.scatter [tilespmem:s14], [sflag:$0x3], $0x80, v4, vm0, $0xb8;
	[tilespmem:$0x10800] =	vst v63  }
0x23a: {  	s22 =	simm.s32 $0x1000  }
0x23b: {  	[hbm4b:s5+s2] =	stream.indirect_vreg.scatter [tilespmem:s22], [sflag:$0x3], $0x80, v4, vm0, $0xb8;
	[tilespmem:$0x10800] =	vst v63  }
0x23c: {  	s23 =	simm.s32 $0x1800  }
0x23d: {  	[hbm4b:s6+s2] =	stream.indirect_vreg.scatter [tilespmem:s23], [sflag:$0x3], $0x80, v4, vm0, $0xb8;
	[tilespmem:$0x10800] =	vst v63  }
0x23e: {  	s24 =	simm.s32 $0x2000  }
0x23f: {  	[hbm4b:s7+s2] =	stream.indirect_vreg.scatter [tilespmem:s24], [sflag:$0x3], $0x80, v4, vm0, $0xb8;
	[tilespmem:$0x10800] =	vst v63  }
0x240: {  	s21 =	simm.s32 $0x2800  }
0x241: {  	[hbm4b:s8+s2] =	stream.indirect_vreg.scatter [tilespmem:s21], [sflag:$0x3], $0x80, v4, vm0, $0xb8;
	[tilespmem:$0x10800] =	vst v63  }
0x242: {  	v3 =	vperm.xlane v3, v2;
	s22 =	simm.s32 $0x3000  }
0x243: {  	[hbm4b:s9+s2] =	stream.indirect_vreg.scatter [tilespmem:s22], [sflag:$0x3], $0x80, v4, vm0, $0xb8;
	[tilespmem:$0x10800] =	vst v63  }
0x244: {  	s13 =	simm.s32 $0x3800;
	v3 =	vadd.s32 v1, v3  }
0x245: {  	[hbm4b:s10+s2] =	stream.indirect_vreg.scatter [tilespmem:s13], [sflag:$0x3], $0x80, v4, vm0, $0xb8;
	[tilespmem:$0x10800] =	vst v63  }
0x246: {  	s17 =	simm.s32 $0x4000  }
0x247: {  	[hbm4b:s11+s2] =	stream.indirect_vreg.scatter [tilespmem:s17], [sflag:$0x3], $0x80, v4, vm0, $0xb8;
	[tilespmem:$0x10800] =	vst v63  }
0x248: {  	s25 =	simm.s32 $0x4800  }
0x249: {  	[hbm4b:s4+s2] =	stream.indirect_vreg.scatter [tilespmem:s25], [sflag:$0x3], $0x80, v3, vm0, $0xb8;
	[tilespmem:$0x10800] =	vst v63  }
0x24a: {  	s26 =	simm.s32 $0x5000  }
0x24b: {  	[hbm4b:s5+s2] =	stream.indirect_vreg.scatter [tilespmem:s26], [sflag:$0x3], $0x80, v3, vm0, $0xb8;
	[tilespmem:$0x10800] =	vst v63  }
0x24c: {  	s28 =	simm.s32 $0x5800  }
0x24d: {  	[hbm4b:s6+s2] =	stream.indirect_vreg.scatter [tilespmem:s28], [sflag:$0x3], $0x80, v3, vm0, $0xb8;
	[tilespmem:$0x10800] =	vst v63  }
0x24e: {  	s29 =	simm.s32 $0x6000  }
0x24f: {  	[hbm4b:s7+s2] =	stream.indirect_vreg.scatter [tilespmem:s29], [sflag:$0x3], $0x80, v3, vm0, $0xb8;
	[tilespmem:$0x10800] =	vst v63  }
0x250: {  	s30 =	simm.s32 $0x6800  }
0x251: {  	[hbm4b:s8+s2] =	stream.indirect_vreg.scatter [tilespmem:s30], [sflag:$0x3], $0x80, v3, vm0, $0xb8;
	[tilespmem:$0x10800] =	vst v63  }
0x252: {  	s31 =	simm.s32 $0x7000  }
0x253: {  	[hbm4b:s9+s2] =	stream.indirect_vreg.scatter [tilespmem:s31], [sflag:$0x3], $0x80, v3, vm0, $0xb8;
	[tilespmem:$0x10800] =	vst v63  }
0x254: {  	s23 =	simm.s32 $0x7800  }
0x255: {  	[hbm4b:s10+s2] =	stream.indirect_vreg.scatter [tilespmem:s23], [sflag:$0x3], $0x80, v3, vm0, $0xb8;
	[tilespmem:$0x10800] =	vst v63  }
0x256: {  	s24 =	simm.s32 $0x8000  }
0x257: {  	[hbm4b:s11+s2] =	stream.indirect_vreg.scatter [tilespmem:s24], [sflag:$0x3], $0x80, v3, vm0, $0xb8;
	[tilespmem:$0x10800] =	vst v63  }
0x258: {  	_ =	swait.ge [sflag:s0], $0x8000  }
0x259: {  	[sflag:s0] =	ssyncset.done $0x0  }
0x25a: {  	s25 =	rddreg [dreg:$0x11];
	[sflag:s0] =	ssyncadd.s32 $0xFFFF8000  }
0x25b: {  	[tilespmem:s14], [sflag:$0x1] =	stream.linear.gather [hbm4b:s25+s2], $0x8000, $0x38;
	[tilespmem:$0x10800] =	vst v63  }
0x25c: {  	_ =	swait.ge [sflag:s3], $0x8000  }
0x25d: {  	[sflag:s3] =	ssyncset.done $0x0  }
0x25e: {  	[sflag:s3] =	ssyncadd.s32 $0xFFFF8000  }
0x25f: {  	v3 =	vld [tilespmem:$0x680];
	_ =	sdelay $0x4  }
0x260: {  	v61 =	vshll.u32 v3, $0x4  }
0x261: {  	v3 =	vand.u32 $0x7, v3;
	v4 =	vand.u32 $0xFFFFFF80, v61  }
0x262: {  	v3 =	vor.u32 v3, v4  }
0x263: {  	v4 =	vperm.xlane v3, v0;
	_ =	sdelay $0x1  }
0x264: {  	v4 =	vadd.s32 v1, v4;
	_ =	sdelay $0x4  }
0x265: {  	[hbm4b:s4+s2] =	stream.indirect_vreg.scatter [tilespmem:s15], [sflag:$0x3], $0x80, v4, vm0, $0xb8;
	[tilespmem:$0x10800] =	vst v63  }
0x266: {  	s26 =	simm.s32 $0x9000  }
0x267: {  	[hbm4b:s5+s2] =	stream.indirect_vreg.scatter [tilespmem:s26], [sflag:$0x3], $0x80, v4, vm0, $0xb8;
	[tilespmem:$0x10800] =	vst v63  }
0x268: {  	s28 =	simm.s32 $0x9800  }
0x269: {  	[hbm4b:s6+s2] =	stream.indirect_vreg.scatter [tilespmem:s28], [sflag:$0x3], $0x80, v4, vm0, $0xb8;
	[tilespmem:$0x10800] =	vst v63  }
0x26a: {  	s29 =	simm.s32 $0xA000  }
0x26b: {  	[hbm4b:s7+s2] =	stream.indirect_vreg.scatter [tilespmem:s29], [sflag:$0x3], $0x80, v4, vm0, $0xb8;
	[tilespmem:$0x10800] =	vst v63  }
0x26c: {  	s30 =	simm.s32 $0xA800  }
0x26d: {  	[hbm4b:s8+s2] =	stream.indirect_vreg.scatter [tilespmem:s30], [sflag:$0x3], $0x80, v4, vm0, $0xb8;
	[tilespmem:$0x10800] =	vst v63  }
0x26e: {  	s31 =	simm.s32 $0xB000;
	v3 =	vperm.xlane v3, v2  }
0x26f: {  	[hbm4b:s9+s2] =	stream.indirect_vreg.scatter [tilespmem:s31], [sflag:$0x3], $0x80, v4, vm0, $0xb8;
	[tilespmem:$0x10800] =	vst v63  }
0x270: {  	s19 =	simm.s32 $0xB800;
	v3 =	vadd.s32 v1, v3  }
0x271: {  	[hbm4b:s10+s2] =	stream.indirect_vreg.scatter [tilespmem:s19], [sflag:$0x3], $0x80, v4, vm0, $0xb8;
	[tilespmem:$0x10800] =	vst v63  }
0x272: {  	s20 =	simm.s32 $0xC000  }
0x273: {  	[hbm4b:s11+s2] =	stream.indirect_vreg.scatter [tilespmem:s20], [sflag:$0x3], $0x80, v4, vm0, $0xb8;
	[tilespmem:$0x10800] =	vst v63  }
0x274: {  	s21 =	simm.s32 $0xC800  }
0x275: {  	[hbm4b:s4+s2] =	stream.indirect_vreg.scatter [tilespmem:s21], [sflag:$0x3], $0x80, v3, vm0, $0xb8;
	[tilespmem:$0x10800] =	vst v63  }
0x276: {  	s22 =	simm.s32 $0xD000  }
0x277: {  	[hbm4b:s5+s2] =	stream.indirect_vreg.scatter [tilespmem:s22], [sflag:$0x3], $0x80, v3, vm0, $0xb8;
	[tilespmem:$0x10800] =	vst v63  }
0x278: {  	s23 =	simm.s32 $0xD800  }
0x279: {  	[hbm4b:s6+s2] =	stream.indirect_vreg.scatter [tilespmem:s23], [sflag:$0x3], $0x80, v3, vm0, $0xb8;
	[tilespmem:$0x10800] =	vst v63  }
0x27a: {  	s24 =	simm.s32 $0xE000  }
0x27b: {  	[hbm4b:s7+s2] =	stream.indirect_vreg.scatter [tilespmem:s24], [sflag:$0x3], $0x80, v3, vm0, $0xb8;
	[tilespmem:$0x10800] =	vst v63  }
0x27c: {  	s25 =	simm.s32 $0xE800  }
0x27d: {  	[hbm4b:s8+s2] =	stream.indirect_vreg.scatter [tilespmem:s25], [sflag:$0x3], $0x80, v3, vm0, $0xb8;
	[tilespmem:$0x10800] =	vst v63  }
0x27e: {  	s26 =	simm.s32 $0xF000  }
0x27f: {  	[hbm4b:s9+s2] =	stream.indirect_vreg.scatter [tilespmem:s26], [sflag:$0x3], $0x80, v3, vm0, $0xb8;
	[tilespmem:$0x10800] =	vst v63  }
0x280: {  	s28 =	simm.s32 $0xF800  }
0x281: {  	[hbm4b:s10+s2] =	stream.indirect_vreg.scatter [tilespmem:s28], [sflag:$0x3], $0x80, v3, vm0, $0xb8;
	[tilespmem:$0x10800] =	vst v63  }
0x282: {  	s31 =	simm.s32 $0x10000  }
0x283: {  	[hbm4b:s11+s2] =	stream.indirect_vreg.scatter [tilespmem:s31], [sflag:$0x3], $0x80, v3, vm0, $0xb8;
	[tilespmem:$0x10800] =	vst v63  }
0x284: {  	_ =	swait.ge [sflag:s0], $0x8000  }
0x285: {  	[sflag:s0] =	ssyncset.done $0x0  }
0x286: {  	s1 =	rddreg [dreg:$0x12];
	[sflag:s0] =	ssyncadd.s32 $0xFFFF8000  }
0x287: {  	[tilespmem:s15], [sflag:$0x2] =	stream.linear.gather [hbm4b:s1+s2], $0x8000, $0x38;
	[tilespmem:$0x10800] =	vst v63  }
0x288: {  	_ =	swait.ge [sflag:s16], $0x8000  }
0x289: {  	[sflag:s16] =	ssyncset.done $0x0  }
0x28a: {  	[sflag:s16] =	ssyncadd.s32 $0xFFFF8000  }
0x28b: {  	v3 =	vld [tilespmem:$0x700];
	_ =	sdelay $0x4  }
0x28c: {  	v62 =	vshll.u32 v3, $0x4  }
0x28d: {  	v3 =	vand.u32 $0x7, v3;
	v4 =	vand.u32 $0xFFFFFF80, v62  }
0x28e: {  	v3 =	vor.u32 v3, v4  }
0x28f: {  	v4 =	vperm.xlane v3, v0;
	_ =	sdelay $0x1  }
0x290: {  	v4 =	vadd.s32 v1, v4;
	_ =	sdelay $0x4  }
0x291: {  	[hbm4b:s4+s2] =	stream.indirect_vreg.scatter [tilespmem:s14], [sflag:$0x3], $0x80, v4, vm0, $0xb8;
	[tilespmem:$0x10800] =	vst v63  }
0x292: {  	s1 =	simm.s32 $0x1000  }
0x293: {  	[hbm4b:s5+s2] =	stream.indirect_vreg.scatter [tilespmem:s1], [sflag:$0x3], $0x80, v4, vm0, $0xb8;
	[tilespmem:$0x10800] =	vst v63  }
0x294: {  	s1 =	simm.s32 $0x1800  }
0x295: {  	[hbm4b:s6+s2] =	stream.indirect_vreg.scatter [tilespmem:s1], [sflag:$0x3], $0x80, v4, vm0, $0xb8;
	[tilespmem:$0x10800] =	vst v63  }
0x296: {  	s1 =	simm.s32 $0x2000  }
0x297: {  	[hbm4b:s7+s2] =	stream.indirect_vreg.scatter [tilespmem:s1], [sflag:$0x3], $0x80, v4, vm0, $0xb8;
	[tilespmem:$0x10800] =	vst v63  }
0x298: {  	s1 =	simm.s32 $0x2800  }
0x299: {  	[hbm4b:s8+s2] =	stream.indirect_vreg.scatter [tilespmem:s1], [sflag:$0x3], $0x80, v4, vm0, $0xb8;
	[tilespmem:$0x10800] =	vst v63  }
0x29a: {  	v3 =	vperm.xlane v3, v2;
	s1 =	simm.s32 $0x3000  }
0x29b: {  	[hbm4b:s9+s2] =	stream.indirect_vreg.scatter [tilespmem:s1], [sflag:$0x3], $0x80, v4, vm0, $0xb8;
	[tilespmem:$0x10800] =	vst v63  }
0x29c: {  	v3 =	vadd.s32 v1, v3;
	s1 =	simm.s32 $0x3800  }
0x29d: {  	[hbm4b:s10+s2] =	stream.indirect_vreg.scatter [tilespmem:s1], [sflag:$0x3], $0x80, v4, vm0, $0xb8;
	[tilespmem:$0x10800] =	vst v63  }
0x29e: {  	s1 =	simm.s32 $0x4000  }
0x29f: {  	[hbm4b:s11+s2] =	stream.indirect_vreg.scatter [tilespmem:s1], [sflag:$0x3], $0x80, v4, vm0, $0xb8;
	[tilespmem:$0x10800] =	vst v63  }
0x2a0: {  	s1 =	simm.s32 $0x4800  }
0x2a1: {  	[hbm4b:s4+s2] =	stream.indirect_vreg.scatter [tilespmem:s1], [sflag:$0x3], $0x80, v3, vm0, $0xb8;
	[tilespmem:$0x10800] =	vst v63  }
0x2a2: {  	s1 =	simm.s32 $0x5000  }
0x2a3: {  	[hbm4b:s5+s2] =	stream.indirect_vreg.scatter [tilespmem:s1], [sflag:$0x3], $0x80, v3, vm0, $0xb8;
	[tilespmem:$0x10800] =	vst v63  }
0x2a4: {  	s1 =	simm.s32 $0x5800  }
0x2a5: {  	[hbm4b:s6+s2] =	stream.indirect_vreg.scatter [tilespmem:s1], [sflag:$0x3], $0x80, v3, vm0, $0xb8;
	[tilespmem:$0x10800] =	vst v63  }
0x2a6: {  	s1 =	simm.s32 $0x6000  }
0x2a7: {  	[hbm4b:s7+s2] =	stream.indirect_vreg.scatter [tilespmem:s1], [sflag:$0x3], $0x80, v3, vm0, $0xb8;
	[tilespmem:$0x10800] =	vst v63  }
0x2a8: {  	s1 =	simm.s32 $0x6800  }
0x2a9: {  	[hbm4b:s8+s2] =	stream.indirect_vreg.scatter [tilespmem:s1], [sflag:$0x3], $0x80, v3, vm0, $0xb8;
	[tilespmem:$0x10800] =	vst v63  }
0x2aa: {  	s1 =	simm.s32 $0x7000  }
0x2ab: {  	[hbm4b:s9+s2] =	stream.indirect_vreg.scatter [tilespmem:s1], [sflag:$0x3], $0x80, v3, vm0, $0xb8;
	[tilespmem:$0x10800] =	vst v63  }
0x2ac: {  	s1 =	simm.s32 $0x7800  }
0x2ad: {  	[hbm4b:s10+s2] =	stream.indirect_vreg.scatter [tilespmem:s1], [sflag:$0x3], $0x80, v3, vm0, $0xb8;
	[tilespmem:$0x10800] =	vst v63  }
0x2ae: {  	s1 =	simm.s32 $0x8000  }
0x2af: {  	[hbm4b:s11+s2] =	stream.indirect_vreg.scatter [tilespmem:s1], [sflag:$0x3], $0x80, v3, vm0, $0xb8;
	[tilespmem:$0x10800] =	vst v63  }
0x2b0: {  	_ =	swait.ge [sflag:s0], $0x8000  }
0x2b1: {  	[sflag:s0] =	ssyncset.done $0x0  }
0x2b2: {  	[sflag:s0] =	ssyncadd.s32 $0xFFFF8000  }
0x2b3: {  	_ =	swait.ge [sflag:s3], $0x8000  }
0x2b4: {  	[sflag:s3] =	ssyncset.done $0x0  }
0x2b5: {  	[sflag:s3] =	ssyncadd.s32 $0xFFFF8000  }
0x2b6: {  	v3 =	vld [tilespmem:$0x780];
	_ =	sdelay $0x4  }
0x2b7: {  	v63 =	vshll.u32 v3, $0x4  }
0x2b8: {  	v3 =	vand.u32 $0x7, v3;
	v4 =	vand.u32 $0xFFFFFF80, v63  }
0x2b9: {  	v3 =	vor.u32 v3, v4  }
0x2ba: {  	v4 =	vperm.xlane v3, v0;
	_ =	sdelay $0x1  }
0x2bb: {  	v4 =	vadd.s32 v1, v4;
	_ =	sdelay $0x4  }
0x2bc: {  	[hbm4b:s4+s2] =	stream.indirect_vreg.scatter [tilespmem:s15], [sflag:$0x3], $0x80, v4, vm0, $0xb8;
	[tilespmem:$0x10800] =	vst v63  }
0x2bd: {  	s13 =	simm.s32 $0x9000  }
0x2be: {  	[hbm4b:s5+s2] =	stream.indirect_vreg.scatter [tilespmem:s13], [sflag:$0x3], $0x80, v4, vm0, $0xb8;
	[tilespmem:$0x10800] =	vst v63  }
0x2bf: {  	s17 =	simm.s32 $0x9800  }
0x2c0: {  	[hbm4b:s6+s2] =	stream.indirect_vreg.scatter [tilespmem:s17], [sflag:$0x3], $0x80, v4, vm0, $0xb8;
	[tilespmem:$0x10800] =	vst v63  }
0x2c1: {  	s18 =	simm.s32 $0xA000  }
0x2c2: {  	[hbm4b:s7+s2] =	stream.indirect_vreg.scatter [tilespmem:s18], [sflag:$0x3], $0x80, v4, vm0, $0xb8;
	[tilespmem:$0x10800] =	vst v63  }
0x2c3: {  	s29 =	simm.s32 $0xA800  }
0x2c4: {  	[hbm4b:s8+s2] =	stream.indirect_vreg.scatter [tilespmem:s29], [sflag:$0x3], $0x80, v4, vm0, $0xb8;
	[tilespmem:$0x10800] =	vst v63  }
0x2c5: {  	s30 =	simm.s32 $0xB000;
	v3 =	vperm.xlane v3, v2  }
0x2c6: {  	[hbm4b:s9+s2] =	stream.indirect_vreg.scatter [tilespmem:s30], [sflag:$0x3], $0x80, v4, vm0, $0xb8;
	[tilespmem:$0x10800] =	vst v63  }
0x2c7: {  	s19 =	simm.s32 $0xB800;
	v3 =	vadd.s32 v1, v3  }
0x2c8: {  	[hbm4b:s10+s2] =	stream.indirect_vreg.scatter [tilespmem:s19], [sflag:$0x3], $0x80, v4, vm0, $0xb8;
	[tilespmem:$0x10800] =	vst v63  }
0x2c9: {  	s20 =	simm.s32 $0xC000  }
0x2ca: {  	[hbm4b:s11+s2] =	stream.indirect_vreg.scatter [tilespmem:s20], [sflag:$0x3], $0x80, v4, vm0, $0xb8;
	[tilespmem:$0x10800] =	vst v63  }
0x2cb: {  	s21 =	simm.s32 $0xC800  }
0x2cc: {  	[hbm4b:s4+s2] =	stream.indirect_vreg.scatter [tilespmem:s21], [sflag:$0x3], $0x80, v3, vm0, $0xb8;
	[tilespmem:$0x10800] =	vst v63  }
0x2cd: {  	s22 =	simm.s32 $0xD000  }
0x2ce: {  	[hbm4b:s5+s2] =	stream.indirect_vreg.scatter [tilespmem:s22], [sflag:$0x3], $0x80, v3, vm0, $0xb8;
	[tilespmem:$0x10800] =	vst v63  }
0x2cf: {  	s23 =	simm.s32 $0xD800  }
0x2d0: {  	[hbm4b:s6+s2] =	stream.indirect_vreg.scatter [tilespmem:s23], [sflag:$0x3], $0x80, v3, vm0, $0xb8;
	[tilespmem:$0x10800] =	vst v63  }
0x2d1: {  	s24 =	simm.s32 $0xE000  }
0x2d2: {  	[hbm4b:s7+s2] =	stream.indirect_vreg.scatter [tilespmem:s24], [sflag:$0x3], $0x80, v3, vm0, $0xb8;
	[tilespmem:$0x10800] =	vst v63  }
0x2d3: {  	s25 =	simm.s32 $0xE800  }
0x2d4: {  	[hbm4b:s8+s2] =	stream.indirect_vreg.scatter [tilespmem:s25], [sflag:$0x3], $0x80, v3, vm0, $0xb8;
	[tilespmem:$0x10800] =	vst v63  }
0x2d5: {  	s26 =	simm.s32 $0xF000  }
0x2d6: {  	[hbm4b:s9+s2] =	stream.indirect_vreg.scatter [tilespmem:s26], [sflag:$0x3], $0x80, v3, vm0, $0xb8;
	[tilespmem:$0x10800] =	vst v63  }
0x2d7: {  	p0 =	sne.s32 s12, $0x1;
	s28 =	simm.s32 $0xF800  }
0x2d8: {  	[hbm4b:s10+s2] =	stream.indirect_vreg.scatter [tilespmem:s28], [sflag:$0x3], $0x80, v3, vm0, $0xb8;
	[tilespmem:$0x10800] =	vst v63  }
.Ltmp0:
0x2d9: {  	s31 =	simm.s32 $0x10000;
	(pc) =	sbr.rel @p0 .LBB2_1-.Ltmp0, $4  }
0x2da: {  	[hbm4b:s11+s2] =	stream.indirect_vreg.scatter [tilespmem:s31], [sflag:$0x3], $0x80, v3, vm0, $0xb8;
	[tilespmem:$0x10800] =	vst v63  }
0x2db: {  	_ =	swait.ge [sflag:s0], $0x8000  }
0x2dc: {  	[sflag:s0] =	ssyncset.done $0x0  }
0x2dd: {  	s12 =	sadd.s32 $0xFFFFFFFF, s12;
	[sflag:s0] =	ssyncadd.s32 $0xFFFF8000  }
0x2de: {  	_ =	sfence.sel $0x180000  }
0x2df: {  	[bflag:$0x0] =	sbarrier.arrive $0xFFFF  }
0x2e0: {  	_ =	strace $0x90000047  }
0x2e1: {  	s0 =	stileid.u32;
	[bflag:$0x2] =	sbarrier.arrive $0xFFFF  }
0x2e2: {  	p0 =	sne.s32 s0, $0x0;
	s0 =	rddreg [dreg:$0x2]  }
0x2e3: {  	s0 =	sadd.s32 @!p0 $0x100000, s0  }
0x2e4: {  	[sflag:s0] =	ssyncadd.tile.s32 @!p0 $0x1;
	_ =	shalt  }
.Lfunc_end2:
_tile_overlayer_lowered:
.L_overlay_start_2:
0x2e5: {  	(tag) =	ssettag $0x2  }
0x2e6: {  	s0 =	rddreg [dreg:$0x0];
	s2 =	stileid.u32  }
0x2e7: {  	s1 =	rddreg [dreg:$0x1];
	p0 =	sne.s32 s2, $0x0  }
0x2e8: {  	s3 =	rddreg [dreg:$0x2];
	[bflag:$0x3] =	sbarrier.arrive $0xFFFF;
	s2 =	simm.s32 @!p0 $0x1C04  }
0x2e9: {  	[timem:s3], [sflag:s2] =	dma.local @!p0 [hbm:s0], s1  }
0x2ea: {  	s0 =	simm.s32 @!p0 $0x4  }
0x2eb: {  	_ =	swait.ge @!p0 [sflag:s0], s1  }
0x2ec: {  	s1 =	ssub.s32 @!p0 $0x0, s1;
	[sflag:s0] =	ssyncset.done @!p0 $0x0  }
0x2ed: {  	[sflag:s0] =	ssyncadd.s32 @!p0 s1  }
0x2ee: {  	[bflag:$0x3] =	sbarrier.arrive $0xFFFF  }
0x2ef: {  	_ =	shalt  }

</sc_bundles>
